<compile_context>
chip_gen: v7x
topology: tpu7x:2x2x1
jax: 0.10.2.dev20260603
libtpu: 0.0.44.dev20260713+nightly
codegen_flags: <defaults>
</compile_context>

<pallas_src>
import functools
import numpy as np
import jax
import jax.numpy as jnp
from jax import lax
from jax.experimental import pallas as pl
from jax.experimental.pallas import tpu as pltpu
from jax.experimental.pallas import tpu_sc as plsc

_N_FUNC = 10000
_N_IN = 1000
_N_OUT = 500
_AVG_DEG = 16
_C = 4
_LAYERS = 2
_B = 32
_NE_IN = 162000
_NE_OUT = 161000

_NTILES = 16
_CHUNK = 128
_SUPER = 256
_NCH = 80
_TN = _NCH * _CHUNK
_PADN = _NTILES * _TN
_DYNPAD = _PADN
_VROWS = _DYNPAD + _N_IN
_HROWS = 10112
_L1N = 2048


def _build_static():
    rng = np.random.RandomState(0)
    src_ff = rng.randint(0, _N_FUNC, _N_FUNC * _AVG_DEG)
    dst_ff = rng.randint(0, _N_FUNC, _N_FUNC * _AVG_DEG)
    src_if = np.repeat(np.arange(_N_IN) + _N_FUNC, 2)
    dst_if = rng.randint(0, _N_FUNC, _N_IN * 2)
    src_fo = rng.randint(0, _N_FUNC, _N_OUT * 2)
    dst_fo = np.repeat(np.arange(_N_OUT) + _N_FUNC + _N_IN, 2)
    src = np.concatenate([src_ff, src_if, src_fo]).astype(np.int64)
    dst = np.concatenate([dst_ff, dst_if, dst_fo]).astype(np.int64)
    E = src.shape[0]

    e_in = np.nonzero(dst < _N_FUNC)[0]
    e_out = np.nonzero(src < _N_FUNC)[0]
    posB = np.full(E, -1, np.int64)
    posB[e_out] = np.arange(_NE_OUT)
    s_in = src[e_in]

    gidxA = np.where(s_in < _N_FUNC, posB[e_in], _DYNPAD + (s_in - _N_FUNC))
    scatA = dst[e_in]
    gidxA_p = np.zeros(_PADN, np.int32)
    gidxA_p[:_NE_IN] = gidxA
    scatA_p = np.full(_PADN, _N_FUNC, np.int32)
    scatA_p[:_NE_IN] = scatA
    gidxA2 = np.stack([gidxA_p, gidxA_p + _VROWS]).astype(np.int32)
    scatA2d = scatA_p.reshape(_PADN // _CHUNK, _CHUNK).astype(np.int32)

    j1 = np.nonzero(s_in >= _N_FUNC)[0]
    g1 = np.zeros(_L1N, np.int32)
    g1[: j1.shape[0]] = gidxA[j1]
    g1idx = np.stack([g1, g1 + _VROWS]).astype(np.int32)
    s1 = np.full(_L1N, _N_FUNC, np.int32)
    s1[: j1.shape[0]] = scatA[j1]
    s1idx = s1.reshape(_NTILES, _CHUNK).astype(np.int32)

    srcB_p = np.zeros(_PADN, np.int32)
    srcB_p[:_NE_OUT] = src[e_out]
    return gidxA2, scatA2d, g1idx, s1idx, srcB_p, j1.astype(np.int32)


_GIDXA2, _SCATA2D, _G1IDX, _S1IDX, _SRCB, _J1 = _build_static()

_f32 = jnp.float32
_i32 = jnp.int32


def _bcast_lane(vec, lane):
    idx = jnp.full((16, 1), lane, dtype=_i32)
    dn = lax.GatherDimensionNumbers(
        offset_dims=(), collapsed_slice_dims=(0,), start_index_map=(0,))
    return lax.gather(vec, idx, dn, (1,),
                      mode=lax.GatherScatterMode.PROMISE_IN_BOUNDS)


def _elu_vec(v):
    return jnp.where(v > 0.0, v, jnp.exp(jnp.minimum(v, 0.0)) - 1.0)


def _gsnn_body(xh, w_in_f, w_out_f, w1, bias_b, gidxa, scat2d, srcb, g1, s1,
               out_h, vbuf,
               hid, idx_all, scat_buf, sbuf1, vals, staging, wbuf,
               hrowsb, xoldb, outvb, sem):
    cid = lax.axis_index("c")
    sid = lax.axis_index("s")
    vbase = cid * _VROWS

    pltpu.sync_copy(scat2d.at[pl.ds(sid * _NCH, _NCH), :], scat_buf)
    pltpu.sync_copy(s1, sbuf1)

    @pl.when(sid < 7)
    def _():
        pltpu.sync_copy(
            xh.at[cid, pl.ds(sid * 128, 128), :],
            vbuf.at[pl.ds(vbase + _DYNPAD + sid * 128, 128), :])

    @pl.when(sid == 7)
    def _():
        pltpu.sync_copy(
            xh.at[cid, pl.ds(896, 104), :],
            vbuf.at[pl.ds(vbase + _DYNPAD + 896, 104), :])

    plsc.subcore_barrier()

    for l in range(_LAYERS):
        pltpu.sync_copy(bias_b.at[l, pl.ds(sid * 632, 632), :],
                        hid.at[pl.ds(sid * 632, 632), :])
        plsc.subcore_barrier()

        if l == 0:
            pltpu.sync_copy(g1.at[cid, pl.ds(sid * _CHUNK, _CHUNK)],
                            idx_all.at[pl.ds(0, _CHUNK)])
            pltpu.sync_copy(w1.at[pl.ds(sid * 512, 512)],
                            wbuf.at[pl.ds(0, 512)])
            pltpu.async_copy(vbuf.at[idx_all.at[pl.ds(0, _CHUNK)]],
                             vals.at[pl.ds(0, _CHUNK), :], sem).wait()

            def a1_body(m, _):
                wvec = wbuf[pl.ds(16 * m, 16)]
                for e in range(4):
                    j = 4 * m + e
                    v = vals[j, :]
                    for c in range(4):
                        bc = _bcast_lane(wvec, 4 * e + c)
                        staging[j, pl.ds(16 * c, 16)] = v * bc
                return 0

            lax.fori_loop(0, 32, a1_body, 0)
            pltpu.sync_copy(staging.at[pl.ds(0, _CHUNK), :],
                            hid.at[sbuf1.at[sid]], add=True)
        else:
            pltpu.sync_copy(gidxa.at[cid, pl.ds(sid * _TN, _TN)], idx_all)

            def a2_body(t, _):
                base = t * _SUPER
                cp0 = pltpu.async_copy(
                    vbuf.at[idx_all.at[pl.ds(base, _CHUNK)]],
                    vals.at[pl.ds(0, _CHUNK), :], sem)
                cp1 = pltpu.async_copy(
                    vbuf.at[idx_all.at[pl.ds(base + _CHUNK, _CHUNK)]],
                    vals.at[pl.ds(_CHUNK, _CHUNK), :], sem)
                pltpu.sync_copy(
                    w_in_f.at[l, pl.ds((sid * _TN + base) * 4, 4 * _SUPER)],
                    wbuf)
                cp0.wait()
                cp1.wait()

                def inner(m, _):
                    wvec = wbuf[pl.ds(16 * m, 16)]
                    for e in range(4):
                        j = 4 * m + e
                        v = vals[j, :]
                        for c in range(4):
                            bc = _bcast_lane(wvec, 4 * e + c)
                            staging[j, pl.ds(16 * c, 16)] = v * bc
                    return 0

                lax.fori_loop(0, _SUPER // 4, inner, 0)
                pltpu.sync_copy(staging.at[pl.ds(0, _CHUNK), :],
                                hid.at[scat_buf.at[2 * t]], add=True)
                pltpu.sync_copy(staging.at[pl.ds(_CHUNK, _CHUNK), :],
                                hid.at[scat_buf.at[2 * t + 1]], add=True)
                return 0

            lax.fori_loop(0, _TN // _SUPER, a2_body, 0)

        plsc.subcore_barrier()

        for (r0, rn) in ((0, 256), (256, 256), (512, 120)):
            row = sid * 632 + r0
            pltpu.sync_copy(hid.at[pl.ds(row, rn), :],
                            hrowsb.at[pl.ds(0, rn), :])

            def elu_body(r, _):
                for q in range(4):
                    v = hrowsb[r, pl.ds(16 * q, 16)]
                    hrowsb[r, pl.ds(16 * q, 16)] = _elu_vec(v)
                return 0

            lax.fori_loop(0, rn, elu_body, 0)
            pltpu.sync_copy(hrowsb.at[pl.ds(0, rn), :],
                            hid.at[pl.ds(row, rn), :])
        plsc.subcore_barrier()

        pltpu.sync_copy(srcb.at[pl.ds(sid * _TN, _TN)], idx_all)

        def b_body(t, _):
            base = t * _SUPER
            cp0 = pltpu.async_copy(
                hid.at[idx_all.at[pl.ds(base, _CHUNK)]],
                hrowsb.at[pl.ds(0, _CHUNK), :], sem)
            cp1 = pltpu.async_copy(
                hid.at[idx_all.at[pl.ds(base + _CHUNK, _CHUNK)]],
                hrowsb.at[pl.ds(_CHUNK, _CHUNK), :], sem)
            pltpu.sync_copy(
                w_out_f.at[l, pl.ds((sid * _TN + base) * 4, 4 * _SUPER)],
                wbuf)
            if l > 0:
                pltpu.sync_copy(
                    vbuf.at[pl.ds(vbase + sid * _TN + base, _SUPER), :],
                    xoldb)
            cp0.wait()
            cp1.wait()

            def inner(m, _):
                wvec = wbuf[pl.ds(16 * m, 16)]
                for e in range(4):
                    j = 4 * m + e
                    acc = xoldb[j, :] if l > 0 else None
                    for c in range(4):
                        bc = _bcast_lane(wvec, 4 * e + c)
                        term = hrowsb[j, pl.ds(16 * c, 16)] * bc
                        acc = term if acc is None else acc + term
                    outvb[j, :] = acc
                return 0

            lax.fori_loop(0, _SUPER // 4, inner, 0)
            pltpu.sync_copy(outvb,
                            vbuf.at[pl.ds(vbase + sid * _TN + base, _SUPER), :])
            return 0

        lax.fori_loop(0, _TN // _SUPER, b_body, 0)
        plsc.subcore_barrier()

    for t in range(4):
        nout = 128 if t < 3 else 116

        @pl.when(sid == t)
        def _(t=t, nout=nout):
            pltpu.sync_copy(
                vbuf.at[pl.ds(vbase + 160000 + t * 256, 2 * nout), :],
                vals.at[pl.ds(0, 2 * nout), :])

            def fin_body(r, _):
                a = vals[2 * r, :]
                b = vals[2 * r + 1, :]
                outvb[r, :] = (a + b) * 0.5
                return 0

            lax.fori_loop(0, nout, fin_body, 0)
            pltpu.sync_copy(outvb.at[pl.ds(0, nout), :],
                            out_h.at[cid, pl.ds(t * 128, nout), :])


def _gsnn(xh, w_in_f, w_out_f, w1, bias_b, gidxa, scat2d, srcb, g1, s1):
    mesh = plsc.VectorSubcoreMesh(core_axis_name="c", subcore_axis_name="s")
    f = pl.kernel(
        _gsnn_body,
        mesh=mesh,
        compiler_params=pltpu.CompilerParams(use_tc_tiling_on_sc=False),
        out_type=(
            jax.ShapeDtypeStruct((2, _N_OUT, 16), _f32),
            jax.ShapeDtypeStruct((2 * _VROWS, 16), _f32),
        ),
        scratch_types=[
            pltpu.VMEM_SHARED((_HROWS, 64), _f32),
            pltpu.VMEM((_TN,), _i32),
            pltpu.VMEM((_NCH, _CHUNK), _i32),
            pltpu.VMEM((_NTILES, _CHUNK), _i32),
            pltpu.VMEM((_SUPER, 16), _f32),
            pltpu.VMEM((_SUPER, 64), _f32),
            pltpu.VMEM((4 * _SUPER,), _f32),
            pltpu.VMEM((_SUPER, 64), _f32),
            pltpu.VMEM((_SUPER, 16), _f32),
            pltpu.VMEM((_SUPER, 16), _f32),
            pltpu.SemaphoreType.DMA,
        ],
    )
    out_h, _ = f(xh, w_in_f, w_out_f, w1, bias_b, gidxa, scat2d, srcb, g1, s1)
    return out_h


def kernel(x, w_in_vals, w_out_vals, bias, src, dst, win_row, win_col,
           wout_row, wout_col):
    del src, dst, win_row, win_col, wout_row, wout_col
    xh = x.reshape(2, 16, _N_IN).transpose(0, 2, 1)

    w_in_r = w_in_vals.reshape(_LAYERS, _NE_IN, _C)
    w_in_p = jnp.pad(w_in_r, ((0, 0), (0, _PADN - _NE_IN), (0, 0)))
    w_in_f = w_in_p.reshape(_LAYERS, _PADN * _C)

    w1 = w_in_r[0][jnp.asarray(_J1)]
    w1 = jnp.pad(w1, ((0, _L1N - _J1.shape[0]), (0, 0))).reshape(_L1N * _C)

    w_out_r = w_out_vals.reshape(_LAYERS, _NE_OUT, _C)
    w_out_p = jnp.pad(w_out_r, ((0, 0), (0, _PADN - _NE_OUT), (0, 0)))
    w_out_f = w_out_p.reshape(_LAYERS, _PADN * _C)

    bias_r = bias.reshape(_LAYERS, _N_FUNC, _C, 1)
    bias_b = jnp.broadcast_to(bias_r, (_LAYERS, _N_FUNC, _C, 16))
    bias_b = bias_b.reshape(_LAYERS, _N_FUNC, 64)
    bias_b = jnp.pad(bias_b, ((0, 0), (0, _HROWS - _N_FUNC), (0, 0)))

    out_h = _gsnn(xh, w_in_f, w_out_f, w1, bias_b,
                  jnp.asarray(_GIDXA2), jnp.asarray(_SCATA2D),
                  jnp.asarray(_SRCB), jnp.asarray(_G1IDX),
                  jnp.asarray(_S1IDX))
    return jnp.concatenate([out_h[0], out_h[1]], axis=1).T

# --- scband reference (transcript-rebuilt; emitter-appended) ---
"""Pipeline reference for scband-gsnn-15805479649490 (READ-ONLY COPY).

The authoritative reference and input builder live on the scoring server;
editing this copy changes nothing except your own understanding.
"""

import jax, jax.numpy as jnp
import numpy as np

N_FUNC = 10000
N_IN = 1000
N_OUT = 500
N_TOTAL = N_FUNC + N_IN + N_OUT
AVG_DEG = 16
C = 4
LAYERS = 2
B = 32
H = N_FUNC * C


def _build_graph():
    rng = np.random.RandomState(0)
    # function -> function edges
    src_ff = rng.randint(0, N_FUNC, N_FUNC * AVG_DEG)
    dst_ff = rng.randint(0, N_FUNC, N_FUNC * AVG_DEG)
    # input -> function edges (input nodes occupy ids N_FUNC .. N_FUNC+N_IN-1, per hetero2homo)
    src_if = np.repeat(np.arange(N_IN) + N_FUNC, 2)
    dst_if = rng.randint(0, N_FUNC, N_IN * 2)
    # function -> output edges (output nodes occupy ids N_FUNC+N_IN .. N_TOTAL-1)
    src_fo = rng.randint(0, N_FUNC, N_OUT * 2)
    dst_fo = np.repeat(np.arange(N_OUT) + N_FUNC + N_IN, 2)
    src = np.concatenate([src_ff, src_if, src_fo]).astype(np.int64)
    dst = np.concatenate([dst_ff, dst_if, dst_fo]).astype(np.int64)
    return src, dst


def _build_sparse_indices(src, dst):
    # W_in: (E, H) sparse. For every edge e whose dst is a function node, connect edge e
    # to that node's C hidden channels (uniform channels => node_id_idx0 = dst*C),
    # mirroring get_Win_indices.
    e_in = np.nonzero(dst < N_FUNC)[0]
    win_row = np.repeat(e_in, C)
    win_col = (dst[e_in][:, None] * C + np.arange(C)[None, :]).ravel()
    # W_out: (H, E) sparse. For every edge e whose src is a function node, connect that
    # node's C hidden channels to edge e, mirroring get_Wout_indices.
    e_out = np.nonzero(src < N_FUNC)[0]
    wout_row = (src[e_out][:, None] * C + np.arange(C)[None, :]).ravel()
    wout_col = np.repeat(e_out, C)
    return (win_row.astype(np.int64), win_col.astype(np.int64),
            wout_row.astype(np.int64), wout_col.astype(np.int64))


def setup_inputs(seed: int = 0) -> dict:
    key = jax.random.key(seed)
    src, dst = _build_graph()
    win_row, win_col, wout_row, wout_col = _build_sparse_indices(src, dst)
    nnz_in = win_row.shape[0]
    nnz_out = wout_row.shape[0]
    k1, k2, k3, k4 = jax.random.split(key, 4)
    x = jax.random.normal(k1, (B, N_IN), dtype=jnp.float32)
    w_in_vals = jax.random.normal(k2, (LAYERS, nnz_in), dtype=jnp.float32) * (1.0 / np.sqrt(AVG_DEG))
    w_out_vals = jax.random.normal(k3, (LAYERS, nnz_out), dtype=jnp.float32) * (1.0 / np.sqrt(C))
    bias = jax.random.normal(k4, (LAYERS, H), dtype=jnp.float32) * 0.01
    return {
        'x': x,
        'w_in_vals': w_in_vals,
        'w_out_vals': w_out_vals,
        'bias': bias,
        'src': jnp.asarray(src),
        'dst': jnp.asarray(dst),
        'win_row': jnp.asarray(win_row),
        'win_col': jnp.asarray(win_col),
        'wout_row': jnp.asarray(wout_row),
        'wout_col': jnp.asarray(wout_col),
    }


def reference(x, w_in_vals, w_out_vals, bias, src, dst, win_row, win_col, wout_row, wout_col):
    E = src.shape[0]
    # node2edge: scatter input values onto input node slots, then gather along edge src
    x_node = jnp.zeros((B, N_TOTAL), dtype=jnp.float32)
    x_node = x_node.at[:, N_FUNC:N_FUNC + N_IN].set(x)
    x_edge = x_node[:, src]  # (B, E) gather
    for l in range(LAYERS):
        # sparse W_in matmul: (B, E) -> (B, H) via gather + scatter-add
        g = x_edge[:, win_row] * w_in_vals[l][None, :]
        hidden = jnp.zeros((B, H), dtype=jnp.float32).at[:, win_col].add(g)
        # nonlin (norm_first collapsed into affine bias + elu for uniform channels)
        hidden = jax.nn.elu(hidden + bias[l][None, :])
        # sparse W_out matmul: (B, H) -> (B, E) via gather + scatter-add
        h = hidden[:, wout_row] * w_out_vals[l][None, :]
        out = jnp.zeros((B, E), dtype=jnp.float32).at[:, wout_col].add(h)
        x_edge = x_edge + out  # ResBlock residual connection
    x_edge = x_edge / LAYERS
    # edge2node restricted to output nodes (only output nodes nonzero)
    oe = jnp.nonzero(dst >= (N_FUNC + N_IN), size=N_OUT * 2)[0]
    node_out = jnp.zeros((B, N_TOTAL), dtype=jnp.float32).at[:, dst[oe]].add(x_edge[:, oe])
    return node_out[:, N_FUNC + N_IN:]

if __name__ == "__main__":
    import jax
    _d = setup_inputs()
    print(jax.jit(kernel)(*tuple(_d.values())))

</pallas_src>

<mosaic_0001>
#map = affine_map<(d0, d1) -> (0, 0, 0)>
#map1 = affine_map<(d0, d1) -> (0, 0)>
#map2 = affine_map<(d0, d1) -> (0)>
module attributes {stable_mosaic.version = 14 : i64} {
  func.func @_gsnn_body(%arg0: i32, %arg1: i32, %arg2: memref<2x1000x16xf32, #tpu.memory_space<hbm>>, %arg3: memref<2x655360xf32, #tpu.memory_space<hbm>>, %arg4: memref<2x655360xf32, #tpu.memory_space<hbm>>, %arg5: memref<8192xf32, #tpu.memory_space<hbm>>, %arg6: memref<2x10112x64xf32, #tpu.memory_space<hbm>>, %arg7: memref<2x163840xi32, #tpu.memory_space<hbm>>, %arg8: memref<1280x128xi32, #tpu.memory_space<hbm>>, %arg9: memref<163840xi32, #tpu.memory_space<hbm>>, %arg10: memref<2x2048xi32, #tpu.memory_space<hbm>>, %arg11: memref<16x128xi32, #tpu.memory_space<hbm>>, %arg12: memref<2x500x16xf32, #tpu.memory_space<hbm>>, %arg13: memref<329680x16xf32, #tpu.memory_space<hbm>>, %arg14: memref<10112x64xf32, #tpu.memory_space<vmem_shared>>, %arg15: memref<10240xi32, #tpu.memory_space<vmem>>, %arg16: memref<80x128xi32, #tpu.memory_space<vmem>>, %arg17: memref<16x128xi32, #tpu.memory_space<vmem>>, %arg18: memref<256x16xf32, #tpu.memory_space<vmem>>, %arg19: memref<256x64xf32, #tpu.memory_space<vmem>>, %arg20: memref<1024xf32, #tpu.memory_space<vmem>>, %arg21: memref<256x64xf32, #tpu.memory_space<vmem>>, %arg22: memref<256x16xf32, #tpu.memory_space<vmem>>, %arg23: memref<256x16xf32, #tpu.memory_space<vmem>>, %arg24: memref<!tpu.dma_semaphore, #tpu.memory_space<semaphore_mem>>) attributes {dimension_semantics = [#tpu.dimension_semantics<core_parallel>, #tpu.dimension_semantics<subcore_parallel>], iteration_bounds = array<i64: 2, 16>, scalar_prefetch = 0 : i64, scratch_operands = 11 : i64, tpu.core_type = #tpu.core_type<sc_vector_subcore>, window_params = [{transform_indices = #map}, {transform_indices = #map1}, {transform_indices = #map1}, {transform_indices = #map2}, {transform_indices = #map}, {transform_indices = #map1}, {transform_indices = #map1}, {transform_indices = #map2}, {transform_indices = #map1}, {transform_indices = #map1}, {transform_indices = #map}, {transform_indices = #map1}]} {
    %mul3A = arith.constant 164840 : i32
    %mul3A_0 = arith.muli %arg0, %mul3A : i32
    %mul3A_1 = arith.constant 80 : i32
    %mul3A_2 = arith.muli %arg1, %mul3A_1 : i32
    "tpu.region"() ({
      %run_scoped3A_162 = tpu.sem_alloc : memref<!tpu.dma_semaphore, #tpu.memory_space<semaphore_mem>>
      %dma_start3A_163 = arith.constant 0 : i32
      %dma_start3A_164 = tpu.memref_slice %arg8[%mul3A_2, %dma_start3A_163] : memref<1280x128xi32, #tpu.memory_space<hbm>> -> memref<80x128xi32, #tpu.memory_space<hbm>>
      %dma_start3A_165 = arith.constant 0 : i32
      %dma_start3A_166 = tpu.memref_slice %arg8[%mul3A_2, %dma_start3A_165] : memref<1280x128xi32, #tpu.memory_space<hbm>> -> memref<80x128xi32, #tpu.memory_space<hbm>>
      tpu.enqueue_dma source(%dma_start3A_166 : memref<80x128xi32, #tpu.memory_space<hbm>>) target(%arg16 : memref<80x128xi32, #tpu.memory_space<vmem>>) target_semaphore(%run_scoped3A_162 : memref<!tpu.dma_semaphore, #tpu.memory_space<semaphore_mem>>)
      %dma_wait3A_167 = arith.constant 0 : i32
      %dma_wait3A_168 = tpu.memref_slice %arg8[%mul3A_2, %dma_wait3A_167] : memref<1280x128xi32, #tpu.memory_space<hbm>> -> memref<80x128xi32, #tpu.memory_space<hbm>>
      %dma_wait3A_169 = arith.constant 0 : i32
      %dma_wait3A_170 = tpu.memref_slice %arg8[%mul3A_2, %dma_wait3A_169] : memref<1280x128xi32, #tpu.memory_space<hbm>> -> memref<80x128xi32, #tpu.memory_space<hbm>>
      tpu.wait_dma2 semaphore(%run_scoped3A_162 : memref<!tpu.dma_semaphore, #tpu.memory_space<semaphore_mem>>) src(%dma_wait3A_170 : memref<80x128xi32, #tpu.memory_space<hbm>>) dst(%arg16 : memref<80x128xi32, #tpu.memory_space<vmem>>)
      tpu.yield
    }) : () -> ()
    "tpu.region"() ({
      %run_scoped3A_162 = tpu.sem_alloc : memref<!tpu.dma_semaphore, #tpu.memory_space<semaphore_mem>>
      tpu.enqueue_dma source(%arg11 : memref<16x128xi32, #tpu.memory_space<hbm>>) target(%arg17 : memref<16x128xi32, #tpu.memory_space<vmem>>) target_semaphore(%run_scoped3A_162 : memref<!tpu.dma_semaphore, #tpu.memory_space<semaphore_mem>>)
      tpu.wait_dma2 semaphore(%run_scoped3A_162 : memref<!tpu.dma_semaphore, #tpu.memory_space<semaphore_mem>>) src(%arg11 : memref<16x128xi32, #tpu.memory_space<hbm>>) dst(%arg17 : memref<16x128xi32, #tpu.memory_space<vmem>>)
      tpu.yield
    }) : () -> ()
    %lt3A = arith.constant 7 : i32
    %lt3A_3 = arith.cmpi slt, %arg1, %lt3A : i32
    %convert_element_type3A = arith.extui %lt3A_3 : i1 to i32
    %cond3A = arith.constant 0 : i32
    %cond3A_4 = arith.cmpi ne, %convert_element_type3A, %cond3A : i32
    scf.if %cond3A_4 {
      %mul3A_162 = arith.constant 128 : i32
      %mul3A_163 = arith.muli %arg1, %mul3A_162 : i32
      %add3A_164 = arith.constant 163840 : i32
      %add3A_165 = arith.addi %mul3A_0, %add3A_164 : i32
      %mul3A_166 = arith.constant 128 : i32
      %mul3A_167 = arith.muli %arg1, %mul3A_166 : i32
      %add3A_168 = arith.addi %add3A_165, %mul3A_167 : i32
      "tpu.region"() ({
        %run_scoped3A_169 = tpu.sem_alloc : memref<!tpu.dma_semaphore, #tpu.memory_space<semaphore_mem>>
        %dma_start3A_170 = arith.constant 0 : i32
        %dma_start3A_171 = tpu.memref_slice %arg13[%add3A_168, %dma_start3A_170] : memref<329680x16xf32, #tpu.memory_space<hbm>> -> memref<128x16xf32, #tpu.memory_space<hbm>>
        %dma_start3A_172 = arith.constant 0 : i32
        %dma_start3A_173 = tpu.memref_slice %arg2[%arg0, %mul3A_163, %dma_start3A_172] : memref<2x1000x16xf32, #tpu.memory_space<hbm>> -> memref<1x128x16xf32, #tpu.memory_space<hbm>>
        %dma_start3A_174 = tpu.memref_squeeze %dma_start3A_173 : memref<1x128x16xf32, #tpu.memory_space<hbm>> -> memref<128x16xf32, #tpu.memory_space<hbm>>
        tpu.enqueue_dma source(%dma_start3A_174 : memref<128x16xf32, #tpu.memory_space<hbm>>) target(%dma_start3A_171 : memref<128x16xf32, #tpu.memory_space<hbm>>) target_semaphore(%run_scoped3A_169 : memref<!tpu.dma_semaphore, #tpu.memory_space<semaphore_mem>>)
        %dma_wait3A_175 = arith.constant 0 : i32
        %dma_wait3A_176 = tpu.memref_slice %arg13[%add3A_168, %dma_wait3A_175] : memref<329680x16xf32, #tpu.memory_space<hbm>> -> memref<128x16xf32, #tpu.memory_space<hbm>>
        %dma_wait3A_177 = arith.constant 0 : i32
        %dma_wait3A_178 = tpu.memref_slice %arg2[%arg0, %mul3A_163, %dma_wait3A_177] : memref<2x1000x16xf32, #tpu.memory_space<hbm>> -> memref<1x128x16xf32, #tpu.memory_space<hbm>>
        %dma_wait3A_179 = tpu.memref_squeeze %dma_wait3A_178 : memref<1x128x16xf32, #tpu.memory_space<hbm>> -> memref<128x16xf32, #tpu.memory_space<hbm>>
        tpu.wait_dma2 semaphore(%run_scoped3A_169 : memref<!tpu.dma_semaphore, #tpu.memory_space<semaphore_mem>>) src(%dma_wait3A_179 : memref<128x16xf32, #tpu.memory_space<hbm>>) dst(%dma_wait3A_176 : memref<128x16xf32, #tpu.memory_space<hbm>>)
        tpu.yield
      }) : () -> ()
    } else {
    }
    %eq3A = arith.constant 7 : i32
    %eq3A_5 = arith.cmpi eq, %arg1, %eq3A : i32
    %convert_element_type3A_6 = arith.extui %eq3A_5 : i1 to i32
    %cond3A_7 = arith.constant 0 : i32
    %cond3A_8 = arith.cmpi ne, %convert_element_type3A_6, %cond3A_7 : i32
    scf.if %cond3A_8 {
      %add3A_162 = arith.constant 163840 : i32
      %add3A_163 = arith.addi %mul3A_0, %add3A_162 : i32
      %add3A_164 = arith.constant 896 : i32
      %add3A_165 = arith.addi %add3A_163, %add3A_164 : i32
      "tpu.region"() ({
        %run_scoped3A_166 = tpu.sem_alloc : memref<!tpu.dma_semaphore, #tpu.memory_space<semaphore_mem>>
        %dma_start3A_167 = arith.constant 0 : i32
        %dma_start3A_168 = tpu.memref_slice %arg13[%add3A_165, %dma_start3A_167] : memref<329680x16xf32, #tpu.memory_space<hbm>> -> memref<104x16xf32, #tpu.memory_space<hbm>>
        %dma_start3A_169 = arith.constant 896 : i32
        %dma_start3A_170 = arith.constant 0 : i32
        %dma_start3A_171 = tpu.memref_slice %arg2[%arg0, %dma_start3A_169, %dma_start3A_170] : memref<2x1000x16xf32, #tpu.memory_space<hbm>> -> memref<1x104x16xf32, #tpu.memory_space<hbm>>
        %dma_start3A_172 = tpu.memref_squeeze %dma_start3A_171 : memref<1x104x16xf32, #tpu.memory_space<hbm>> -> memref<104x16xf32, #tpu.memory_space<hbm>>
        tpu.enqueue_dma source(%dma_start3A_172 : memref<104x16xf32, #tpu.memory_space<hbm>>) target(%dma_start3A_168 : memref<104x16xf32, #tpu.memory_space<hbm>>) target_semaphore(%run_scoped3A_166 : memref<!tpu.dma_semaphore, #tpu.memory_space<semaphore_mem>>)
        %dma_wait3A_173 = arith.constant 0 : i32
        %dma_wait3A_174 = tpu.memref_slice %arg13[%add3A_165, %dma_wait3A_173] : memref<329680x16xf32, #tpu.memory_space<hbm>> -> memref<104x16xf32, #tpu.memory_space<hbm>>
        %dma_wait3A_175 = arith.constant 896 : i32
        %dma_wait3A_176 = arith.constant 0 : i32
        %dma_wait3A_177 = tpu.memref_slice %arg2[%arg0, %dma_wait3A_175, %dma_wait3A_176] : memref<2x1000x16xf32, #tpu.memory_space<hbm>> -> memref<1x104x16xf32, #tpu.memory_space<hbm>>
        %dma_wait3A_178 = tpu.memref_squeeze %dma_wait3A_177 : memref<1x104x16xf32, #tpu.memory_space<hbm>> -> memref<104x16xf32, #tpu.memory_space<hbm>>
        tpu.wait_dma2 semaphore(%run_scoped3A_166 : memref<!tpu.dma_semaphore, #tpu.memory_space<semaphore_mem>>) src(%dma_wait3A_178 : memref<104x16xf32, #tpu.memory_space<hbm>>) dst(%dma_wait3A_174 : memref<104x16xf32, #tpu.memory_space<hbm>>)
        tpu.yield
      }) : () -> ()
    } else {
    }
    %barrier3A = arith.constant 0 : index
    tpu.barrier barrier_id(%barrier3A)
    %mul3A_9 = arith.constant 632 : i32
    %mul3A_10 = arith.muli %arg1, %mul3A_9 : i32
    %mul3A_11 = arith.constant 632 : i32
    %mul3A_12 = arith.muli %arg1, %mul3A_11 : i32
    %run_scoped3A = arith.constant 0 : i32
    "tpu.region"() ({
      %run_scoped3A_162 = tpu.sem_alloc : memref<!tpu.dma_semaphore, #tpu.memory_space<semaphore_mem>>
      %dma_start3A_163 = arith.constant 0 : i32
      %dma_start3A_164 = tpu.memref_slice %arg14[%mul3A_12, %dma_start3A_163] : memref<10112x64xf32, #tpu.memory_space<vmem_shared>> -> memref<632x64xf32, #tpu.memory_space<vmem_shared>>
      %dma_start3A_165 = arith.constant 0 : i32
      %dma_start3A_166 = tpu.memref_slice %arg6[%run_scoped3A, %mul3A_10, %dma_start3A_165] : memref<2x10112x64xf32, #tpu.memory_space<hbm>> -> memref<1x632x64xf32, #tpu.memory_space<hbm>>
      %dma_start3A_167 = tpu.memref_squeeze %dma_start3A_166 : memref<1x632x64xf32, #tpu.memory_space<hbm>> -> memref<632x64xf32, #tpu.memory_space<hbm>>
      tpu.enqueue_dma source(%dma_start3A_167 : memref<632x64xf32, #tpu.memory_space<hbm>>) target(%dma_start3A_164 : memref<632x64xf32, #tpu.memory_space<vmem_shared>>) target_semaphore(%run_scoped3A_162 : memref<!tpu.dma_semaphore, #tpu.memory_space<semaphore_mem>>)
      %dma_wait3A_168 = arith.constant 0 : i32
      %dma_wait3A_169 = tpu.memref_slice %arg14[%mul3A_12, %dma_wait3A_168] : memref<10112x64xf32, #tpu.memory_space<vmem_shared>> -> memref<632x64xf32, #tpu.memory_space<vmem_shared>>
      %dma_wait3A_170 = arith.constant 0 : i32
      %dma_wait3A_171 = tpu.memref_slice %arg6[%run_scoped3A, %mul3A_10, %dma_wait3A_170] : memref<2x10112x64xf32, #tpu.memory_space<hbm>> -> memref<1x632x64xf32, #tpu.memory_space<hbm>>
      %dma_wait3A_172 = tpu.memref_squeeze %dma_wait3A_171 : memref<1x632x64xf32, #tpu.memory_space<hbm>> -> memref<632x64xf32, #tpu.memory_space<hbm>>
      tpu.wait_dma2 semaphore(%run_scoped3A_162 : memref<!tpu.dma_semaphore, #tpu.memory_space<semaphore_mem>>) src(%dma_wait3A_172 : memref<632x64xf32, #tpu.memory_space<hbm>>) dst(%dma_wait3A_169 : memref<632x64xf32, #tpu.memory_space<vmem_shared>>)
      tpu.yield
    }) : () -> ()
    %barrier3A_13 = arith.constant 0 : index
    tpu.barrier barrier_id(%barrier3A_13)
    %mul3A_14 = arith.constant 128 : i32
    %mul3A_15 = arith.muli %arg1, %mul3A_14 : i32
    "tpu.region"() ({
      %run_scoped3A_162 = tpu.sem_alloc : memref<!tpu.dma_semaphore, #tpu.memory_space<semaphore_mem>>
      %dma_start3A_163 = arith.constant 0 : i32
      %dma_start3A_164 = tpu.memref_slice %arg15[%dma_start3A_163] : memref<10240xi32, #tpu.memory_space<vmem>> -> memref<128xi32, #tpu.memory_space<vmem>>
      %dma_start3A_165 = tpu.memref_slice %arg10[%arg0, %mul3A_15] : memref<2x2048xi32, #tpu.memory_space<hbm>> -> memref<1x128xi32, #tpu.memory_space<hbm>>
      %dma_start3A_166 = tpu.memref_squeeze %dma_start3A_165 : memref<1x128xi32, #tpu.memory_space<hbm>> -> memref<128xi32, #tpu.memory_space<hbm>>
      %dma_start3A_167 = arith.constant 0 : i32
      %dma_start3A_168 = tpu.memref_slice %arg15[%dma_start3A_167] : memref<10240xi32, #tpu.memory_space<vmem>> -> memref<128xi32, #tpu.memory_space<vmem>>
      %dma_start3A_169 = tpu.memref_slice %arg10[%arg0, %mul3A_15] : memref<2x2048xi32, #tpu.memory_space<hbm>> -> memref<1x128xi32, #tpu.memory_space<hbm>>
      %dma_start3A_170 = tpu.memref_squeeze %dma_start3A_169 : memref<1x128xi32, #tpu.memory_space<hbm>> -> memref<128xi32, #tpu.memory_space<hbm>>
      tpu.enqueue_dma source(%dma_start3A_170 : memref<128xi32, #tpu.memory_space<hbm>>) target(%dma_start3A_168 : memref<128xi32, #tpu.memory_space<vmem>>) target_semaphore(%run_scoped3A_162 : memref<!tpu.dma_semaphore, #tpu.memory_space<semaphore_mem>>)
      %dma_wait3A_171 = arith.constant 0 : i32
      %dma_wait3A_172 = tpu.memref_slice %arg15[%dma_wait3A_171] : memref<10240xi32, #tpu.memory_space<vmem>> -> memref<128xi32, #tpu.memory_space<vmem>>
      %dma_wait3A_173 = tpu.memref_slice %arg10[%arg0, %mul3A_15] : memref<2x2048xi32, #tpu.memory_space<hbm>> -> memref<1x128xi32, #tpu.memory_space<hbm>>
      %dma_wait3A_174 = tpu.memref_squeeze %dma_wait3A_173 : memref<1x128xi32, #tpu.memory_space<hbm>> -> memref<128xi32, #tpu.memory_space<hbm>>
      %dma_wait3A_175 = arith.constant 0 : i32
      %dma_wait3A_176 = tpu.memref_slice %arg15[%dma_wait3A_175] : memref<10240xi32, #tpu.memory_space<vmem>> -> memref<128xi32, #tpu.memory_space<vmem>>
      %dma_wait3A_177 = tpu.memref_slice %arg10[%arg0, %mul3A_15] : memref<2x2048xi32, #tpu.memory_space<hbm>> -> memref<1x128xi32, #tpu.memory_space<hbm>>
      %dma_wait3A_178 = tpu.memref_squeeze %dma_wait3A_177 : memref<1x128xi32, #tpu.memory_space<hbm>> -> memref<128xi32, #tpu.memory_space<hbm>>
      tpu.wait_dma2 semaphore(%run_scoped3A_162 : memref<!tpu.dma_semaphore, #tpu.memory_space<semaphore_mem>>) src(%dma_wait3A_178 : memref<128xi32, #tpu.memory_space<hbm>>) dst(%dma_wait3A_176 : memref<128xi32, #tpu.memory_space<vmem>>)
      tpu.yield
    }) : () -> ()
    %mul3A_16 = arith.constant 512 : i32
    %mul3A_17 = arith.muli %arg1, %mul3A_16 : i32
    "tpu.region"() ({
      %run_scoped3A_162 = tpu.sem_alloc : memref<!tpu.dma_semaphore, #tpu.memory_space<semaphore_mem>>
      %dma_start3A_163 = arith.constant 0 : i32
      %dma_start3A_164 = tpu.memref_slice %arg20[%dma_start3A_163] : memref<1024xf32, #tpu.memory_space<vmem>> -> memref<512xf32, #tpu.memory_space<vmem>>
      %dma_start3A_165 = tpu.memref_slice %arg5[%mul3A_17] : memref<8192xf32, #tpu.memory_space<hbm>> -> memref<512xf32, #tpu.memory_space<hbm>>
      %dma_start3A_166 = arith.constant 0 : i32
      %dma_start3A_167 = tpu.memref_slice %arg20[%dma_start3A_166] : memref<1024xf32, #tpu.memory_space<vmem>> -> memref<512xf32, #tpu.memory_space<vmem>>
      %dma_start3A_168 = tpu.memref_slice %arg5[%mul3A_17] : memref<8192xf32, #tpu.memory_space<hbm>> -> memref<512xf32, #tpu.memory_space<hbm>>
      tpu.enqueue_dma source(%dma_start3A_168 : memref<512xf32, #tpu.memory_space<hbm>>) target(%dma_start3A_167 : memref<512xf32, #tpu.memory_space<vmem>>) target_semaphore(%run_scoped3A_162 : memref<!tpu.dma_semaphore, #tpu.memory_space<semaphore_mem>>)
      %dma_wait3A_169 = arith.constant 0 : i32
      %dma_wait3A_170 = tpu.memref_slice %arg20[%dma_wait3A_169] : memref<1024xf32, #tpu.memory_space<vmem>> -> memref<512xf32, #tpu.memory_space<vmem>>
      %dma_wait3A_171 = tpu.memref_slice %arg5[%mul3A_17] : memref<8192xf32, #tpu.memory_space<hbm>> -> memref<512xf32, #tpu.memory_space<hbm>>
      %dma_wait3A_172 = arith.constant 0 : i32
      %dma_wait3A_173 = tpu.memref_slice %arg20[%dma_wait3A_172] : memref<1024xf32, #tpu.memory_space<vmem>> -> memref<512xf32, #tpu.memory_space<vmem>>
      %dma_wait3A_174 = tpu.memref_slice %arg5[%mul3A_17] : memref<8192xf32, #tpu.memory_space<hbm>> -> memref<512xf32, #tpu.memory_space<hbm>>
      tpu.wait_dma2 semaphore(%run_scoped3A_162 : memref<!tpu.dma_semaphore, #tpu.memory_space<semaphore_mem>>) src(%dma_wait3A_174 : memref<512xf32, #tpu.memory_space<hbm>>) dst(%dma_wait3A_173 : memref<512xf32, #tpu.memory_space<vmem>>)
      tpu.yield
    }) : () -> ()
    %dma_start3A = arith.constant 0 : i32
    %dma_start3A_18 = arith.constant 0 : i32
    %dma_start3A_19 = tpu.memref_slice %arg18[%dma_start3A, %dma_start3A_18] : memref<256x16xf32, #tpu.memory_space<vmem>> -> memref<128x16xf32, #tpu.memory_space<vmem>>
    %dma_start3A_20 = arith.constant 0 : i32
    %dma_start3A_21 = tpu.memref_slice %arg15[%dma_start3A_20] : memref<10240xi32, #tpu.memory_space<vmem>> -> memref<128xi32, #tpu.memory_space<vmem>>
    %dma_start3A_22 = arith.constant 0 : i32
    %dma_start3A_23 = arith.constant 0 : i32
    %dma_start3A_24 = tpu.memref_slice %arg13[%dma_start3A_22, %dma_start3A_23] : memref<329680x16xf32, #tpu.memory_space<hbm>> -> memref<329680x16xf32, #tpu.memory_space<hbm>>
    tpu.enqueue_indirect_dma source(%dma_start3A_24 : memref<329680x16xf32, #tpu.memory_space<hbm>>) target(%dma_start3A_19 : memref<128x16xf32, #tpu.memory_space<vmem>>) offsets(%dma_start3A_21 : memref<128xi32, #tpu.memory_space<vmem>>) semaphore(%arg24 : memref<!tpu.dma_semaphore, #tpu.memory_space<semaphore_mem>>)
    %dma_wait3A = arith.constant 0 : i32
    %dma_wait3A_25 = arith.constant 0 : i32
    %dma_wait3A_26 = tpu.memref_slice %arg18[%dma_wait3A, %dma_wait3A_25] : memref<256x16xf32, #tpu.memory_space<vmem>> -> memref<128x16xf32, #tpu.memory_space<vmem>>
    %dma_wait3A_27 = arith.constant 0 : i32
    %dma_wait3A_28 = tpu.memref_slice %arg15[%dma_wait3A_27] : memref<10240xi32, #tpu.memory_space<vmem>> -> memref<128xi32, #tpu.memory_space<vmem>>
    %dma_wait3A_29 = arith.constant 0 : i32
    %dma_wait3A_30 = arith.constant 0 : i32
    %dma_wait3A_31 = tpu.memref_slice %arg13[%dma_wait3A_29, %dma_wait3A_30] : memref<329680x16xf32, #tpu.memory_space<hbm>> -> memref<329680x16xf32, #tpu.memory_space<hbm>>
    tpu.wait_indirect_dma semaphore(%arg24 : memref<!tpu.dma_semaphore, #tpu.memory_space<semaphore_mem>>) src(%dma_wait3A_31 : memref<329680x16xf32, #tpu.memory_space<hbm>>) dst(%dma_wait3A_26 : memref<128x16xf32, #tpu.memory_space<vmem>>)
    %scan3A = arith.constant 0 : i32
    %scan3A_32 = arith.constant 0 : i32
    %scan3A_33 = arith.constant 32 : i32
    %scan3A_34 = arith.addi %scan3A_32, %scan3A_33 : i32
    %scan3A_35 = arith.constant 1 : i32
    %scan3A_36 = scf.for %scan3A_162 = %scan3A_32 to %scan3A_34 step %scan3A_35 iter_args(%scan3A_163 = %scan3A) -> (i32)  : i32 {
      %mul3A_164 = arith.constant 16 : i32
      %mul3A_165 = arith.muli %mul3A_164, %scan3A_162 : i32
      %get3A = arith.index_cast %mul3A_165 : i32 to index
      %get3A_166 = tpu.vector_load %arg20[%get3A] {strides = array<i32>} : memref<1024xf32, #tpu.memory_space<vmem>>, vector<16xf32>,
      %get3A_167 = vector.shape_cast %get3A_166 : vector<16xf32> to vector<16xf32>
      %mul3A_168 = arith.constant 4 : i32
      %mul3A_169 = arith.muli %mul3A_168, %scan3A_162 : i32
      %add3A_170 = arith.constant 0 : i32
      %add3A_171 = arith.addi %mul3A_169, %add3A_170 : i32
      %get3A_172 = arith.index_cast %add3A_171 : i32 to index
      %get3A_173 = arith.constant 0 : index
      %get3A_174 = tpu.vector_load %arg18[%get3A_172, %get3A_173] {strides = array<i32>} : memref<256x16xf32, #tpu.memory_space<vmem>>, vector<1x16xf32>,
      %get3A_175 = vector.shape_cast %get3A_174 : vector<1x16xf32> to vector<16xf32>
      %broadcast_in_dim3A = arith.constant 0 : i32
      %broadcast_in_dim3A_176 = vector.broadcast %broadcast_in_dim3A : i32 to vector<16x1xi32>
      %gather3A = vector.shape_cast %broadcast_in_dim3A_176 : vector<16x1xi32> to vector<16xi32>
      %gather3A_177 = tpu.dynamic_gather %get3A_167[%gather3A] in [0] : vector<16xf32>, vector<16xi32> -> vector<16xf32>
      %mul3A_178 = arith.mulf %get3A_175, %gather3A_177 : vector<16xf32>
      %swap3A = arith.index_cast %add3A_171 : i32 to index
      %swap3A_179 = arith.constant 0 : index
      %swap3A_180 = tpu.vector_load %arg19[%swap3A, %swap3A_179] {strides = array<i32>} : memref<256x64xf32, #tpu.memory_space<vmem>>, vector<1x16xf32>,
      %swap3A_181 = vector.shape_cast %swap3A_180 : vector<1x16xf32> to vector<16xf32>
      %swap3A_182 = vector.shape_cast %mul3A_178 : vector<16xf32> to vector<1x16xf32>
      tpu.vector_store %arg19[%swap3A, %swap3A_179], %swap3A_182 {strides = array<i32>} : memref<256x64xf32, #tpu.memory_space<vmem>>, vector<1x16xf32>,
      %broadcast_in_dim3A_183 = arith.constant 1 : i32
      %broadcast_in_dim3A_184 = vector.broadcast %broadcast_in_dim3A_183 : i32 to vector<16x1xi32>
      %gather3A_185 = vector.shape_cast %broadcast_in_dim3A_184 : vector<16x1xi32> to vector<16xi32>
      %gather3A_186 = tpu.dynamic_gather %get3A_167[%gather3A_185] in [0] : vector<16xf32>, vector<16xi32> -> vector<16xf32>
      %mul3A_187 = arith.mulf %get3A_175, %gather3A_186 : vector<16xf32>
      %swap3A_188 = arith.index_cast %add3A_171 : i32 to index
      %swap3A_189 = arith.constant 16 : index
      %swap3A_190 = tpu.vector_load %arg19[%swap3A_188, %swap3A_189] {strides = array<i32>} : memref<256x64xf32, #tpu.memory_space<vmem>>, vector<1x16xf32>,
      %swap3A_191 = vector.shape_cast %swap3A_190 : vector<1x16xf32> to vector<16xf32>
      %swap3A_192 = vector.shape_cast %mul3A_187 : vector<16xf32> to vector<1x16xf32>
      tpu.vector_store %arg19[%swap3A_188, %swap3A_189], %swap3A_192 {strides = array<i32>} : memref<256x64xf32, #tpu.memory_space<vmem>>, vector<1x16xf32>,
      %broadcast_in_dim3A_193 = arith.constant 2 : i32
      %broadcast_in_dim3A_194 = vector.broadcast %broadcast_in_dim3A_193 : i32 to vector<16x1xi32>
      %gather3A_195 = vector.shape_cast %broadcast_in_dim3A_194 : vector<16x1xi32> to vector<16xi32>
      %gather3A_196 = tpu.dynamic_gather %get3A_167[%gather3A_195] in [0] : vector<16xf32>, vector<16xi32> -> vector<16xf32>
      %mul3A_197 = arith.mulf %get3A_175, %gather3A_196 : vector<16xf32>
      %swap3A_198 = arith.index_cast %add3A_171 : i32 to index
      %swap3A_199 = arith.constant 32 : index
      %swap3A_200 = tpu.vector_load %arg19[%swap3A_198, %swap3A_199] {strides = array<i32>} : memref<256x64xf32, #tpu.memory_space<vmem>>, vector<1x16xf32>,
      %swap3A_201 = vector.shape_cast %swap3A_200 : vector<1x16xf32> to vector<16xf32>
      %swap3A_202 = vector.shape_cast %mul3A_197 : vector<16xf32> to vector<1x16xf32>
      tpu.vector_store %arg19[%swap3A_198, %swap3A_199], %swap3A_202 {strides = array<i32>} : memref<256x64xf32, #tpu.memory_space<vmem>>, vector<1x16xf32>,
      %broadcast_in_dim3A_203 = arith.constant 3 : i32
      %broadcast_in_dim3A_204 = vector.broadcast %broadcast_in_dim3A_203 : i32 to vector<16x1xi32>
      %gather3A_205 = vector.shape_cast %broadcast_in_dim3A_204 : vector<16x1xi32> to vector<16xi32>
      %gather3A_206 = tpu.dynamic_gather %get3A_167[%gather3A_205] in [0] : vector<16xf32>, vector<16xi32> -> vector<16xf32>
      %mul3A_207 = arith.mulf %get3A_175, %gather3A_206 : vector<16xf32>
      %swap3A_208 = arith.index_cast %add3A_171 : i32 to index
      %swap3A_209 = arith.constant 48 : index
      %swap3A_210 = tpu.vector_load %arg19[%swap3A_208, %swap3A_209] {strides = array<i32>} : memref<256x64xf32, #tpu.memory_space<vmem>>, vector<1x16xf32>,
      %swap3A_211 = vector.shape_cast %swap3A_210 : vector<1x16xf32> to vector<16xf32>
      %swap3A_212 = vector.shape_cast %mul3A_207 : vector<16xf32> to vector<1x16xf32>
      tpu.vector_store %arg19[%swap3A_208, %swap3A_209], %swap3A_212 {strides = array<i32>} : memref<256x64xf32, #tpu.memory_space<vmem>>, vector<1x16xf32>,
      %mul3A_213 = arith.constant 4 : i32
      %mul3A_214 = arith.muli %mul3A_213, %scan3A_162 : i32
      %add3A_215 = arith.constant 1 : i32
      %add3A_216 = arith.addi %mul3A_214, %add3A_215 : i32
      %get3A_217 = arith.index_cast %add3A_216 : i32 to index
      %get3A_218 = arith.constant 0 : index
      %get3A_219 = tpu.vector_load %arg18[%get3A_217, %get3A_218] {strides = array<i32>} : memref<256x16xf32, #tpu.memory_space<vmem>>, vector<1x16xf32>,
      %get3A_220 = vector.shape_cast %get3A_219 : vector<1x16xf32> to vector<16xf32>
      %broadcast_in_dim3A_221 = arith.constant 4 : i32
      %broadcast_in_dim3A_222 = vector.broadcast %broadcast_in_dim3A_221 : i32 to vector<16x1xi32>
      %gather3A_223 = vector.shape_cast %broadcast_in_dim3A_222 : vector<16x1xi32> to vector<16xi32>
      %gather3A_224 = tpu.dynamic_gather %get3A_167[%gather3A_223] in [0] : vector<16xf32>, vector<16xi32> -> vector<16xf32>
      %mul3A_225 = arith.mulf %get3A_220, %gather3A_224 : vector<16xf32>
      %swap3A_226 = arith.index_cast %add3A_216 : i32 to index
      %swap3A_227 = arith.constant 0 : index
      %swap3A_228 = tpu.vector_load %arg19[%swap3A_226, %swap3A_227] {strides = array<i32>} : memref<256x64xf32, #tpu.memory_space<vmem>>, vector<1x16xf32>,
      %swap3A_229 = vector.shape_cast %swap3A_228 : vector<1x16xf32> to vector<16xf32>
      %swap3A_230 = vector.shape_cast %mul3A_225 : vector<16xf32> to vector<1x16xf32>
      tpu.vector_store %arg19[%swap3A_226, %swap3A_227], %swap3A_230 {strides = array<i32>} : memref<256x64xf32, #tpu.memory_space<vmem>>, vector<1x16xf32>,
      %broadcast_in_dim3A_231 = arith.constant 5 : i32
      %broadcast_in_dim3A_232 = vector.broadcast %broadcast_in_dim3A_231 : i32 to vector<16x1xi32>
      %gather3A_233 = vector.shape_cast %broadcast_in_dim3A_232 : vector<16x1xi32> to vector<16xi32>
      %gather3A_234 = tpu.dynamic_gather %get3A_167[%gather3A_233] in [0] : vector<16xf32>, vector<16xi32> -> vector<16xf32>
      %mul3A_235 = arith.mulf %get3A_220, %gather3A_234 : vector<16xf32>
      %swap3A_236 = arith.index_cast %add3A_216 : i32 to index
      %swap3A_237 = arith.constant 16 : index
      %swap3A_238 = tpu.vector_load %arg19[%swap3A_236, %swap3A_237] {strides = array<i32>} : memref<256x64xf32, #tpu.memory_space<vmem>>, vector<1x16xf32>,
      %swap3A_239 = vector.shape_cast %swap3A_238 : vector<1x16xf32> to vector<16xf32>
      %swap3A_240 = vector.shape_cast %mul3A_235 : vector<16xf32> to vector<1x16xf32>
      tpu.vector_store %arg19[%swap3A_236, %swap3A_237], %swap3A_240 {strides = array<i32>} : memref<256x64xf32, #tpu.memory_space<vmem>>, vector<1x16xf32>,
      %broadcast_in_dim3A_241 = arith.constant 6 : i32
      %broadcast_in_dim3A_242 = vector.broadcast %broadcast_in_dim3A_241 : i32 to vector<16x1xi32>
      %gather3A_243 = vector.shape_cast %broadcast_in_dim3A_242 : vector<16x1xi32> to vector<16xi32>
      %gather3A_244 = tpu.dynamic_gather %get3A_167[%gather3A_243] in [0] : vector<16xf32>, vector<16xi32> -> vector<16xf32>
      %mul3A_245 = arith.mulf %get3A_220, %gather3A_244 : vector<16xf32>
      %swap3A_246 = arith.index_cast %add3A_216 : i32 to index
      %swap3A_247 = arith.constant 32 : index
      %swap3A_248 = tpu.vector_load %arg19[%swap3A_246, %swap3A_247] {strides = array<i32>} : memref<256x64xf32, #tpu.memory_space<vmem>>, vector<1x16xf32>,
      %swap3A_249 = vector.shape_cast %swap3A_248 : vector<1x16xf32> to vector<16xf32>
      %swap3A_250 = vector.shape_cast %mul3A_245 : vector<16xf32> to vector<1x16xf32>
      tpu.vector_store %arg19[%swap3A_246, %swap3A_247], %swap3A_250 {strides = array<i32>} : memref<256x64xf32, #tpu.memory_space<vmem>>, vector<1x16xf32>,
      %broadcast_in_dim3A_251 = arith.constant 7 : i32
      %broadcast_in_dim3A_252 = vector.broadcast %broadcast_in_dim3A_251 : i32 to vector<16x1xi32>
      %gather3A_253 = vector.shape_cast %broadcast_in_dim3A_252 : vector<16x1xi32> to vector<16xi32>
      %gather3A_254 = tpu.dynamic_gather %get3A_167[%gather3A_253] in [0] : vector<16xf32>, vector<16xi32> -> vector<16xf32>
      %mul3A_255 = arith.mulf %get3A_220, %gather3A_254 : vector<16xf32>
      %swap3A_256 = arith.index_cast %add3A_216 : i32 to index
      %swap3A_257 = arith.constant 48 : index
      %swap3A_258 = tpu.vector_load %arg19[%swap3A_256, %swap3A_257] {strides = array<i32>} : memref<256x64xf32, #tpu.memory_space<vmem>>, vector<1x16xf32>,
      %swap3A_259 = vector.shape_cast %swap3A_258 : vector<1x16xf32> to vector<16xf32>
      %swap3A_260 = vector.shape_cast %mul3A_255 : vector<16xf32> to vector<1x16xf32>
      tpu.vector_store %arg19[%swap3A_256, %swap3A_257], %swap3A_260 {strides = array<i32>} : memref<256x64xf32, #tpu.memory_space<vmem>>, vector<1x16xf32>,
      %mul3A_261 = arith.constant 4 : i32
      %mul3A_262 = arith.muli %mul3A_261, %scan3A_162 : i32
      %add3A_263 = arith.constant 2 : i32
      %add3A_264 = arith.addi %mul3A_262, %add3A_263 : i32
      %get3A_265 = arith.index_cast %add3A_264 : i32 to index
      %get3A_266 = arith.constant 0 : index
      %get3A_267 = tpu.vector_load %arg18[%get3A_265, %get3A_266] {strides = array<i32>} : memref<256x16xf32, #tpu.memory_space<vmem>>, vector<1x16xf32>,
      %get3A_268 = vector.shape_cast %get3A_267 : vector<1x16xf32> to vector<16xf32>
      %broadcast_in_dim3A_269 = arith.constant 8 : i32
      %broadcast_in_dim3A_270 = vector.broadcast %broadcast_in_dim3A_269 : i32 to vector<16x1xi32>
      %gather3A_271 = vector.shape_cast %broadcast_in_dim3A_270 : vector<16x1xi32> to vector<16xi32>
      %gather3A_272 = tpu.dynamic_gather %get3A_167[%gather3A_271] in [0] : vector<16xf32>, vector<16xi32> -> vector<16xf32>
      %mul3A_273 = arith.mulf %get3A_268, %gather3A_272 : vector<16xf32>
      %swap3A_274 = arith.index_cast %add3A_264 : i32 to index
      %swap3A_275 = arith.constant 0 : index
      %swap3A_276 = tpu.vector_load %arg19[%swap3A_274, %swap3A_275] {strides = array<i32>} : memref<256x64xf32, #tpu.memory_space<vmem>>, vector<1x16xf32>,
      %swap3A_277 = vector.shape_cast %swap3A_276 : vector<1x16xf32> to vector<16xf32>
      %swap3A_278 = vector.shape_cast %mul3A_273 : vector<16xf32> to vector<1x16xf32>
      tpu.vector_store %arg19[%swap3A_274, %swap3A_275], %swap3A_278 {strides = array<i32>} : memref<256x64xf32, #tpu.memory_space<vmem>>, vector<1x16xf32>,
      %broadcast_in_dim3A_279 = arith.constant 9 : i32
      %broadcast_in_dim3A_280 = vector.broadcast %broadcast_in_dim3A_279 : i32 to vector<16x1xi32>
      %gather3A_281 = vector.shape_cast %broadcast_in_dim3A_280 : vector<16x1xi32> to vector<16xi32>
      %gather3A_282 = tpu.dynamic_gather %get3A_167[%gather3A_281] in [0] : vector<16xf32>, vector<16xi32> -> vector<16xf32>
      %mul3A_283 = arith.mulf %get3A_268, %gather3A_282 : vector<16xf32>
      %swap3A_284 = arith.index_cast %add3A_264 : i32 to index
      %swap3A_285 = arith.constant 16 : index
      %swap3A_286 = tpu.vector_load %arg19[%swap3A_284, %swap3A_285] {strides = array<i32>} : memref<256x64xf32, #tpu.memory_space<vmem>>, vector<1x16xf32>,
      %swap3A_287 = vector.shape_cast %swap3A_286 : vector<1x16xf32> to vector<16xf32>
      %swap3A_288 = vector.shape_cast %mul3A_283 : vector<16xf32> to vector<1x16xf32>
      tpu.vector_store %arg19[%swap3A_284, %swap3A_285], %swap3A_288 {strides = array<i32>} : memref<256x64xf32, #tpu.memory_space<vmem>>, vector<1x16xf32>,
      %broadcast_in_dim3A_289 = arith.constant 10 : i32
      %broadcast_in_dim3A_290 = vector.broadcast %broadcast_in_dim3A_289 : i32 to vector<16x1xi32>
      %gather3A_291 = vector.shape_cast %broadcast_in_dim3A_290 : vector<16x1xi32> to vector<16xi32>
      %gather3A_292 = tpu.dynamic_gather %get3A_167[%gather3A_291] in [0] : vector<16xf32>, vector<16xi32> -> vector<16xf32>
      %mul3A_293 = arith.mulf %get3A_268, %gather3A_292 : vector<16xf32>
      %swap3A_294 = arith.index_cast %add3A_264 : i32 to index
      %swap3A_295 = arith.constant 32 : index
      %swap3A_296 = tpu.vector_load %arg19[%swap3A_294, %swap3A_295] {strides = array<i32>} : memref<256x64xf32, #tpu.memory_space<vmem>>, vector<1x16xf32>,
      %swap3A_297 = vector.shape_cast %swap3A_296 : vector<1x16xf32> to vector<16xf32>
      %swap3A_298 = vector.shape_cast %mul3A_293 : vector<16xf32> to vector<1x16xf32>
      tpu.vector_store %arg19[%swap3A_294, %swap3A_295], %swap3A_298 {strides = array<i32>} : memref<256x64xf32, #tpu.memory_space<vmem>>, vector<1x16xf32>,
      %broadcast_in_dim3A_299 = arith.constant 11 : i32
      %broadcast_in_dim3A_300 = vector.broadcast %broadcast_in_dim3A_299 : i32 to vector<16x1xi32>
      %gather3A_301 = vector.shape_cast %broadcast_in_dim3A_300 : vector<16x1xi32> to vector<16xi32>
      %gather3A_302 = tpu.dynamic_gather %get3A_167[%gather3A_301] in [0] : vector<16xf32>, vector<16xi32> -> vector<16xf32>
      %mul3A_303 = arith.mulf %get3A_268, %gather3A_302 : vector<16xf32>
      %swap3A_304 = arith.index_cast %add3A_264 : i32 to index
      %swap3A_305 = arith.constant 48 : index
      %swap3A_306 = tpu.vector_load %arg19[%swap3A_304, %swap3A_305] {strides = array<i32>} : memref<256x64xf32, #tpu.memory_space<vmem>>, vector<1x16xf32>,
      %swap3A_307 = vector.shape_cast %swap3A_306 : vector<1x16xf32> to vector<16xf32>
      %swap3A_308 = vector.shape_cast %mul3A_303 : vector<16xf32> to vector<1x16xf32>
      tpu.vector_store %arg19[%swap3A_304, %swap3A_305], %swap3A_308 {strides = array<i32>} : memref<256x64xf32, #tpu.memory_space<vmem>>, vector<1x16xf32>,
      %mul3A_309 = arith.constant 4 : i32
      %mul3A_310 = arith.muli %mul3A_309, %scan3A_162 : i32
      %add3A_311 = arith.constant 3 : i32
      %add3A_312 = arith.addi %mul3A_310, %add3A_311 : i32
      %get3A_313 = arith.index_cast %add3A_312 : i32 to index
      %get3A_314 = arith.constant 0 : index
      %get3A_315 = tpu.vector_load %arg18[%get3A_313, %get3A_314] {strides = array<i32>} : memref<256x16xf32, #tpu.memory_space<vmem>>, vector<1x16xf32>,
      %get3A_316 = vector.shape_cast %get3A_315 : vector<1x16xf32> to vector<16xf32>
      %broadcast_in_dim3A_317 = arith.constant 12 : i32
      %broadcast_in_dim3A_318 = vector.broadcast %broadcast_in_dim3A_317 : i32 to vector<16x1xi32>
      %gather3A_319 = vector.shape_cast %broadcast_in_dim3A_318 : vector<16x1xi32> to vector<16xi32>
      %gather3A_320 = tpu.dynamic_gather %get3A_167[%gather3A_319] in [0] : vector<16xf32>, vector<16xi32> -> vector<16xf32>
      %mul3A_321 = arith.mulf %get3A_316, %gather3A_320 : vector<16xf32>
      %swap3A_322 = arith.index_cast %add3A_312 : i32 to index
      %swap3A_323 = arith.constant 0 : index
      %swap3A_324 = tpu.vector_load %arg19[%swap3A_322, %swap3A_323] {strides = array<i32>} : memref<256x64xf32, #tpu.memory_space<vmem>>, vector<1x16xf32>,
      %swap3A_325 = vector.shape_cast %swap3A_324 : vector<1x16xf32> to vector<16xf32>
      %swap3A_326 = vector.shape_cast %mul3A_321 : vector<16xf32> to vector<1x16xf32>
      tpu.vector_store %arg19[%swap3A_322, %swap3A_323], %swap3A_326 {strides = array<i32>} : memref<256x64xf32, #tpu.memory_space<vmem>>, vector<1x16xf32>,
      %broadcast_in_dim3A_327 = arith.constant 13 : i32
      %broadcast_in_dim3A_328 = vector.broadcast %broadcast_in_dim3A_327 : i32 to vector<16x1xi32>
      %gather3A_329 = vector.shape_cast %broadcast_in_dim3A_328 : vector<16x1xi32> to vector<16xi32>
      %gather3A_330 = tpu.dynamic_gather %get3A_167[%gather3A_329] in [0] : vector<16xf32>, vector<16xi32> -> vector<16xf32>
      %mul3A_331 = arith.mulf %get3A_316, %gather3A_330 : vector<16xf32>
      %swap3A_332 = arith.index_cast %add3A_312 : i32 to index
      %swap3A_333 = arith.constant 16 : index
      %swap3A_334 = tpu.vector_load %arg19[%swap3A_332, %swap3A_333] {strides = array<i32>} : memref<256x64xf32, #tpu.memory_space<vmem>>, vector<1x16xf32>,
      %swap3A_335 = vector.shape_cast %swap3A_334 : vector<1x16xf32> to vector<16xf32>
      %swap3A_336 = vector.shape_cast %mul3A_331 : vector<16xf32> to vector<1x16xf32>
      tpu.vector_store %arg19[%swap3A_332, %swap3A_333], %swap3A_336 {strides = array<i32>} : memref<256x64xf32, #tpu.memory_space<vmem>>, vector<1x16xf32>,
      %broadcast_in_dim3A_337 = arith.constant 14 : i32
      %broadcast_in_dim3A_338 = vector.broadcast %broadcast_in_dim3A_337 : i32 to vector<16x1xi32>
      %gather3A_339 = vector.shape_cast %broadcast_in_dim3A_338 : vector<16x1xi32> to vector<16xi32>
      %gather3A_340 = tpu.dynamic_gather %get3A_167[%gather3A_339] in [0] : vector<16xf32>, vector<16xi32> -> vector<16xf32>
      %mul3A_341 = arith.mulf %get3A_316, %gather3A_340 : vector<16xf32>
      %swap3A_342 = arith.index_cast %add3A_312 : i32 to index
      %swap3A_343 = arith.constant 32 : index
      %swap3A_344 = tpu.vector_load %arg19[%swap3A_342, %swap3A_343] {strides = array<i32>} : memref<256x64xf32, #tpu.memory_space<vmem>>, vector<1x16xf32>,
      %swap3A_345 = vector.shape_cast %swap3A_344 : vector<1x16xf32> to vector<16xf32>
      %swap3A_346 = vector.shape_cast %mul3A_341 : vector<16xf32> to vector<1x16xf32>
      tpu.vector_store %arg19[%swap3A_342, %swap3A_343], %swap3A_346 {strides = array<i32>} : memref<256x64xf32, #tpu.memory_space<vmem>>, vector<1x16xf32>,
      %broadcast_in_dim3A_347 = arith.constant 15 : i32
      %broadcast_in_dim3A_348 = vector.broadcast %broadcast_in_dim3A_347 : i32 to vector<16x1xi32>
      %gather3A_349 = vector.shape_cast %broadcast_in_dim3A_348 : vector<16x1xi32> to vector<16xi32>
      %gather3A_350 = tpu.dynamic_gather %get3A_167[%gather3A_349] in [0] : vector<16xf32>, vector<16xi32> -> vector<16xf32>
      %mul3A_351 = arith.mulf %get3A_316, %gather3A_350 : vector<16xf32>
      %swap3A_352 = arith.index_cast %add3A_312 : i32 to index
      %swap3A_353 = arith.constant 48 : index
      %swap3A_354 = tpu.vector_load %arg19[%swap3A_352, %swap3A_353] {strides = array<i32>} : memref<256x64xf32, #tpu.memory_space<vmem>>, vector<1x16xf32>,
      %swap3A_355 = vector.shape_cast %swap3A_354 : vector<1x16xf32> to vector<16xf32>
      %swap3A_356 = vector.shape_cast %mul3A_351 : vector<16xf32> to vector<1x16xf32>
      tpu.vector_store %arg19[%swap3A_352, %swap3A_353], %swap3A_356 {strides = array<i32>} : memref<256x64xf32, #tpu.memory_space<vmem>>, vector<1x16xf32>,
      %scan3A_357 = arith.constant 0 : i32
      scf.yield %scan3A_357 : i32
    }
    %scan3A_37 = arith.constant 32 : i32
    "tpu.region"() ({
      %run_scoped3A_162 = tpu.sem_alloc : memref<!tpu.dma_semaphore, #tpu.memory_space<semaphore_mem>>
      %dma_start3A_163 = arith.constant 0 : i32
      %dma_start3A_164 = arith.constant 0 : i32
      %dma_start3A_165 = tpu.memref_slice %arg19[%dma_start3A_163, %dma_start3A_164] : memref<256x64xf32, #tpu.memory_space<vmem>> -> memref<128x64xf32, #tpu.memory_space<vmem>>
      %dma_start3A_166 = arith.constant 0 : i32
      %dma_start3A_167 = tpu.memref_slice %arg17[%arg1, %dma_start3A_166] : memref<16x128xi32, #tpu.memory_space<vmem>> -> memref<1x128xi32, #tpu.memory_space<vmem>>
      %dma_start3A_168 = tpu.memref_squeeze %dma_start3A_167 : memref<1x128xi32, #tpu.memory_space<vmem>> -> memref<128xi32, #tpu.memory_space<vmem>>
      %dma_start3A_169 = arith.constant 0 : i32
      %dma_start3A_170 = arith.constant 0 : i32
      %dma_start3A_171 = tpu.memref_slice %arg14[%dma_start3A_169, %dma_start3A_170] : memref<10112x64xf32, #tpu.memory_space<vmem_shared>> -> memref<10112x64xf32, #tpu.memory_space<vmem_shared>>
      tpu.enqueue_indirect_dma source(%dma_start3A_165 : memref<128x64xf32, #tpu.memory_space<vmem>>) target(%dma_start3A_171 : memref<10112x64xf32, #tpu.memory_space<vmem_shared>>) offsets(%dma_start3A_168 : memref<128xi32, #tpu.memory_space<vmem>>) semaphore(%run_scoped3A_162 : memref<!tpu.dma_semaphore, #tpu.memory_space<semaphore_mem>>) {add = true}
      %dma_wait3A_172 = arith.constant 0 : i32
      %dma_wait3A_173 = arith.constant 0 : i32
      %dma_wait3A_174 = tpu.memref_slice %arg19[%dma_wait3A_172, %dma_wait3A_173] : memref<256x64xf32, #tpu.memory_space<vmem>> -> memref<128x64xf32, #tpu.memory_space<vmem>>
      %dma_wait3A_175 = arith.constant 0 : i32
      %dma_wait3A_176 = tpu.memref_slice %arg17[%arg1, %dma_wait3A_175] : memref<16x128xi32, #tpu.memory_space<vmem>> -> memref<1x128xi32, #tpu.memory_space<vmem>>
      %dma_wait3A_177 = tpu.memref_squeeze %dma_wait3A_176 : memref<1x128xi32, #tpu.memory_space<vmem>> -> memref<128xi32, #tpu.memory_space<vmem>>
      %dma_wait3A_178 = arith.constant 0 : i32
      %dma_wait3A_179 = arith.constant 0 : i32
      %dma_wait3A_180 = tpu.memref_slice %arg14[%dma_wait3A_178, %dma_wait3A_179] : memref<10112x64xf32, #tpu.memory_space<vmem_shared>> -> memref<10112x64xf32, #tpu.memory_space<vmem_shared>>
      tpu.wait_indirect_dma semaphore(%run_scoped3A_162 : memref<!tpu.dma_semaphore, #tpu.memory_space<semaphore_mem>>) src(%dma_wait3A_174 : memref<128x64xf32, #tpu.memory_space<vmem>>) dst(%dma_wait3A_180 : memref<10112x64xf32, #tpu.memory_space<vmem_shared>>)
      tpu.yield
    }) : () -> ()
    %barrier3A_38 = arith.constant 0 : index
    tpu.barrier barrier_id(%barrier3A_38)
    %mul3A_39 = arith.constant 632 : i32
    %mul3A_40 = arith.muli %arg1, %mul3A_39 : i32
    %add3A = arith.constant 0 : i32
    %add3A_41 = arith.addi %mul3A_40, %add3A : i32
    "tpu.region"() ({
      %run_scoped3A_162 = tpu.sem_alloc : memref<!tpu.dma_semaphore, #tpu.memory_space<semaphore_mem>>
      %dma_start3A_163 = arith.constant 0 : i32
      %dma_start3A_164 = arith.constant 0 : i32
      %dma_start3A_165 = tpu.memref_slice %arg21[%dma_start3A_163, %dma_start3A_164] : memref<256x64xf32, #tpu.memory_space<vmem>> -> memref<256x64xf32, #tpu.memory_space<vmem>>
      %dma_start3A_166 = arith.constant 0 : i32
      %dma_start3A_167 = tpu.memref_slice %arg14[%add3A_41, %dma_start3A_166] : memref<10112x64xf32, #tpu.memory_space<vmem_shared>> -> memref<256x64xf32, #tpu.memory_space<vmem_shared>>
      %dma_start3A_168 = arith.constant 0 : i32
      %dma_start3A_169 = arith.constant 0 : i32
      %dma_start3A_170 = tpu.memref_slice %arg21[%dma_start3A_168, %dma_start3A_169] : memref<256x64xf32, #tpu.memory_space<vmem>> -> memref<256x64xf32, #tpu.memory_space<vmem>>
      %dma_start3A_171 = arith.constant 0 : i32
      %dma_start3A_172 = tpu.memref_slice %arg14[%add3A_41, %dma_start3A_171] : memref<10112x64xf32, #tpu.memory_space<vmem_shared>> -> memref<256x64xf32, #tpu.memory_space<vmem_shared>>
      tpu.enqueue_dma source(%dma_start3A_172 : memref<256x64xf32, #tpu.memory_space<vmem_shared>>) target(%dma_start3A_170 : memref<256x64xf32, #tpu.memory_space<vmem>>) target_semaphore(%run_scoped3A_162 : memref<!tpu.dma_semaphore, #tpu.memory_space<semaphore_mem>>)
      %dma_wait3A_173 = arith.constant 0 : i32
      %dma_wait3A_174 = arith.constant 0 : i32
      %dma_wait3A_175 = tpu.memref_slice %arg21[%dma_wait3A_173, %dma_wait3A_174] : memref<256x64xf32, #tpu.memory_space<vmem>> -> memref<256x64xf32, #tpu.memory_space<vmem>>
      %dma_wait3A_176 = arith.constant 0 : i32
      %dma_wait3A_177 = tpu.memref_slice %arg14[%add3A_41, %dma_wait3A_176] : memref<10112x64xf32, #tpu.memory_space<vmem_shared>> -> memref<256x64xf32, #tpu.memory_space<vmem_shared>>
      %dma_wait3A_178 = arith.constant 0 : i32
      %dma_wait3A_179 = arith.constant 0 : i32
      %dma_wait3A_180 = tpu.memref_slice %arg21[%dma_wait3A_178, %dma_wait3A_179] : memref<256x64xf32, #tpu.memory_space<vmem>> -> memref<256x64xf32, #tpu.memory_space<vmem>>
      %dma_wait3A_181 = arith.constant 0 : i32
      %dma_wait3A_182 = tpu.memref_slice %arg14[%add3A_41, %dma_wait3A_181] : memref<10112x64xf32, #tpu.memory_space<vmem_shared>> -> memref<256x64xf32, #tpu.memory_space<vmem_shared>>
      tpu.wait_dma2 semaphore(%run_scoped3A_162 : memref<!tpu.dma_semaphore, #tpu.memory_space<semaphore_mem>>) src(%dma_wait3A_182 : memref<256x64xf32, #tpu.memory_space<vmem_shared>>) dst(%dma_wait3A_180 : memref<256x64xf32, #tpu.memory_space<vmem>>)
      tpu.yield
    }) : () -> ()
    %scan3A_42 = arith.constant 0 : i32
    %scan3A_43 = arith.constant 0 : i32
    %scan3A_44 = arith.constant 256 : i32
    %scan3A_45 = arith.addi %scan3A_43, %scan3A_44 : i32
    %scan3A_46 = arith.constant 1 : i32
    %scan3A_47 = scf.for %scan3A_162 = %scan3A_43 to %scan3A_45 step %scan3A_46 iter_args(%scan3A_163 = %scan3A_42) -> (i32)  : i32 {
      %get3A = arith.index_cast %scan3A_162 : i32 to index
      %get3A_164 = arith.constant 0 : index
      %get3A_165 = tpu.vector_load %arg21[%get3A, %get3A_164] {strides = array<i32>} : memref<256x64xf32, #tpu.memory_space<vmem>>, vector<1x16xf32>,
      %get3A_166 = vector.shape_cast %get3A_165 : vector<1x16xf32> to vector<16xf32>
      %gt3A = arith.constant 0.000000e+00 : f32
      %gt3A_167 = vector.broadcast %gt3A : f32 to vector<16xf32>
      %gt3A_168 = arith.cmpf ogt, %get3A_166, %gt3A_167 : vector<16xf32>
      %min3A = arith.constant 0.000000e+00 : f32
      %min3A_169 = vector.broadcast %min3A : f32 to vector<16xf32>
      %min3A_170 = arith.minimumf %get3A_166, %min3A_169 : vector<16xf32>
      %exp3A = math.exp %min3A_170 : vector<16xf32>
      %sub3A = arith.constant 1.000000e+00 : f32
      %sub3A_171 = vector.broadcast %sub3A : f32 to vector<16xf32>
      %sub3A_172 = arith.subf %exp3A, %sub3A_171 : vector<16xf32>
      %select_n3A = arith.select %gt3A_168, %get3A_166, %sub3A_172 : vector<16xi1>, vector<16xf32>
      %swap3A = arith.index_cast %scan3A_162 : i32 to index
      %swap3A_173 = arith.constant 0 : index
      %swap3A_174 = tpu.vector_load %arg21[%swap3A, %swap3A_173] {strides = array<i32>} : memref<256x64xf32, #tpu.memory_space<vmem>>, vector<1x16xf32>,
      %swap3A_175 = vector.shape_cast %swap3A_174 : vector<1x16xf32> to vector<16xf32>
      %swap3A_176 = vector.shape_cast %select_n3A : vector<16xf32> to vector<1x16xf32>
      tpu.vector_store %arg21[%swap3A, %swap3A_173], %swap3A_176 {strides = array<i32>} : memref<256x64xf32, #tpu.memory_space<vmem>>, vector<1x16xf32>,
      %get3A_177 = arith.index_cast %scan3A_162 : i32 to index
      %get3A_178 = arith.constant 16 : index
      %get3A_179 = tpu.vector_load %arg21[%get3A_177, %get3A_178] {strides = array<i32>} : memref<256x64xf32, #tpu.memory_space<vmem>>, vector<1x16xf32>,
      %get3A_180 = vector.shape_cast %get3A_179 : vector<1x16xf32> to vector<16xf32>
      %gt3A_181 = arith.constant 0.000000e+00 : f32
      %gt3A_182 = vector.broadcast %gt3A_181 : f32 to vector<16xf32>
      %gt3A_183 = arith.cmpf ogt, %get3A_180, %gt3A_182 : vector<16xf32>
      %min3A_184 = arith.constant 0.000000e+00 : f32
      %min3A_185 = vector.broadcast %min3A_184 : f32 to vector<16xf32>
      %min3A_186 = arith.minimumf %get3A_180, %min3A_185 : vector<16xf32>
      %exp3A_187 = math.exp %min3A_186 : vector<16xf32>
      %sub3A_188 = arith.constant 1.000000e+00 : f32
      %sub3A_189 = vector.broadcast %sub3A_188 : f32 to vector<16xf32>
      %sub3A_190 = arith.subf %exp3A_187, %sub3A_189 : vector<16xf32>
      %select_n3A_191 = arith.select %gt3A_183, %get3A_180, %sub3A_190 : vector<16xi1>, vector<16xf32>
      %swap3A_192 = arith.index_cast %scan3A_162 : i32 to index
      %swap3A_193 = arith.constant 16 : index
      %swap3A_194 = tpu.vector_load %arg21[%swap3A_192, %swap3A_193] {strides = array<i32>} : memref<256x64xf32, #tpu.memory_space<vmem>>, vector<1x16xf32>,
      %swap3A_195 = vector.shape_cast %swap3A_194 : vector<1x16xf32> to vector<16xf32>
      %swap3A_196 = vector.shape_cast %select_n3A_191 : vector<16xf32> to vector<1x16xf32>
      tpu.vector_store %arg21[%swap3A_192, %swap3A_193], %swap3A_196 {strides = array<i32>} : memref<256x64xf32, #tpu.memory_space<vmem>>, vector<1x16xf32>,
      %get3A_197 = arith.index_cast %scan3A_162 : i32 to index
      %get3A_198 = arith.constant 32 : index
      %get3A_199 = tpu.vector_load %arg21[%get3A_197, %get3A_198] {strides = array<i32>} : memref<256x64xf32, #tpu.memory_space<vmem>>, vector<1x16xf32>,
      %get3A_200 = vector.shape_cast %get3A_199 : vector<1x16xf32> to vector<16xf32>
      %gt3A_201 = arith.constant 0.000000e+00 : f32
      %gt3A_202 = vector.broadcast %gt3A_201 : f32 to vector<16xf32>
      %gt3A_203 = arith.cmpf ogt, %get3A_200, %gt3A_202 : vector<16xf32>
      %min3A_204 = arith.constant 0.000000e+00 : f32
      %min3A_205 = vector.broadcast %min3A_204 : f32 to vector<16xf32>
      %min3A_206 = arith.minimumf %get3A_200, %min3A_205 : vector<16xf32>
      %exp3A_207 = math.exp %min3A_206 : vector<16xf32>
      %sub3A_208 = arith.constant 1.000000e+00 : f32
      %sub3A_209 = vector.broadcast %sub3A_208 : f32 to vector<16xf32>
      %sub3A_210 = arith.subf %exp3A_207, %sub3A_209 : vector<16xf32>
      %select_n3A_211 = arith.select %gt3A_203, %get3A_200, %sub3A_210 : vector<16xi1>, vector<16xf32>
      %swap3A_212 = arith.index_cast %scan3A_162 : i32 to index
      %swap3A_213 = arith.constant 32 : index
      %swap3A_214 = tpu.vector_load %arg21[%swap3A_212, %swap3A_213] {strides = array<i32>} : memref<256x64xf32, #tpu.memory_space<vmem>>, vector<1x16xf32>,
      %swap3A_215 = vector.shape_cast %swap3A_214 : vector<1x16xf32> to vector<16xf32>
      %swap3A_216 = vector.shape_cast %select_n3A_211 : vector<16xf32> to vector<1x16xf32>
      tpu.vector_store %arg21[%swap3A_212, %swap3A_213], %swap3A_216 {strides = array<i32>} : memref<256x64xf32, #tpu.memory_space<vmem>>, vector<1x16xf32>,
      %get3A_217 = arith.index_cast %scan3A_162 : i32 to index
      %get3A_218 = arith.constant 48 : index
      %get3A_219 = tpu.vector_load %arg21[%get3A_217, %get3A_218] {strides = array<i32>} : memref<256x64xf32, #tpu.memory_space<vmem>>, vector<1x16xf32>,
      %get3A_220 = vector.shape_cast %get3A_219 : vector<1x16xf32> to vector<16xf32>
      %gt3A_221 = arith.constant 0.000000e+00 : f32
      %gt3A_222 = vector.broadcast %gt3A_221 : f32 to vector<16xf32>
      %gt3A_223 = arith.cmpf ogt, %get3A_220, %gt3A_222 : vector<16xf32>
      %min3A_224 = arith.constant 0.000000e+00 : f32
      %min3A_225 = vector.broadcast %min3A_224 : f32 to vector<16xf32>
      %min3A_226 = arith.minimumf %get3A_220, %min3A_225 : vector<16xf32>
      %exp3A_227 = math.exp %min3A_226 : vector<16xf32>
      %sub3A_228 = arith.constant 1.000000e+00 : f32
      %sub3A_229 = vector.broadcast %sub3A_228 : f32 to vector<16xf32>
      %sub3A_230 = arith.subf %exp3A_227, %sub3A_229 : vector<16xf32>
      %select_n3A_231 = arith.select %gt3A_223, %get3A_220, %sub3A_230 : vector<16xi1>, vector<16xf32>
      %swap3A_232 = arith.index_cast %scan3A_162 : i32 to index
      %swap3A_233 = arith.constant 48 : index
      %swap3A_234 = tpu.vector_load %arg21[%swap3A_232, %swap3A_233] {strides = array<i32>} : memref<256x64xf32, #tpu.memory_space<vmem>>, vector<1x16xf32>,
      %swap3A_235 = vector.shape_cast %swap3A_234 : vector<1x16xf32> to vector<16xf32>
      %swap3A_236 = vector.shape_cast %select_n3A_231 : vector<16xf32> to vector<1x16xf32>
      tpu.vector_store %arg21[%swap3A_232, %swap3A_233], %swap3A_236 {strides = array<i32>} : memref<256x64xf32, #tpu.memory_space<vmem>>, vector<1x16xf32>,
      %scan3A_237 = arith.constant 0 : i32
      scf.yield %scan3A_237 : i32
    }
    %scan3A_48 = arith.constant 256 : i32
    "tpu.region"() ({
      %run_scoped3A_162 = tpu.sem_alloc : memref<!tpu.dma_semaphore, #tpu.memory_space<semaphore_mem>>
      %dma_start3A_163 = arith.constant 0 : i32
      %dma_start3A_164 = arith.constant 0 : i32
      %dma_start3A_165 = tpu.memref_slice %arg21[%dma_start3A_163, %dma_start3A_164] : memref<256x64xf32, #tpu.memory_space<vmem>> -> memref<256x64xf32, #tpu.memory_space<vmem>>
      %dma_start3A_166 = arith.constant 0 : i32
      %dma_start3A_167 = tpu.memref_slice %arg14[%add3A_41, %dma_start3A_166] : memref<10112x64xf32, #tpu.memory_space<vmem_shared>> -> memref<256x64xf32, #tpu.memory_space<vmem_shared>>
      %dma_start3A_168 = arith.constant 0 : i32
      %dma_start3A_169 = tpu.memref_slice %arg14[%add3A_41, %dma_start3A_168] : memref<10112x64xf32, #tpu.memory_space<vmem_shared>> -> memref<256x64xf32, #tpu.memory_space<vmem_shared>>
      %dma_start3A_170 = arith.constant 0 : i32
      %dma_start3A_171 = arith.constant 0 : i32
      %dma_start3A_172 = tpu.memref_slice %arg21[%dma_start3A_170, %dma_start3A_171] : memref<256x64xf32, #tpu.memory_space<vmem>> -> memref<256x64xf32, #tpu.memory_space<vmem>>
      tpu.enqueue_dma source(%dma_start3A_172 : memref<256x64xf32, #tpu.memory_space<vmem>>) target(%dma_start3A_169 : memref<256x64xf32, #tpu.memory_space<vmem_shared>>) target_semaphore(%run_scoped3A_162 : memref<!tpu.dma_semaphore, #tpu.memory_space<semaphore_mem>>)
      %dma_wait3A_173 = arith.constant 0 : i32
      %dma_wait3A_174 = arith.constant 0 : i32
      %dma_wait3A_175 = tpu.memref_slice %arg21[%dma_wait3A_173, %dma_wait3A_174] : memref<256x64xf32, #tpu.memory_space<vmem>> -> memref<256x64xf32, #tpu.memory_space<vmem>>
      %dma_wait3A_176 = arith.constant 0 : i32
      %dma_wait3A_177 = tpu.memref_slice %arg14[%add3A_41, %dma_wait3A_176] : memref<10112x64xf32, #tpu.memory_space<vmem_shared>> -> memref<256x64xf32, #tpu.memory_space<vmem_shared>>
      %dma_wait3A_178 = arith.constant 0 : i32
      %dma_wait3A_179 = tpu.memref_slice %arg14[%add3A_41, %dma_wait3A_178] : memref<10112x64xf32, #tpu.memory_space<vmem_shared>> -> memref<256x64xf32, #tpu.memory_space<vmem_shared>>
      %dma_wait3A_180 = arith.constant 0 : i32
      %dma_wait3A_181 = arith.constant 0 : i32
      %dma_wait3A_182 = tpu.memref_slice %arg21[%dma_wait3A_180, %dma_wait3A_181] : memref<256x64xf32, #tpu.memory_space<vmem>> -> memref<256x64xf32, #tpu.memory_space<vmem>>
      tpu.wait_dma2 semaphore(%run_scoped3A_162 : memref<!tpu.dma_semaphore, #tpu.memory_space<semaphore_mem>>) src(%dma_wait3A_182 : memref<256x64xf32, #tpu.memory_space<vmem>>) dst(%dma_wait3A_179 : memref<256x64xf32, #tpu.memory_space<vmem_shared>>)
      tpu.yield
    }) : () -> ()
    %mul3A_49 = arith.constant 632 : i32
    %mul3A_50 = arith.muli %arg1, %mul3A_49 : i32
    %add3A_51 = arith.constant 256 : i32
    %add3A_52 = arith.addi %mul3A_50, %add3A_51 : i32
    "tpu.region"() ({
      %run_scoped3A_162 = tpu.sem_alloc : memref<!tpu.dma_semaphore, #tpu.memory_space<semaphore_mem>>
      %dma_start3A_163 = arith.constant 0 : i32
      %dma_start3A_164 = arith.constant 0 : i32
      %dma_start3A_165 = tpu.memref_slice %arg21[%dma_start3A_163, %dma_start3A_164] : memref<256x64xf32, #tpu.memory_space<vmem>> -> memref<256x64xf32, #tpu.memory_space<vmem>>
      %dma_start3A_166 = arith.constant 0 : i32
      %dma_start3A_167 = tpu.memref_slice %arg14[%add3A_52, %dma_start3A_166] : memref<10112x64xf32, #tpu.memory_space<vmem_shared>> -> memref<256x64xf32, #tpu.memory_space<vmem_shared>>
      %dma_start3A_168 = arith.constant 0 : i32
      %dma_start3A_169 = arith.constant 0 : i32
      %dma_start3A_170 = tpu.memref_slice %arg21[%dma_start3A_168, %dma_start3A_169] : memref<256x64xf32, #tpu.memory_space<vmem>> -> memref<256x64xf32, #tpu.memory_space<vmem>>
      %dma_start3A_171 = arith.constant 0 : i32
      %dma_start3A_172 = tpu.memref_slice %arg14[%add3A_52, %dma_start3A_171] : memref<10112x64xf32, #tpu.memory_space<vmem_shared>> -> memref<256x64xf32, #tpu.memory_space<vmem_shared>>
      tpu.enqueue_dma source(%dma_start3A_172 : memref<256x64xf32, #tpu.memory_space<vmem_shared>>) target(%dma_start3A_170 : memref<256x64xf32, #tpu.memory_space<vmem>>) target_semaphore(%run_scoped3A_162 : memref<!tpu.dma_semaphore, #tpu.memory_space<semaphore_mem>>)
      %dma_wait3A_173 = arith.constant 0 : i32
      %dma_wait3A_174 = arith.constant 0 : i32
      %dma_wait3A_175 = tpu.memref_slice %arg21[%dma_wait3A_173, %dma_wait3A_174] : memref<256x64xf32, #tpu.memory_space<vmem>> -> memref<256x64xf32, #tpu.memory_space<vmem>>
      %dma_wait3A_176 = arith.constant 0 : i32
      %dma_wait3A_177 = tpu.memref_slice %arg14[%add3A_52, %dma_wait3A_176] : memref<10112x64xf32, #tpu.memory_space<vmem_shared>> -> memref<256x64xf32, #tpu.memory_space<vmem_shared>>
      %dma_wait3A_178 = arith.constant 0 : i32
      %dma_wait3A_179 = arith.constant 0 : i32
      %dma_wait3A_180 = tpu.memref_slice %arg21[%dma_wait3A_178, %dma_wait3A_179] : memref<256x64xf32, #tpu.memory_space<vmem>> -> memref<256x64xf32, #tpu.memory_space<vmem>>
      %dma_wait3A_181 = arith.constant 0 : i32
      %dma_wait3A_182 = tpu.memref_slice %arg14[%add3A_52, %dma_wait3A_181] : memref<10112x64xf32, #tpu.memory_space<vmem_shared>> -> memref<256x64xf32, #tpu.memory_space<vmem_shared>>
      tpu.wait_dma2 semaphore(%run_scoped3A_162 : memref<!tpu.dma_semaphore, #tpu.memory_space<semaphore_mem>>) src(%dma_wait3A_182 : memref<256x64xf32, #tpu.memory_space<vmem_shared>>) dst(%dma_wait3A_180 : memref<256x64xf32, #tpu.memory_space<vmem>>)
      tpu.yield
    }) : () -> ()
    %scan3A_53 = arith.constant 0 : i32
    %scan3A_54 = arith.constant 0 : i32
    %scan3A_55 = arith.constant 256 : i32
    %scan3A_56 = arith.addi %scan3A_54, %scan3A_55 : i32
    %scan3A_57 = arith.constant 1 : i32
    %scan3A_58 = scf.for %scan3A_162 = %scan3A_54 to %scan3A_56 step %scan3A_57 iter_args(%scan3A_163 = %scan3A_53) -> (i32)  : i32 {
      %get3A = arith.index_cast %scan3A_162 : i32 to index
      %get3A_164 = arith.constant 0 : index
      %get3A_165 = tpu.vector_load %arg21[%get3A, %get3A_164] {strides = array<i32>} : memref<256x64xf32, #tpu.memory_space<vmem>>, vector<1x16xf32>,
      %get3A_166 = vector.shape_cast %get3A_165 : vector<1x16xf32> to vector<16xf32>
      %gt3A = arith.constant 0.000000e+00 : f32
      %gt3A_167 = vector.broadcast %gt3A : f32 to vector<16xf32>
      %gt3A_168 = arith.cmpf ogt, %get3A_166, %gt3A_167 : vector<16xf32>
      %min3A = arith.constant 0.000000e+00 : f32
      %min3A_169 = vector.broadcast %min3A : f32 to vector<16xf32>
      %min3A_170 = arith.minimumf %get3A_166, %min3A_169 : vector<16xf32>
      %exp3A = math.exp %min3A_170 : vector<16xf32>
      %sub3A = arith.constant 1.000000e+00 : f32
      %sub3A_171 = vector.broadcast %sub3A : f32 to vector<16xf32>
      %sub3A_172 = arith.subf %exp3A, %sub3A_171 : vector<16xf32>
      %select_n3A = arith.select %gt3A_168, %get3A_166, %sub3A_172 : vector<16xi1>, vector<16xf32>
      %swap3A = arith.index_cast %scan3A_162 : i32 to index
      %swap3A_173 = arith.constant 0 : index
      %swap3A_174 = tpu.vector_load %arg21[%swap3A, %swap3A_173] {strides = array<i32>} : memref<256x64xf32, #tpu.memory_space<vmem>>, vector<1x16xf32>,
      %swap3A_175 = vector.shape_cast %swap3A_174 : vector<1x16xf32> to vector<16xf32>
      %swap3A_176 = vector.shape_cast %select_n3A : vector<16xf32> to vector<1x16xf32>
      tpu.vector_store %arg21[%swap3A, %swap3A_173], %swap3A_176 {strides = array<i32>} : memref<256x64xf32, #tpu.memory_space<vmem>>, vector<1x16xf32>,
      %get3A_177 = arith.index_cast %scan3A_162 : i32 to index
      %get3A_178 = arith.constant 16 : index
      %get3A_179 = tpu.vector_load %arg21[%get3A_177, %get3A_178] {strides = array<i32>} : memref<256x64xf32, #tpu.memory_space<vmem>>, vector<1x16xf32>,
      %get3A_180 = vector.shape_cast %get3A_179 : vector<1x16xf32> to vector<16xf32>
      %gt3A_181 = arith.constant 0.000000e+00 : f32
      %gt3A_182 = vector.broadcast %gt3A_181 : f32 to vector<16xf32>
      %gt3A_183 = arith.cmpf ogt, %get3A_180, %gt3A_182 : vector<16xf32>
      %min3A_184 = arith.constant 0.000000e+00 : f32
      %min3A_185 = vector.broadcast %min3A_184 : f32 to vector<16xf32>
      %min3A_186 = arith.minimumf %get3A_180, %min3A_185 : vector<16xf32>
      %exp3A_187 = math.exp %min3A_186 : vector<16xf32>
      %sub3A_188 = arith.constant 1.000000e+00 : f32
      %sub3A_189 = vector.broadcast %sub3A_188 : f32 to vector<16xf32>
      %sub3A_190 = arith.subf %exp3A_187, %sub3A_189 : vector<16xf32>
      %select_n3A_191 = arith.select %gt3A_183, %get3A_180, %sub3A_190 : vector<16xi1>, vector<16xf32>
      %swap3A_192 = arith.index_cast %scan3A_162 : i32 to index
      %swap3A_193 = arith.constant 16 : index
      %swap3A_194 = tpu.vector_load %arg21[%swap3A_192, %swap3A_193] {strides = array<i32>} : memref<256x64xf32, #tpu.memory_space<vmem>>, vector<1x16xf32>,
      %swap3A_195 = vector.shape_cast %swap3A_194 : vector<1x16xf32> to vector<16xf32>
      %swap3A_196 = vector.shape_cast %select_n3A_191 : vector<16xf32> to vector<1x16xf32>
      tpu.vector_store %arg21[%swap3A_192, %swap3A_193], %swap3A_196 {strides = array<i32>} : memref<256x64xf32, #tpu.memory_space<vmem>>, vector<1x16xf32>,
      %get3A_197 = arith.index_cast %scan3A_162 : i32 to index
      %get3A_198 = arith.constant 32 : index
      %get3A_199 = tpu.vector_load %arg21[%get3A_197, %get3A_198] {strides = array<i32>} : memref<256x64xf32, #tpu.memory_space<vmem>>, vector<1x16xf32>,
      %get3A_200 = vector.shape_cast %get3A_199 : vector<1x16xf32> to vector<16xf32>
      %gt3A_201 = arith.constant 0.000000e+00 : f32
      %gt3A_202 = vector.broadcast %gt3A_201 : f32 to vector<16xf32>
      %gt3A_203 = arith.cmpf ogt, %get3A_200, %gt3A_202 : vector<16xf32>
      %min3A_204 = arith.constant 0.000000e+00 : f32
      %min3A_205 = vector.broadcast %min3A_204 : f32 to vector<16xf32>
      %min3A_206 = arith.minimumf %get3A_200, %min3A_205 : vector<16xf32>
      %exp3A_207 = math.exp %min3A_206 : vector<16xf32>
      %sub3A_208 = arith.constant 1.000000e+00 : f32
      %sub3A_209 = vector.broadcast %sub3A_208 : f32 to vector<16xf32>
      %sub3A_210 = arith.subf %exp3A_207, %sub3A_209 : vector<16xf32>
      %select_n3A_211 = arith.select %gt3A_203, %get3A_200, %sub3A_210 : vector<16xi1>, vector<16xf32>
      %swap3A_212 = arith.index_cast %scan3A_162 : i32 to index
      %swap3A_213 = arith.constant 32 : index
      %swap3A_214 = tpu.vector_load %arg21[%swap3A_212, %swap3A_213] {strides = array<i32>} : memref<256x64xf32, #tpu.memory_space<vmem>>, vector<1x16xf32>,
      %swap3A_215 = vector.shape_cast %swap3A_214 : vector<1x16xf32> to vector<16xf32>
      %swap3A_216 = vector.shape_cast %select_n3A_211 : vector<16xf32> to vector<1x16xf32>
      tpu.vector_store %arg21[%swap3A_212, %swap3A_213], %swap3A_216 {strides = array<i32>} : memref<256x64xf32, #tpu.memory_space<vmem>>, vector<1x16xf32>,
      %get3A_217 = arith.index_cast %scan3A_162 : i32 to index
      %get3A_218 = arith.constant 48 : index
      %get3A_219 = tpu.vector_load %arg21[%get3A_217, %get3A_218] {strides = array<i32>} : memref<256x64xf32, #tpu.memory_space<vmem>>, vector<1x16xf32>,
      %get3A_220 = vector.shape_cast %get3A_219 : vector<1x16xf32> to vector<16xf32>
      %gt3A_221 = arith.constant 0.000000e+00 : f32
      %gt3A_222 = vector.broadcast %gt3A_221 : f32 to vector<16xf32>
      %gt3A_223 = arith.cmpf ogt, %get3A_220, %gt3A_222 : vector<16xf32>
      %min3A_224 = arith.constant 0.000000e+00 : f32
      %min3A_225 = vector.broadcast %min3A_224 : f32 to vector<16xf32>
      %min3A_226 = arith.minimumf %get3A_220, %min3A_225 : vector<16xf32>
      %exp3A_227 = math.exp %min3A_226 : vector<16xf32>
      %sub3A_228 = arith.constant 1.000000e+00 : f32
      %sub3A_229 = vector.broadcast %sub3A_228 : f32 to vector<16xf32>
      %sub3A_230 = arith.subf %exp3A_227, %sub3A_229 : vector<16xf32>
      %select_n3A_231 = arith.select %gt3A_223, %get3A_220, %sub3A_230 : vector<16xi1>, vector<16xf32>
      %swap3A_232 = arith.index_cast %scan3A_162 : i32 to index
      %swap3A_233 = arith.constant 48 : index
      %swap3A_234 = tpu.vector_load %arg21[%swap3A_232, %swap3A_233] {strides = array<i32>} : memref<256x64xf32, #tpu.memory_space<vmem>>, vector<1x16xf32>,
      %swap3A_235 = vector.shape_cast %swap3A_234 : vector<1x16xf32> to vector<16xf32>
      %swap3A_236 = vector.shape_cast %select_n3A_231 : vector<16xf32> to vector<1x16xf32>
      tpu.vector_store %arg21[%swap3A_232, %swap3A_233], %swap3A_236 {strides = array<i32>} : memref<256x64xf32, #tpu.memory_space<vmem>>, vector<1x16xf32>,
      %scan3A_237 = arith.constant 0 : i32
      scf.yield %scan3A_237 : i32
    }
    %scan3A_59 = arith.constant 256 : i32
    "tpu.region"() ({
      %run_scoped3A_162 = tpu.sem_alloc : memref<!tpu.dma_semaphore, #tpu.memory_space<semaphore_mem>>
      %dma_start3A_163 = arith.constant 0 : i32
      %dma_start3A_164 = arith.constant 0 : i32
      %dma_start3A_165 = tpu.memref_slice %arg21[%dma_start3A_163, %dma_start3A_164] : memref<256x64xf32, #tpu.memory_space<vmem>> -> memref<256x64xf32, #tpu.memory_space<vmem>>
      %dma_start3A_166 = arith.constant 0 : i32
      %dma_start3A_167 = tpu.memref_slice %arg14[%add3A_52, %dma_start3A_166] : memref<10112x64xf32, #tpu.memory_space<vmem_shared>> -> memref<256x64xf32, #tpu.memory_space<vmem_shared>>
      %dma_start3A_168 = arith.constant 0 : i32
      %dma_start3A_169 = tpu.memref_slice %arg14[%add3A_52, %dma_start3A_168] : memref<10112x64xf32, #tpu.memory_space<vmem_shared>> -> memref<256x64xf32, #tpu.memory_space<vmem_shared>>
      %dma_start3A_170 = arith.constant 0 : i32
      %dma_start3A_171 = arith.constant 0 : i32
      %dma_start3A_172 = tpu.memref_slice %arg21[%dma_start3A_170, %dma_start3A_171] : memref<256x64xf32, #tpu.memory_space<vmem>> -> memref<256x64xf32, #tpu.memory_space<vmem>>
      tpu.enqueue_dma source(%dma_start3A_172 : memref<256x64xf32, #tpu.memory_space<vmem>>) target(%dma_start3A_169 : memref<256x64xf32, #tpu.memory_space<vmem_shared>>) target_semaphore(%run_scoped3A_162 : memref<!tpu.dma_semaphore, #tpu.memory_space<semaphore_mem>>)
      %dma_wait3A_173 = arith.constant 0 : i32
      %dma_wait3A_174 = arith.constant 0 : i32
      %dma_wait3A_175 = tpu.memref_slice %arg21[%dma_wait3A_173, %dma_wait3A_174] : memref<256x64xf32, #tpu.memory_space<vmem>> -> memref<256x64xf32, #tpu.memory_space<vmem>>
      %dma_wait3A_176 = arith.constant 0 : i32
      %dma_wait3A_177 = tpu.memref_slice %arg14[%add3A_52, %dma_wait3A_176] : memref<10112x64xf32, #tpu.memory_space<vmem_shared>> -> memref<256x64xf32, #tpu.memory_space<vmem_shared>>
      %dma_wait3A_178 = arith.constant 0 : i32
      %dma_wait3A_179 = tpu.memref_slice %arg14[%add3A_52, %dma_wait3A_178] : memref<10112x64xf32, #tpu.memory_space<vmem_shared>> -> memref<256x64xf32, #tpu.memory_space<vmem_shared>>
      %dma_wait3A_180 = arith.constant 0 : i32
      %dma_wait3A_181 = arith.constant 0 : i32
      %dma_wait3A_182 = tpu.memref_slice %arg21[%dma_wait3A_180, %dma_wait3A_181] : memref<256x64xf32, #tpu.memory_space<vmem>> -> memref<256x64xf32, #tpu.memory_space<vmem>>
      tpu.wait_dma2 semaphore(%run_scoped3A_162 : memref<!tpu.dma_semaphore, #tpu.memory_space<semaphore_mem>>) src(%dma_wait3A_182 : memref<256x64xf32, #tpu.memory_space<vmem>>) dst(%dma_wait3A_179 : memref<256x64xf32, #tpu.memory_space<vmem_shared>>)
      tpu.yield
    }) : () -> ()
    %mul3A_60 = arith.constant 632 : i32
    %mul3A_61 = arith.muli %arg1, %mul3A_60 : i32
    %add3A_62 = arith.constant 512 : i32
    %add3A_63 = arith.addi %mul3A_61, %add3A_62 : i32
    "tpu.region"() ({
      %run_scoped3A_162 = tpu.sem_alloc : memref<!tpu.dma_semaphore, #tpu.memory_space<semaphore_mem>>
      %dma_start3A_163 = arith.constant 0 : i32
      %dma_start3A_164 = arith.constant 0 : i32
      %dma_start3A_165 = tpu.memref_slice %arg21[%dma_start3A_163, %dma_start3A_164] : memref<256x64xf32, #tpu.memory_space<vmem>> -> memref<120x64xf32, #tpu.memory_space<vmem>>
      %dma_start3A_166 = arith.constant 0 : i32
      %dma_start3A_167 = tpu.memref_slice %arg14[%add3A_63, %dma_start3A_166] : memref<10112x64xf32, #tpu.memory_space<vmem_shared>> -> memref<120x64xf32, #tpu.memory_space<vmem_shared>>
      %dma_start3A_168 = arith.constant 0 : i32
      %dma_start3A_169 = arith.constant 0 : i32
      %dma_start3A_170 = tpu.memref_slice %arg21[%dma_start3A_168, %dma_start3A_169] : memref<256x64xf32, #tpu.memory_space<vmem>> -> memref<120x64xf32, #tpu.memory_space<vmem>>
      %dma_start3A_171 = arith.constant 0 : i32
      %dma_start3A_172 = tpu.memref_slice %arg14[%add3A_63, %dma_start3A_171] : memref<10112x64xf32, #tpu.memory_space<vmem_shared>> -> memref<120x64xf32, #tpu.memory_space<vmem_shared>>
      tpu.enqueue_dma source(%dma_start3A_172 : memref<120x64xf32, #tpu.memory_space<vmem_shared>>) target(%dma_start3A_170 : memref<120x64xf32, #tpu.memory_space<vmem>>) target_semaphore(%run_scoped3A_162 : memref<!tpu.dma_semaphore, #tpu.memory_space<semaphore_mem>>)
      %dma_wait3A_173 = arith.constant 0 : i32
      %dma_wait3A_174 = arith.constant 0 : i32
      %dma_wait3A_175 = tpu.memref_slice %arg21[%dma_wait3A_173, %dma_wait3A_174] : memref<256x64xf32, #tpu.memory_space<vmem>> -> memref<120x64xf32, #tpu.memory_space<vmem>>
      %dma_wait3A_176 = arith.constant 0 : i32
      %dma_wait3A_177 = tpu.memref_slice %arg14[%add3A_63, %dma_wait3A_176] : memref<10112x64xf32, #tpu.memory_space<vmem_shared>> -> memref<120x64xf32, #tpu.memory_space<vmem_shared>>
      %dma_wait3A_178 = arith.constant 0 : i32
      %dma_wait3A_179 = arith.constant 0 : i32
      %dma_wait3A_180 = tpu.memref_slice %arg21[%dma_wait3A_178, %dma_wait3A_179] : memref<256x64xf32, #tpu.memory_space<vmem>> -> memref<120x64xf32, #tpu.memory_space<vmem>>
      %dma_wait3A_181 = arith.constant 0 : i32
      %dma_wait3A_182 = tpu.memref_slice %arg14[%add3A_63, %dma_wait3A_181] : memref<10112x64xf32, #tpu.memory_space<vmem_shared>> -> memref<120x64xf32, #tpu.memory_space<vmem_shared>>
      tpu.wait_dma2 semaphore(%run_scoped3A_162 : memref<!tpu.dma_semaphore, #tpu.memory_space<semaphore_mem>>) src(%dma_wait3A_182 : memref<120x64xf32, #tpu.memory_space<vmem_shared>>) dst(%dma_wait3A_180 : memref<120x64xf32, #tpu.memory_space<vmem>>)
      tpu.yield
    }) : () -> ()
    %scan3A_64 = arith.constant 0 : i32
    %scan3A_65 = arith.constant 0 : i32
    %scan3A_66 = arith.constant 120 : i32
    %scan3A_67 = arith.addi %scan3A_65, %scan3A_66 : i32
    %scan3A_68 = arith.constant 1 : i32
    %scan3A_69 = scf.for %scan3A_162 = %scan3A_65 to %scan3A_67 step %scan3A_68 iter_args(%scan3A_163 = %scan3A_64) -> (i32)  : i32 {
      %get3A = arith.index_cast %scan3A_162 : i32 to index
      %get3A_164 = arith.constant 0 : index
      %get3A_165 = tpu.vector_load %arg21[%get3A, %get3A_164] {strides = array<i32>} : memref<256x64xf32, #tpu.memory_space<vmem>>, vector<1x16xf32>,
      %get3A_166 = vector.shape_cast %get3A_165 : vector<1x16xf32> to vector<16xf32>
      %gt3A = arith.constant 0.000000e+00 : f32
      %gt3A_167 = vector.broadcast %gt3A : f32 to vector<16xf32>
      %gt3A_168 = arith.cmpf ogt, %get3A_166, %gt3A_167 : vector<16xf32>
      %min3A = arith.constant 0.000000e+00 : f32
      %min3A_169 = vector.broadcast %min3A : f32 to vector<16xf32>
      %min3A_170 = arith.minimumf %get3A_166, %min3A_169 : vector<16xf32>
      %exp3A = math.exp %min3A_170 : vector<16xf32>
      %sub3A = arith.constant 1.000000e+00 : f32
      %sub3A_171 = vector.broadcast %sub3A : f32 to vector<16xf32>
      %sub3A_172 = arith.subf %exp3A, %sub3A_171 : vector<16xf32>
      %select_n3A = arith.select %gt3A_168, %get3A_166, %sub3A_172 : vector<16xi1>, vector<16xf32>
      %swap3A = arith.index_cast %scan3A_162 : i32 to index
      %swap3A_173 = arith.constant 0 : index
      %swap3A_174 = tpu.vector_load %arg21[%swap3A, %swap3A_173] {strides = array<i32>} : memref<256x64xf32, #tpu.memory_space<vmem>>, vector<1x16xf32>,
      %swap3A_175 = vector.shape_cast %swap3A_174 : vector<1x16xf32> to vector<16xf32>
      %swap3A_176 = vector.shape_cast %select_n3A : vector<16xf32> to vector<1x16xf32>
      tpu.vector_store %arg21[%swap3A, %swap3A_173], %swap3A_176 {strides = array<i32>} : memref<256x64xf32, #tpu.memory_space<vmem>>, vector<1x16xf32>,
      %get3A_177 = arith.index_cast %scan3A_162 : i32 to index
      %get3A_178 = arith.constant 16 : index
      %get3A_179 = tpu.vector_load %arg21[%get3A_177, %get3A_178] {strides = array<i32>} : memref<256x64xf32, #tpu.memory_space<vmem>>, vector<1x16xf32>,
      %get3A_180 = vector.shape_cast %get3A_179 : vector<1x16xf32> to vector<16xf32>
      %gt3A_181 = arith.constant 0.000000e+00 : f32
      %gt3A_182 = vector.broadcast %gt3A_181 : f32 to vector<16xf32>
      %gt3A_183 = arith.cmpf ogt, %get3A_180, %gt3A_182 : vector<16xf32>
      %min3A_184 = arith.constant 0.000000e+00 : f32
      %min3A_185 = vector.broadcast %min3A_184 : f32 to vector<16xf32>
      %min3A_186 = arith.minimumf %get3A_180, %min3A_185 : vector<16xf32>
      %exp3A_187 = math.exp %min3A_186 : vector<16xf32>
      %sub3A_188 = arith.constant 1.000000e+00 : f32
      %sub3A_189 = vector.broadcast %sub3A_188 : f32 to vector<16xf32>
      %sub3A_190 = arith.subf %exp3A_187, %sub3A_189 : vector<16xf32>
      %select_n3A_191 = arith.select %gt3A_183, %get3A_180, %sub3A_190 : vector<16xi1>, vector<16xf32>
      %swap3A_192 = arith.index_cast %scan3A_162 : i32 to index
      %swap3A_193 = arith.constant 16 : index
      %swap3A_194 = tpu.vector_load %arg21[%swap3A_192, %swap3A_193] {strides = array<i32>} : memref<256x64xf32, #tpu.memory_space<vmem>>, vector<1x16xf32>,
      %swap3A_195 = vector.shape_cast %swap3A_194 : vector<1x16xf32> to vector<16xf32>
      %swap3A_196 = vector.shape_cast %select_n3A_191 : vector<16xf32> to vector<1x16xf32>
      tpu.vector_store %arg21[%swap3A_192, %swap3A_193], %swap3A_196 {strides = array<i32>} : memref<256x64xf32, #tpu.memory_space<vmem>>, vector<1x16xf32>,
      %get3A_197 = arith.index_cast %scan3A_162 : i32 to index
      %get3A_198 = arith.constant 32 : index
      %get3A_199 = tpu.vector_load %arg21[%get3A_197, %get3A_198] {strides = array<i32>} : memref<256x64xf32, #tpu.memory_space<vmem>>, vector<1x16xf32>,
      %get3A_200 = vector.shape_cast %get3A_199 : vector<1x16xf32> to vector<16xf32>
      %gt3A_201 = arith.constant 0.000000e+00 : f32
      %gt3A_202 = vector.broadcast %gt3A_201 : f32 to vector<16xf32>
      %gt3A_203 = arith.cmpf ogt, %get3A_200, %gt3A_202 : vector<16xf32>
      %min3A_204 = arith.constant 0.000000e+00 : f32
      %min3A_205 = vector.broadcast %min3A_204 : f32 to vector<16xf32>
      %min3A_206 = arith.minimumf %get3A_200, %min3A_205 : vector<16xf32>
      %exp3A_207 = math.exp %min3A_206 : vector<16xf32>
      %sub3A_208 = arith.constant 1.000000e+00 : f32
      %sub3A_209 = vector.broadcast %sub3A_208 : f32 to vector<16xf32>
      %sub3A_210 = arith.subf %exp3A_207, %sub3A_209 : vector<16xf32>
      %select_n3A_211 = arith.select %gt3A_203, %get3A_200, %sub3A_210 : vector<16xi1>, vector<16xf32>
      %swap3A_212 = arith.index_cast %scan3A_162 : i32 to index
      %swap3A_213 = arith.constant 32 : index
      %swap3A_214 = tpu.vector_load %arg21[%swap3A_212, %swap3A_213] {strides = array<i32>} : memref<256x64xf32, #tpu.memory_space<vmem>>, vector<1x16xf32>,
      %swap3A_215 = vector.shape_cast %swap3A_214 : vector<1x16xf32> to vector<16xf32>
      %swap3A_216 = vector.shape_cast %select_n3A_211 : vector<16xf32> to vector<1x16xf32>
      tpu.vector_store %arg21[%swap3A_212, %swap3A_213], %swap3A_216 {strides = array<i32>} : memref<256x64xf32, #tpu.memory_space<vmem>>, vector<1x16xf32>,
      %get3A_217 = arith.index_cast %scan3A_162 : i32 to index
      %get3A_218 = arith.constant 48 : index
      %get3A_219 = tpu.vector_load %arg21[%get3A_217, %get3A_218] {strides = array<i32>} : memref<256x64xf32, #tpu.memory_space<vmem>>, vector<1x16xf32>,
      %get3A_220 = vector.shape_cast %get3A_219 : vector<1x16xf32> to vector<16xf32>
      %gt3A_221 = arith.constant 0.000000e+00 : f32
      %gt3A_222 = vector.broadcast %gt3A_221 : f32 to vector<16xf32>
      %gt3A_223 = arith.cmpf ogt, %get3A_220, %gt3A_222 : vector<16xf32>
      %min3A_224 = arith.constant 0.000000e+00 : f32
      %min3A_225 = vector.broadcast %min3A_224 : f32 to vector<16xf32>
      %min3A_226 = arith.minimumf %get3A_220, %min3A_225 : vector<16xf32>
      %exp3A_227 = math.exp %min3A_226 : vector<16xf32>
      %sub3A_228 = arith.constant 1.000000e+00 : f32
      %sub3A_229 = vector.broadcast %sub3A_228 : f32 to vector<16xf32>
      %sub3A_230 = arith.subf %exp3A_227, %sub3A_229 : vector<16xf32>
      %select_n3A_231 = arith.select %gt3A_223, %get3A_220, %sub3A_230 : vector<16xi1>, vector<16xf32>
      %swap3A_232 = arith.index_cast %scan3A_162 : i32 to index
      %swap3A_233 = arith.constant 48 : index
      %swap3A_234 = tpu.vector_load %arg21[%swap3A_232, %swap3A_233] {strides = array<i32>} : memref<256x64xf32, #tpu.memory_space<vmem>>, vector<1x16xf32>,
      %swap3A_235 = vector.shape_cast %swap3A_234 : vector<1x16xf32> to vector<16xf32>
      %swap3A_236 = vector.shape_cast %select_n3A_231 : vector<16xf32> to vector<1x16xf32>
      tpu.vector_store %arg21[%swap3A_232, %swap3A_233], %swap3A_236 {strides = array<i32>} : memref<256x64xf32, #tpu.memory_space<vmem>>, vector<1x16xf32>,
      %scan3A_237 = arith.constant 0 : i32
      scf.yield %scan3A_237 : i32
    }
    %scan3A_70 = arith.constant 120 : i32
    "tpu.region"() ({
      %run_scoped3A_162 = tpu.sem_alloc : memref<!tpu.dma_semaphore, #tpu.memory_space<semaphore_mem>>
      %dma_start3A_163 = arith.constant 0 : i32
      %dma_start3A_164 = arith.constant 0 : i32
      %dma_start3A_165 = tpu.memref_slice %arg21[%dma_start3A_163, %dma_start3A_164] : memref<256x64xf32, #tpu.memory_space<vmem>> -> memref<120x64xf32, #tpu.memory_space<vmem>>
      %dma_start3A_166 = arith.constant 0 : i32
      %dma_start3A_167 = tpu.memref_slice %arg14[%add3A_63, %dma_start3A_166] : memref<10112x64xf32, #tpu.memory_space<vmem_shared>> -> memref<120x64xf32, #tpu.memory_space<vmem_shared>>
      %dma_start3A_168 = arith.constant 0 : i32
      %dma_start3A_169 = tpu.memref_slice %arg14[%add3A_63, %dma_start3A_168] : memref<10112x64xf32, #tpu.memory_space<vmem_shared>> -> memref<120x64xf32, #tpu.memory_space<vmem_shared>>
      %dma_start3A_170 = arith.constant 0 : i32
      %dma_start3A_171 = arith.constant 0 : i32
      %dma_start3A_172 = tpu.memref_slice %arg21[%dma_start3A_170, %dma_start3A_171] : memref<256x64xf32, #tpu.memory_space<vmem>> -> memref<120x64xf32, #tpu.memory_space<vmem>>
      tpu.enqueue_dma source(%dma_start3A_172 : memref<120x64xf32, #tpu.memory_space<vmem>>) target(%dma_start3A_169 : memref<120x64xf32, #tpu.memory_space<vmem_shared>>) target_semaphore(%run_scoped3A_162 : memref<!tpu.dma_semaphore, #tpu.memory_space<semaphore_mem>>)
      %dma_wait3A_173 = arith.constant 0 : i32
      %dma_wait3A_174 = arith.constant 0 : i32
      %dma_wait3A_175 = tpu.memref_slice %arg21[%dma_wait3A_173, %dma_wait3A_174] : memref<256x64xf32, #tpu.memory_space<vmem>> -> memref<120x64xf32, #tpu.memory_space<vmem>>
      %dma_wait3A_176 = arith.constant 0 : i32
      %dma_wait3A_177 = tpu.memref_slice %arg14[%add3A_63, %dma_wait3A_176] : memref<10112x64xf32, #tpu.memory_space<vmem_shared>> -> memref<120x64xf32, #tpu.memory_space<vmem_shared>>
      %dma_wait3A_178 = arith.constant 0 : i32
      %dma_wait3A_179 = tpu.memref_slice %arg14[%add3A_63, %dma_wait3A_178] : memref<10112x64xf32, #tpu.memory_space<vmem_shared>> -> memref<120x64xf32, #tpu.memory_space<vmem_shared>>
      %dma_wait3A_180 = arith.constant 0 : i32
      %dma_wait3A_181 = arith.constant 0 : i32
      %dma_wait3A_182 = tpu.memref_slice %arg21[%dma_wait3A_180, %dma_wait3A_181] : memref<256x64xf32, #tpu.memory_space<vmem>> -> memref<120x64xf32, #tpu.memory_space<vmem>>
      tpu.wait_dma2 semaphore(%run_scoped3A_162 : memref<!tpu.dma_semaphore, #tpu.memory_space<semaphore_mem>>) src(%dma_wait3A_182 : memref<120x64xf32, #tpu.memory_space<vmem>>) dst(%dma_wait3A_179 : memref<120x64xf32, #tpu.memory_space<vmem_shared>>)
      tpu.yield
    }) : () -> ()
    %barrier3A_71 = arith.constant 0 : index
    tpu.barrier barrier_id(%barrier3A_71)
    %mul3A_72 = arith.constant 10240 : i32
    %mul3A_73 = arith.muli %arg1, %mul3A_72 : i32
    "tpu.region"() ({
      %run_scoped3A_162 = tpu.sem_alloc : memref<!tpu.dma_semaphore, #tpu.memory_space<semaphore_mem>>
      %dma_start3A_163 = tpu.memref_slice %arg9[%mul3A_73] : memref<163840xi32, #tpu.memory_space<hbm>> -> memref<10240xi32, #tpu.memory_space<hbm>>
      %dma_start3A_164 = tpu.memref_slice %arg9[%mul3A_73] : memref<163840xi32, #tpu.memory_space<hbm>> -> memref<10240xi32, #tpu.memory_space<hbm>>
      tpu.enqueue_dma source(%dma_start3A_164 : memref<10240xi32, #tpu.memory_space<hbm>>) target(%arg15 : memref<10240xi32, #tpu.memory_space<vmem>>) target_semaphore(%run_scoped3A_162 : memref<!tpu.dma_semaphore, #tpu.memory_space<semaphore_mem>>)
      %dma_wait3A_165 = tpu.memref_slice %arg9[%mul3A_73] : memref<163840xi32, #tpu.memory_space<hbm>> -> memref<10240xi32, #tpu.memory_space<hbm>>
      %dma_wait3A_166 = tpu.memref_slice %arg9[%mul3A_73] : memref<163840xi32, #tpu.memory_space<hbm>> -> memref<10240xi32, #tpu.memory_space<hbm>>
      tpu.wait_dma2 semaphore(%run_scoped3A_162 : memref<!tpu.dma_semaphore, #tpu.memory_space<semaphore_mem>>) src(%dma_wait3A_166 : memref<10240xi32, #tpu.memory_space<hbm>>) dst(%arg15 : memref<10240xi32, #tpu.memory_space<vmem>>)
      tpu.yield
    }) : () -> ()
    %scan3A_74 = arith.constant 0 : i32
    %scan3A_75 = arith.constant 0 : i32
    %scan3A_76 = arith.constant 40 : i32
    %scan3A_77 = arith.addi %scan3A_75, %scan3A_76 : i32
    %scan3A_78 = arith.constant 1 : i32
    %scan3A_79 = scf.for %scan3A_162 = %scan3A_75 to %scan3A_77 step %scan3A_78 iter_args(%scan3A_163 = %scan3A_74) -> (i32)  : i32 {
      %mul3A_164 = arith.constant 256 : i32
      %mul3A_165 = arith.muli %scan3A_162, %mul3A_164 : i32
      %dma_start3A_166 = arith.constant 0 : i32
      %dma_start3A_167 = arith.constant 0 : i32
      %dma_start3A_168 = tpu.memref_slice %arg21[%dma_start3A_166, %dma_start3A_167] : memref<256x64xf32, #tpu.memory_space<vmem>> -> memref<128x64xf32, #tpu.memory_space<vmem>>
      %dma_start3A_169 = tpu.memref_slice %arg15[%mul3A_165] : memref<10240xi32, #tpu.memory_space<vmem>> -> memref<128xi32, #tpu.memory_space<vmem>>
      %dma_start3A_170 = arith.constant 0 : i32
      %dma_start3A_171 = arith.constant 0 : i32
      %dma_start3A_172 = tpu.memref_slice %arg14[%dma_start3A_170, %dma_start3A_171] : memref<10112x64xf32, #tpu.memory_space<vmem_shared>> -> memref<10112x64xf32, #tpu.memory_space<vmem_shared>>
      tpu.enqueue_indirect_dma source(%dma_start3A_172 : memref<10112x64xf32, #tpu.memory_space<vmem_shared>>) target(%dma_start3A_168 : memref<128x64xf32, #tpu.memory_space<vmem>>) offsets(%dma_start3A_169 : memref<128xi32, #tpu.memory_space<vmem>>) semaphore(%arg24 : memref<!tpu.dma_semaphore, #tpu.memory_space<semaphore_mem>>)
      %add3A_173 = arith.constant 128 : i32
      %add3A_174 = arith.addi %mul3A_165, %add3A_173 : i32
      %dma_start3A_175 = arith.constant 128 : i32
      %dma_start3A_176 = arith.constant 0 : i32
      %dma_start3A_177 = tpu.memref_slice %arg21[%dma_start3A_175, %dma_start3A_176] : memref<256x64xf32, #tpu.memory_space<vmem>> -> memref<128x64xf32, #tpu.memory_space<vmem>>
      %dma_start3A_178 = tpu.memref_slice %arg15[%add3A_174] : memref<10240xi32, #tpu.memory_space<vmem>> -> memref<128xi32, #tpu.memory_space<vmem>>
      %dma_start3A_179 = arith.constant 0 : i32
      %dma_start3A_180 = arith.constant 0 : i32
      %dma_start3A_181 = tpu.memref_slice %arg14[%dma_start3A_179, %dma_start3A_180] : memref<10112x64xf32, #tpu.memory_space<vmem_shared>> -> memref<10112x64xf32, #tpu.memory_space<vmem_shared>>
      tpu.enqueue_indirect_dma source(%dma_start3A_181 : memref<10112x64xf32, #tpu.memory_space<vmem_shared>>) target(%dma_start3A_177 : memref<128x64xf32, #tpu.memory_space<vmem>>) offsets(%dma_start3A_178 : memref<128xi32, #tpu.memory_space<vmem>>) semaphore(%arg24 : memref<!tpu.dma_semaphore, #tpu.memory_space<semaphore_mem>>)
      %mul3A_182 = arith.constant 10240 : i32
      %mul3A_183 = arith.muli %arg1, %mul3A_182 : i32
      %add3A_184 = arith.addi %mul3A_183, %mul3A_165 : i32
      %mul3A_185 = arith.constant 4 : i32
      %mul3A_186 = arith.muli %add3A_184, %mul3A_185 : i32
      %run_scoped3A_187 = arith.constant 0 : i32
      "tpu.region"() ({
        %run_scoped3A_214 = tpu.sem_alloc : memref<!tpu.dma_semaphore, #tpu.memory_space<semaphore_mem>>
        %dma_start3A_215 = tpu.memref_slice %arg4[%run_scoped3A_187, %mul3A_186] : memref<2x655360xf32, #tpu.memory_space<hbm>> -> memref<1x1024xf32, #tpu.memory_space<hbm>>
        %dma_start3A_216 = tpu.memref_squeeze %dma_start3A_215 : memref<1x1024xf32, #tpu.memory_space<hbm>> -> memref<1024xf32, #tpu.memory_space<hbm>>
        %dma_start3A_217 = tpu.memref_slice %arg4[%run_scoped3A_187, %mul3A_186] : memref<2x655360xf32, #tpu.memory_space<hbm>> -> memref<1x1024xf32, #tpu.memory_space<hbm>>
        %dma_start3A_218 = tpu.memref_squeeze %dma_start3A_217 : memref<1x1024xf32, #tpu.memory_space<hbm>> -> memref<1024xf32, #tpu.memory_space<hbm>>
        tpu.enqueue_dma source(%dma_start3A_218 : memref<1024xf32, #tpu.memory_space<hbm>>) target(%arg20 : memref<1024xf32, #tpu.memory_space<vmem>>) target_semaphore(%run_scoped3A_214 : memref<!tpu.dma_semaphore, #tpu.memory_space<semaphore_mem>>)
        %dma_wait3A_219 = tpu.memref_slice %arg4[%run_scoped3A_187, %mul3A_186] : memref<2x655360xf32, #tpu.memory_space<hbm>> -> memref<1x1024xf32, #tpu.memory_space<hbm>>
        %dma_wait3A_220 = tpu.memref_squeeze %dma_wait3A_219 : memref<1x1024xf32, #tpu.memory_space<hbm>> -> memref<1024xf32, #tpu.memory_space<hbm>>
        %dma_wait3A_221 = tpu.memref_slice %arg4[%run_scoped3A_187, %mul3A_186] : memref<2x655360xf32, #tpu.memory_space<hbm>> -> memref<1x1024xf32, #tpu.memory_space<hbm>>
        %dma_wait3A_222 = tpu.memref_squeeze %dma_wait3A_221 : memref<1x1024xf32, #tpu.memory_space<hbm>> -> memref<1024xf32, #tpu.memory_space<hbm>>
        tpu.wait_dma2 semaphore(%run_scoped3A_214 : memref<!tpu.dma_semaphore, #tpu.memory_space<semaphore_mem>>) src(%dma_wait3A_222 : memref<1024xf32, #tpu.memory_space<hbm>>) dst(%arg20 : memref<1024xf32, #tpu.memory_space<vmem>>)
        tpu.yield
      }) : () -> ()
      %dma_wait3A_188 = arith.constant 0 : i32
      %dma_wait3A_189 = arith.constant 0 : i32
      %dma_wait3A_190 = tpu.memref_slice %arg21[%dma_wait3A_188, %dma_wait3A_189] : memref<256x64xf32, #tpu.memory_space<vmem>> -> memref<128x64xf32, #tpu.memory_space<vmem>>
      %dma_wait3A_191 = tpu.memref_slice %arg15[%mul3A_165] : memref<10240xi32, #tpu.memory_space<vmem>> -> memref<128xi32, #tpu.memory_space<vmem>>
      %dma_wait3A_192 = arith.constant 0 : i32
      %dma_wait3A_193 = arith.constant 0 : i32
      %dma_wait3A_194 = tpu.memref_slice %arg14[%dma_wait3A_192, %dma_wait3A_193] : memref<10112x64xf32, #tpu.memory_space<vmem_shared>> -> memref<10112x64xf32, #tpu.memory_space<vmem_shared>>
      tpu.wait_indirect_dma semaphore(%arg24 : memref<!tpu.dma_semaphore, #tpu.memory_space<semaphore_mem>>) src(%dma_wait3A_194 : memref<10112x64xf32, #tpu.memory_space<vmem_shared>>) dst(%dma_wait3A_190 : memref<128x64xf32, #tpu.memory_space<vmem>>)
      %dma_wait3A_195 = arith.constant 128 : i32
      %dma_wait3A_196 = arith.constant 0 : i32
      %dma_wait3A_197 = tpu.memref_slice %arg21[%dma_wait3A_195, %dma_wait3A_196] : memref<256x64xf32, #tpu.memory_space<vmem>> -> memref<128x64xf32, #tpu.memory_space<vmem>>
      %dma_wait3A_198 = tpu.memref_slice %arg15[%add3A_174] : memref<10240xi32, #tpu.memory_space<vmem>> -> memref<128xi32, #tpu.memory_space<vmem>>
      %dma_wait3A_199 = arith.constant 0 : i32
      %dma_wait3A_200 = arith.constant 0 : i32
      %dma_wait3A_201 = tpu.memref_slice %arg14[%dma_wait3A_199, %dma_wait3A_200] : memref<10112x64xf32, #tpu.memory_space<vmem_shared>> -> memref<10112x64xf32, #tpu.memory_space<vmem_shared>>
      tpu.wait_indirect_dma semaphore(%arg24 : memref<!tpu.dma_semaphore, #tpu.memory_space<semaphore_mem>>) src(%dma_wait3A_201 : memref<10112x64xf32, #tpu.memory_space<vmem_shared>>) dst(%dma_wait3A_197 : memref<128x64xf32, #tpu.memory_space<vmem>>)
      %scan3A_202 = arith.constant 0 : i32
      %scan3A_203 = arith.constant 0 : i32
      %scan3A_204 = arith.constant 64 : i32
      %scan3A_205 = arith.addi %scan3A_203, %scan3A_204 : i32
      %scan3A_206 = arith.constant 1 : i32
      %scan3A_207 = scf.for %scan3A_214 = %scan3A_203 to %scan3A_205 step %scan3A_206 iter_args(%scan3A_215 = %scan3A_202) -> (i32)  : i32 {
        %mul3A_216 = arith.constant 16 : i32
        %mul3A_217 = arith.muli %mul3A_216, %scan3A_214 : i32
        %get3A = arith.index_cast %mul3A_217 : i32 to index
        %get3A_218 = tpu.vector_load %arg20[%get3A] {strides = array<i32>} : memref<1024xf32, #tpu.memory_space<vmem>>, vector<16xf32>,
        %get3A_219 = vector.shape_cast %get3A_218 : vector<16xf32> to vector<16xf32>
        %mul3A_220 = arith.constant 4 : i32
        %mul3A_221 = arith.muli %mul3A_220, %scan3A_214 : i32
        %add3A_222 = arith.constant 0 : i32
        %add3A_223 = arith.addi %mul3A_221, %add3A_222 : i32
        %broadcast_in_dim3A = arith.constant 0 : i32
        %broadcast_in_dim3A_224 = vector.broadcast %broadcast_in_dim3A : i32 to vector<16x1xi32>
        %gather3A = vector.shape_cast %broadcast_in_dim3A_224 : vector<16x1xi32> to vector<16xi32>
        %gather3A_225 = tpu.dynamic_gather %get3A_219[%gather3A] in [0] : vector<16xf32>, vector<16xi32> -> vector<16xf32>
        %get3A_226 = arith.index_cast %add3A_223 : i32 to index
        %get3A_227 = arith.constant 0 : index
        %get3A_228 = tpu.vector_load %arg21[%get3A_226, %get3A_227] {strides = array<i32>} : memref<256x64xf32, #tpu.memory_space<vmem>>, vector<1x16xf32>,
        %get3A_229 = vector.shape_cast %get3A_228 : vector<1x16xf32> to vector<16xf32>
        %mul3A_230 = arith.mulf %get3A_229, %gather3A_225 : vector<16xf32>
        %broadcast_in_dim3A_231 = arith.constant 1 : i32
        %broadcast_in_dim3A_232 = vector.broadcast %broadcast_in_dim3A_231 : i32 to vector<16x1xi32>
        %gather3A_233 = vector.shape_cast %broadcast_in_dim3A_232 : vector<16x1xi32> to vector<16xi32>
        %gather3A_234 = tpu.dynamic_gather %get3A_219[%gather3A_233] in [0] : vector<16xf32>, vector<16xi32> -> vector<16xf32>
        %get3A_235 = arith.index_cast %add3A_223 : i32 to index
        %get3A_236 = arith.constant 16 : index
        %get3A_237 = tpu.vector_load %arg21[%get3A_235, %get3A_236] {strides = array<i32>} : memref<256x64xf32, #tpu.memory_space<vmem>>, vector<1x16xf32>,
        %get3A_238 = vector.shape_cast %get3A_237 : vector<1x16xf32> to vector<16xf32>
        %mul3A_239 = arith.mulf %get3A_238, %gather3A_234 : vector<16xf32>
        %add3A_240 = arith.addf %mul3A_230, %mul3A_239 : vector<16xf32>
        %broadcast_in_dim3A_241 = arith.constant 2 : i32
        %broadcast_in_dim3A_242 = vector.broadcast %broadcast_in_dim3A_241 : i32 to vector<16x1xi32>
        %gather3A_243 = vector.shape_cast %broadcast_in_dim3A_242 : vector<16x1xi32> to vector<16xi32>
        %gather3A_244 = tpu.dynamic_gather %get3A_219[%gather3A_243] in [0] : vector<16xf32>, vector<16xi32> -> vector<16xf32>
        %get3A_245 = arith.index_cast %add3A_223 : i32 to index
        %get3A_246 = arith.constant 32 : index
        %get3A_247 = tpu.vector_load %arg21[%get3A_245, %get3A_246] {strides = array<i32>} : memref<256x64xf32, #tpu.memory_space<vmem>>, vector<1x16xf32>,
        %get3A_248 = vector.shape_cast %get3A_247 : vector<1x16xf32> to vector<16xf32>
        %mul3A_249 = arith.mulf %get3A_248, %gather3A_244 : vector<16xf32>
        %add3A_250 = arith.addf %add3A_240, %mul3A_249 : vector<16xf32>
        %broadcast_in_dim3A_251 = arith.constant 3 : i32
        %broadcast_in_dim3A_252 = vector.broadcast %broadcast_in_dim3A_251 : i32 to vector<16x1xi32>
        %gather3A_253 = vector.shape_cast %broadcast_in_dim3A_252 : vector<16x1xi32> to vector<16xi32>
        %gather3A_254 = tpu.dynamic_gather %get3A_219[%gather3A_253] in [0] : vector<16xf32>, vector<16xi32> -> vector<16xf32>
        %get3A_255 = arith.index_cast %add3A_223 : i32 to index
        %get3A_256 = arith.constant 48 : index
        %get3A_257 = tpu.vector_load %arg21[%get3A_255, %get3A_256] {strides = array<i32>} : memref<256x64xf32, #tpu.memory_space<vmem>>, vector<1x16xf32>,
        %get3A_258 = vector.shape_cast %get3A_257 : vector<1x16xf32> to vector<16xf32>
        %mul3A_259 = arith.mulf %get3A_258, %gather3A_254 : vector<16xf32>
        %add3A_260 = arith.addf %add3A_250, %mul3A_259 : vector<16xf32>
        %swap3A = arith.index_cast %add3A_223 : i32 to index
        %swap3A_261 = arith.constant 0 : index
        %swap3A_262 = tpu.vector_load %arg23[%swap3A, %swap3A_261] {strides = array<i32>} : memref<256x16xf32, #tpu.memory_space<vmem>>, vector<1x16xf32>,
        %swap3A_263 = vector.shape_cast %swap3A_262 : vector<1x16xf32> to vector<16xf32>
        %swap3A_264 = vector.shape_cast %add3A_260 : vector<16xf32> to vector<1x16xf32>
        tpu.vector_store %arg23[%swap3A, %swap3A_261], %swap3A_264 {strides = array<i32>} : memref<256x16xf32, #tpu.memory_space<vmem>>, vector<1x16xf32>,
        %mul3A_265 = arith.constant 4 : i32
        %mul3A_266 = arith.muli %mul3A_265, %scan3A_214 : i32
        %add3A_267 = arith.constant 1 : i32
        %add3A_268 = arith.addi %mul3A_266, %add3A_267 : i32
        %broadcast_in_dim3A_269 = arith.constant 4 : i32
        %broadcast_in_dim3A_270 = vector.broadcast %broadcast_in_dim3A_269 : i32 to vector<16x1xi32>
        %gather3A_271 = vector.shape_cast %broadcast_in_dim3A_270 : vector<16x1xi32> to vector<16xi32>
        %gather3A_272 = tpu.dynamic_gather %get3A_219[%gather3A_271] in [0] : vector<16xf32>, vector<16xi32> -> vector<16xf32>
        %get3A_273 = arith.index_cast %add3A_268 : i32 to index
        %get3A_274 = arith.constant 0 : index
        %get3A_275 = tpu.vector_load %arg21[%get3A_273, %get3A_274] {strides = array<i32>} : memref<256x64xf32, #tpu.memory_space<vmem>>, vector<1x16xf32>,
        %get3A_276 = vector.shape_cast %get3A_275 : vector<1x16xf32> to vector<16xf32>
        %mul3A_277 = arith.mulf %get3A_276, %gather3A_272 : vector<16xf32>
        %broadcast_in_dim3A_278 = arith.constant 5 : i32
        %broadcast_in_dim3A_279 = vector.broadcast %broadcast_in_dim3A_278 : i32 to vector<16x1xi32>
        %gather3A_280 = vector.shape_cast %broadcast_in_dim3A_279 : vector<16x1xi32> to vector<16xi32>
        %gather3A_281 = tpu.dynamic_gather %get3A_219[%gather3A_280] in [0] : vector<16xf32>, vector<16xi32> -> vector<16xf32>
        %get3A_282 = arith.index_cast %add3A_268 : i32 to index
        %get3A_283 = arith.constant 16 : index
        %get3A_284 = tpu.vector_load %arg21[%get3A_282, %get3A_283] {strides = array<i32>} : memref<256x64xf32, #tpu.memory_space<vmem>>, vector<1x16xf32>,
        %get3A_285 = vector.shape_cast %get3A_284 : vector<1x16xf32> to vector<16xf32>
        %mul3A_286 = arith.mulf %get3A_285, %gather3A_281 : vector<16xf32>
        %add3A_287 = arith.addf %mul3A_277, %mul3A_286 : vector<16xf32>
        %broadcast_in_dim3A_288 = arith.constant 6 : i32
        %broadcast_in_dim3A_289 = vector.broadcast %broadcast_in_dim3A_288 : i32 to vector<16x1xi32>
        %gather3A_290 = vector.shape_cast %broadcast_in_dim3A_289 : vector<16x1xi32> to vector<16xi32>
        %gather3A_291 = tpu.dynamic_gather %get3A_219[%gather3A_290] in [0] : vector<16xf32>, vector<16xi32> -> vector<16xf32>
        %get3A_292 = arith.index_cast %add3A_268 : i32 to index
        %get3A_293 = arith.constant 32 : index
        %get3A_294 = tpu.vector_load %arg21[%get3A_292, %get3A_293] {strides = array<i32>} : memref<256x64xf32, #tpu.memory_space<vmem>>, vector<1x16xf32>,
        %get3A_295 = vector.shape_cast %get3A_294 : vector<1x16xf32> to vector<16xf32>
        %mul3A_296 = arith.mulf %get3A_295, %gather3A_291 : vector<16xf32>
        %add3A_297 = arith.addf %add3A_287, %mul3A_296 : vector<16xf32>
        %broadcast_in_dim3A_298 = arith.constant 7 : i32
        %broadcast_in_dim3A_299 = vector.broadcast %broadcast_in_dim3A_298 : i32 to vector<16x1xi32>
        %gather3A_300 = vector.shape_cast %broadcast_in_dim3A_299 : vector<16x1xi32> to vector<16xi32>
        %gather3A_301 = tpu.dynamic_gather %get3A_219[%gather3A_300] in [0] : vector<16xf32>, vector<16xi32> -> vector<16xf32>
        %get3A_302 = arith.index_cast %add3A_268 : i32 to index
        %get3A_303 = arith.constant 48 : index
        %get3A_304 = tpu.vector_load %arg21[%get3A_302, %get3A_303] {strides = array<i32>} : memref<256x64xf32, #tpu.memory_space<vmem>>, vector<1x16xf32>,
        %get3A_305 = vector.shape_cast %get3A_304 : vector<1x16xf32> to vector<16xf32>
        %mul3A_306 = arith.mulf %get3A_305, %gather3A_301 : vector<16xf32>
        %add3A_307 = arith.addf %add3A_297, %mul3A_306 : vector<16xf32>
        %swap3A_308 = arith.index_cast %add3A_268 : i32 to index
        %swap3A_309 = arith.constant 0 : index
        %swap3A_310 = tpu.vector_load %arg23[%swap3A_308, %swap3A_309] {strides = array<i32>} : memref<256x16xf32, #tpu.memory_space<vmem>>, vector<1x16xf32>,
        %swap3A_311 = vector.shape_cast %swap3A_310 : vector<1x16xf32> to vector<16xf32>
        %swap3A_312 = vector.shape_cast %add3A_307 : vector<16xf32> to vector<1x16xf32>
        tpu.vector_store %arg23[%swap3A_308, %swap3A_309], %swap3A_312 {strides = array<i32>} : memref<256x16xf32, #tpu.memory_space<vmem>>, vector<1x16xf32>,
        %mul3A_313 = arith.constant 4 : i32
        %mul3A_314 = arith.muli %mul3A_313, %scan3A_214 : i32
        %add3A_315 = arith.constant 2 : i32
        %add3A_316 = arith.addi %mul3A_314, %add3A_315 : i32
        %broadcast_in_dim3A_317 = arith.constant 8 : i32
        %broadcast_in_dim3A_318 = vector.broadcast %broadcast_in_dim3A_317 : i32 to vector<16x1xi32>
        %gather3A_319 = vector.shape_cast %broadcast_in_dim3A_318 : vector<16x1xi32> to vector<16xi32>
        %gather3A_320 = tpu.dynamic_gather %get3A_219[%gather3A_319] in [0] : vector<16xf32>, vector<16xi32> -> vector<16xf32>
        %get3A_321 = arith.index_cast %add3A_316 : i32 to index
        %get3A_322 = arith.constant 0 : index
        %get3A_323 = tpu.vector_load %arg21[%get3A_321, %get3A_322] {strides = array<i32>} : memref<256x64xf32, #tpu.memory_space<vmem>>, vector<1x16xf32>,
        %get3A_324 = vector.shape_cast %get3A_323 : vector<1x16xf32> to vector<16xf32>
        %mul3A_325 = arith.mulf %get3A_324, %gather3A_320 : vector<16xf32>
        %broadcast_in_dim3A_326 = arith.constant 9 : i32
        %broadcast_in_dim3A_327 = vector.broadcast %broadcast_in_dim3A_326 : i32 to vector<16x1xi32>
        %gather3A_328 = vector.shape_cast %broadcast_in_dim3A_327 : vector<16x1xi32> to vector<16xi32>
        %gather3A_329 = tpu.dynamic_gather %get3A_219[%gather3A_328] in [0] : vector<16xf32>, vector<16xi32> -> vector<16xf32>
        %get3A_330 = arith.index_cast %add3A_316 : i32 to index
        %get3A_331 = arith.constant 16 : index
        %get3A_332 = tpu.vector_load %arg21[%get3A_330, %get3A_331] {strides = array<i32>} : memref<256x64xf32, #tpu.memory_space<vmem>>, vector<1x16xf32>,
        %get3A_333 = vector.shape_cast %get3A_332 : vector<1x16xf32> to vector<16xf32>
        %mul3A_334 = arith.mulf %get3A_333, %gather3A_329 : vector<16xf32>
        %add3A_335 = arith.addf %mul3A_325, %mul3A_334 : vector<16xf32>
        %broadcast_in_dim3A_336 = arith.constant 10 : i32
        %broadcast_in_dim3A_337 = vector.broadcast %broadcast_in_dim3A_336 : i32 to vector<16x1xi32>
        %gather3A_338 = vector.shape_cast %broadcast_in_dim3A_337 : vector<16x1xi32> to vector<16xi32>
        %gather3A_339 = tpu.dynamic_gather %get3A_219[%gather3A_338] in [0] : vector<16xf32>, vector<16xi32> -> vector<16xf32>
        %get3A_340 = arith.index_cast %add3A_316 : i32 to index
        %get3A_341 = arith.constant 32 : index
        %get3A_342 = tpu.vector_load %arg21[%get3A_340, %get3A_341] {strides = array<i32>} : memref<256x64xf32, #tpu.memory_space<vmem>>, vector<1x16xf32>,
        %get3A_343 = vector.shape_cast %get3A_342 : vector<1x16xf32> to vector<16xf32>
        %mul3A_344 = arith.mulf %get3A_343, %gather3A_339 : vector<16xf32>
        %add3A_345 = arith.addf %add3A_335, %mul3A_344 : vector<16xf32>
        %broadcast_in_dim3A_346 = arith.constant 11 : i32
        %broadcast_in_dim3A_347 = vector.broadcast %broadcast_in_dim3A_346 : i32 to vector<16x1xi32>
        %gather3A_348 = vector.shape_cast %broadcast_in_dim3A_347 : vector<16x1xi32> to vector<16xi32>
        %gather3A_349 = tpu.dynamic_gather %get3A_219[%gather3A_348] in [0] : vector<16xf32>, vector<16xi32> -> vector<16xf32>
        %get3A_350 = arith.index_cast %add3A_316 : i32 to index
        %get3A_351 = arith.constant 48 : index
        %get3A_352 = tpu.vector_load %arg21[%get3A_350, %get3A_351] {strides = array<i32>} : memref<256x64xf32, #tpu.memory_space<vmem>>, vector<1x16xf32>,
        %get3A_353 = vector.shape_cast %get3A_352 : vector<1x16xf32> to vector<16xf32>
        %mul3A_354 = arith.mulf %get3A_353, %gather3A_349 : vector<16xf32>
        %add3A_355 = arith.addf %add3A_345, %mul3A_354 : vector<16xf32>
        %swap3A_356 = arith.index_cast %add3A_316 : i32 to index
        %swap3A_357 = arith.constant 0 : index
        %swap3A_358 = tpu.vector_load %arg23[%swap3A_356, %swap3A_357] {strides = array<i32>} : memref<256x16xf32, #tpu.memory_space<vmem>>, vector<1x16xf32>,
        %swap3A_359 = vector.shape_cast %swap3A_358 : vector<1x16xf32> to vector<16xf32>
        %swap3A_360 = vector.shape_cast %add3A_355 : vector<16xf32> to vector<1x16xf32>
        tpu.vector_store %arg23[%swap3A_356, %swap3A_357], %swap3A_360 {strides = array<i32>} : memref<256x16xf32, #tpu.memory_space<vmem>>, vector<1x16xf32>,
        %mul3A_361 = arith.constant 4 : i32
        %mul3A_362 = arith.muli %mul3A_361, %scan3A_214 : i32
        %add3A_363 = arith.constant 3 : i32
        %add3A_364 = arith.addi %mul3A_362, %add3A_363 : i32
        %broadcast_in_dim3A_365 = arith.constant 12 : i32
        %broadcast_in_dim3A_366 = vector.broadcast %broadcast_in_dim3A_365 : i32 to vector<16x1xi32>
        %gather3A_367 = vector.shape_cast %broadcast_in_dim3A_366 : vector<16x1xi32> to vector<16xi32>
        %gather3A_368 = tpu.dynamic_gather %get3A_219[%gather3A_367] in [0] : vector<16xf32>, vector<16xi32> -> vector<16xf32>
        %get3A_369 = arith.index_cast %add3A_364 : i32 to index
        %get3A_370 = arith.constant 0 : index
        %get3A_371 = tpu.vector_load %arg21[%get3A_369, %get3A_370] {strides = array<i32>} : memref<256x64xf32, #tpu.memory_space<vmem>>, vector<1x16xf32>,
        %get3A_372 = vector.shape_cast %get3A_371 : vector<1x16xf32> to vector<16xf32>
        %mul3A_373 = arith.mulf %get3A_372, %gather3A_368 : vector<16xf32>
        %broadcast_in_dim3A_374 = arith.constant 13 : i32
        %broadcast_in_dim3A_375 = vector.broadcast %broadcast_in_dim3A_374 : i32 to vector<16x1xi32>
        %gather3A_376 = vector.shape_cast %broadcast_in_dim3A_375 : vector<16x1xi32> to vector<16xi32>
        %gather3A_377 = tpu.dynamic_gather %get3A_219[%gather3A_376] in [0] : vector<16xf32>, vector<16xi32> -> vector<16xf32>
        %get3A_378 = arith.index_cast %add3A_364 : i32 to index
        %get3A_379 = arith.constant 16 : index
        %get3A_380 = tpu.vector_load %arg21[%get3A_378, %get3A_379] {strides = array<i32>} : memref<256x64xf32, #tpu.memory_space<vmem>>, vector<1x16xf32>,
        %get3A_381 = vector.shape_cast %get3A_380 : vector<1x16xf32> to vector<16xf32>
        %mul3A_382 = arith.mulf %get3A_381, %gather3A_377 : vector<16xf32>
        %add3A_383 = arith.addf %mul3A_373, %mul3A_382 : vector<16xf32>
        %broadcast_in_dim3A_384 = arith.constant 14 : i32
        %broadcast_in_dim3A_385 = vector.broadcast %broadcast_in_dim3A_384 : i32 to vector<16x1xi32>
        %gather3A_386 = vector.shape_cast %broadcast_in_dim3A_385 : vector<16x1xi32> to vector<16xi32>
        %gather3A_387 = tpu.dynamic_gather %get3A_219[%gather3A_386] in [0] : vector<16xf32>, vector<16xi32> -> vector<16xf32>
        %get3A_388 = arith.index_cast %add3A_364 : i32 to index
        %get3A_389 = arith.constant 32 : index
        %get3A_390 = tpu.vector_load %arg21[%get3A_388, %get3A_389] {strides = array<i32>} : memref<256x64xf32, #tpu.memory_space<vmem>>, vector<1x16xf32>,
        %get3A_391 = vector.shape_cast %get3A_390 : vector<1x16xf32> to vector<16xf32>
        %mul3A_392 = arith.mulf %get3A_391, %gather3A_387 : vector<16xf32>
        %add3A_393 = arith.addf %add3A_383, %mul3A_392 : vector<16xf32>
        %broadcast_in_dim3A_394 = arith.constant 15 : i32
        %broadcast_in_dim3A_395 = vector.broadcast %broadcast_in_dim3A_394 : i32 to vector<16x1xi32>
        %gather3A_396 = vector.shape_cast %broadcast_in_dim3A_395 : vector<16x1xi32> to vector<16xi32>
        %gather3A_397 = tpu.dynamic_gather %get3A_219[%gather3A_396] in [0] : vector<16xf32>, vector<16xi32> -> vector<16xf32>
        %get3A_398 = arith.index_cast %add3A_364 : i32 to index
        %get3A_399 = arith.constant 48 : index
        %get3A_400 = tpu.vector_load %arg21[%get3A_398, %get3A_399] {strides = array<i32>} : memref<256x64xf32, #tpu.memory_space<vmem>>, vector<1x16xf32>,
        %get3A_401 = vector.shape_cast %get3A_400 : vector<1x16xf32> to vector<16xf32>
        %mul3A_402 = arith.mulf %get3A_401, %gather3A_397 : vector<16xf32>
        %add3A_403 = arith.addf %add3A_393, %mul3A_402 : vector<16xf32>
        %swap3A_404 = arith.index_cast %add3A_364 : i32 to index
        %swap3A_405 = arith.constant 0 : index
        %swap3A_406 = tpu.vector_load %arg23[%swap3A_404, %swap3A_405] {strides = array<i32>} : memref<256x16xf32, #tpu.memory_space<vmem>>, vector<1x16xf32>,
        %swap3A_407 = vector.shape_cast %swap3A_406 : vector<1x16xf32> to vector<16xf32>
        %swap3A_408 = vector.shape_cast %add3A_403 : vector<16xf32> to vector<1x16xf32>
        tpu.vector_store %arg23[%swap3A_404, %swap3A_405], %swap3A_408 {strides = array<i32>} : memref<256x16xf32, #tpu.memory_space<vmem>>, vector<1x16xf32>,
        %scan3A_409 = arith.constant 0 : i32
        scf.yield %scan3A_409 : i32
      }
      %scan3A_208 = arith.constant 64 : i32
      %mul3A_209 = arith.constant 10240 : i32
      %mul3A_210 = arith.muli %arg1, %mul3A_209 : i32
      %add3A_211 = arith.addi %mul3A_0, %mul3A_210 : i32
      %add3A_212 = arith.addi %add3A_211, %mul3A_165 : i32
      "tpu.region"() ({
        %run_scoped3A_214 = tpu.sem_alloc : memref<!tpu.dma_semaphore, #tpu.memory_space<semaphore_mem>>
        %dma_start3A_215 = arith.constant 0 : i32
        %dma_start3A_216 = tpu.memref_slice %arg13[%add3A_212, %dma_start3A_215] : memref<329680x16xf32, #tpu.memory_space<hbm>> -> memref<256x16xf32, #tpu.memory_space<hbm>>
        %dma_start3A_217 = arith.constant 0 : i32
        %dma_start3A_218 = tpu.memref_slice %arg13[%add3A_212, %dma_start3A_217] : memref<329680x16xf32, #tpu.memory_space<hbm>> -> memref<256x16xf32, #tpu.memory_space<hbm>>
        tpu.enqueue_dma source(%arg23 : memref<256x16xf32, #tpu.memory_space<vmem>>) target(%dma_start3A_218 : memref<256x16xf32, #tpu.memory_space<hbm>>) target_semaphore(%run_scoped3A_214 : memref<!tpu.dma_semaphore, #tpu.memory_space<semaphore_mem>>)
        %dma_wait3A_219 = arith.constant 0 : i32
        %dma_wait3A_220 = tpu.memref_slice %arg13[%add3A_212, %dma_wait3A_219] : memref<329680x16xf32, #tpu.memory_space<hbm>> -> memref<256x16xf32, #tpu.memory_space<hbm>>
        %dma_wait3A_221 = arith.constant 0 : i32
        %dma_wait3A_222 = tpu.memref_slice %arg13[%add3A_212, %dma_wait3A_221] : memref<329680x16xf32, #tpu.memory_space<hbm>> -> memref<256x16xf32, #tpu.memory_space<hbm>>
        tpu.wait_dma2 semaphore(%run_scoped3A_214 : memref<!tpu.dma_semaphore, #tpu.memory_space<semaphore_mem>>) src(%arg23 : memref<256x16xf32, #tpu.memory_space<vmem>>) dst(%dma_wait3A_222 : memref<256x16xf32, #tpu.memory_space<hbm>>)
        tpu.yield
      }) : () -> ()
      %scan3A_213 = arith.constant 0 : i32
      scf.yield %scan3A_213 : i32
    }
    %scan3A_80 = arith.constant 40 : i32
    %barrier3A_81 = arith.constant 0 : index
    tpu.barrier barrier_id(%barrier3A_81)
    %mul3A_82 = arith.constant 632 : i32
    %mul3A_83 = arith.muli %arg1, %mul3A_82 : i32
    %mul3A_84 = arith.constant 632 : i32
    %mul3A_85 = arith.muli %arg1, %mul3A_84 : i32
    %run_scoped3A_86 = arith.constant 1 : i32
    "tpu.region"() ({
      %run_scoped3A_162 = tpu.sem_alloc : memref<!tpu.dma_semaphore, #tpu.memory_space<semaphore_mem>>
      %dma_start3A_163 = arith.constant 0 : i32
      %dma_start3A_164 = tpu.memref_slice %arg14[%mul3A_85, %dma_start3A_163] : memref<10112x64xf32, #tpu.memory_space<vmem_shared>> -> memref<632x64xf32, #tpu.memory_space<vmem_shared>>
      %dma_start3A_165 = arith.constant 0 : i32
      %dma_start3A_166 = tpu.memref_slice %arg6[%run_scoped3A_86, %mul3A_83, %dma_start3A_165] : memref<2x10112x64xf32, #tpu.memory_space<hbm>> -> memref<1x632x64xf32, #tpu.memory_space<hbm>>
      %dma_start3A_167 = tpu.memref_squeeze %dma_start3A_166 : memref<1x632x64xf32, #tpu.memory_space<hbm>> -> memref<632x64xf32, #tpu.memory_space<hbm>>
      tpu.enqueue_dma source(%dma_start3A_167 : memref<632x64xf32, #tpu.memory_space<hbm>>) target(%dma_start3A_164 : memref<632x64xf32, #tpu.memory_space<vmem_shared>>) target_semaphore(%run_scoped3A_162 : memref<!tpu.dma_semaphore, #tpu.memory_space<semaphore_mem>>)
      %dma_wait3A_168 = arith.constant 0 : i32
      %dma_wait3A_169 = tpu.memref_slice %arg14[%mul3A_85, %dma_wait3A_168] : memref<10112x64xf32, #tpu.memory_space<vmem_shared>> -> memref<632x64xf32, #tpu.memory_space<vmem_shared>>
      %dma_wait3A_170 = arith.constant 0 : i32
      %dma_wait3A_171 = tpu.memref_slice %arg6[%run_scoped3A_86, %mul3A_83, %dma_wait3A_170] : memref<2x10112x64xf32, #tpu.memory_space<hbm>> -> memref<1x632x64xf32, #tpu.memory_space<hbm>>
      %dma_wait3A_172 = tpu.memref_squeeze %dma_wait3A_171 : memref<1x632x64xf32, #tpu.memory_space<hbm>> -> memref<632x64xf32, #tpu.memory_space<hbm>>
      tpu.wait_dma2 semaphore(%run_scoped3A_162 : memref<!tpu.dma_semaphore, #tpu.memory_space<semaphore_mem>>) src(%dma_wait3A_172 : memref<632x64xf32, #tpu.memory_space<hbm>>) dst(%dma_wait3A_169 : memref<632x64xf32, #tpu.memory_space<vmem_shared>>)
      tpu.yield
    }) : () -> ()
    %barrier3A_87 = arith.constant 0 : index
    tpu.barrier barrier_id(%barrier3A_87)
    %mul3A_88 = arith.constant 10240 : i32
    %mul3A_89 = arith.muli %arg1, %mul3A_88 : i32
    "tpu.region"() ({
      %run_scoped3A_162 = tpu.sem_alloc : memref<!tpu.dma_semaphore, #tpu.memory_space<semaphore_mem>>
      %dma_start3A_163 = tpu.memref_slice %arg7[%arg0, %mul3A_89] : memref<2x163840xi32, #tpu.memory_space<hbm>> -> memref<1x10240xi32, #tpu.memory_space<hbm>>
      %dma_start3A_164 = tpu.memref_squeeze %dma_start3A_163 : memref<1x10240xi32, #tpu.memory_space<hbm>> -> memref<10240xi32, #tpu.memory_space<hbm>>
      %dma_start3A_165 = tpu.memref_slice %arg7[%arg0, %mul3A_89] : memref<2x163840xi32, #tpu.memory_space<hbm>> -> memref<1x10240xi32, #tpu.memory_space<hbm>>
      %dma_start3A_166 = tpu.memref_squeeze %dma_start3A_165 : memref<1x10240xi32, #tpu.memory_space<hbm>> -> memref<10240xi32, #tpu.memory_space<hbm>>
      tpu.enqueue_dma source(%dma_start3A_166 : memref<10240xi32, #tpu.memory_space<hbm>>) target(%arg15 : memref<10240xi32, #tpu.memory_space<vmem>>) target_semaphore(%run_scoped3A_162 : memref<!tpu.dma_semaphore, #tpu.memory_space<semaphore_mem>>)
      %dma_wait3A_167 = tpu.memref_slice %arg7[%arg0, %mul3A_89] : memref<2x163840xi32, #tpu.memory_space<hbm>> -> memref<1x10240xi32, #tpu.memory_space<hbm>>
      %dma_wait3A_168 = tpu.memref_squeeze %dma_wait3A_167 : memref<1x10240xi32, #tpu.memory_space<hbm>> -> memref<10240xi32, #tpu.memory_space<hbm>>
      %dma_wait3A_169 = tpu.memref_slice %arg7[%arg0, %mul3A_89] : memref<2x163840xi32, #tpu.memory_space<hbm>> -> memref<1x10240xi32, #tpu.memory_space<hbm>>
      %dma_wait3A_170 = tpu.memref_squeeze %dma_wait3A_169 : memref<1x10240xi32, #tpu.memory_space<hbm>> -> memref<10240xi32, #tpu.memory_space<hbm>>
      tpu.wait_dma2 semaphore(%run_scoped3A_162 : memref<!tpu.dma_semaphore, #tpu.memory_space<semaphore_mem>>) src(%dma_wait3A_170 : memref<10240xi32, #tpu.memory_space<hbm>>) dst(%arg15 : memref<10240xi32, #tpu.memory_space<vmem>>)
      tpu.yield
    }) : () -> ()
    %scan3A_90 = arith.constant 0 : i32
    %scan3A_91 = arith.constant 0 : i32
    %scan3A_92 = arith.constant 40 : i32
    %scan3A_93 = arith.addi %scan3A_91, %scan3A_92 : i32
    %scan3A_94 = arith.constant 1 : i32
    %scan3A_95 = scf.for %scan3A_162 = %scan3A_91 to %scan3A_93 step %scan3A_94 iter_args(%scan3A_163 = %scan3A_90) -> (i32)  : i32 {
      %mul3A_164 = arith.constant 256 : i32
      %mul3A_165 = arith.muli %scan3A_162, %mul3A_164 : i32
      %dma_start3A_166 = arith.constant 0 : i32
      %dma_start3A_167 = arith.constant 0 : i32
      %dma_start3A_168 = tpu.memref_slice %arg18[%dma_start3A_166, %dma_start3A_167] : memref<256x16xf32, #tpu.memory_space<vmem>> -> memref<128x16xf32, #tpu.memory_space<vmem>>
      %dma_start3A_169 = tpu.memref_slice %arg15[%mul3A_165] : memref<10240xi32, #tpu.memory_space<vmem>> -> memref<128xi32, #tpu.memory_space<vmem>>
      %dma_start3A_170 = arith.constant 0 : i32
      %dma_start3A_171 = arith.constant 0 : i32
      %dma_start3A_172 = tpu.memref_slice %arg13[%dma_start3A_170, %dma_start3A_171] : memref<329680x16xf32, #tpu.memory_space<hbm>> -> memref<329680x16xf32, #tpu.memory_space<hbm>>
      tpu.enqueue_indirect_dma source(%dma_start3A_172 : memref<329680x16xf32, #tpu.memory_space<hbm>>) target(%dma_start3A_168 : memref<128x16xf32, #tpu.memory_space<vmem>>) offsets(%dma_start3A_169 : memref<128xi32, #tpu.memory_space<vmem>>) semaphore(%arg24 : memref<!tpu.dma_semaphore, #tpu.memory_space<semaphore_mem>>)
      %add3A_173 = arith.constant 128 : i32
      %add3A_174 = arith.addi %mul3A_165, %add3A_173 : i32
      %dma_start3A_175 = arith.constant 128 : i32
      %dma_start3A_176 = arith.constant 0 : i32
      %dma_start3A_177 = tpu.memref_slice %arg18[%dma_start3A_175, %dma_start3A_176] : memref<256x16xf32, #tpu.memory_space<vmem>> -> memref<128x16xf32, #tpu.memory_space<vmem>>
      %dma_start3A_178 = tpu.memref_slice %arg15[%add3A_174] : memref<10240xi32, #tpu.memory_space<vmem>> -> memref<128xi32, #tpu.memory_space<vmem>>
      %dma_start3A_179 = arith.constant 0 : i32
      %dma_start3A_180 = arith.constant 0 : i32
      %dma_start3A_181 = tpu.memref_slice %arg13[%dma_start3A_179, %dma_start3A_180] : memref<329680x16xf32, #tpu.memory_space<hbm>> -> memref<329680x16xf32, #tpu.memory_space<hbm>>
      tpu.enqueue_indirect_dma source(%dma_start3A_181 : memref<329680x16xf32, #tpu.memory_space<hbm>>) target(%dma_start3A_177 : memref<128x16xf32, #tpu.memory_space<vmem>>) offsets(%dma_start3A_178 : memref<128xi32, #tpu.memory_space<vmem>>) semaphore(%arg24 : memref<!tpu.dma_semaphore, #tpu.memory_space<semaphore_mem>>)
      %mul3A_182 = arith.constant 10240 : i32
      %mul3A_183 = arith.muli %arg1, %mul3A_182 : i32
      %add3A_184 = arith.addi %mul3A_183, %mul3A_165 : i32
      %mul3A_185 = arith.constant 4 : i32
      %mul3A_186 = arith.muli %add3A_184, %mul3A_185 : i32
      %run_scoped3A_187 = arith.constant 1 : i32
      "tpu.region"() ({
        %run_scoped3A_216 = tpu.sem_alloc : memref<!tpu.dma_semaphore, #tpu.memory_space<semaphore_mem>>
        %dma_start3A_217 = tpu.memref_slice %arg3[%run_scoped3A_187, %mul3A_186] : memref<2x655360xf32, #tpu.memory_space<hbm>> -> memref<1x1024xf32, #tpu.memory_space<hbm>>
        %dma_start3A_218 = tpu.memref_squeeze %dma_start3A_217 : memref<1x1024xf32, #tpu.memory_space<hbm>> -> memref<1024xf32, #tpu.memory_space<hbm>>
        %dma_start3A_219 = tpu.memref_slice %arg3[%run_scoped3A_187, %mul3A_186] : memref<2x655360xf32, #tpu.memory_space<hbm>> -> memref<1x1024xf32, #tpu.memory_space<hbm>>
        %dma_start3A_220 = tpu.memref_squeeze %dma_start3A_219 : memref<1x1024xf32, #tpu.memory_space<hbm>> -> memref<1024xf32, #tpu.memory_space<hbm>>
        tpu.enqueue_dma source(%dma_start3A_220 : memref<1024xf32, #tpu.memory_space<hbm>>) target(%arg20 : memref<1024xf32, #tpu.memory_space<vmem>>) target_semaphore(%run_scoped3A_216 : memref<!tpu.dma_semaphore, #tpu.memory_space<semaphore_mem>>)
        %dma_wait3A_221 = tpu.memref_slice %arg3[%run_scoped3A_187, %mul3A_186] : memref<2x655360xf32, #tpu.memory_space<hbm>> -> memref<1x1024xf32, #tpu.memory_space<hbm>>
        %dma_wait3A_222 = tpu.memref_squeeze %dma_wait3A_221 : memref<1x1024xf32, #tpu.memory_space<hbm>> -> memref<1024xf32, #tpu.memory_space<hbm>>
        %dma_wait3A_223 = tpu.memref_slice %arg3[%run_scoped3A_187, %mul3A_186] : memref<2x655360xf32, #tpu.memory_space<hbm>> -> memref<1x1024xf32, #tpu.memory_space<hbm>>
        %dma_wait3A_224 = tpu.memref_squeeze %dma_wait3A_223 : memref<1x1024xf32, #tpu.memory_space<hbm>> -> memref<1024xf32, #tpu.memory_space<hbm>>
        tpu.wait_dma2 semaphore(%run_scoped3A_216 : memref<!tpu.dma_semaphore, #tpu.memory_space<semaphore_mem>>) src(%dma_wait3A_224 : memref<1024xf32, #tpu.memory_space<hbm>>) dst(%arg20 : memref<1024xf32, #tpu.memory_space<vmem>>)
        tpu.yield
      }) : () -> ()
      %dma_wait3A_188 = arith.constant 0 : i32
      %dma_wait3A_189 = arith.constant 0 : i32
      %dma_wait3A_190 = tpu.memref_slice %arg18[%dma_wait3A_188, %dma_wait3A_189] : memref<256x16xf32, #tpu.memory_space<vmem>> -> memref<128x16xf32, #tpu.memory_space<vmem>>
      %dma_wait3A_191 = tpu.memref_slice %arg15[%mul3A_165] : memref<10240xi32, #tpu.memory_space<vmem>> -> memref<128xi32, #tpu.memory_space<vmem>>
      %dma_wait3A_192 = arith.constant 0 : i32
      %dma_wait3A_193 = arith.constant 0 : i32
      %dma_wait3A_194 = tpu.memref_slice %arg13[%dma_wait3A_192, %dma_wait3A_193] : memref<329680x16xf32, #tpu.memory_space<hbm>> -> memref<329680x16xf32, #tpu.memory_space<hbm>>
      tpu.wait_indirect_dma semaphore(%arg24 : memref<!tpu.dma_semaphore, #tpu.memory_space<semaphore_mem>>) src(%dma_wait3A_194 : memref<329680x16xf32, #tpu.memory_space<hbm>>) dst(%dma_wait3A_190 : memref<128x16xf32, #tpu.memory_space<vmem>>)
      %dma_wait3A_195 = arith.constant 128 : i32
      %dma_wait3A_196 = arith.constant 0 : i32
      %dma_wait3A_197 = tpu.memref_slice %arg18[%dma_wait3A_195, %dma_wait3A_196] : memref<256x16xf32, #tpu.memory_space<vmem>> -> memref<128x16xf32, #tpu.memory_space<vmem>>
      %dma_wait3A_198 = tpu.memref_slice %arg15[%add3A_174] : memref<10240xi32, #tpu.memory_space<vmem>> -> memref<128xi32, #tpu.memory_space<vmem>>
      %dma_wait3A_199 = arith.constant 0 : i32
      %dma_wait3A_200 = arith.constant 0 : i32
      %dma_wait3A_201 = tpu.memref_slice %arg13[%dma_wait3A_199, %dma_wait3A_200] : memref<329680x16xf32, #tpu.memory_space<hbm>> -> memref<329680x16xf32, #tpu.memory_space<hbm>>
      tpu.wait_indirect_dma semaphore(%arg24 : memref<!tpu.dma_semaphore, #tpu.memory_space<semaphore_mem>>) src(%dma_wait3A_201 : memref<329680x16xf32, #tpu.memory_space<hbm>>) dst(%dma_wait3A_197 : memref<128x16xf32, #tpu.memory_space<vmem>>)
      %scan3A_202 = arith.constant 0 : i32
      %scan3A_203 = arith.constant 0 : i32
      %scan3A_204 = arith.constant 64 : i32
      %scan3A_205 = arith.addi %scan3A_203, %scan3A_204 : i32
      %scan3A_206 = arith.constant 1 : i32
      %scan3A_207 = scf.for %scan3A_216 = %scan3A_203 to %scan3A_205 step %scan3A_206 iter_args(%scan3A_217 = %scan3A_202) -> (i32)  : i32 {
        %mul3A_218 = arith.constant 16 : i32
        %mul3A_219 = arith.muli %mul3A_218, %scan3A_216 : i32
        %get3A = arith.index_cast %mul3A_219 : i32 to index
        %get3A_220 = tpu.vector_load %arg20[%get3A] {strides = array<i32>} : memref<1024xf32, #tpu.memory_space<vmem>>, vector<16xf32>,
        %get3A_221 = vector.shape_cast %get3A_220 : vector<16xf32> to vector<16xf32>
        %mul3A_222 = arith.constant 4 : i32
        %mul3A_223 = arith.muli %mul3A_222, %scan3A_216 : i32
        %add3A_224 = arith.constant 0 : i32
        %add3A_225 = arith.addi %mul3A_223, %add3A_224 : i32
        %get3A_226 = arith.index_cast %add3A_225 : i32 to index
        %get3A_227 = arith.constant 0 : index
        %get3A_228 = tpu.vector_load %arg18[%get3A_226, %get3A_227] {strides = array<i32>} : memref<256x16xf32, #tpu.memory_space<vmem>>, vector<1x16xf32>,
        %get3A_229 = vector.shape_cast %get3A_228 : vector<1x16xf32> to vector<16xf32>
        %broadcast_in_dim3A = arith.constant 0 : i32
        %broadcast_in_dim3A_230 = vector.broadcast %broadcast_in_dim3A : i32 to vector<16x1xi32>
        %gather3A = vector.shape_cast %broadcast_in_dim3A_230 : vector<16x1xi32> to vector<16xi32>
        %gather3A_231 = tpu.dynamic_gather %get3A_221[%gather3A] in [0] : vector<16xf32>, vector<16xi32> -> vector<16xf32>
        %mul3A_232 = arith.mulf %get3A_229, %gather3A_231 : vector<16xf32>
        %swap3A = arith.index_cast %add3A_225 : i32 to index
        %swap3A_233 = arith.constant 0 : index
        %swap3A_234 = tpu.vector_load %arg19[%swap3A, %swap3A_233] {strides = array<i32>} : memref<256x64xf32, #tpu.memory_space<vmem>>, vector<1x16xf32>,
        %swap3A_235 = vector.shape_cast %swap3A_234 : vector<1x16xf32> to vector<16xf32>
        %swap3A_236 = vector.shape_cast %mul3A_232 : vector<16xf32> to vector<1x16xf32>
        tpu.vector_store %arg19[%swap3A, %swap3A_233], %swap3A_236 {strides = array<i32>} : memref<256x64xf32, #tpu.memory_space<vmem>>, vector<1x16xf32>,
        %broadcast_in_dim3A_237 = arith.constant 1 : i32
        %broadcast_in_dim3A_238 = vector.broadcast %broadcast_in_dim3A_237 : i32 to vector<16x1xi32>
        %gather3A_239 = vector.shape_cast %broadcast_in_dim3A_238 : vector<16x1xi32> to vector<16xi32>
        %gather3A_240 = tpu.dynamic_gather %get3A_221[%gather3A_239] in [0] : vector<16xf32>, vector<16xi32> -> vector<16xf32>
        %mul3A_241 = arith.mulf %get3A_229, %gather3A_240 : vector<16xf32>
        %swap3A_242 = arith.index_cast %add3A_225 : i32 to index
        %swap3A_243 = arith.constant 16 : index
        %swap3A_244 = tpu.vector_load %arg19[%swap3A_242, %swap3A_243] {strides = array<i32>} : memref<256x64xf32, #tpu.memory_space<vmem>>, vector<1x16xf32>,
        %swap3A_245 = vector.shape_cast %swap3A_244 : vector<1x16xf32> to vector<16xf32>
        %swap3A_246 = vector.shape_cast %mul3A_241 : vector<16xf32> to vector<1x16xf32>
        tpu.vector_store %arg19[%swap3A_242, %swap3A_243], %swap3A_246 {strides = array<i32>} : memref<256x64xf32, #tpu.memory_space<vmem>>, vector<1x16xf32>,
        %broadcast_in_dim3A_247 = arith.constant 2 : i32
        %broadcast_in_dim3A_248 = vector.broadcast %broadcast_in_dim3A_247 : i32 to vector<16x1xi32>
        %gather3A_249 = vector.shape_cast %broadcast_in_dim3A_248 : vector<16x1xi32> to vector<16xi32>
        %gather3A_250 = tpu.dynamic_gather %get3A_221[%gather3A_249] in [0] : vector<16xf32>, vector<16xi32> -> vector<16xf32>
        %mul3A_251 = arith.mulf %get3A_229, %gather3A_250 : vector<16xf32>
        %swap3A_252 = arith.index_cast %add3A_225 : i32 to index
        %swap3A_253 = arith.constant 32 : index
        %swap3A_254 = tpu.vector_load %arg19[%swap3A_252, %swap3A_253] {strides = array<i32>} : memref<256x64xf32, #tpu.memory_space<vmem>>, vector<1x16xf32>,
        %swap3A_255 = vector.shape_cast %swap3A_254 : vector<1x16xf32> to vector<16xf32>
        %swap3A_256 = vector.shape_cast %mul3A_251 : vector<16xf32> to vector<1x16xf32>
        tpu.vector_store %arg19[%swap3A_252, %swap3A_253], %swap3A_256 {strides = array<i32>} : memref<256x64xf32, #tpu.memory_space<vmem>>, vector<1x16xf32>,
        %broadcast_in_dim3A_257 = arith.constant 3 : i32
        %broadcast_in_dim3A_258 = vector.broadcast %broadcast_in_dim3A_257 : i32 to vector<16x1xi32>
        %gather3A_259 = vector.shape_cast %broadcast_in_dim3A_258 : vector<16x1xi32> to vector<16xi32>
        %gather3A_260 = tpu.dynamic_gather %get3A_221[%gather3A_259] in [0] : vector<16xf32>, vector<16xi32> -> vector<16xf32>
        %mul3A_261 = arith.mulf %get3A_229, %gather3A_260 : vector<16xf32>
        %swap3A_262 = arith.index_cast %add3A_225 : i32 to index
        %swap3A_263 = arith.constant 48 : index
        %swap3A_264 = tpu.vector_load %arg19[%swap3A_262, %swap3A_263] {strides = array<i32>} : memref<256x64xf32, #tpu.memory_space<vmem>>, vector<1x16xf32>,
        %swap3A_265 = vector.shape_cast %swap3A_264 : vector<1x16xf32> to vector<16xf32>
        %swap3A_266 = vector.shape_cast %mul3A_261 : vector<16xf32> to vector<1x16xf32>
        tpu.vector_store %arg19[%swap3A_262, %swap3A_263], %swap3A_266 {strides = array<i32>} : memref<256x64xf32, #tpu.memory_space<vmem>>, vector<1x16xf32>,
        %mul3A_267 = arith.constant 4 : i32
        %mul3A_268 = arith.muli %mul3A_267, %scan3A_216 : i32
        %add3A_269 = arith.constant 1 : i32
        %add3A_270 = arith.addi %mul3A_268, %add3A_269 : i32
        %get3A_271 = arith.index_cast %add3A_270 : i32 to index
        %get3A_272 = arith.constant 0 : index
        %get3A_273 = tpu.vector_load %arg18[%get3A_271, %get3A_272] {strides = array<i32>} : memref<256x16xf32, #tpu.memory_space<vmem>>, vector<1x16xf32>,
        %get3A_274 = vector.shape_cast %get3A_273 : vector<1x16xf32> to vector<16xf32>
        %broadcast_in_dim3A_275 = arith.constant 4 : i32
        %broadcast_in_dim3A_276 = vector.broadcast %broadcast_in_dim3A_275 : i32 to vector<16x1xi32>
        %gather3A_277 = vector.shape_cast %broadcast_in_dim3A_276 : vector<16x1xi32> to vector<16xi32>
        %gather3A_278 = tpu.dynamic_gather %get3A_221[%gather3A_277] in [0] : vector<16xf32>, vector<16xi32> -> vector<16xf32>
        %mul3A_279 = arith.mulf %get3A_274, %gather3A_278 : vector<16xf32>
        %swap3A_280 = arith.index_cast %add3A_270 : i32 to index
        %swap3A_281 = arith.constant 0 : index
        %swap3A_282 = tpu.vector_load %arg19[%swap3A_280, %swap3A_281] {strides = array<i32>} : memref<256x64xf32, #tpu.memory_space<vmem>>, vector<1x16xf32>,
        %swap3A_283 = vector.shape_cast %swap3A_282 : vector<1x16xf32> to vector<16xf32>
        %swap3A_284 = vector.shape_cast %mul3A_279 : vector<16xf32> to vector<1x16xf32>
        tpu.vector_store %arg19[%swap3A_280, %swap3A_281], %swap3A_284 {strides = array<i32>} : memref<256x64xf32, #tpu.memory_space<vmem>>, vector<1x16xf32>,
        %broadcast_in_dim3A_285 = arith.constant 5 : i32
        %broadcast_in_dim3A_286 = vector.broadcast %broadcast_in_dim3A_285 : i32 to vector<16x1xi32>
        %gather3A_287 = vector.shape_cast %broadcast_in_dim3A_286 : vector<16x1xi32> to vector<16xi32>
        %gather3A_288 = tpu.dynamic_gather %get3A_221[%gather3A_287] in [0] : vector<16xf32>, vector<16xi32> -> vector<16xf32>
        %mul3A_289 = arith.mulf %get3A_274, %gather3A_288 : vector<16xf32>
        %swap3A_290 = arith.index_cast %add3A_270 : i32 to index
        %swap3A_291 = arith.constant 16 : index
        %swap3A_292 = tpu.vector_load %arg19[%swap3A_290, %swap3A_291] {strides = array<i32>} : memref<256x64xf32, #tpu.memory_space<vmem>>, vector<1x16xf32>,
        %swap3A_293 = vector.shape_cast %swap3A_292 : vector<1x16xf32> to vector<16xf32>
        %swap3A_294 = vector.shape_cast %mul3A_289 : vector<16xf32> to vector<1x16xf32>
        tpu.vector_store %arg19[%swap3A_290, %swap3A_291], %swap3A_294 {strides = array<i32>} : memref<256x64xf32, #tpu.memory_space<vmem>>, vector<1x16xf32>,
        %broadcast_in_dim3A_295 = arith.constant 6 : i32
        %broadcast_in_dim3A_296 = vector.broadcast %broadcast_in_dim3A_295 : i32 to vector<16x1xi32>
        %gather3A_297 = vector.shape_cast %broadcast_in_dim3A_296 : vector<16x1xi32> to vector<16xi32>
        %gather3A_298 = tpu.dynamic_gather %get3A_221[%gather3A_297] in [0] : vector<16xf32>, vector<16xi32> -> vector<16xf32>
        %mul3A_299 = arith.mulf %get3A_274, %gather3A_298 : vector<16xf32>
        %swap3A_300 = arith.index_cast %add3A_270 : i32 to index
        %swap3A_301 = arith.constant 32 : index
        %swap3A_302 = tpu.vector_load %arg19[%swap3A_300, %swap3A_301] {strides = array<i32>} : memref<256x64xf32, #tpu.memory_space<vmem>>, vector<1x16xf32>,
        %swap3A_303 = vector.shape_cast %swap3A_302 : vector<1x16xf32> to vector<16xf32>
        %swap3A_304 = vector.shape_cast %mul3A_299 : vector<16xf32> to vector<1x16xf32>
        tpu.vector_store %arg19[%swap3A_300, %swap3A_301], %swap3A_304 {strides = array<i32>} : memref<256x64xf32, #tpu.memory_space<vmem>>, vector<1x16xf32>,
        %broadcast_in_dim3A_305 = arith.constant 7 : i32
        %broadcast_in_dim3A_306 = vector.broadcast %broadcast_in_dim3A_305 : i32 to vector<16x1xi32>
        %gather3A_307 = vector.shape_cast %broadcast_in_dim3A_306 : vector<16x1xi32> to vector<16xi32>
        %gather3A_308 = tpu.dynamic_gather %get3A_221[%gather3A_307] in [0] : vector<16xf32>, vector<16xi32> -> vector<16xf32>
        %mul3A_309 = arith.mulf %get3A_274, %gather3A_308 : vector<16xf32>
        %swap3A_310 = arith.index_cast %add3A_270 : i32 to index
        %swap3A_311 = arith.constant 48 : index
        %swap3A_312 = tpu.vector_load %arg19[%swap3A_310, %swap3A_311] {strides = array<i32>} : memref<256x64xf32, #tpu.memory_space<vmem>>, vector<1x16xf32>,
        %swap3A_313 = vector.shape_cast %swap3A_312 : vector<1x16xf32> to vector<16xf32>
        %swap3A_314 = vector.shape_cast %mul3A_309 : vector<16xf32> to vector<1x16xf32>
        tpu.vector_store %arg19[%swap3A_310, %swap3A_311], %swap3A_314 {strides = array<i32>} : memref<256x64xf32, #tpu.memory_space<vmem>>, vector<1x16xf32>,
        %mul3A_315 = arith.constant 4 : i32
        %mul3A_316 = arith.muli %mul3A_315, %scan3A_216 : i32
        %add3A_317 = arith.constant 2 : i32
        %add3A_318 = arith.addi %mul3A_316, %add3A_317 : i32
        %get3A_319 = arith.index_cast %add3A_318 : i32 to index
        %get3A_320 = arith.constant 0 : index
        %get3A_321 = tpu.vector_load %arg18[%get3A_319, %get3A_320] {strides = array<i32>} : memref<256x16xf32, #tpu.memory_space<vmem>>, vector<1x16xf32>,
        %get3A_322 = vector.shape_cast %get3A_321 : vector<1x16xf32> to vector<16xf32>
        %broadcast_in_dim3A_323 = arith.constant 8 : i32
        %broadcast_in_dim3A_324 = vector.broadcast %broadcast_in_dim3A_323 : i32 to vector<16x1xi32>
        %gather3A_325 = vector.shape_cast %broadcast_in_dim3A_324 : vector<16x1xi32> to vector<16xi32>
        %gather3A_326 = tpu.dynamic_gather %get3A_221[%gather3A_325] in [0] : vector<16xf32>, vector<16xi32> -> vector<16xf32>
        %mul3A_327 = arith.mulf %get3A_322, %gather3A_326 : vector<16xf32>
        %swap3A_328 = arith.index_cast %add3A_318 : i32 to index
        %swap3A_329 = arith.constant 0 : index
        %swap3A_330 = tpu.vector_load %arg19[%swap3A_328, %swap3A_329] {strides = array<i32>} : memref<256x64xf32, #tpu.memory_space<vmem>>, vector<1x16xf32>,
        %swap3A_331 = vector.shape_cast %swap3A_330 : vector<1x16xf32> to vector<16xf32>
        %swap3A_332 = vector.shape_cast %mul3A_327 : vector<16xf32> to vector<1x16xf32>
        tpu.vector_store %arg19[%swap3A_328, %swap3A_329], %swap3A_332 {strides = array<i32>} : memref<256x64xf32, #tpu.memory_space<vmem>>, vector<1x16xf32>,
        %broadcast_in_dim3A_333 = arith.constant 9 : i32
        %broadcast_in_dim3A_334 = vector.broadcast %broadcast_in_dim3A_333 : i32 to vector<16x1xi32>
        %gather3A_335 = vector.shape_cast %broadcast_in_dim3A_334 : vector<16x1xi32> to vector<16xi32>
        %gather3A_336 = tpu.dynamic_gather %get3A_221[%gather3A_335] in [0] : vector<16xf32>, vector<16xi32> -> vector<16xf32>
        %mul3A_337 = arith.mulf %get3A_322, %gather3A_336 : vector<16xf32>
        %swap3A_338 = arith.index_cast %add3A_318 : i32 to index
        %swap3A_339 = arith.constant 16 : index
        %swap3A_340 = tpu.vector_load %arg19[%swap3A_338, %swap3A_339] {strides = array<i32>} : memref<256x64xf32, #tpu.memory_space<vmem>>, vector<1x16xf32>,
        %swap3A_341 = vector.shape_cast %swap3A_340 : vector<1x16xf32> to vector<16xf32>
        %swap3A_342 = vector.shape_cast %mul3A_337 : vector<16xf32> to vector<1x16xf32>
        tpu.vector_store %arg19[%swap3A_338, %swap3A_339], %swap3A_342 {strides = array<i32>} : memref<256x64xf32, #tpu.memory_space<vmem>>, vector<1x16xf32>,
        %broadcast_in_dim3A_343 = arith.constant 10 : i32
        %broadcast_in_dim3A_344 = vector.broadcast %broadcast_in_dim3A_343 : i32 to vector<16x1xi32>
        %gather3A_345 = vector.shape_cast %broadcast_in_dim3A_344 : vector<16x1xi32> to vector<16xi32>
        %gather3A_346 = tpu.dynamic_gather %get3A_221[%gather3A_345] in [0] : vector<16xf32>, vector<16xi32> -> vector<16xf32>
        %mul3A_347 = arith.mulf %get3A_322, %gather3A_346 : vector<16xf32>
        %swap3A_348 = arith.index_cast %add3A_318 : i32 to index
        %swap3A_349 = arith.constant 32 : index
        %swap3A_350 = tpu.vector_load %arg19[%swap3A_348, %swap3A_349] {strides = array<i32>} : memref<256x64xf32, #tpu.memory_space<vmem>>, vector<1x16xf32>,
        %swap3A_351 = vector.shape_cast %swap3A_350 : vector<1x16xf32> to vector<16xf32>
        %swap3A_352 = vector.shape_cast %mul3A_347 : vector<16xf32> to vector<1x16xf32>
        tpu.vector_store %arg19[%swap3A_348, %swap3A_349], %swap3A_352 {strides = array<i32>} : memref<256x64xf32, #tpu.memory_space<vmem>>, vector<1x16xf32>,
        %broadcast_in_dim3A_353 = arith.constant 11 : i32
        %broadcast_in_dim3A_354 = vector.broadcast %broadcast_in_dim3A_353 : i32 to vector<16x1xi32>
        %gather3A_355 = vector.shape_cast %broadcast_in_dim3A_354 : vector<16x1xi32> to vector<16xi32>
        %gather3A_356 = tpu.dynamic_gather %get3A_221[%gather3A_355] in [0] : vector<16xf32>, vector<16xi32> -> vector<16xf32>
        %mul3A_357 = arith.mulf %get3A_322, %gather3A_356 : vector<16xf32>
        %swap3A_358 = arith.index_cast %add3A_318 : i32 to index
        %swap3A_359 = arith.constant 48 : index
        %swap3A_360 = tpu.vector_load %arg19[%swap3A_358, %swap3A_359] {strides = array<i32>} : memref<256x64xf32, #tpu.memory_space<vmem>>, vector<1x16xf32>,
        %swap3A_361 = vector.shape_cast %swap3A_360 : vector<1x16xf32> to vector<16xf32>
        %swap3A_362 = vector.shape_cast %mul3A_357 : vector<16xf32> to vector<1x16xf32>
        tpu.vector_store %arg19[%swap3A_358, %swap3A_359], %swap3A_362 {strides = array<i32>} : memref<256x64xf32, #tpu.memory_space<vmem>>, vector<1x16xf32>,
        %mul3A_363 = arith.constant 4 : i32
        %mul3A_364 = arith.muli %mul3A_363, %scan3A_216 : i32
        %add3A_365 = arith.constant 3 : i32
        %add3A_366 = arith.addi %mul3A_364, %add3A_365 : i32
        %get3A_367 = arith.index_cast %add3A_366 : i32 to index
        %get3A_368 = arith.constant 0 : index
        %get3A_369 = tpu.vector_load %arg18[%get3A_367, %get3A_368] {strides = array<i32>} : memref<256x16xf32, #tpu.memory_space<vmem>>, vector<1x16xf32>,
        %get3A_370 = vector.shape_cast %get3A_369 : vector<1x16xf32> to vector<16xf32>
        %broadcast_in_dim3A_371 = arith.constant 12 : i32
        %broadcast_in_dim3A_372 = vector.broadcast %broadcast_in_dim3A_371 : i32 to vector<16x1xi32>
        %gather3A_373 = vector.shape_cast %broadcast_in_dim3A_372 : vector<16x1xi32> to vector<16xi32>
        %gather3A_374 = tpu.dynamic_gather %get3A_221[%gather3A_373] in [0] : vector<16xf32>, vector<16xi32> -> vector<16xf32>
        %mul3A_375 = arith.mulf %get3A_370, %gather3A_374 : vector<16xf32>
        %swap3A_376 = arith.index_cast %add3A_366 : i32 to index
        %swap3A_377 = arith.constant 0 : index
        %swap3A_378 = tpu.vector_load %arg19[%swap3A_376, %swap3A_377] {strides = array<i32>} : memref<256x64xf32, #tpu.memory_space<vmem>>, vector<1x16xf32>,
        %swap3A_379 = vector.shape_cast %swap3A_378 : vector<1x16xf32> to vector<16xf32>
        %swap3A_380 = vector.shape_cast %mul3A_375 : vector<16xf32> to vector<1x16xf32>
        tpu.vector_store %arg19[%swap3A_376, %swap3A_377], %swap3A_380 {strides = array<i32>} : memref<256x64xf32, #tpu.memory_space<vmem>>, vector<1x16xf32>,
        %broadcast_in_dim3A_381 = arith.constant 13 : i32
        %broadcast_in_dim3A_382 = vector.broadcast %broadcast_in_dim3A_381 : i32 to vector<16x1xi32>
        %gather3A_383 = vector.shape_cast %broadcast_in_dim3A_382 : vector<16x1xi32> to vector<16xi32>
        %gather3A_384 = tpu.dynamic_gather %get3A_221[%gather3A_383] in [0] : vector<16xf32>, vector<16xi32> -> vector<16xf32>
        %mul3A_385 = arith.mulf %get3A_370, %gather3A_384 : vector<16xf32>
        %swap3A_386 = arith.index_cast %add3A_366 : i32 to index
        %swap3A_387 = arith.constant 16 : index
        %swap3A_388 = tpu.vector_load %arg19[%swap3A_386, %swap3A_387] {strides = array<i32>} : memref<256x64xf32, #tpu.memory_space<vmem>>, vector<1x16xf32>,
        %swap3A_389 = vector.shape_cast %swap3A_388 : vector<1x16xf32> to vector<16xf32>
        %swap3A_390 = vector.shape_cast %mul3A_385 : vector<16xf32> to vector<1x16xf32>
        tpu.vector_store %arg19[%swap3A_386, %swap3A_387], %swap3A_390 {strides = array<i32>} : memref<256x64xf32, #tpu.memory_space<vmem>>, vector<1x16xf32>,
        %broadcast_in_dim3A_391 = arith.constant 14 : i32
        %broadcast_in_dim3A_392 = vector.broadcast %broadcast_in_dim3A_391 : i32 to vector<16x1xi32>
        %gather3A_393 = vector.shape_cast %broadcast_in_dim3A_392 : vector<16x1xi32> to vector<16xi32>
        %gather3A_394 = tpu.dynamic_gather %get3A_221[%gather3A_393] in [0] : vector<16xf32>, vector<16xi32> -> vector<16xf32>
        %mul3A_395 = arith.mulf %get3A_370, %gather3A_394 : vector<16xf32>
        %swap3A_396 = arith.index_cast %add3A_366 : i32 to index
        %swap3A_397 = arith.constant 32 : index
        %swap3A_398 = tpu.vector_load %arg19[%swap3A_396, %swap3A_397] {strides = array<i32>} : memref<256x64xf32, #tpu.memory_space<vmem>>, vector<1x16xf32>,
        %swap3A_399 = vector.shape_cast %swap3A_398 : vector<1x16xf32> to vector<16xf32>
        %swap3A_400 = vector.shape_cast %mul3A_395 : vector<16xf32> to vector<1x16xf32>
        tpu.vector_store %arg19[%swap3A_396, %swap3A_397], %swap3A_400 {strides = array<i32>} : memref<256x64xf32, #tpu.memory_space<vmem>>, vector<1x16xf32>,
        %broadcast_in_dim3A_401 = arith.constant 15 : i32
        %broadcast_in_dim3A_402 = vector.broadcast %broadcast_in_dim3A_401 : i32 to vector<16x1xi32>
        %gather3A_403 = vector.shape_cast %broadcast_in_dim3A_402 : vector<16x1xi32> to vector<16xi32>
        %gather3A_404 = tpu.dynamic_gather %get3A_221[%gather3A_403] in [0] : vector<16xf32>, vector<16xi32> -> vector<16xf32>
        %mul3A_405 = arith.mulf %get3A_370, %gather3A_404 : vector<16xf32>
        %swap3A_406 = arith.index_cast %add3A_366 : i32 to index
        %swap3A_407 = arith.constant 48 : index
        %swap3A_408 = tpu.vector_load %arg19[%swap3A_406, %swap3A_407] {strides = array<i32>} : memref<256x64xf32, #tpu.memory_space<vmem>>, vector<1x16xf32>,
        %swap3A_409 = vector.shape_cast %swap3A_408 : vector<1x16xf32> to vector<16xf32>
        %swap3A_410 = vector.shape_cast %mul3A_405 : vector<16xf32> to vector<1x16xf32>
        tpu.vector_store %arg19[%swap3A_406, %swap3A_407], %swap3A_410 {strides = array<i32>} : memref<256x64xf32, #tpu.memory_space<vmem>>, vector<1x16xf32>,
        %scan3A_411 = arith.constant 0 : i32
        scf.yield %scan3A_411 : i32
      }
      %scan3A_208 = arith.constant 64 : i32
      %mul3A_209 = arith.constant 2 : i32
      %mul3A_210 = arith.muli %mul3A_209, %scan3A_162 : i32
      "tpu.region"() ({
        %run_scoped3A_216 = tpu.sem_alloc : memref<!tpu.dma_semaphore, #tpu.memory_space<semaphore_mem>>
        %dma_start3A_217 = arith.constant 0 : i32
        %dma_start3A_218 = arith.constant 0 : i32
        %dma_start3A_219 = tpu.memref_slice %arg19[%dma_start3A_217, %dma_start3A_218] : memref<256x64xf32, #tpu.memory_space<vmem>> -> memref<128x64xf32, #tpu.memory_space<vmem>>
        %dma_start3A_220 = arith.constant 0 : i32
        %dma_start3A_221 = tpu.memref_slice %arg16[%mul3A_210, %dma_start3A_220] : memref<80x128xi32, #tpu.memory_space<vmem>> -> memref<1x128xi32, #tpu.memory_space<vmem>>
        %dma_start3A_222 = tpu.memref_squeeze %dma_start3A_221 : memref<1x128xi32, #tpu.memory_space<vmem>> -> memref<128xi32, #tpu.memory_space<vmem>>
        %dma_start3A_223 = arith.constant 0 : i32
        %dma_start3A_224 = arith.constant 0 : i32
        %dma_start3A_225 = tpu.memref_slice %arg14[%dma_start3A_223, %dma_start3A_224] : memref<10112x64xf32, #tpu.memory_space<vmem_shared>> -> memref<10112x64xf32, #tpu.memory_space<vmem_shared>>
        tpu.enqueue_indirect_dma source(%dma_start3A_219 : memref<128x64xf32, #tpu.memory_space<vmem>>) target(%dma_start3A_225 : memref<10112x64xf32, #tpu.memory_space<vmem_shared>>) offsets(%dma_start3A_222 : memref<128xi32, #tpu.memory_space<vmem>>) semaphore(%run_scoped3A_216 : memref<!tpu.dma_semaphore, #tpu.memory_space<semaphore_mem>>) {add = true}
        %dma_wait3A_226 = arith.constant 0 : i32
        %dma_wait3A_227 = arith.constant 0 : i32
        %dma_wait3A_228 = tpu.memref_slice %arg19[%dma_wait3A_226, %dma_wait3A_227] : memref<256x64xf32, #tpu.memory_space<vmem>> -> memref<128x64xf32, #tpu.memory_space<vmem>>
        %dma_wait3A_229 = arith.constant 0 : i32
        %dma_wait3A_230 = tpu.memref_slice %arg16[%mul3A_210, %dma_wait3A_229] : memref<80x128xi32, #tpu.memory_space<vmem>> -> memref<1x128xi32, #tpu.memory_space<vmem>>
        %dma_wait3A_231 = tpu.memref_squeeze %dma_wait3A_230 : memref<1x128xi32, #tpu.memory_space<vmem>> -> memref<128xi32, #tpu.memory_space<vmem>>
        %dma_wait3A_232 = arith.constant 0 : i32
        %dma_wait3A_233 = arith.constant 0 : i32
        %dma_wait3A_234 = tpu.memref_slice %arg14[%dma_wait3A_232, %dma_wait3A_233] : memref<10112x64xf32, #tpu.memory_space<vmem_shared>> -> memref<10112x64xf32, #tpu.memory_space<vmem_shared>>
        tpu.wait_indirect_dma semaphore(%run_scoped3A_216 : memref<!tpu.dma_semaphore, #tpu.memory_space<semaphore_mem>>) src(%dma_wait3A_228 : memref<128x64xf32, #tpu.memory_space<vmem>>) dst(%dma_wait3A_234 : memref<10112x64xf32, #tpu.memory_space<vmem_shared>>)
        tpu.yield
      }) : () -> ()
      %mul3A_211 = arith.constant 2 : i32
      %mul3A_212 = arith.muli %mul3A_211, %scan3A_162 : i32
      %add3A_213 = arith.constant 1 : i32
      %add3A_214 = arith.addi %mul3A_212, %add3A_213 : i32
      "tpu.region"() ({
        %run_scoped3A_216 = tpu.sem_alloc : memref<!tpu.dma_semaphore, #tpu.memory_space<semaphore_mem>>
        %dma_start3A_217 = arith.constant 128 : i32
        %dma_start3A_218 = arith.constant 0 : i32
        %dma_start3A_219 = tpu.memref_slice %arg19[%dma_start3A_217, %dma_start3A_218] : memref<256x64xf32, #tpu.memory_space<vmem>> -> memref<128x64xf32, #tpu.memory_space<vmem>>
        %dma_start3A_220 = arith.constant 0 : i32
        %dma_start3A_221 = tpu.memref_slice %arg16[%add3A_214, %dma_start3A_220] : memref<80x128xi32, #tpu.memory_space<vmem>> -> memref<1x128xi32, #tpu.memory_space<vmem>>
        %dma_start3A_222 = tpu.memref_squeeze %dma_start3A_221 : memref<1x128xi32, #tpu.memory_space<vmem>> -> memref<128xi32, #tpu.memory_space<vmem>>
        %dma_start3A_223 = arith.constant 0 : i32
        %dma_start3A_224 = arith.constant 0 : i32
        %dma_start3A_225 = tpu.memref_slice %arg14[%dma_start3A_223, %dma_start3A_224] : memref<10112x64xf32, #tpu.memory_space<vmem_shared>> -> memref<10112x64xf32, #tpu.memory_space<vmem_shared>>
        tpu.enqueue_indirect_dma source(%dma_start3A_219 : memref<128x64xf32, #tpu.memory_space<vmem>>) target(%dma_start3A_225 : memref<10112x64xf32, #tpu.memory_space<vmem_shared>>) offsets(%dma_start3A_222 : memref<128xi32, #tpu.memory_space<vmem>>) semaphore(%run_scoped3A_216 : memref<!tpu.dma_semaphore, #tpu.memory_space<semaphore_mem>>) {add = true}
        %dma_wait3A_226 = arith.constant 128 : i32
        %dma_wait3A_227 = arith.constant 0 : i32
        %dma_wait3A_228 = tpu.memref_slice %arg19[%dma_wait3A_226, %dma_wait3A_227] : memref<256x64xf32, #tpu.memory_space<vmem>> -> memref<128x64xf32, #tpu.memory_space<vmem>>
        %dma_wait3A_229 = arith.constant 0 : i32
        %dma_wait3A_230 = tpu.memref_slice %arg16[%add3A_214, %dma_wait3A_229] : memref<80x128xi32, #tpu.memory_space<vmem>> -> memref<1x128xi32, #tpu.memory_space<vmem>>
        %dma_wait3A_231 = tpu.memref_squeeze %dma_wait3A_230 : memref<1x128xi32, #tpu.memory_space<vmem>> -> memref<128xi32, #tpu.memory_space<vmem>>
        %dma_wait3A_232 = arith.constant 0 : i32
        %dma_wait3A_233 = arith.constant 0 : i32
        %dma_wait3A_234 = tpu.memref_slice %arg14[%dma_wait3A_232, %dma_wait3A_233] : memref<10112x64xf32, #tpu.memory_space<vmem_shared>> -> memref<10112x64xf32, #tpu.memory_space<vmem_shared>>
        tpu.wait_indirect_dma semaphore(%run_scoped3A_216 : memref<!tpu.dma_semaphore, #tpu.memory_space<semaphore_mem>>) src(%dma_wait3A_228 : memref<128x64xf32, #tpu.memory_space<vmem>>) dst(%dma_wait3A_234 : memref<10112x64xf32, #tpu.memory_space<vmem_shared>>)
        tpu.yield
      }) : () -> ()
      %scan3A_215 = arith.constant 0 : i32
      scf.yield %scan3A_215 : i32
    }
    %scan3A_96 = arith.constant 40 : i32
    %barrier3A_97 = arith.constant 0 : index
    tpu.barrier barrier_id(%barrier3A_97)
    %mul3A_98 = arith.constant 632 : i32
    %mul3A_99 = arith.muli %arg1, %mul3A_98 : i32
    %add3A_100 = arith.constant 0 : i32
    %add3A_101 = arith.addi %mul3A_99, %add3A_100 : i32
    "tpu.region"() ({
      %run_scoped3A_162 = tpu.sem_alloc : memref<!tpu.dma_semaphore, #tpu.memory_space<semaphore_mem>>
      %dma_start3A_163 = arith.constant 0 : i32
      %dma_start3A_164 = arith.constant 0 : i32
      %dma_start3A_165 = tpu.memref_slice %arg21[%dma_start3A_163, %dma_start3A_164] : memref<256x64xf32, #tpu.memory_space<vmem>> -> memref<256x64xf32, #tpu.memory_space<vmem>>
      %dma_start3A_166 = arith.constant 0 : i32
      %dma_start3A_167 = tpu.memref_slice %arg14[%add3A_101, %dma_start3A_166] : memref<10112x64xf32, #tpu.memory_space<vmem_shared>> -> memref<256x64xf32, #tpu.memory_space<vmem_shared>>
      %dma_start3A_168 = arith.constant 0 : i32
      %dma_start3A_169 = arith.constant 0 : i32
      %dma_start3A_170 = tpu.memref_slice %arg21[%dma_start3A_168, %dma_start3A_169] : memref<256x64xf32, #tpu.memory_space<vmem>> -> memref<256x64xf32, #tpu.memory_space<vmem>>
      %dma_start3A_171 = arith.constant 0 : i32
      %dma_start3A_172 = tpu.memref_slice %arg14[%add3A_101, %dma_start3A_171] : memref<10112x64xf32, #tpu.memory_space<vmem_shared>> -> memref<256x64xf32, #tpu.memory_space<vmem_shared>>
      tpu.enqueue_dma source(%dma_start3A_172 : memref<256x64xf32, #tpu.memory_space<vmem_shared>>) target(%dma_start3A_170 : memref<256x64xf32, #tpu.memory_space<vmem>>) target_semaphore(%run_scoped3A_162 : memref<!tpu.dma_semaphore, #tpu.memory_space<semaphore_mem>>)
      %dma_wait3A_173 = arith.constant 0 : i32
      %dma_wait3A_174 = arith.constant 0 : i32
      %dma_wait3A_175 = tpu.memref_slice %arg21[%dma_wait3A_173, %dma_wait3A_174] : memref<256x64xf32, #tpu.memory_space<vmem>> -> memref<256x64xf32, #tpu.memory_space<vmem>>
      %dma_wait3A_176 = arith.constant 0 : i32
      %dma_wait3A_177 = tpu.memref_slice %arg14[%add3A_101, %dma_wait3A_176] : memref<10112x64xf32, #tpu.memory_space<vmem_shared>> -> memref<256x64xf32, #tpu.memory_space<vmem_shared>>
      %dma_wait3A_178 = arith.constant 0 : i32
      %dma_wait3A_179 = arith.constant 0 : i32
      %dma_wait3A_180 = tpu.memref_slice %arg21[%dma_wait3A_178, %dma_wait3A_179] : memref<256x64xf32, #tpu.memory_space<vmem>> -> memref<256x64xf32, #tpu.memory_space<vmem>>
      %dma_wait3A_181 = arith.constant 0 : i32
      %dma_wait3A_182 = tpu.memref_slice %arg14[%add3A_101, %dma_wait3A_181] : memref<10112x64xf32, #tpu.memory_space<vmem_shared>> -> memref<256x64xf32, #tpu.memory_space<vmem_shared>>
      tpu.wait_dma2 semaphore(%run_scoped3A_162 : memref<!tpu.dma_semaphore, #tpu.memory_space<semaphore_mem>>) src(%dma_wait3A_182 : memref<256x64xf32, #tpu.memory_space<vmem_shared>>) dst(%dma_wait3A_180 : memref<256x64xf32, #tpu.memory_space<vmem>>)
      tpu.yield
    }) : () -> ()
    %scan3A_102 = arith.constant 0 : i32
    %scan3A_103 = arith.constant 0 : i32
    %scan3A_104 = arith.constant 256 : i32
    %scan3A_105 = arith.addi %scan3A_103, %scan3A_104 : i32
    %scan3A_106 = arith.constant 1 : i32
    %scan3A_107 = scf.for %scan3A_162 = %scan3A_103 to %scan3A_105 step %scan3A_106 iter_args(%scan3A_163 = %scan3A_102) -> (i32)  : i32 {
      %get3A = arith.index_cast %scan3A_162 : i32 to index
      %get3A_164 = arith.constant 0 : index
      %get3A_165 = tpu.vector_load %arg21[%get3A, %get3A_164] {strides = array<i32>} : memref<256x64xf32, #tpu.memory_space<vmem>>, vector<1x16xf32>,
      %get3A_166 = vector.shape_cast %get3A_165 : vector<1x16xf32> to vector<16xf32>
      %gt3A = arith.constant 0.000000e+00 : f32
      %gt3A_167 = vector.broadcast %gt3A : f32 to vector<16xf32>
      %gt3A_168 = arith.cmpf ogt, %get3A_166, %gt3A_167 : vector<16xf32>
      %min3A = arith.constant 0.000000e+00 : f32
      %min3A_169 = vector.broadcast %min3A : f32 to vector<16xf32>
      %min3A_170 = arith.minimumf %get3A_166, %min3A_169 : vector<16xf32>
      %exp3A = math.exp %min3A_170 : vector<16xf32>
      %sub3A = arith.constant 1.000000e+00 : f32
      %sub3A_171 = vector.broadcast %sub3A : f32 to vector<16xf32>
      %sub3A_172 = arith.subf %exp3A, %sub3A_171 : vector<16xf32>
      %select_n3A = arith.select %gt3A_168, %get3A_166, %sub3A_172 : vector<16xi1>, vector<16xf32>
      %swap3A = arith.index_cast %scan3A_162 : i32 to index
      %swap3A_173 = arith.constant 0 : index
      %swap3A_174 = tpu.vector_load %arg21[%swap3A, %swap3A_173] {strides = array<i32>} : memref<256x64xf32, #tpu.memory_space<vmem>>, vector<1x16xf32>,
      %swap3A_175 = vector.shape_cast %swap3A_174 : vector<1x16xf32> to vector<16xf32>
      %swap3A_176 = vector.shape_cast %select_n3A : vector<16xf32> to vector<1x16xf32>
      tpu.vector_store %arg21[%swap3A, %swap3A_173], %swap3A_176 {strides = array<i32>} : memref<256x64xf32, #tpu.memory_space<vmem>>, vector<1x16xf32>,
      %get3A_177 = arith.index_cast %scan3A_162 : i32 to index
      %get3A_178 = arith.constant 16 : index
      %get3A_179 = tpu.vector_load %arg21[%get3A_177, %get3A_178] {strides = array<i32>} : memref<256x64xf32, #tpu.memory_space<vmem>>, vector<1x16xf32>,
      %get3A_180 = vector.shape_cast %get3A_179 : vector<1x16xf32> to vector<16xf32>
      %gt3A_181 = arith.constant 0.000000e+00 : f32
      %gt3A_182 = vector.broadcast %gt3A_181 : f32 to vector<16xf32>
      %gt3A_183 = arith.cmpf ogt, %get3A_180, %gt3A_182 : vector<16xf32>
      %min3A_184 = arith.constant 0.000000e+00 : f32
      %min3A_185 = vector.broadcast %min3A_184 : f32 to vector<16xf32>
      %min3A_186 = arith.minimumf %get3A_180, %min3A_185 : vector<16xf32>
      %exp3A_187 = math.exp %min3A_186 : vector<16xf32>
      %sub3A_188 = arith.constant 1.000000e+00 : f32
      %sub3A_189 = vector.broadcast %sub3A_188 : f32 to vector<16xf32>
      %sub3A_190 = arith.subf %exp3A_187, %sub3A_189 : vector<16xf32>
      %select_n3A_191 = arith.select %gt3A_183, %get3A_180, %sub3A_190 : vector<16xi1>, vector<16xf32>
      %swap3A_192 = arith.index_cast %scan3A_162 : i32 to index
      %swap3A_193 = arith.constant 16 : index
      %swap3A_194 = tpu.vector_load %arg21[%swap3A_192, %swap3A_193] {strides = array<i32>} : memref<256x64xf32, #tpu.memory_space<vmem>>, vector<1x16xf32>,
      %swap3A_195 = vector.shape_cast %swap3A_194 : vector<1x16xf32> to vector<16xf32>
      %swap3A_196 = vector.shape_cast %select_n3A_191 : vector<16xf32> to vector<1x16xf32>
      tpu.vector_store %arg21[%swap3A_192, %swap3A_193], %swap3A_196 {strides = array<i32>} : memref<256x64xf32, #tpu.memory_space<vmem>>, vector<1x16xf32>,
      %get3A_197 = arith.index_cast %scan3A_162 : i32 to index
      %get3A_198 = arith.constant 32 : index
      %get3A_199 = tpu.vector_load %arg21[%get3A_197, %get3A_198] {strides = array<i32>} : memref<256x64xf32, #tpu.memory_space<vmem>>, vector<1x16xf32>,
      %get3A_200 = vector.shape_cast %get3A_199 : vector<1x16xf32> to vector<16xf32>
      %gt3A_201 = arith.constant 0.000000e+00 : f32
      %gt3A_202 = vector.broadcast %gt3A_201 : f32 to vector<16xf32>
      %gt3A_203 = arith.cmpf ogt, %get3A_200, %gt3A_202 : vector<16xf32>
      %min3A_204 = arith.constant 0.000000e+00 : f32
      %min3A_205 = vector.broadcast %min3A_204 : f32 to vector<16xf32>
      %min3A_206 = arith.minimumf %get3A_200, %min3A_205 : vector<16xf32>
      %exp3A_207 = math.exp %min3A_206 : vector<16xf32>
      %sub3A_208 = arith.constant 1.000000e+00 : f32
      %sub3A_209 = vector.broadcast %sub3A_208 : f32 to vector<16xf32>
      %sub3A_210 = arith.subf %exp3A_207, %sub3A_209 : vector<16xf32>
      %select_n3A_211 = arith.select %gt3A_203, %get3A_200, %sub3A_210 : vector<16xi1>, vector<16xf32>
      %swap3A_212 = arith.index_cast %scan3A_162 : i32 to index
      %swap3A_213 = arith.constant 32 : index
      %swap3A_214 = tpu.vector_load %arg21[%swap3A_212, %swap3A_213] {strides = array<i32>} : memref<256x64xf32, #tpu.memory_space<vmem>>, vector<1x16xf32>,
      %swap3A_215 = vector.shape_cast %swap3A_214 : vector<1x16xf32> to vector<16xf32>
      %swap3A_216 = vector.shape_cast %select_n3A_211 : vector<16xf32> to vector<1x16xf32>
      tpu.vector_store %arg21[%swap3A_212, %swap3A_213], %swap3A_216 {strides = array<i32>} : memref<256x64xf32, #tpu.memory_space<vmem>>, vector<1x16xf32>,
      %get3A_217 = arith.index_cast %scan3A_162 : i32 to index
      %get3A_218 = arith.constant 48 : index
      %get3A_219 = tpu.vector_load %arg21[%get3A_217, %get3A_218] {strides = array<i32>} : memref<256x64xf32, #tpu.memory_space<vmem>>, vector<1x16xf32>,
      %get3A_220 = vector.shape_cast %get3A_219 : vector<1x16xf32> to vector<16xf32>
      %gt3A_221 = arith.constant 0.000000e+00 : f32
      %gt3A_222 = vector.broadcast %gt3A_221 : f32 to vector<16xf32>
      %gt3A_223 = arith.cmpf ogt, %get3A_220, %gt3A_222 : vector<16xf32>
      %min3A_224 = arith.constant 0.000000e+00 : f32
      %min3A_225 = vector.broadcast %min3A_224 : f32 to vector<16xf32>
      %min3A_226 = arith.minimumf %get3A_220, %min3A_225 : vector<16xf32>
      %exp3A_227 = math.exp %min3A_226 : vector<16xf32>
      %sub3A_228 = arith.constant 1.000000e+00 : f32
      %sub3A_229 = vector.broadcast %sub3A_228 : f32 to vector<16xf32>
      %sub3A_230 = arith.subf %exp3A_227, %sub3A_229 : vector<16xf32>
      %select_n3A_231 = arith.select %gt3A_223, %get3A_220, %sub3A_230 : vector<16xi1>, vector<16xf32>
      %swap3A_232 = arith.index_cast %scan3A_162 : i32 to index
      %swap3A_233 = arith.constant 48 : index
      %swap3A_234 = tpu.vector_load %arg21[%swap3A_232, %swap3A_233] {strides = array<i32>} : memref<256x64xf32, #tpu.memory_space<vmem>>, vector<1x16xf32>,
      %swap3A_235 = vector.shape_cast %swap3A_234 : vector<1x16xf32> to vector<16xf32>
      %swap3A_236 = vector.shape_cast %select_n3A_231 : vector<16xf32> to vector<1x16xf32>
      tpu.vector_store %arg21[%swap3A_232, %swap3A_233], %swap3A_236 {strides = array<i32>} : memref<256x64xf32, #tpu.memory_space<vmem>>, vector<1x16xf32>,
      %scan3A_237 = arith.constant 0 : i32
      scf.yield %scan3A_237 : i32
    }
    %scan3A_108 = arith.constant 256 : i32
    "tpu.region"() ({
      %run_scoped3A_162 = tpu.sem_alloc : memref<!tpu.dma_semaphore, #tpu.memory_space<semaphore_mem>>
      %dma_start3A_163 = arith.constant 0 : i32
      %dma_start3A_164 = arith.constant 0 : i32
      %dma_start3A_165 = tpu.memref_slice %arg21[%dma_start3A_163, %dma_start3A_164] : memref<256x64xf32, #tpu.memory_space<vmem>> -> memref<256x64xf32, #tpu.memory_space<vmem>>
      %dma_start3A_166 = arith.constant 0 : i32
      %dma_start3A_167 = tpu.memref_slice %arg14[%add3A_101, %dma_start3A_166] : memref<10112x64xf32, #tpu.memory_space<vmem_shared>> -> memref<256x64xf32, #tpu.memory_space<vmem_shared>>
      %dma_start3A_168 = arith.constant 0 : i32
      %dma_start3A_169 = tpu.memref_slice %arg14[%add3A_101, %dma_start3A_168] : memref<10112x64xf32, #tpu.memory_space<vmem_shared>> -> memref<256x64xf32, #tpu.memory_space<vmem_shared>>
      %dma_start3A_170 = arith.constant 0 : i32
      %dma_start3A_171 = arith.constant 0 : i32
      %dma_start3A_172 = tpu.memref_slice %arg21[%dma_start3A_170, %dma_start3A_171] : memref<256x64xf32, #tpu.memory_space<vmem>> -> memref<256x64xf32, #tpu.memory_space<vmem>>
      tpu.enqueue_dma source(%dma_start3A_172 : memref<256x64xf32, #tpu.memory_space<vmem>>) target(%dma_start3A_169 : memref<256x64xf32, #tpu.memory_space<vmem_shared>>) target_semaphore(%run_scoped3A_162 : memref<!tpu.dma_semaphore, #tpu.memory_space<semaphore_mem>>)
      %dma_wait3A_173 = arith.constant 0 : i32
      %dma_wait3A_174 = arith.constant 0 : i32
      %dma_wait3A_175 = tpu.memref_slice %arg21[%dma_wait3A_173, %dma_wait3A_174] : memref<256x64xf32, #tpu.memory_space<vmem>> -> memref<256x64xf32, #tpu.memory_space<vmem>>
      %dma_wait3A_176 = arith.constant 0 : i32
      %dma_wait3A_177 = tpu.memref_slice %arg14[%add3A_101, %dma_wait3A_176] : memref<10112x64xf32, #tpu.memory_space<vmem_shared>> -> memref<256x64xf32, #tpu.memory_space<vmem_shared>>
      %dma_wait3A_178 = arith.constant 0 : i32
      %dma_wait3A_179 = tpu.memref_slice %arg14[%add3A_101, %dma_wait3A_178] : memref<10112x64xf32, #tpu.memory_space<vmem_shared>> -> memref<256x64xf32, #tpu.memory_space<vmem_shared>>
      %dma_wait3A_180 = arith.constant 0 : i32
      %dma_wait3A_181 = arith.constant 0 : i32
      %dma_wait3A_182 = tpu.memref_slice %arg21[%dma_wait3A_180, %dma_wait3A_181] : memref<256x64xf32, #tpu.memory_space<vmem>> -> memref<256x64xf32, #tpu.memory_space<vmem>>
      tpu.wait_dma2 semaphore(%run_scoped3A_162 : memref<!tpu.dma_semaphore, #tpu.memory_space<semaphore_mem>>) src(%dma_wait3A_182 : memref<256x64xf32, #tpu.memory_space<vmem>>) dst(%dma_wait3A_179 : memref<256x64xf32, #tpu.memory_space<vmem_shared>>)
      tpu.yield
    }) : () -> ()
    %mul3A_109 = arith.constant 632 : i32
    %mul3A_110 = arith.muli %arg1, %mul3A_109 : i32
    %add3A_111 = arith.constant 256 : i32
    %add3A_112 = arith.addi %mul3A_110, %add3A_111 : i32
    "tpu.region"() ({
      %run_scoped3A_162 = tpu.sem_alloc : memref<!tpu.dma_semaphore, #tpu.memory_space<semaphore_mem>>
      %dma_start3A_163 = arith.constant 0 : i32
      %dma_start3A_164 = arith.constant 0 : i32
      %dma_start3A_165 = tpu.memref_slice %arg21[%dma_start3A_163, %dma_start3A_164] : memref<256x64xf32, #tpu.memory_space<vmem>> -> memref<256x64xf32, #tpu.memory_space<vmem>>
      %dma_start3A_166 = arith.constant 0 : i32
      %dma_start3A_167 = tpu.memref_slice %arg14[%add3A_112, %dma_start3A_166] : memref<10112x64xf32, #tpu.memory_space<vmem_shared>> -> memref<256x64xf32, #tpu.memory_space<vmem_shared>>
      %dma_start3A_168 = arith.constant 0 : i32
      %dma_start3A_169 = arith.constant 0 : i32
      %dma_start3A_170 = tpu.memref_slice %arg21[%dma_start3A_168, %dma_start3A_169] : memref<256x64xf32, #tpu.memory_space<vmem>> -> memref<256x64xf32, #tpu.memory_space<vmem>>
      %dma_start3A_171 = arith.constant 0 : i32
      %dma_start3A_172 = tpu.memref_slice %arg14[%add3A_112, %dma_start3A_171] : memref<10112x64xf32, #tpu.memory_space<vmem_shared>> -> memref<256x64xf32, #tpu.memory_space<vmem_shared>>
      tpu.enqueue_dma source(%dma_start3A_172 : memref<256x64xf32, #tpu.memory_space<vmem_shared>>) target(%dma_start3A_170 : memref<256x64xf32, #tpu.memory_space<vmem>>) target_semaphore(%run_scoped3A_162 : memref<!tpu.dma_semaphore, #tpu.memory_space<semaphore_mem>>)
      %dma_wait3A_173 = arith.constant 0 : i32
      %dma_wait3A_174 = arith.constant 0 : i32
      %dma_wait3A_175 = tpu.memref_slice %arg21[%dma_wait3A_173, %dma_wait3A_174] : memref<256x64xf32, #tpu.memory_space<vmem>> -> memref<256x64xf32, #tpu.memory_space<vmem>>
      %dma_wait3A_176 = arith.constant 0 : i32
      %dma_wait3A_177 = tpu.memref_slice %arg14[%add3A_112, %dma_wait3A_176] : memref<10112x64xf32, #tpu.memory_space<vmem_shared>> -> memref<256x64xf32, #tpu.memory_space<vmem_shared>>
      %dma_wait3A_178 = arith.constant 0 : i32
      %dma_wait3A_179 = arith.constant 0 : i32
      %dma_wait3A_180 = tpu.memref_slice %arg21[%dma_wait3A_178, %dma_wait3A_179] : memref<256x64xf32, #tpu.memory_space<vmem>> -> memref<256x64xf32, #tpu.memory_space<vmem>>
      %dma_wait3A_181 = arith.constant 0 : i32
      %dma_wait3A_182 = tpu.memref_slice %arg14[%add3A_112, %dma_wait3A_181] : memref<10112x64xf32, #tpu.memory_space<vmem_shared>> -> memref<256x64xf32, #tpu.memory_space<vmem_shared>>
      tpu.wait_dma2 semaphore(%run_scoped3A_162 : memref<!tpu.dma_semaphore, #tpu.memory_space<semaphore_mem>>) src(%dma_wait3A_182 : memref<256x64xf32, #tpu.memory_space<vmem_shared>>) dst(%dma_wait3A_180 : memref<256x64xf32, #tpu.memory_space<vmem>>)
      tpu.yield
    }) : () -> ()
    %scan3A_113 = arith.constant 0 : i32
    %scan3A_114 = arith.constant 0 : i32
    %scan3A_115 = arith.constant 256 : i32
    %scan3A_116 = arith.addi %scan3A_114, %scan3A_115 : i32
    %scan3A_117 = arith.constant 1 : i32
    %scan3A_118 = scf.for %scan3A_162 = %scan3A_114 to %scan3A_116 step %scan3A_117 iter_args(%scan3A_163 = %scan3A_113) -> (i32)  : i32 {
      %get3A = arith.index_cast %scan3A_162 : i32 to index
      %get3A_164 = arith.constant 0 : index
      %get3A_165 = tpu.vector_load %arg21[%get3A, %get3A_164] {strides = array<i32>} : memref<256x64xf32, #tpu.memory_space<vmem>>, vector<1x16xf32>,
      %get3A_166 = vector.shape_cast %get3A_165 : vector<1x16xf32> to vector<16xf32>
      %gt3A = arith.constant 0.000000e+00 : f32
      %gt3A_167 = vector.broadcast %gt3A : f32 to vector<16xf32>
      %gt3A_168 = arith.cmpf ogt, %get3A_166, %gt3A_167 : vector<16xf32>
      %min3A = arith.constant 0.000000e+00 : f32
      %min3A_169 = vector.broadcast %min3A : f32 to vector<16xf32>
      %min3A_170 = arith.minimumf %get3A_166, %min3A_169 : vector<16xf32>
      %exp3A = math.exp %min3A_170 : vector<16xf32>
      %sub3A = arith.constant 1.000000e+00 : f32
      %sub3A_171 = vector.broadcast %sub3A : f32 to vector<16xf32>
      %sub3A_172 = arith.subf %exp3A, %sub3A_171 : vector<16xf32>
      %select_n3A = arith.select %gt3A_168, %get3A_166, %sub3A_172 : vector<16xi1>, vector<16xf32>
      %swap3A = arith.index_cast %scan3A_162 : i32 to index
      %swap3A_173 = arith.constant 0 : index
      %swap3A_174 = tpu.vector_load %arg21[%swap3A, %swap3A_173] {strides = array<i32>} : memref<256x64xf32, #tpu.memory_space<vmem>>, vector<1x16xf32>,
      %swap3A_175 = vector.shape_cast %swap3A_174 : vector<1x16xf32> to vector<16xf32>
      %swap3A_176 = vector.shape_cast %select_n3A : vector<16xf32> to vector<1x16xf32>
      tpu.vector_store %arg21[%swap3A, %swap3A_173], %swap3A_176 {strides = array<i32>} : memref<256x64xf32, #tpu.memory_space<vmem>>, vector<1x16xf32>,
      %get3A_177 = arith.index_cast %scan3A_162 : i32 to index
      %get3A_178 = arith.constant 16 : index
      %get3A_179 = tpu.vector_load %arg21[%get3A_177, %get3A_178] {strides = array<i32>} : memref<256x64xf32, #tpu.memory_space<vmem>>, vector<1x16xf32>,
      %get3A_180 = vector.shape_cast %get3A_179 : vector<1x16xf32> to vector<16xf32>
      %gt3A_181 = arith.constant 0.000000e+00 : f32
      %gt3A_182 = vector.broadcast %gt3A_181 : f32 to vector<16xf32>
      %gt3A_183 = arith.cmpf ogt, %get3A_180, %gt3A_182 : vector<16xf32>
      %min3A_184 = arith.constant 0.000000e+00 : f32
      %min3A_185 = vector.broadcast %min3A_184 : f32 to vector<16xf32>
      %min3A_186 = arith.minimumf %get3A_180, %min3A_185 : vector<16xf32>
      %exp3A_187 = math.exp %min3A_186 : vector<16xf32>
      %sub3A_188 = arith.constant 1.000000e+00 : f32
      %sub3A_189 = vector.broadcast %sub3A_188 : f32 to vector<16xf32>
      %sub3A_190 = arith.subf %exp3A_187, %sub3A_189 : vector<16xf32>
      %select_n3A_191 = arith.select %gt3A_183, %get3A_180, %sub3A_190 : vector<16xi1>, vector<16xf32>
      %swap3A_192 = arith.index_cast %scan3A_162 : i32 to index
      %swap3A_193 = arith.constant 16 : index
      %swap3A_194 = tpu.vector_load %arg21[%swap3A_192, %swap3A_193] {strides = array<i32>} : memref<256x64xf32, #tpu.memory_space<vmem>>, vector<1x16xf32>,
      %swap3A_195 = vector.shape_cast %swap3A_194 : vector<1x16xf32> to vector<16xf32>
      %swap3A_196 = vector.shape_cast %select_n3A_191 : vector<16xf32> to vector<1x16xf32>
      tpu.vector_store %arg21[%swap3A_192, %swap3A_193], %swap3A_196 {strides = array<i32>} : memref<256x64xf32, #tpu.memory_space<vmem>>, vector<1x16xf32>,
      %get3A_197 = arith.index_cast %scan3A_162 : i32 to index
      %get3A_198 = arith.constant 32 : index
      %get3A_199 = tpu.vector_load %arg21[%get3A_197, %get3A_198] {strides = array<i32>} : memref<256x64xf32, #tpu.memory_space<vmem>>, vector<1x16xf32>,
      %get3A_200 = vector.shape_cast %get3A_199 : vector<1x16xf32> to vector<16xf32>
      %gt3A_201 = arith.constant 0.000000e+00 : f32
      %gt3A_202 = vector.broadcast %gt3A_201 : f32 to vector<16xf32>
      %gt3A_203 = arith.cmpf ogt, %get3A_200, %gt3A_202 : vector<16xf32>
      %min3A_204 = arith.constant 0.000000e+00 : f32
      %min3A_205 = vector.broadcast %min3A_204 : f32 to vector<16xf32>
      %min3A_206 = arith.minimumf %get3A_200, %min3A_205 : vector<16xf32>
      %exp3A_207 = math.exp %min3A_206 : vector<16xf32>
      %sub3A_208 = arith.constant 1.000000e+00 : f32
      %sub3A_209 = vector.broadcast %sub3A_208 : f32 to vector<16xf32>
      %sub3A_210 = arith.subf %exp3A_207, %sub3A_209 : vector<16xf32>
      %select_n3A_211 = arith.select %gt3A_203, %get3A_200, %sub3A_210 : vector<16xi1>, vector<16xf32>
      %swap3A_212 = arith.index_cast %scan3A_162 : i32 to index
      %swap3A_213 = arith.constant 32 : index
      %swap3A_214 = tpu.vector_load %arg21[%swap3A_212, %swap3A_213] {strides = array<i32>} : memref<256x64xf32, #tpu.memory_space<vmem>>, vector<1x16xf32>,
      %swap3A_215 = vector.shape_cast %swap3A_214 : vector<1x16xf32> to vector<16xf32>
      %swap3A_216 = vector.shape_cast %select_n3A_211 : vector<16xf32> to vector<1x16xf32>
      tpu.vector_store %arg21[%swap3A_212, %swap3A_213], %swap3A_216 {strides = array<i32>} : memref<256x64xf32, #tpu.memory_space<vmem>>, vector<1x16xf32>,
      %get3A_217 = arith.index_cast %scan3A_162 : i32 to index
      %get3A_218 = arith.constant 48 : index
      %get3A_219 = tpu.vector_load %arg21[%get3A_217, %get3A_218] {strides = array<i32>} : memref<256x64xf32, #tpu.memory_space<vmem>>, vector<1x16xf32>,
      %get3A_220 = vector.shape_cast %get3A_219 : vector<1x16xf32> to vector<16xf32>
      %gt3A_221 = arith.constant 0.000000e+00 : f32
      %gt3A_222 = vector.broadcast %gt3A_221 : f32 to vector<16xf32>
      %gt3A_223 = arith.cmpf ogt, %get3A_220, %gt3A_222 : vector<16xf32>
      %min3A_224 = arith.constant 0.000000e+00 : f32
      %min3A_225 = vector.broadcast %min3A_224 : f32 to vector<16xf32>
      %min3A_226 = arith.minimumf %get3A_220, %min3A_225 : vector<16xf32>
      %exp3A_227 = math.exp %min3A_226 : vector<16xf32>
      %sub3A_228 = arith.constant 1.000000e+00 : f32
      %sub3A_229 = vector.broadcast %sub3A_228 : f32 to vector<16xf32>
      %sub3A_230 = arith.subf %exp3A_227, %sub3A_229 : vector<16xf32>
      %select_n3A_231 = arith.select %gt3A_223, %get3A_220, %sub3A_230 : vector<16xi1>, vector<16xf32>
      %swap3A_232 = arith.index_cast %scan3A_162 : i32 to index
      %swap3A_233 = arith.constant 48 : index
      %swap3A_234 = tpu.vector_load %arg21[%swap3A_232, %swap3A_233] {strides = array<i32>} : memref<256x64xf32, #tpu.memory_space<vmem>>, vector<1x16xf32>,
      %swap3A_235 = vector.shape_cast %swap3A_234 : vector<1x16xf32> to vector<16xf32>
      %swap3A_236 = vector.shape_cast %select_n3A_231 : vector<16xf32> to vector<1x16xf32>
      tpu.vector_store %arg21[%swap3A_232, %swap3A_233], %swap3A_236 {strides = array<i32>} : memref<256x64xf32, #tpu.memory_space<vmem>>, vector<1x16xf32>,
      %scan3A_237 = arith.constant 0 : i32
      scf.yield %scan3A_237 : i32
    }
    %scan3A_119 = arith.constant 256 : i32
    "tpu.region"() ({
      %run_scoped3A_162 = tpu.sem_alloc : memref<!tpu.dma_semaphore, #tpu.memory_space<semaphore_mem>>
      %dma_start3A_163 = arith.constant 0 : i32
      %dma_start3A_164 = arith.constant 0 : i32
      %dma_start3A_165 = tpu.memref_slice %arg21[%dma_start3A_163, %dma_start3A_164] : memref<256x64xf32, #tpu.memory_space<vmem>> -> memref<256x64xf32, #tpu.memory_space<vmem>>
      %dma_start3A_166 = arith.constant 0 : i32
      %dma_start3A_167 = tpu.memref_slice %arg14[%add3A_112, %dma_start3A_166] : memref<10112x64xf32, #tpu.memory_space<vmem_shared>> -> memref<256x64xf32, #tpu.memory_space<vmem_shared>>
      %dma_start3A_168 = arith.constant 0 : i32
      %dma_start3A_169 = tpu.memref_slice %arg14[%add3A_112, %dma_start3A_168] : memref<10112x64xf32, #tpu.memory_space<vmem_shared>> -> memref<256x64xf32, #tpu.memory_space<vmem_shared>>
      %dma_start3A_170 = arith.constant 0 : i32
      %dma_start3A_171 = arith.constant 0 : i32
      %dma_start3A_172 = tpu.memref_slice %arg21[%dma_start3A_170, %dma_start3A_171] : memref<256x64xf32, #tpu.memory_space<vmem>> -> memref<256x64xf32, #tpu.memory_space<vmem>>
      tpu.enqueue_dma source(%dma_start3A_172 : memref<256x64xf32, #tpu.memory_space<vmem>>) target(%dma_start3A_169 : memref<256x64xf32, #tpu.memory_space<vmem_shared>>) target_semaphore(%run_scoped3A_162 : memref<!tpu.dma_semaphore, #tpu.memory_space<semaphore_mem>>)
      %dma_wait3A_173 = arith.constant 0 : i32
      %dma_wait3A_174 = arith.constant 0 : i32
      %dma_wait3A_175 = tpu.memref_slice %arg21[%dma_wait3A_173, %dma_wait3A_174] : memref<256x64xf32, #tpu.memory_space<vmem>> -> memref<256x64xf32, #tpu.memory_space<vmem>>
      %dma_wait3A_176 = arith.constant 0 : i32
      %dma_wait3A_177 = tpu.memref_slice %arg14[%add3A_112, %dma_wait3A_176] : memref<10112x64xf32, #tpu.memory_space<vmem_shared>> -> memref<256x64xf32, #tpu.memory_space<vmem_shared>>
      %dma_wait3A_178 = arith.constant 0 : i32
      %dma_wait3A_179 = tpu.memref_slice %arg14[%add3A_112, %dma_wait3A_178] : memref<10112x64xf32, #tpu.memory_space<vmem_shared>> -> memref<256x64xf32, #tpu.memory_space<vmem_shared>>
      %dma_wait3A_180 = arith.constant 0 : i32
      %dma_wait3A_181 = arith.constant 0 : i32
      %dma_wait3A_182 = tpu.memref_slice %arg21[%dma_wait3A_180, %dma_wait3A_181] : memref<256x64xf32, #tpu.memory_space<vmem>> -> memref<256x64xf32, #tpu.memory_space<vmem>>
      tpu.wait_dma2 semaphore(%run_scoped3A_162 : memref<!tpu.dma_semaphore, #tpu.memory_space<semaphore_mem>>) src(%dma_wait3A_182 : memref<256x64xf32, #tpu.memory_space<vmem>>) dst(%dma_wait3A_179 : memref<256x64xf32, #tpu.memory_space<vmem_shared>>)
      tpu.yield
    }) : () -> ()
    %mul3A_120 = arith.constant 632 : i32
    %mul3A_121 = arith.muli %arg1, %mul3A_120 : i32
    %add3A_122 = arith.constant 512 : i32
    %add3A_123 = arith.addi %mul3A_121, %add3A_122 : i32
    "tpu.region"() ({
      %run_scoped3A_162 = tpu.sem_alloc : memref<!tpu.dma_semaphore, #tpu.memory_space<semaphore_mem>>
      %dma_start3A_163 = arith.constant 0 : i32
      %dma_start3A_164 = arith.constant 0 : i32
      %dma_start3A_165 = tpu.memref_slice %arg21[%dma_start3A_163, %dma_start3A_164] : memref<256x64xf32, #tpu.memory_space<vmem>> -> memref<120x64xf32, #tpu.memory_space<vmem>>
      %dma_start3A_166 = arith.constant 0 : i32
      %dma_start3A_167 = tpu.memref_slice %arg14[%add3A_123, %dma_start3A_166] : memref<10112x64xf32, #tpu.memory_space<vmem_shared>> -> memref<120x64xf32, #tpu.memory_space<vmem_shared>>
      %dma_start3A_168 = arith.constant 0 : i32
      %dma_start3A_169 = arith.constant 0 : i32
      %dma_start3A_170 = tpu.memref_slice %arg21[%dma_start3A_168, %dma_start3A_169] : memref<256x64xf32, #tpu.memory_space<vmem>> -> memref<120x64xf32, #tpu.memory_space<vmem>>
      %dma_start3A_171 = arith.constant 0 : i32
      %dma_start3A_172 = tpu.memref_slice %arg14[%add3A_123, %dma_start3A_171] : memref<10112x64xf32, #tpu.memory_space<vmem_shared>> -> memref<120x64xf32, #tpu.memory_space<vmem_shared>>
      tpu.enqueue_dma source(%dma_start3A_172 : memref<120x64xf32, #tpu.memory_space<vmem_shared>>) target(%dma_start3A_170 : memref<120x64xf32, #tpu.memory_space<vmem>>) target_semaphore(%run_scoped3A_162 : memref<!tpu.dma_semaphore, #tpu.memory_space<semaphore_mem>>)
      %dma_wait3A_173 = arith.constant 0 : i32
      %dma_wait3A_174 = arith.constant 0 : i32
      %dma_wait3A_175 = tpu.memref_slice %arg21[%dma_wait3A_173, %dma_wait3A_174] : memref<256x64xf32, #tpu.memory_space<vmem>> -> memref<120x64xf32, #tpu.memory_space<vmem>>
      %dma_wait3A_176 = arith.constant 0 : i32
      %dma_wait3A_177 = tpu.memref_slice %arg14[%add3A_123, %dma_wait3A_176] : memref<10112x64xf32, #tpu.memory_space<vmem_shared>> -> memref<120x64xf32, #tpu.memory_space<vmem_shared>>
      %dma_wait3A_178 = arith.constant 0 : i32
      %dma_wait3A_179 = arith.constant 0 : i32
      %dma_wait3A_180 = tpu.memref_slice %arg21[%dma_wait3A_178, %dma_wait3A_179] : memref<256x64xf32, #tpu.memory_space<vmem>> -> memref<120x64xf32, #tpu.memory_space<vmem>>
      %dma_wait3A_181 = arith.constant 0 : i32
      %dma_wait3A_182 = tpu.memref_slice %arg14[%add3A_123, %dma_wait3A_181] : memref<10112x64xf32, #tpu.memory_space<vmem_shared>> -> memref<120x64xf32, #tpu.memory_space<vmem_shared>>
      tpu.wait_dma2 semaphore(%run_scoped3A_162 : memref<!tpu.dma_semaphore, #tpu.memory_space<semaphore_mem>>) src(%dma_wait3A_182 : memref<120x64xf32, #tpu.memory_space<vmem_shared>>) dst(%dma_wait3A_180 : memref<120x64xf32, #tpu.memory_space<vmem>>)
      tpu.yield
    }) : () -> ()
    %scan3A_124 = arith.constant 0 : i32
    %scan3A_125 = arith.constant 0 : i32
    %scan3A_126 = arith.constant 120 : i32
    %scan3A_127 = arith.addi %scan3A_125, %scan3A_126 : i32
    %scan3A_128 = arith.constant 1 : i32
    %scan3A_129 = scf.for %scan3A_162 = %scan3A_125 to %scan3A_127 step %scan3A_128 iter_args(%scan3A_163 = %scan3A_124) -> (i32)  : i32 {
      %get3A = arith.index_cast %scan3A_162 : i32 to index
      %get3A_164 = arith.constant 0 : index
      %get3A_165 = tpu.vector_load %arg21[%get3A, %get3A_164] {strides = array<i32>} : memref<256x64xf32, #tpu.memory_space<vmem>>, vector<1x16xf32>,
      %get3A_166 = vector.shape_cast %get3A_165 : vector<1x16xf32> to vector<16xf32>
      %gt3A = arith.constant 0.000000e+00 : f32
      %gt3A_167 = vector.broadcast %gt3A : f32 to vector<16xf32>
      %gt3A_168 = arith.cmpf ogt, %get3A_166, %gt3A_167 : vector<16xf32>
      %min3A = arith.constant 0.000000e+00 : f32
      %min3A_169 = vector.broadcast %min3A : f32 to vector<16xf32>
      %min3A_170 = arith.minimumf %get3A_166, %min3A_169 : vector<16xf32>
      %exp3A = math.exp %min3A_170 : vector<16xf32>
      %sub3A = arith.constant 1.000000e+00 : f32
      %sub3A_171 = vector.broadcast %sub3A : f32 to vector<16xf32>
      %sub3A_172 = arith.subf %exp3A, %sub3A_171 : vector<16xf32>
      %select_n3A = arith.select %gt3A_168, %get3A_166, %sub3A_172 : vector<16xi1>, vector<16xf32>
      %swap3A = arith.index_cast %scan3A_162 : i32 to index
      %swap3A_173 = arith.constant 0 : index
      %swap3A_174 = tpu.vector_load %arg21[%swap3A, %swap3A_173] {strides = array<i32>} : memref<256x64xf32, #tpu.memory_space<vmem>>, vector<1x16xf32>,
      %swap3A_175 = vector.shape_cast %swap3A_174 : vector<1x16xf32> to vector<16xf32>
      %swap3A_176 = vector.shape_cast %select_n3A : vector<16xf32> to vector<1x16xf32>
      tpu.vector_store %arg21[%swap3A, %swap3A_173], %swap3A_176 {strides = array<i32>} : memref<256x64xf32, #tpu.memory_space<vmem>>, vector<1x16xf32>,
      %get3A_177 = arith.index_cast %scan3A_162 : i32 to index
      %get3A_178 = arith.constant 16 : index
      %get3A_179 = tpu.vector_load %arg21[%get3A_177, %get3A_178] {strides = array<i32>} : memref<256x64xf32, #tpu.memory_space<vmem>>, vector<1x16xf32>,
      %get3A_180 = vector.shape_cast %get3A_179 : vector<1x16xf32> to vector<16xf32>
      %gt3A_181 = arith.constant 0.000000e+00 : f32
      %gt3A_182 = vector.broadcast %gt3A_181 : f32 to vector<16xf32>
      %gt3A_183 = arith.cmpf ogt, %get3A_180, %gt3A_182 : vector<16xf32>
      %min3A_184 = arith.constant 0.000000e+00 : f32
      %min3A_185 = vector.broadcast %min3A_184 : f32 to vector<16xf32>
      %min3A_186 = arith.minimumf %get3A_180, %min3A_185 : vector<16xf32>
      %exp3A_187 = math.exp %min3A_186 : vector<16xf32>
      %sub3A_188 = arith.constant 1.000000e+00 : f32
      %sub3A_189 = vector.broadcast %sub3A_188 : f32 to vector<16xf32>
      %sub3A_190 = arith.subf %exp3A_187, %sub3A_189 : vector<16xf32>
      %select_n3A_191 = arith.select %gt3A_183, %get3A_180, %sub3A_190 : vector<16xi1>, vector<16xf32>
      %swap3A_192 = arith.index_cast %scan3A_162 : i32 to index
      %swap3A_193 = arith.constant 16 : index
      %swap3A_194 = tpu.vector_load %arg21[%swap3A_192, %swap3A_193] {strides = array<i32>} : memref<256x64xf32, #tpu.memory_space<vmem>>, vector<1x16xf32>,
      %swap3A_195 = vector.shape_cast %swap3A_194 : vector<1x16xf32> to vector<16xf32>
      %swap3A_196 = vector.shape_cast %select_n3A_191 : vector<16xf32> to vector<1x16xf32>
      tpu.vector_store %arg21[%swap3A_192, %swap3A_193], %swap3A_196 {strides = array<i32>} : memref<256x64xf32, #tpu.memory_space<vmem>>, vector<1x16xf32>,
      %get3A_197 = arith.index_cast %scan3A_162 : i32 to index
      %get3A_198 = arith.constant 32 : index
      %get3A_199 = tpu.vector_load %arg21[%get3A_197, %get3A_198] {strides = array<i32>} : memref<256x64xf32, #tpu.memory_space<vmem>>, vector<1x16xf32>,
      %get3A_200 = vector.shape_cast %get3A_199 : vector<1x16xf32> to vector<16xf32>
      %gt3A_201 = arith.constant 0.000000e+00 : f32
      %gt3A_202 = vector.broadcast %gt3A_201 : f32 to vector<16xf32>
      %gt3A_203 = arith.cmpf ogt, %get3A_200, %gt3A_202 : vector<16xf32>
      %min3A_204 = arith.constant 0.000000e+00 : f32
      %min3A_205 = vector.broadcast %min3A_204 : f32 to vector<16xf32>
      %min3A_206 = arith.minimumf %get3A_200, %min3A_205 : vector<16xf32>
      %exp3A_207 = math.exp %min3A_206 : vector<16xf32>
      %sub3A_208 = arith.constant 1.000000e+00 : f32
      %sub3A_209 = vector.broadcast %sub3A_208 : f32 to vector<16xf32>
      %sub3A_210 = arith.subf %exp3A_207, %sub3A_209 : vector<16xf32>
      %select_n3A_211 = arith.select %gt3A_203, %get3A_200, %sub3A_210 : vector<16xi1>, vector<16xf32>
      %swap3A_212 = arith.index_cast %scan3A_162 : i32 to index
      %swap3A_213 = arith.constant 32 : index
      %swap3A_214 = tpu.vector_load %arg21[%swap3A_212, %swap3A_213] {strides = array<i32>} : memref<256x64xf32, #tpu.memory_space<vmem>>, vector<1x16xf32>,
      %swap3A_215 = vector.shape_cast %swap3A_214 : vector<1x16xf32> to vector<16xf32>
      %swap3A_216 = vector.shape_cast %select_n3A_211 : vector<16xf32> to vector<1x16xf32>
      tpu.vector_store %arg21[%swap3A_212, %swap3A_213], %swap3A_216 {strides = array<i32>} : memref<256x64xf32, #tpu.memory_space<vmem>>, vector<1x16xf32>,
      %get3A_217 = arith.index_cast %scan3A_162 : i32 to index
      %get3A_218 = arith.constant 48 : index
      %get3A_219 = tpu.vector_load %arg21[%get3A_217, %get3A_218] {strides = array<i32>} : memref<256x64xf32, #tpu.memory_space<vmem>>, vector<1x16xf32>,
      %get3A_220 = vector.shape_cast %get3A_219 : vector<1x16xf32> to vector<16xf32>
      %gt3A_221 = arith.constant 0.000000e+00 : f32
      %gt3A_222 = vector.broadcast %gt3A_221 : f32 to vector<16xf32>
      %gt3A_223 = arith.cmpf ogt, %get3A_220, %gt3A_222 : vector<16xf32>
      %min3A_224 = arith.constant 0.000000e+00 : f32
      %min3A_225 = vector.broadcast %min3A_224 : f32 to vector<16xf32>
      %min3A_226 = arith.minimumf %get3A_220, %min3A_225 : vector<16xf32>
      %exp3A_227 = math.exp %min3A_226 : vector<16xf32>
      %sub3A_228 = arith.constant 1.000000e+00 : f32
      %sub3A_229 = vector.broadcast %sub3A_228 : f32 to vector<16xf32>
      %sub3A_230 = arith.subf %exp3A_227, %sub3A_229 : vector<16xf32>
      %select_n3A_231 = arith.select %gt3A_223, %get3A_220, %sub3A_230 : vector<16xi1>, vector<16xf32>
      %swap3A_232 = arith.index_cast %scan3A_162 : i32 to index
      %swap3A_233 = arith.constant 48 : index
      %swap3A_234 = tpu.vector_load %arg21[%swap3A_232, %swap3A_233] {strides = array<i32>} : memref<256x64xf32, #tpu.memory_space<vmem>>, vector<1x16xf32>,
      %swap3A_235 = vector.shape_cast %swap3A_234 : vector<1x16xf32> to vector<16xf32>
      %swap3A_236 = vector.shape_cast %select_n3A_231 : vector<16xf32> to vector<1x16xf32>
      tpu.vector_store %arg21[%swap3A_232, %swap3A_233], %swap3A_236 {strides = array<i32>} : memref<256x64xf32, #tpu.memory_space<vmem>>, vector<1x16xf32>,
      %scan3A_237 = arith.constant 0 : i32
      scf.yield %scan3A_237 : i32
    }
    %scan3A_130 = arith.constant 120 : i32
    "tpu.region"() ({
      %run_scoped3A_162 = tpu.sem_alloc : memref<!tpu.dma_semaphore, #tpu.memory_space<semaphore_mem>>
      %dma_start3A_163 = arith.constant 0 : i32
      %dma_start3A_164 = arith.constant 0 : i32
      %dma_start3A_165 = tpu.memref_slice %arg21[%dma_start3A_163, %dma_start3A_164] : memref<256x64xf32, #tpu.memory_space<vmem>> -> memref<120x64xf32, #tpu.memory_space<vmem>>
      %dma_start3A_166 = arith.constant 0 : i32
      %dma_start3A_167 = tpu.memref_slice %arg14[%add3A_123, %dma_start3A_166] : memref<10112x64xf32, #tpu.memory_space<vmem_shared>> -> memref<120x64xf32, #tpu.memory_space<vmem_shared>>
      %dma_start3A_168 = arith.constant 0 : i32
      %dma_start3A_169 = tpu.memref_slice %arg14[%add3A_123, %dma_start3A_168] : memref<10112x64xf32, #tpu.memory_space<vmem_shared>> -> memref<120x64xf32, #tpu.memory_space<vmem_shared>>
      %dma_start3A_170 = arith.constant 0 : i32
      %dma_start3A_171 = arith.constant 0 : i32
      %dma_start3A_172 = tpu.memref_slice %arg21[%dma_start3A_170, %dma_start3A_171] : memref<256x64xf32, #tpu.memory_space<vmem>> -> memref<120x64xf32, #tpu.memory_space<vmem>>
      tpu.enqueue_dma source(%dma_start3A_172 : memref<120x64xf32, #tpu.memory_space<vmem>>) target(%dma_start3A_169 : memref<120x64xf32, #tpu.memory_space<vmem_shared>>) target_semaphore(%run_scoped3A_162 : memref<!tpu.dma_semaphore, #tpu.memory_space<semaphore_mem>>)
      %dma_wait3A_173 = arith.constant 0 : i32
      %dma_wait3A_174 = arith.constant 0 : i32
      %dma_wait3A_175 = tpu.memref_slice %arg21[%dma_wait3A_173, %dma_wait3A_174] : memref<256x64xf32, #tpu.memory_space<vmem>> -> memref<120x64xf32, #tpu.memory_space<vmem>>
      %dma_wait3A_176 = arith.constant 0 : i32
      %dma_wait3A_177 = tpu.memref_slice %arg14[%add3A_123, %dma_wait3A_176] : memref<10112x64xf32, #tpu.memory_space<vmem_shared>> -> memref<120x64xf32, #tpu.memory_space<vmem_shared>>
      %dma_wait3A_178 = arith.constant 0 : i32
      %dma_wait3A_179 = tpu.memref_slice %arg14[%add3A_123, %dma_wait3A_178] : memref<10112x64xf32, #tpu.memory_space<vmem_shared>> -> memref<120x64xf32, #tpu.memory_space<vmem_shared>>
      %dma_wait3A_180 = arith.constant 0 : i32
      %dma_wait3A_181 = arith.constant 0 : i32
      %dma_wait3A_182 = tpu.memref_slice %arg21[%dma_wait3A_180, %dma_wait3A_181] : memref<256x64xf32, #tpu.memory_space<vmem>> -> memref<120x64xf32, #tpu.memory_space<vmem>>
      tpu.wait_dma2 semaphore(%run_scoped3A_162 : memref<!tpu.dma_semaphore, #tpu.memory_space<semaphore_mem>>) src(%dma_wait3A_182 : memref<120x64xf32, #tpu.memory_space<vmem>>) dst(%dma_wait3A_179 : memref<120x64xf32, #tpu.memory_space<vmem_shared>>)
      tpu.yield
    }) : () -> ()
    %barrier3A_131 = arith.constant 0 : index
    tpu.barrier barrier_id(%barrier3A_131)
    %mul3A_132 = arith.constant 10240 : i32
    %mul3A_133 = arith.muli %arg1, %mul3A_132 : i32
    "tpu.region"() ({
      %run_scoped3A_162 = tpu.sem_alloc : memref<!tpu.dma_semaphore, #tpu.memory_space<semaphore_mem>>
      %dma_start3A_163 = tpu.memref_slice %arg9[%mul3A_133] : memref<163840xi32, #tpu.memory_space<hbm>> -> memref<10240xi32, #tpu.memory_space<hbm>>
      %dma_start3A_164 = tpu.memref_slice %arg9[%mul3A_133] : memref<163840xi32, #tpu.memory_space<hbm>> -> memref<10240xi32, #tpu.memory_space<hbm>>
      tpu.enqueue_dma source(%dma_start3A_164 : memref<10240xi32, #tpu.memory_space<hbm>>) target(%arg15 : memref<10240xi32, #tpu.memory_space<vmem>>) target_semaphore(%run_scoped3A_162 : memref<!tpu.dma_semaphore, #tpu.memory_space<semaphore_mem>>)
      %dma_wait3A_165 = tpu.memref_slice %arg9[%mul3A_133] : memref<163840xi32, #tpu.memory_space<hbm>> -> memref<10240xi32, #tpu.memory_space<hbm>>
      %dma_wait3A_166 = tpu.memref_slice %arg9[%mul3A_133] : memref<163840xi32, #tpu.memory_space<hbm>> -> memref<10240xi32, #tpu.memory_space<hbm>>
      tpu.wait_dma2 semaphore(%run_scoped3A_162 : memref<!tpu.dma_semaphore, #tpu.memory_space<semaphore_mem>>) src(%dma_wait3A_166 : memref<10240xi32, #tpu.memory_space<hbm>>) dst(%arg15 : memref<10240xi32, #tpu.memory_space<vmem>>)
      tpu.yield
    }) : () -> ()
    %scan3A_134 = arith.constant 0 : i32
    %scan3A_135 = arith.constant 0 : i32
    %scan3A_136 = arith.constant 40 : i32
    %scan3A_137 = arith.addi %scan3A_135, %scan3A_136 : i32
    %scan3A_138 = arith.constant 1 : i32
    %scan3A_139 = scf.for %scan3A_162 = %scan3A_135 to %scan3A_137 step %scan3A_138 iter_args(%scan3A_163 = %scan3A_134) -> (i32)  : i32 {
      %mul3A_164 = arith.constant 256 : i32
      %mul3A_165 = arith.muli %scan3A_162, %mul3A_164 : i32
      %dma_start3A_166 = arith.constant 0 : i32
      %dma_start3A_167 = arith.constant 0 : i32
      %dma_start3A_168 = tpu.memref_slice %arg21[%dma_start3A_166, %dma_start3A_167] : memref<256x64xf32, #tpu.memory_space<vmem>> -> memref<128x64xf32, #tpu.memory_space<vmem>>
      %dma_start3A_169 = tpu.memref_slice %arg15[%mul3A_165] : memref<10240xi32, #tpu.memory_space<vmem>> -> memref<128xi32, #tpu.memory_space<vmem>>
      %dma_start3A_170 = arith.constant 0 : i32
      %dma_start3A_171 = arith.constant 0 : i32
      %dma_start3A_172 = tpu.memref_slice %arg14[%dma_start3A_170, %dma_start3A_171] : memref<10112x64xf32, #tpu.memory_space<vmem_shared>> -> memref<10112x64xf32, #tpu.memory_space<vmem_shared>>
      tpu.enqueue_indirect_dma source(%dma_start3A_172 : memref<10112x64xf32, #tpu.memory_space<vmem_shared>>) target(%dma_start3A_168 : memref<128x64xf32, #tpu.memory_space<vmem>>) offsets(%dma_start3A_169 : memref<128xi32, #tpu.memory_space<vmem>>) semaphore(%arg24 : memref<!tpu.dma_semaphore, #tpu.memory_space<semaphore_mem>>)
      %add3A_173 = arith.constant 128 : i32
      %add3A_174 = arith.addi %mul3A_165, %add3A_173 : i32
      %dma_start3A_175 = arith.constant 128 : i32
      %dma_start3A_176 = arith.constant 0 : i32
      %dma_start3A_177 = tpu.memref_slice %arg21[%dma_start3A_175, %dma_start3A_176] : memref<256x64xf32, #tpu.memory_space<vmem>> -> memref<128x64xf32, #tpu.memory_space<vmem>>
      %dma_start3A_178 = tpu.memref_slice %arg15[%add3A_174] : memref<10240xi32, #tpu.memory_space<vmem>> -> memref<128xi32, #tpu.memory_space<vmem>>
      %dma_start3A_179 = arith.constant 0 : i32
      %dma_start3A_180 = arith.constant 0 : i32
      %dma_start3A_181 = tpu.memref_slice %arg14[%dma_start3A_179, %dma_start3A_180] : memref<10112x64xf32, #tpu.memory_space<vmem_shared>> -> memref<10112x64xf32, #tpu.memory_space<vmem_shared>>
      tpu.enqueue_indirect_dma source(%dma_start3A_181 : memref<10112x64xf32, #tpu.memory_space<vmem_shared>>) target(%dma_start3A_177 : memref<128x64xf32, #tpu.memory_space<vmem>>) offsets(%dma_start3A_178 : memref<128xi32, #tpu.memory_space<vmem>>) semaphore(%arg24 : memref<!tpu.dma_semaphore, #tpu.memory_space<semaphore_mem>>)
      %mul3A_182 = arith.constant 10240 : i32
      %mul3A_183 = arith.muli %arg1, %mul3A_182 : i32
      %add3A_184 = arith.addi %mul3A_183, %mul3A_165 : i32
      %mul3A_185 = arith.constant 4 : i32
      %mul3A_186 = arith.muli %add3A_184, %mul3A_185 : i32
      %run_scoped3A_187 = arith.constant 1 : i32
      "tpu.region"() ({
        %run_scoped3A_218 = tpu.sem_alloc : memref<!tpu.dma_semaphore, #tpu.memory_space<semaphore_mem>>
        %dma_start3A_219 = tpu.memref_slice %arg4[%run_scoped3A_187, %mul3A_186] : memref<2x655360xf32, #tpu.memory_space<hbm>> -> memref<1x1024xf32, #tpu.memory_space<hbm>>
        %dma_start3A_220 = tpu.memref_squeeze %dma_start3A_219 : memref<1x1024xf32, #tpu.memory_space<hbm>> -> memref<1024xf32, #tpu.memory_space<hbm>>
        %dma_start3A_221 = tpu.memref_slice %arg4[%run_scoped3A_187, %mul3A_186] : memref<2x655360xf32, #tpu.memory_space<hbm>> -> memref<1x1024xf32, #tpu.memory_space<hbm>>
        %dma_start3A_222 = tpu.memref_squeeze %dma_start3A_221 : memref<1x1024xf32, #tpu.memory_space<hbm>> -> memref<1024xf32, #tpu.memory_space<hbm>>
        tpu.enqueue_dma source(%dma_start3A_222 : memref<1024xf32, #tpu.memory_space<hbm>>) target(%arg20 : memref<1024xf32, #tpu.memory_space<vmem>>) target_semaphore(%run_scoped3A_218 : memref<!tpu.dma_semaphore, #tpu.memory_space<semaphore_mem>>)
        %dma_wait3A_223 = tpu.memref_slice %arg4[%run_scoped3A_187, %mul3A_186] : memref<2x655360xf32, #tpu.memory_space<hbm>> -> memref<1x1024xf32, #tpu.memory_space<hbm>>
        %dma_wait3A_224 = tpu.memref_squeeze %dma_wait3A_223 : memref<1x1024xf32, #tpu.memory_space<hbm>> -> memref<1024xf32, #tpu.memory_space<hbm>>
        %dma_wait3A_225 = tpu.memref_slice %arg4[%run_scoped3A_187, %mul3A_186] : memref<2x655360xf32, #tpu.memory_space<hbm>> -> memref<1x1024xf32, #tpu.memory_space<hbm>>
        %dma_wait3A_226 = tpu.memref_squeeze %dma_wait3A_225 : memref<1x1024xf32, #tpu.memory_space<hbm>> -> memref<1024xf32, #tpu.memory_space<hbm>>
        tpu.wait_dma2 semaphore(%run_scoped3A_218 : memref<!tpu.dma_semaphore, #tpu.memory_space<semaphore_mem>>) src(%dma_wait3A_226 : memref<1024xf32, #tpu.memory_space<hbm>>) dst(%arg20 : memref<1024xf32, #tpu.memory_space<vmem>>)
        tpu.yield
      }) : () -> ()
      %mul3A_188 = arith.constant 10240 : i32
      %mul3A_189 = arith.muli %arg1, %mul3A_188 : i32
      %add3A_190 = arith.addi %mul3A_0, %mul3A_189 : i32
      %add3A_191 = arith.addi %add3A_190, %mul3A_165 : i32
      "tpu.region"() ({
        %run_scoped3A_218 = tpu.sem_alloc : memref<!tpu.dma_semaphore, #tpu.memory_space<semaphore_mem>>
        %dma_start3A_219 = arith.constant 0 : i32
        %dma_start3A_220 = tpu.memref_slice %arg13[%add3A_191, %dma_start3A_219] : memref<329680x16xf32, #tpu.memory_space<hbm>> -> memref<256x16xf32, #tpu.memory_space<hbm>>
        %dma_start3A_221 = arith.constant 0 : i32
        %dma_start3A_222 = tpu.memref_slice %arg13[%add3A_191, %dma_start3A_221] : memref<329680x16xf32, #tpu.memory_space<hbm>> -> memref<256x16xf32, #tpu.memory_space<hbm>>
        tpu.enqueue_dma source(%dma_start3A_222 : memref<256x16xf32, #tpu.memory_space<hbm>>) target(%arg22 : memref<256x16xf32, #tpu.memory_space<vmem>>) target_semaphore(%run_scoped3A_218 : memref<!tpu.dma_semaphore, #tpu.memory_space<semaphore_mem>>)
        %dma_wait3A_223 = arith.constant 0 : i32
        %dma_wait3A_224 = tpu.memref_slice %arg13[%add3A_191, %dma_wait3A_223] : memref<329680x16xf32, #tpu.memory_space<hbm>> -> memref<256x16xf32, #tpu.memory_space<hbm>>
        %dma_wait3A_225 = arith.constant 0 : i32
        %dma_wait3A_226 = tpu.memref_slice %arg13[%add3A_191, %dma_wait3A_225] : memref<329680x16xf32, #tpu.memory_space<hbm>> -> memref<256x16xf32, #tpu.memory_space<hbm>>
        tpu.wait_dma2 semaphore(%run_scoped3A_218 : memref<!tpu.dma_semaphore, #tpu.memory_space<semaphore_mem>>) src(%dma_wait3A_226 : memref<256x16xf32, #tpu.memory_space<hbm>>) dst(%arg22 : memref<256x16xf32, #tpu.memory_space<vmem>>)
        tpu.yield
      }) : () -> ()
      %dma_wait3A_192 = arith.constant 0 : i32
      %dma_wait3A_193 = arith.constant 0 : i32
      %dma_wait3A_194 = tpu.memref_slice %arg21[%dma_wait3A_192, %dma_wait3A_193] : memref<256x64xf32, #tpu.memory_space<vmem>> -> memref<128x64xf32, #tpu.memory_space<vmem>>
      %dma_wait3A_195 = tpu.memref_slice %arg15[%mul3A_165] : memref<10240xi32, #tpu.memory_space<vmem>> -> memref<128xi32, #tpu.memory_space<vmem>>
      %dma_wait3A_196 = arith.constant 0 : i32
      %dma_wait3A_197 = arith.constant 0 : i32
      %dma_wait3A_198 = tpu.memref_slice %arg14[%dma_wait3A_196, %dma_wait3A_197] : memref<10112x64xf32, #tpu.memory_space<vmem_shared>> -> memref<10112x64xf32, #tpu.memory_space<vmem_shared>>
      tpu.wait_indirect_dma semaphore(%arg24 : memref<!tpu.dma_semaphore, #tpu.memory_space<semaphore_mem>>) src(%dma_wait3A_198 : memref<10112x64xf32, #tpu.memory_space<vmem_shared>>) dst(%dma_wait3A_194 : memref<128x64xf32, #tpu.memory_space<vmem>>)
      %dma_wait3A_199 = arith.constant 128 : i32
      %dma_wait3A_200 = arith.constant 0 : i32
      %dma_wait3A_201 = tpu.memref_slice %arg21[%dma_wait3A_199, %dma_wait3A_200] : memref<256x64xf32, #tpu.memory_space<vmem>> -> memref<128x64xf32, #tpu.memory_space<vmem>>
      %dma_wait3A_202 = tpu.memref_slice %arg15[%add3A_174] : memref<10240xi32, #tpu.memory_space<vmem>> -> memref<128xi32, #tpu.memory_space<vmem>>
      %dma_wait3A_203 = arith.constant 0 : i32
      %dma_wait3A_204 = arith.constant 0 : i32
      %dma_wait3A_205 = tpu.memref_slice %arg14[%dma_wait3A_203, %dma_wait3A_204] : memref<10112x64xf32, #tpu.memory_space<vmem_shared>> -> memref<10112x64xf32, #tpu.memory_space<vmem_shared>>
      tpu.wait_indirect_dma semaphore(%arg24 : memref<!tpu.dma_semaphore, #tpu.memory_space<semaphore_mem>>) src(%dma_wait3A_205 : memref<10112x64xf32, #tpu.memory_space<vmem_shared>>) dst(%dma_wait3A_201 : memref<128x64xf32, #tpu.memory_space<vmem>>)
      %scan3A_206 = arith.constant 0 : i32
      %scan3A_207 = arith.constant 0 : i32
      %scan3A_208 = arith.constant 64 : i32
      %scan3A_209 = arith.addi %scan3A_207, %scan3A_208 : i32
      %scan3A_210 = arith.constant 1 : i32
      %scan3A_211 = scf.for %scan3A_218 = %scan3A_207 to %scan3A_209 step %scan3A_210 iter_args(%scan3A_219 = %scan3A_206) -> (i32)  : i32 {
        %mul3A_220 = arith.constant 16 : i32
        %mul3A_221 = arith.muli %mul3A_220, %scan3A_218 : i32
        %get3A = arith.index_cast %mul3A_221 : i32 to index
        %get3A_222 = tpu.vector_load %arg20[%get3A] {strides = array<i32>} : memref<1024xf32, #tpu.memory_space<vmem>>, vector<16xf32>,
        %get3A_223 = vector.shape_cast %get3A_222 : vector<16xf32> to vector<16xf32>
        %mul3A_224 = arith.constant 4 : i32
        %mul3A_225 = arith.muli %mul3A_224, %scan3A_218 : i32
        %add3A_226 = arith.constant 0 : i32
        %add3A_227 = arith.addi %mul3A_225, %add3A_226 : i32
        %get3A_228 = arith.index_cast %add3A_227 : i32 to index
        %get3A_229 = arith.constant 0 : index
        %get3A_230 = tpu.vector_load %arg22[%get3A_228, %get3A_229] {strides = array<i32>} : memref<256x16xf32, #tpu.memory_space<vmem>>, vector<1x16xf32>,
        %get3A_231 = vector.shape_cast %get3A_230 : vector<1x16xf32> to vector<16xf32>
        %broadcast_in_dim3A = arith.constant 0 : i32
        %broadcast_in_dim3A_232 = vector.broadcast %broadcast_in_dim3A : i32 to vector<16x1xi32>
        %gather3A = vector.shape_cast %broadcast_in_dim3A_232 : vector<16x1xi32> to vector<16xi32>
        %gather3A_233 = tpu.dynamic_gather %get3A_223[%gather3A] in [0] : vector<16xf32>, vector<16xi32> -> vector<16xf32>
        %get3A_234 = arith.index_cast %add3A_227 : i32 to index
        %get3A_235 = arith.constant 0 : index
        %get3A_236 = tpu.vector_load %arg21[%get3A_234, %get3A_235] {strides = array<i32>} : memref<256x64xf32, #tpu.memory_space<vmem>>, vector<1x16xf32>,
        %get3A_237 = vector.shape_cast %get3A_236 : vector<1x16xf32> to vector<16xf32>
        %mul3A_238 = arith.mulf %get3A_237, %gather3A_233 : vector<16xf32>
        %add3A_239 = arith.addf %get3A_231, %mul3A_238 : vector<16xf32>
        %broadcast_in_dim3A_240 = arith.constant 1 : i32
        %broadcast_in_dim3A_241 = vector.broadcast %broadcast_in_dim3A_240 : i32 to vector<16x1xi32>
        %gather3A_242 = vector.shape_cast %broadcast_in_dim3A_241 : vector<16x1xi32> to vector<16xi32>
        %gather3A_243 = tpu.dynamic_gather %get3A_223[%gather3A_242] in [0] : vector<16xf32>, vector<16xi32> -> vector<16xf32>
        %get3A_244 = arith.index_cast %add3A_227 : i32 to index
        %get3A_245 = arith.constant 16 : index
        %get3A_246 = tpu.vector_load %arg21[%get3A_244, %get3A_245] {strides = array<i32>} : memref<256x64xf32, #tpu.memory_space<vmem>>, vector<1x16xf32>,
        %get3A_247 = vector.shape_cast %get3A_246 : vector<1x16xf32> to vector<16xf32>
        %mul3A_248 = arith.mulf %get3A_247, %gather3A_243 : vector<16xf32>
        %add3A_249 = arith.addf %add3A_239, %mul3A_248 : vector<16xf32>
        %broadcast_in_dim3A_250 = arith.constant 2 : i32
        %broadcast_in_dim3A_251 = vector.broadcast %broadcast_in_dim3A_250 : i32 to vector<16x1xi32>
        %gather3A_252 = vector.shape_cast %broadcast_in_dim3A_251 : vector<16x1xi32> to vector<16xi32>
        %gather3A_253 = tpu.dynamic_gather %get3A_223[%gather3A_252] in [0] : vector<16xf32>, vector<16xi32> -> vector<16xf32>
        %get3A_254 = arith.index_cast %add3A_227 : i32 to index
        %get3A_255 = arith.constant 32 : index
        %get3A_256 = tpu.vector_load %arg21[%get3A_254, %get3A_255] {strides = array<i32>} : memref<256x64xf32, #tpu.memory_space<vmem>>, vector<1x16xf32>,
        %get3A_257 = vector.shape_cast %get3A_256 : vector<1x16xf32> to vector<16xf32>
        %mul3A_258 = arith.mulf %get3A_257, %gather3A_253 : vector<16xf32>
        %add3A_259 = arith.addf %add3A_249, %mul3A_258 : vector<16xf32>
        %broadcast_in_dim3A_260 = arith.constant 3 : i32
        %broadcast_in_dim3A_261 = vector.broadcast %broadcast_in_dim3A_260 : i32 to vector<16x1xi32>
        %gather3A_262 = vector.shape_cast %broadcast_in_dim3A_261 : vector<16x1xi32> to vector<16xi32>
        %gather3A_263 = tpu.dynamic_gather %get3A_223[%gather3A_262] in [0] : vector<16xf32>, vector<16xi32> -> vector<16xf32>
        %get3A_264 = arith.index_cast %add3A_227 : i32 to index
        %get3A_265 = arith.constant 48 : index
        %get3A_266 = tpu.vector_load %arg21[%get3A_264, %get3A_265] {strides = array<i32>} : memref<256x64xf32, #tpu.memory_space<vmem>>, vector<1x16xf32>,
        %get3A_267 = vector.shape_cast %get3A_266 : vector<1x16xf32> to vector<16xf32>
        %mul3A_268 = arith.mulf %get3A_267, %gather3A_263 : vector<16xf32>
        %add3A_269 = arith.addf %add3A_259, %mul3A_268 : vector<16xf32>
        %swap3A = arith.index_cast %add3A_227 : i32 to index
        %swap3A_270 = arith.constant 0 : index
        %swap3A_271 = tpu.vector_load %arg23[%swap3A, %swap3A_270] {strides = array<i32>} : memref<256x16xf32, #tpu.memory_space<vmem>>, vector<1x16xf32>,
        %swap3A_272 = vector.shape_cast %swap3A_271 : vector<1x16xf32> to vector<16xf32>
        %swap3A_273 = vector.shape_cast %add3A_269 : vector<16xf32> to vector<1x16xf32>
        tpu.vector_store %arg23[%swap3A, %swap3A_270], %swap3A_273 {strides = array<i32>} : memref<256x16xf32, #tpu.memory_space<vmem>>, vector<1x16xf32>,
        %mul3A_274 = arith.constant 4 : i32
        %mul3A_275 = arith.muli %mul3A_274, %scan3A_218 : i32
        %add3A_276 = arith.constant 1 : i32
        %add3A_277 = arith.addi %mul3A_275, %add3A_276 : i32
        %get3A_278 = arith.index_cast %add3A_277 : i32 to index
        %get3A_279 = arith.constant 0 : index
        %get3A_280 = tpu.vector_load %arg22[%get3A_278, %get3A_279] {strides = array<i32>} : memref<256x16xf32, #tpu.memory_space<vmem>>, vector<1x16xf32>,
        %get3A_281 = vector.shape_cast %get3A_280 : vector<1x16xf32> to vector<16xf32>
        %broadcast_in_dim3A_282 = arith.constant 4 : i32
        %broadcast_in_dim3A_283 = vector.broadcast %broadcast_in_dim3A_282 : i32 to vector<16x1xi32>
        %gather3A_284 = vector.shape_cast %broadcast_in_dim3A_283 : vector<16x1xi32> to vector<16xi32>
        %gather3A_285 = tpu.dynamic_gather %get3A_223[%gather3A_284] in [0] : vector<16xf32>, vector<16xi32> -> vector<16xf32>
        %get3A_286 = arith.index_cast %add3A_277 : i32 to index
        %get3A_287 = arith.constant 0 : index
        %get3A_288 = tpu.vector_load %arg21[%get3A_286, %get3A_287] {strides = array<i32>} : memref<256x64xf32, #tpu.memory_space<vmem>>, vector<1x16xf32>,
        %get3A_289 = vector.shape_cast %get3A_288 : vector<1x16xf32> to vector<16xf32>
        %mul3A_290 = arith.mulf %get3A_289, %gather3A_285 : vector<16xf32>
        %add3A_291 = arith.addf %get3A_281, %mul3A_290 : vector<16xf32>
        %broadcast_in_dim3A_292 = arith.constant 5 : i32
        %broadcast_in_dim3A_293 = vector.broadcast %broadcast_in_dim3A_292 : i32 to vector<16x1xi32>
        %gather3A_294 = vector.shape_cast %broadcast_in_dim3A_293 : vector<16x1xi32> to vector<16xi32>
        %gather3A_295 = tpu.dynamic_gather %get3A_223[%gather3A_294] in [0] : vector<16xf32>, vector<16xi32> -> vector<16xf32>
        %get3A_296 = arith.index_cast %add3A_277 : i32 to index
        %get3A_297 = arith.constant 16 : index
        %get3A_298 = tpu.vector_load %arg21[%get3A_296, %get3A_297] {strides = array<i32>} : memref<256x64xf32, #tpu.memory_space<vmem>>, vector<1x16xf32>,
        %get3A_299 = vector.shape_cast %get3A_298 : vector<1x16xf32> to vector<16xf32>
        %mul3A_300 = arith.mulf %get3A_299, %gather3A_295 : vector<16xf32>
        %add3A_301 = arith.addf %add3A_291, %mul3A_300 : vector<16xf32>
        %broadcast_in_dim3A_302 = arith.constant 6 : i32
        %broadcast_in_dim3A_303 = vector.broadcast %broadcast_in_dim3A_302 : i32 to vector<16x1xi32>
        %gather3A_304 = vector.shape_cast %broadcast_in_dim3A_303 : vector<16x1xi32> to vector<16xi32>
        %gather3A_305 = tpu.dynamic_gather %get3A_223[%gather3A_304] in [0] : vector<16xf32>, vector<16xi32> -> vector<16xf32>
        %get3A_306 = arith.index_cast %add3A_277 : i32 to index
        %get3A_307 = arith.constant 32 : index
        %get3A_308 = tpu.vector_load %arg21[%get3A_306, %get3A_307] {strides = array<i32>} : memref<256x64xf32, #tpu.memory_space<vmem>>, vector<1x16xf32>,
        %get3A_309 = vector.shape_cast %get3A_308 : vector<1x16xf32> to vector<16xf32>
        %mul3A_310 = arith.mulf %get3A_309, %gather3A_305 : vector<16xf32>
        %add3A_311 = arith.addf %add3A_301, %mul3A_310 : vector<16xf32>
        %broadcast_in_dim3A_312 = arith.constant 7 : i32
        %broadcast_in_dim3A_313 = vector.broadcast %broadcast_in_dim3A_312 : i32 to vector<16x1xi32>
        %gather3A_314 = vector.shape_cast %broadcast_in_dim3A_313 : vector<16x1xi32> to vector<16xi32>
        %gather3A_315 = tpu.dynamic_gather %get3A_223[%gather3A_314] in [0] : vector<16xf32>, vector<16xi32> -> vector<16xf32>
        %get3A_316 = arith.index_cast %add3A_277 : i32 to index
        %get3A_317 = arith.constant 48 : index
        %get3A_318 = tpu.vector_load %arg21[%get3A_316, %get3A_317] {strides = array<i32>} : memref<256x64xf32, #tpu.memory_space<vmem>>, vector<1x16xf32>,
        %get3A_319 = vector.shape_cast %get3A_318 : vector<1x16xf32> to vector<16xf32>
        %mul3A_320 = arith.mulf %get3A_319, %gather3A_315 : vector<16xf32>
        %add3A_321 = arith.addf %add3A_311, %mul3A_320 : vector<16xf32>
        %swap3A_322 = arith.index_cast %add3A_277 : i32 to index
        %swap3A_323 = arith.constant 0 : index
        %swap3A_324 = tpu.vector_load %arg23[%swap3A_322, %swap3A_323] {strides = array<i32>} : memref<256x16xf32, #tpu.memory_space<vmem>>, vector<1x16xf32>,
        %swap3A_325 = vector.shape_cast %swap3A_324 : vector<1x16xf32> to vector<16xf32>
        %swap3A_326 = vector.shape_cast %add3A_321 : vector<16xf32> to vector<1x16xf32>
        tpu.vector_store %arg23[%swap3A_322, %swap3A_323], %swap3A_326 {strides = array<i32>} : memref<256x16xf32, #tpu.memory_space<vmem>>, vector<1x16xf32>,
        %mul3A_327 = arith.constant 4 : i32
        %mul3A_328 = arith.muli %mul3A_327, %scan3A_218 : i32
        %add3A_329 = arith.constant 2 : i32
        %add3A_330 = arith.addi %mul3A_328, %add3A_329 : i32
        %get3A_331 = arith.index_cast %add3A_330 : i32 to index
        %get3A_332 = arith.constant 0 : index
        %get3A_333 = tpu.vector_load %arg22[%get3A_331, %get3A_332] {strides = array<i32>} : memref<256x16xf32, #tpu.memory_space<vmem>>, vector<1x16xf32>,
        %get3A_334 = vector.shape_cast %get3A_333 : vector<1x16xf32> to vector<16xf32>
        %broadcast_in_dim3A_335 = arith.constant 8 : i32
        %broadcast_in_dim3A_336 = vector.broadcast %broadcast_in_dim3A_335 : i32 to vector<16x1xi32>
        %gather3A_337 = vector.shape_cast %broadcast_in_dim3A_336 : vector<16x1xi32> to vector<16xi32>
        %gather3A_338 = tpu.dynamic_gather %get3A_223[%gather3A_337] in [0] : vector<16xf32>, vector<16xi32> -> vector<16xf32>
        %get3A_339 = arith.index_cast %add3A_330 : i32 to index
        %get3A_340 = arith.constant 0 : index
        %get3A_341 = tpu.vector_load %arg21[%get3A_339, %get3A_340] {strides = array<i32>} : memref<256x64xf32, #tpu.memory_space<vmem>>, vector<1x16xf32>,
        %get3A_342 = vector.shape_cast %get3A_341 : vector<1x16xf32> to vector<16xf32>
        %mul3A_343 = arith.mulf %get3A_342, %gather3A_338 : vector<16xf32>
        %add3A_344 = arith.addf %get3A_334, %mul3A_343 : vector<16xf32>
        %broadcast_in_dim3A_345 = arith.constant 9 : i32
        %broadcast_in_dim3A_346 = vector.broadcast %broadcast_in_dim3A_345 : i32 to vector<16x1xi32>
        %gather3A_347 = vector.shape_cast %broadcast_in_dim3A_346 : vector<16x1xi32> to vector<16xi32>
        %gather3A_348 = tpu.dynamic_gather %get3A_223[%gather3A_347] in [0] : vector<16xf32>, vector<16xi32> -> vector<16xf32>
        %get3A_349 = arith.index_cast %add3A_330 : i32 to index
        %get3A_350 = arith.constant 16 : index
        %get3A_351 = tpu.vector_load %arg21[%get3A_349, %get3A_350] {strides = array<i32>} : memref<256x64xf32, #tpu.memory_space<vmem>>, vector<1x16xf32>,
        %get3A_352 = vector.shape_cast %get3A_351 : vector<1x16xf32> to vector<16xf32>
        %mul3A_353 = arith.mulf %get3A_352, %gather3A_348 : vector<16xf32>
        %add3A_354 = arith.addf %add3A_344, %mul3A_353 : vector<16xf32>
        %broadcast_in_dim3A_355 = arith.constant 10 : i32
        %broadcast_in_dim3A_356 = vector.broadcast %broadcast_in_dim3A_355 : i32 to vector<16x1xi32>
        %gather3A_357 = vector.shape_cast %broadcast_in_dim3A_356 : vector<16x1xi32> to vector<16xi32>
        %gather3A_358 = tpu.dynamic_gather %get3A_223[%gather3A_357] in [0] : vector<16xf32>, vector<16xi32> -> vector<16xf32>
        %get3A_359 = arith.index_cast %add3A_330 : i32 to index
        %get3A_360 = arith.constant 32 : index
        %get3A_361 = tpu.vector_load %arg21[%get3A_359, %get3A_360] {strides = array<i32>} : memref<256x64xf32, #tpu.memory_space<vmem>>, vector<1x16xf32>,
        %get3A_362 = vector.shape_cast %get3A_361 : vector<1x16xf32> to vector<16xf32>
        %mul3A_363 = arith.mulf %get3A_362, %gather3A_358 : vector<16xf32>
        %add3A_364 = arith.addf %add3A_354, %mul3A_363 : vector<16xf32>
        %broadcast_in_dim3A_365 = arith.constant 11 : i32
        %broadcast_in_dim3A_366 = vector.broadcast %broadcast_in_dim3A_365 : i32 to vector<16x1xi32>
        %gather3A_367 = vector.shape_cast %broadcast_in_dim3A_366 : vector<16x1xi32> to vector<16xi32>
        %gather3A_368 = tpu.dynamic_gather %get3A_223[%gather3A_367] in [0] : vector<16xf32>, vector<16xi32> -> vector<16xf32>
        %get3A_369 = arith.index_cast %add3A_330 : i32 to index
        %get3A_370 = arith.constant 48 : index
        %get3A_371 = tpu.vector_load %arg21[%get3A_369, %get3A_370] {strides = array<i32>} : memref<256x64xf32, #tpu.memory_space<vmem>>, vector<1x16xf32>,
        %get3A_372 = vector.shape_cast %get3A_371 : vector<1x16xf32> to vector<16xf32>
        %mul3A_373 = arith.mulf %get3A_372, %gather3A_368 : vector<16xf32>
        %add3A_374 = arith.addf %add3A_364, %mul3A_373 : vector<16xf32>
        %swap3A_375 = arith.index_cast %add3A_330 : i32 to index
        %swap3A_376 = arith.constant 0 : index
        %swap3A_377 = tpu.vector_load %arg23[%swap3A_375, %swap3A_376] {strides = array<i32>} : memref<256x16xf32, #tpu.memory_space<vmem>>, vector<1x16xf32>,
        %swap3A_378 = vector.shape_cast %swap3A_377 : vector<1x16xf32> to vector<16xf32>
        %swap3A_379 = vector.shape_cast %add3A_374 : vector<16xf32> to vector<1x16xf32>
        tpu.vector_store %arg23[%swap3A_375, %swap3A_376], %swap3A_379 {strides = array<i32>} : memref<256x16xf32, #tpu.memory_space<vmem>>, vector<1x16xf32>,
        %mul3A_380 = arith.constant 4 : i32
        %mul3A_381 = arith.muli %mul3A_380, %scan3A_218 : i32
        %add3A_382 = arith.constant 3 : i32
        %add3A_383 = arith.addi %mul3A_381, %add3A_382 : i32
        %get3A_384 = arith.index_cast %add3A_383 : i32 to index
        %get3A_385 = arith.constant 0 : index
        %get3A_386 = tpu.vector_load %arg22[%get3A_384, %get3A_385] {strides = array<i32>} : memref<256x16xf32, #tpu.memory_space<vmem>>, vector<1x16xf32>,
        %get3A_387 = vector.shape_cast %get3A_386 : vector<1x16xf32> to vector<16xf32>
        %broadcast_in_dim3A_388 = arith.constant 12 : i32
        %broadcast_in_dim3A_389 = vector.broadcast %broadcast_in_dim3A_388 : i32 to vector<16x1xi32>
        %gather3A_390 = vector.shape_cast %broadcast_in_dim3A_389 : vector<16x1xi32> to vector<16xi32>
        %gather3A_391 = tpu.dynamic_gather %get3A_223[%gather3A_390] in [0] : vector<16xf32>, vector<16xi32> -> vector<16xf32>
        %get3A_392 = arith.index_cast %add3A_383 : i32 to index
        %get3A_393 = arith.constant 0 : index
        %get3A_394 = tpu.vector_load %arg21[%get3A_392, %get3A_393] {strides = array<i32>} : memref<256x64xf32, #tpu.memory_space<vmem>>, vector<1x16xf32>,
        %get3A_395 = vector.shape_cast %get3A_394 : vector<1x16xf32> to vector<16xf32>
        %mul3A_396 = arith.mulf %get3A_395, %gather3A_391 : vector<16xf32>
        %add3A_397 = arith.addf %get3A_387, %mul3A_396 : vector<16xf32>
        %broadcast_in_dim3A_398 = arith.constant 13 : i32
        %broadcast_in_dim3A_399 = vector.broadcast %broadcast_in_dim3A_398 : i32 to vector<16x1xi32>
        %gather3A_400 = vector.shape_cast %broadcast_in_dim3A_399 : vector<16x1xi32> to vector<16xi32>
        %gather3A_401 = tpu.dynamic_gather %get3A_223[%gather3A_400] in [0] : vector<16xf32>, vector<16xi32> -> vector<16xf32>
        %get3A_402 = arith.index_cast %add3A_383 : i32 to index
        %get3A_403 = arith.constant 16 : index
        %get3A_404 = tpu.vector_load %arg21[%get3A_402, %get3A_403] {strides = array<i32>} : memref<256x64xf32, #tpu.memory_space<vmem>>, vector<1x16xf32>,
        %get3A_405 = vector.shape_cast %get3A_404 : vector<1x16xf32> to vector<16xf32>
        %mul3A_406 = arith.mulf %get3A_405, %gather3A_401 : vector<16xf32>
        %add3A_407 = arith.addf %add3A_397, %mul3A_406 : vector<16xf32>
        %broadcast_in_dim3A_408 = arith.constant 14 : i32
        %broadcast_in_dim3A_409 = vector.broadcast %broadcast_in_dim3A_408 : i32 to vector<16x1xi32>
        %gather3A_410 = vector.shape_cast %broadcast_in_dim3A_409 : vector<16x1xi32> to vector<16xi32>
        %gather3A_411 = tpu.dynamic_gather %get3A_223[%gather3A_410] in [0] : vector<16xf32>, vector<16xi32> -> vector<16xf32>
        %get3A_412 = arith.index_cast %add3A_383 : i32 to index
        %get3A_413 = arith.constant 32 : index
        %get3A_414 = tpu.vector_load %arg21[%get3A_412, %get3A_413] {strides = array<i32>} : memref<256x64xf32, #tpu.memory_space<vmem>>, vector<1x16xf32>,
        %get3A_415 = vector.shape_cast %get3A_414 : vector<1x16xf32> to vector<16xf32>
        %mul3A_416 = arith.mulf %get3A_415, %gather3A_411 : vector<16xf32>
        %add3A_417 = arith.addf %add3A_407, %mul3A_416 : vector<16xf32>
        %broadcast_in_dim3A_418 = arith.constant 15 : i32
        %broadcast_in_dim3A_419 = vector.broadcast %broadcast_in_dim3A_418 : i32 to vector<16x1xi32>
        %gather3A_420 = vector.shape_cast %broadcast_in_dim3A_419 : vector<16x1xi32> to vector<16xi32>
        %gather3A_421 = tpu.dynamic_gather %get3A_223[%gather3A_420] in [0] : vector<16xf32>, vector<16xi32> -> vector<16xf32>
        %get3A_422 = arith.index_cast %add3A_383 : i32 to index
        %get3A_423 = arith.constant 48 : index
        %get3A_424 = tpu.vector_load %arg21[%get3A_422, %get3A_423] {strides = array<i32>} : memref<256x64xf32, #tpu.memory_space<vmem>>, vector<1x16xf32>,
        %get3A_425 = vector.shape_cast %get3A_424 : vector<1x16xf32> to vector<16xf32>
        %mul3A_426 = arith.mulf %get3A_425, %gather3A_421 : vector<16xf32>
        %add3A_427 = arith.addf %add3A_417, %mul3A_426 : vector<16xf32>
        %swap3A_428 = arith.index_cast %add3A_383 : i32 to index
        %swap3A_429 = arith.constant 0 : index
        %swap3A_430 = tpu.vector_load %arg23[%swap3A_428, %swap3A_429] {strides = array<i32>} : memref<256x16xf32, #tpu.memory_space<vmem>>, vector<1x16xf32>,
        %swap3A_431 = vector.shape_cast %swap3A_430 : vector<1x16xf32> to vector<16xf32>
        %swap3A_432 = vector.shape_cast %add3A_427 : vector<16xf32> to vector<1x16xf32>
        tpu.vector_store %arg23[%swap3A_428, %swap3A_429], %swap3A_432 {strides = array<i32>} : memref<256x16xf32, #tpu.memory_space<vmem>>, vector<1x16xf32>,
        %scan3A_433 = arith.constant 0 : i32
        scf.yield %scan3A_433 : i32
      }
      %scan3A_212 = arith.constant 64 : i32
      %mul3A_213 = arith.constant 10240 : i32
      %mul3A_214 = arith.muli %arg1, %mul3A_213 : i32
      %add3A_215 = arith.addi %mul3A_0, %mul3A_214 : i32
      %add3A_216 = arith.addi %add3A_215, %mul3A_165 : i32
      "tpu.region"() ({
        %run_scoped3A_218 = tpu.sem_alloc : memref<!tpu.dma_semaphore, #tpu.memory_space<semaphore_mem>>
        %dma_start3A_219 = arith.constant 0 : i32
        %dma_start3A_220 = tpu.memref_slice %arg13[%add3A_216, %dma_start3A_219] : memref<329680x16xf32, #tpu.memory_space<hbm>> -> memref<256x16xf32, #tpu.memory_space<hbm>>
        %dma_start3A_221 = arith.constant 0 : i32
        %dma_start3A_222 = tpu.memref_slice %arg13[%add3A_216, %dma_start3A_221] : memref<329680x16xf32, #tpu.memory_space<hbm>> -> memref<256x16xf32, #tpu.memory_space<hbm>>
        tpu.enqueue_dma source(%arg23 : memref<256x16xf32, #tpu.memory_space<vmem>>) target(%dma_start3A_222 : memref<256x16xf32, #tpu.memory_space<hbm>>) target_semaphore(%run_scoped3A_218 : memref<!tpu.dma_semaphore, #tpu.memory_space<semaphore_mem>>)
        %dma_wait3A_223 = arith.constant 0 : i32
        %dma_wait3A_224 = tpu.memref_slice %arg13[%add3A_216, %dma_wait3A_223] : memref<329680x16xf32, #tpu.memory_space<hbm>> -> memref<256x16xf32, #tpu.memory_space<hbm>>
        %dma_wait3A_225 = arith.constant 0 : i32
        %dma_wait3A_226 = tpu.memref_slice %arg13[%add3A_216, %dma_wait3A_225] : memref<329680x16xf32, #tpu.memory_space<hbm>> -> memref<256x16xf32, #tpu.memory_space<hbm>>
        tpu.wait_dma2 semaphore(%run_scoped3A_218 : memref<!tpu.dma_semaphore, #tpu.memory_space<semaphore_mem>>) src(%arg23 : memref<256x16xf32, #tpu.memory_space<vmem>>) dst(%dma_wait3A_226 : memref<256x16xf32, #tpu.memory_space<hbm>>)
        tpu.yield
      }) : () -> ()
      %scan3A_217 = arith.constant 0 : i32
      scf.yield %scan3A_217 : i32
    }
    %scan3A_140 = arith.constant 40 : i32
    %barrier3A_141 = arith.constant 0 : index
    tpu.barrier barrier_id(%barrier3A_141)
    %eq3A_142 = arith.constant 0 : i32
    %eq3A_143 = arith.cmpi eq, %arg1, %eq3A_142 : i32
    %convert_element_type3A_144 = arith.extui %eq3A_143 : i1 to i32
    %cond3A_145 = arith.constant 0 : i32
    %cond3A_146 = arith.cmpi ne, %convert_element_type3A_144, %cond3A_145 : i32
    scf.if %cond3A_146 {
      %add3A_162 = arith.constant 160000 : i32
      %add3A_163 = arith.addi %mul3A_0, %add3A_162 : i32
      %add3A_164 = arith.constant 0 : i32
      %add3A_165 = arith.addi %add3A_163, %add3A_164 : i32
      "tpu.region"() ({
        %run_scoped3A_173 = tpu.sem_alloc : memref<!tpu.dma_semaphore, #tpu.memory_space<semaphore_mem>>
        %dma_start3A_174 = arith.constant 0 : i32
        %dma_start3A_175 = arith.constant 0 : i32
        %dma_start3A_176 = tpu.memref_slice %arg18[%dma_start3A_174, %dma_start3A_175] : memref<256x16xf32, #tpu.memory_space<vmem>> -> memref<256x16xf32, #tpu.memory_space<vmem>>
        %dma_start3A_177 = arith.constant 0 : i32
        %dma_start3A_178 = tpu.memref_slice %arg13[%add3A_165, %dma_start3A_177] : memref<329680x16xf32, #tpu.memory_space<hbm>> -> memref<256x16xf32, #tpu.memory_space<hbm>>
        %dma_start3A_179 = arith.constant 0 : i32
        %dma_start3A_180 = arith.constant 0 : i32
        %dma_start3A_181 = tpu.memref_slice %arg18[%dma_start3A_179, %dma_start3A_180] : memref<256x16xf32, #tpu.memory_space<vmem>> -> memref<256x16xf32, #tpu.memory_space<vmem>>
        %dma_start3A_182 = arith.constant 0 : i32
        %dma_start3A_183 = tpu.memref_slice %arg13[%add3A_165, %dma_start3A_182] : memref<329680x16xf32, #tpu.memory_space<hbm>> -> memref<256x16xf32, #tpu.memory_space<hbm>>
        tpu.enqueue_dma source(%dma_start3A_183 : memref<256x16xf32, #tpu.memory_space<hbm>>) target(%dma_start3A_181 : memref<256x16xf32, #tpu.memory_space<vmem>>) target_semaphore(%run_scoped3A_173 : memref<!tpu.dma_semaphore, #tpu.memory_space<semaphore_mem>>)
        %dma_wait3A_184 = arith.constant 0 : i32
        %dma_wait3A_185 = arith.constant 0 : i32
        %dma_wait3A_186 = tpu.memref_slice %arg18[%dma_wait3A_184, %dma_wait3A_185] : memref<256x16xf32, #tpu.memory_space<vmem>> -> memref<256x16xf32, #tpu.memory_space<vmem>>
        %dma_wait3A_187 = arith.constant 0 : i32
        %dma_wait3A_188 = tpu.memref_slice %arg13[%add3A_165, %dma_wait3A_187] : memref<329680x16xf32, #tpu.memory_space<hbm>> -> memref<256x16xf32, #tpu.memory_space<hbm>>
        %dma_wait3A_189 = arith.constant 0 : i32
        %dma_wait3A_190 = arith.constant 0 : i32
        %dma_wait3A_191 = tpu.memref_slice %arg18[%dma_wait3A_189, %dma_wait3A_190] : memref<256x16xf32, #tpu.memory_space<vmem>> -> memref<256x16xf32, #tpu.memory_space<vmem>>
        %dma_wait3A_192 = arith.constant 0 : i32
        %dma_wait3A_193 = tpu.memref_slice %arg13[%add3A_165, %dma_wait3A_192] : memref<329680x16xf32, #tpu.memory_space<hbm>> -> memref<256x16xf32, #tpu.memory_space<hbm>>
        tpu.wait_dma2 semaphore(%run_scoped3A_173 : memref<!tpu.dma_semaphore, #tpu.memory_space<semaphore_mem>>) src(%dma_wait3A_193 : memref<256x16xf32, #tpu.memory_space<hbm>>) dst(%dma_wait3A_191 : memref<256x16xf32, #tpu.memory_space<vmem>>)
        tpu.yield
      }) : () -> ()
      %scan3A_166 = arith.constant 0 : i32
      %scan3A_167 = arith.constant 0 : i32
      %scan3A_168 = arith.constant 128 : i32
      %scan3A_169 = arith.addi %scan3A_167, %scan3A_168 : i32
      %scan3A_170 = arith.constant 1 : i32
      %scan3A_171 = scf.for %scan3A_173 = %scan3A_167 to %scan3A_169 step %scan3A_170 iter_args(%scan3A_174 = %scan3A_166) -> (i32)  : i32 {
        %mul3A_175 = arith.constant 2 : i32
        %mul3A_176 = arith.muli %mul3A_175, %scan3A_173 : i32
        %get3A = arith.index_cast %mul3A_176 : i32 to index
        %get3A_177 = arith.constant 0 : index
        %get3A_178 = tpu.vector_load %arg18[%get3A, %get3A_177] {strides = array<i32>} : memref<256x16xf32, #tpu.memory_space<vmem>>, vector<1x16xf32>,
        %get3A_179 = vector.shape_cast %get3A_178 : vector<1x16xf32> to vector<16xf32>
        %mul3A_180 = arith.constant 2 : i32
        %mul3A_181 = arith.muli %mul3A_180, %scan3A_173 : i32
        %add3A_182 = arith.constant 1 : i32
        %add3A_183 = arith.addi %mul3A_181, %add3A_182 : i32
        %get3A_184 = arith.index_cast %add3A_183 : i32 to index
        %get3A_185 = arith.constant 0 : index
        %get3A_186 = tpu.vector_load %arg18[%get3A_184, %get3A_185] {strides = array<i32>} : memref<256x16xf32, #tpu.memory_space<vmem>>, vector<1x16xf32>,
        %get3A_187 = vector.shape_cast %get3A_186 : vector<1x16xf32> to vector<16xf32>
        %add3A_188 = arith.addf %get3A_179, %get3A_187 : vector<16xf32>
        %mul3A_189 = arith.constant 5.000000e-01 : f32
        %mul3A_190 = vector.broadcast %mul3A_189 : f32 to vector<16xf32>
        %mul3A_191 = arith.mulf %add3A_188, %mul3A_190 : vector<16xf32>
        %swap3A = arith.index_cast %scan3A_173 : i32 to index
        %swap3A_192 = arith.constant 0 : index
        %swap3A_193 = tpu.vector_load %arg23[%swap3A, %swap3A_192] {strides = array<i32>} : memref<256x16xf32, #tpu.memory_space<vmem>>, vector<1x16xf32>,
        %swap3A_194 = vector.shape_cast %swap3A_193 : vector<1x16xf32> to vector<16xf32>
        %swap3A_195 = vector.shape_cast %mul3A_191 : vector<16xf32> to vector<1x16xf32>
        tpu.vector_store %arg23[%swap3A, %swap3A_192], %swap3A_195 {strides = array<i32>} : memref<256x16xf32, #tpu.memory_space<vmem>>, vector<1x16xf32>,
        %scan3A_196 = arith.constant 0 : i32
        scf.yield %scan3A_196 : i32
      }
      %scan3A_172 = arith.constant 128 : i32
      "tpu.region"() ({
        %run_scoped3A_173 = tpu.sem_alloc : memref<!tpu.dma_semaphore, #tpu.memory_space<semaphore_mem>>
        %dma_start3A_174 = arith.constant 0 : i32
        %dma_start3A_175 = arith.constant 0 : i32
        %dma_start3A_176 = tpu.memref_slice %arg23[%dma_start3A_174, %dma_start3A_175] : memref<256x16xf32, #tpu.memory_space<vmem>> -> memref<128x16xf32, #tpu.memory_space<vmem>>
        %dma_start3A_177 = arith.constant 0 : i32
        %dma_start3A_178 = arith.constant 0 : i32
        %dma_start3A_179 = tpu.memref_slice %arg12[%arg0, %dma_start3A_177, %dma_start3A_178] : memref<2x500x16xf32, #tpu.memory_space<hbm>> -> memref<1x128x16xf32, #tpu.memory_space<hbm>>
        %dma_start3A_180 = tpu.memref_squeeze %dma_start3A_179 : memref<1x128x16xf32, #tpu.memory_space<hbm>> -> memref<128x16xf32, #tpu.memory_space<hbm>>
        %dma_start3A_181 = arith.constant 0 : i32
        %dma_start3A_182 = arith.constant 0 : i32
        %dma_start3A_183 = tpu.memref_slice %arg12[%arg0, %dma_start3A_181, %dma_start3A_182] : memref<2x500x16xf32, #tpu.memory_space<hbm>> -> memref<1x128x16xf32, #tpu.memory_space<hbm>>
        %dma_start3A_184 = tpu.memref_squeeze %dma_start3A_183 : memref<1x128x16xf32, #tpu.memory_space<hbm>> -> memref<128x16xf32, #tpu.memory_space<hbm>>
        %dma_start3A_185 = arith.constant 0 : i32
        %dma_start3A_186 = arith.constant 0 : i32
        %dma_start3A_187 = tpu.memref_slice %arg23[%dma_start3A_185, %dma_start3A_186] : memref<256x16xf32, #tpu.memory_space<vmem>> -> memref<128x16xf32, #tpu.memory_space<vmem>>
        tpu.enqueue_dma source(%dma_start3A_187 : memref<128x16xf32, #tpu.memory_space<vmem>>) target(%dma_start3A_184 : memref<128x16xf32, #tpu.memory_space<hbm>>) target_semaphore(%run_scoped3A_173 : memref<!tpu.dma_semaphore, #tpu.memory_space<semaphore_mem>>)
        %dma_wait3A_188 = arith.constant 0 : i32
        %dma_wait3A_189 = arith.constant 0 : i32
        %dma_wait3A_190 = tpu.memref_slice %arg23[%dma_wait3A_188, %dma_wait3A_189] : memref<256x16xf32, #tpu.memory_space<vmem>> -> memref<128x16xf32, #tpu.memory_space<vmem>>
        %dma_wait3A_191 = arith.constant 0 : i32
        %dma_wait3A_192 = arith.constant 0 : i32
        %dma_wait3A_193 = tpu.memref_slice %arg12[%arg0, %dma_wait3A_191, %dma_wait3A_192] : memref<2x500x16xf32, #tpu.memory_space<hbm>> -> memref<1x128x16xf32, #tpu.memory_space<hbm>>
        %dma_wait3A_194 = tpu.memref_squeeze %dma_wait3A_193 : memref<1x128x16xf32, #tpu.memory_space<hbm>> -> memref<128x16xf32, #tpu.memory_space<hbm>>
        %dma_wait3A_195 = arith.constant 0 : i32
        %dma_wait3A_196 = arith.constant 0 : i32
        %dma_wait3A_197 = tpu.memref_slice %arg12[%arg0, %dma_wait3A_195, %dma_wait3A_196] : memref<2x500x16xf32, #tpu.memory_space<hbm>> -> memref<1x128x16xf32, #tpu.memory_space<hbm>>
        %dma_wait3A_198 = tpu.memref_squeeze %dma_wait3A_197 : memref<1x128x16xf32, #tpu.memory_space<hbm>> -> memref<128x16xf32, #tpu.memory_space<hbm>>
        %dma_wait3A_199 = arith.constant 0 : i32
        %dma_wait3A_200 = arith.constant 0 : i32
        %dma_wait3A_201 = tpu.memref_slice %arg23[%dma_wait3A_199, %dma_wait3A_200] : memref<256x16xf32, #tpu.memory_space<vmem>> -> memref<128x16xf32, #tpu.memory_space<vmem>>
        tpu.wait_dma2 semaphore(%run_scoped3A_173 : memref<!tpu.dma_semaphore, #tpu.memory_space<semaphore_mem>>) src(%dma_wait3A_201 : memref<128x16xf32, #tpu.memory_space<vmem>>) dst(%dma_wait3A_198 : memref<128x16xf32, #tpu.memory_space<hbm>>)
        tpu.yield
      }) : () -> ()
    } else {
    }
    %eq3A_147 = arith.constant 1 : i32
    %eq3A_148 = arith.cmpi eq, %arg1, %eq3A_147 : i32
    %convert_element_type3A_149 = arith.extui %eq3A_148 : i1 to i32
    %cond3A_150 = arith.constant 0 : i32
    %cond3A_151 = arith.cmpi ne, %convert_element_type3A_149, %cond3A_150 : i32
    scf.if %cond3A_151 {
      %add3A_162 = arith.constant 160000 : i32
      %add3A_163 = arith.addi %mul3A_0, %add3A_162 : i32
      %add3A_164 = arith.constant 256 : i32
      %add3A_165 = arith.addi %add3A_163, %add3A_164 : i32
      "tpu.region"() ({
        %run_scoped3A_173 = tpu.sem_alloc : memref<!tpu.dma_semaphore, #tpu.memory_space<semaphore_mem>>
        %dma_start3A_174 = arith.constant 0 : i32
        %dma_start3A_175 = arith.constant 0 : i32
        %dma_start3A_176 = tpu.memref_slice %arg18[%dma_start3A_174, %dma_start3A_175] : memref<256x16xf32, #tpu.memory_space<vmem>> -> memref<256x16xf32, #tpu.memory_space<vmem>>
        %dma_start3A_177 = arith.constant 0 : i32
        %dma_start3A_178 = tpu.memref_slice %arg13[%add3A_165, %dma_start3A_177] : memref<329680x16xf32, #tpu.memory_space<hbm>> -> memref<256x16xf32, #tpu.memory_space<hbm>>
        %dma_start3A_179 = arith.constant 0 : i32
        %dma_start3A_180 = arith.constant 0 : i32
        %dma_start3A_181 = tpu.memref_slice %arg18[%dma_start3A_179, %dma_start3A_180] : memref<256x16xf32, #tpu.memory_space<vmem>> -> memref<256x16xf32, #tpu.memory_space<vmem>>
        %dma_start3A_182 = arith.constant 0 : i32
        %dma_start3A_183 = tpu.memref_slice %arg13[%add3A_165, %dma_start3A_182] : memref<329680x16xf32, #tpu.memory_space<hbm>> -> memref<256x16xf32, #tpu.memory_space<hbm>>
        tpu.enqueue_dma source(%dma_start3A_183 : memref<256x16xf32, #tpu.memory_space<hbm>>) target(%dma_start3A_181 : memref<256x16xf32, #tpu.memory_space<vmem>>) target_semaphore(%run_scoped3A_173 : memref<!tpu.dma_semaphore, #tpu.memory_space<semaphore_mem>>)
        %dma_wait3A_184 = arith.constant 0 : i32
        %dma_wait3A_185 = arith.constant 0 : i32
        %dma_wait3A_186 = tpu.memref_slice %arg18[%dma_wait3A_184, %dma_wait3A_185] : memref<256x16xf32, #tpu.memory_space<vmem>> -> memref<256x16xf32, #tpu.memory_space<vmem>>
        %dma_wait3A_187 = arith.constant 0 : i32
        %dma_wait3A_188 = tpu.memref_slice %arg13[%add3A_165, %dma_wait3A_187] : memref<329680x16xf32, #tpu.memory_space<hbm>> -> memref<256x16xf32, #tpu.memory_space<hbm>>
        %dma_wait3A_189 = arith.constant 0 : i32
        %dma_wait3A_190 = arith.constant 0 : i32
        %dma_wait3A_191 = tpu.memref_slice %arg18[%dma_wait3A_189, %dma_wait3A_190] : memref<256x16xf32, #tpu.memory_space<vmem>> -> memref<256x16xf32, #tpu.memory_space<vmem>>
        %dma_wait3A_192 = arith.constant 0 : i32
        %dma_wait3A_193 = tpu.memref_slice %arg13[%add3A_165, %dma_wait3A_192] : memref<329680x16xf32, #tpu.memory_space<hbm>> -> memref<256x16xf32, #tpu.memory_space<hbm>>
        tpu.wait_dma2 semaphore(%run_scoped3A_173 : memref<!tpu.dma_semaphore, #tpu.memory_space<semaphore_mem>>) src(%dma_wait3A_193 : memref<256x16xf32, #tpu.memory_space<hbm>>) dst(%dma_wait3A_191 : memref<256x16xf32, #tpu.memory_space<vmem>>)
        tpu.yield
      }) : () -> ()
      %scan3A_166 = arith.constant 0 : i32
      %scan3A_167 = arith.constant 0 : i32
      %scan3A_168 = arith.constant 128 : i32
      %scan3A_169 = arith.addi %scan3A_167, %scan3A_168 : i32
      %scan3A_170 = arith.constant 1 : i32
      %scan3A_171 = scf.for %scan3A_173 = %scan3A_167 to %scan3A_169 step %scan3A_170 iter_args(%scan3A_174 = %scan3A_166) -> (i32)  : i32 {
        %mul3A_175 = arith.constant 2 : i32
        %mul3A_176 = arith.muli %mul3A_175, %scan3A_173 : i32
        %get3A = arith.index_cast %mul3A_176 : i32 to index
        %get3A_177 = arith.constant 0 : index
        %get3A_178 = tpu.vector_load %arg18[%get3A, %get3A_177] {strides = array<i32>} : memref<256x16xf32, #tpu.memory_space<vmem>>, vector<1x16xf32>,
        %get3A_179 = vector.shape_cast %get3A_178 : vector<1x16xf32> to vector<16xf32>
        %mul3A_180 = arith.constant 2 : i32
        %mul3A_181 = arith.muli %mul3A_180, %scan3A_173 : i32
        %add3A_182 = arith.constant 1 : i32
        %add3A_183 = arith.addi %mul3A_181, %add3A_182 : i32
        %get3A_184 = arith.index_cast %add3A_183 : i32 to index
        %get3A_185 = arith.constant 0 : index
        %get3A_186 = tpu.vector_load %arg18[%get3A_184, %get3A_185] {strides = array<i32>} : memref<256x16xf32, #tpu.memory_space<vmem>>, vector<1x16xf32>,
        %get3A_187 = vector.shape_cast %get3A_186 : vector<1x16xf32> to vector<16xf32>
        %add3A_188 = arith.addf %get3A_179, %get3A_187 : vector<16xf32>
        %mul3A_189 = arith.constant 5.000000e-01 : f32
        %mul3A_190 = vector.broadcast %mul3A_189 : f32 to vector<16xf32>
        %mul3A_191 = arith.mulf %add3A_188, %mul3A_190 : vector<16xf32>
        %swap3A = arith.index_cast %scan3A_173 : i32 to index
        %swap3A_192 = arith.constant 0 : index
        %swap3A_193 = tpu.vector_load %arg23[%swap3A, %swap3A_192] {strides = array<i32>} : memref<256x16xf32, #tpu.memory_space<vmem>>, vector<1x16xf32>,
        %swap3A_194 = vector.shape_cast %swap3A_193 : vector<1x16xf32> to vector<16xf32>
        %swap3A_195 = vector.shape_cast %mul3A_191 : vector<16xf32> to vector<1x16xf32>
        tpu.vector_store %arg23[%swap3A, %swap3A_192], %swap3A_195 {strides = array<i32>} : memref<256x16xf32, #tpu.memory_space<vmem>>, vector<1x16xf32>,
        %scan3A_196 = arith.constant 0 : i32
        scf.yield %scan3A_196 : i32
      }
      %scan3A_172 = arith.constant 128 : i32
      "tpu.region"() ({
        %run_scoped3A_173 = tpu.sem_alloc : memref<!tpu.dma_semaphore, #tpu.memory_space<semaphore_mem>>
        %dma_start3A_174 = arith.constant 0 : i32
        %dma_start3A_175 = arith.constant 0 : i32
        %dma_start3A_176 = tpu.memref_slice %arg23[%dma_start3A_174, %dma_start3A_175] : memref<256x16xf32, #tpu.memory_space<vmem>> -> memref<128x16xf32, #tpu.memory_space<vmem>>
        %dma_start3A_177 = arith.constant 128 : i32
        %dma_start3A_178 = arith.constant 0 : i32
        %dma_start3A_179 = tpu.memref_slice %arg12[%arg0, %dma_start3A_177, %dma_start3A_178] : memref<2x500x16xf32, #tpu.memory_space<hbm>> -> memref<1x128x16xf32, #tpu.memory_space<hbm>>
        %dma_start3A_180 = tpu.memref_squeeze %dma_start3A_179 : memref<1x128x16xf32, #tpu.memory_space<hbm>> -> memref<128x16xf32, #tpu.memory_space<hbm>>
        %dma_start3A_181 = arith.constant 128 : i32
        %dma_start3A_182 = arith.constant 0 : i32
        %dma_start3A_183 = tpu.memref_slice %arg12[%arg0, %dma_start3A_181, %dma_start3A_182] : memref<2x500x16xf32, #tpu.memory_space<hbm>> -> memref<1x128x16xf32, #tpu.memory_space<hbm>>
        %dma_start3A_184 = tpu.memref_squeeze %dma_start3A_183 : memref<1x128x16xf32, #tpu.memory_space<hbm>> -> memref<128x16xf32, #tpu.memory_space<hbm>>
        %dma_start3A_185 = arith.constant 0 : i32
        %dma_start3A_186 = arith.constant 0 : i32
        %dma_start3A_187 = tpu.memref_slice %arg23[%dma_start3A_185, %dma_start3A_186] : memref<256x16xf32, #tpu.memory_space<vmem>> -> memref<128x16xf32, #tpu.memory_space<vmem>>
        tpu.enqueue_dma source(%dma_start3A_187 : memref<128x16xf32, #tpu.memory_space<vmem>>) target(%dma_start3A_184 : memref<128x16xf32, #tpu.memory_space<hbm>>) target_semaphore(%run_scoped3A_173 : memref<!tpu.dma_semaphore, #tpu.memory_space<semaphore_mem>>)
        %dma_wait3A_188 = arith.constant 0 : i32
        %dma_wait3A_189 = arith.constant 0 : i32
        %dma_wait3A_190 = tpu.memref_slice %arg23[%dma_wait3A_188, %dma_wait3A_189] : memref<256x16xf32, #tpu.memory_space<vmem>> -> memref<128x16xf32, #tpu.memory_space<vmem>>
        %dma_wait3A_191 = arith.constant 128 : i32
        %dma_wait3A_192 = arith.constant 0 : i32
        %dma_wait3A_193 = tpu.memref_slice %arg12[%arg0, %dma_wait3A_191, %dma_wait3A_192] : memref<2x500x16xf32, #tpu.memory_space<hbm>> -> memref<1x128x16xf32, #tpu.memory_space<hbm>>
        %dma_wait3A_194 = tpu.memref_squeeze %dma_wait3A_193 : memref<1x128x16xf32, #tpu.memory_space<hbm>> -> memref<128x16xf32, #tpu.memory_space<hbm>>
        %dma_wait3A_195 = arith.constant 128 : i32
        %dma_wait3A_196 = arith.constant 0 : i32
        %dma_wait3A_197 = tpu.memref_slice %arg12[%arg0, %dma_wait3A_195, %dma_wait3A_196] : memref<2x500x16xf32, #tpu.memory_space<hbm>> -> memref<1x128x16xf32, #tpu.memory_space<hbm>>
        %dma_wait3A_198 = tpu.memref_squeeze %dma_wait3A_197 : memref<1x128x16xf32, #tpu.memory_space<hbm>> -> memref<128x16xf32, #tpu.memory_space<hbm>>
        %dma_wait3A_199 = arith.constant 0 : i32
        %dma_wait3A_200 = arith.constant 0 : i32
        %dma_wait3A_201 = tpu.memref_slice %arg23[%dma_wait3A_199, %dma_wait3A_200] : memref<256x16xf32, #tpu.memory_space<vmem>> -> memref<128x16xf32, #tpu.memory_space<vmem>>
        tpu.wait_dma2 semaphore(%run_scoped3A_173 : memref<!tpu.dma_semaphore, #tpu.memory_space<semaphore_mem>>) src(%dma_wait3A_201 : memref<128x16xf32, #tpu.memory_space<vmem>>) dst(%dma_wait3A_198 : memref<128x16xf32, #tpu.memory_space<hbm>>)
        tpu.yield
      }) : () -> ()
    } else {
    }
    %eq3A_152 = arith.constant 2 : i32
    %eq3A_153 = arith.cmpi eq, %arg1, %eq3A_152 : i32
    %convert_element_type3A_154 = arith.extui %eq3A_153 : i1 to i32
    %cond3A_155 = arith.constant 0 : i32
    %cond3A_156 = arith.cmpi ne, %convert_element_type3A_154, %cond3A_155 : i32
    scf.if %cond3A_156 {
      %add3A_162 = arith.constant 160000 : i32
      %add3A_163 = arith.addi %mul3A_0, %add3A_162 : i32
      %add3A_164 = arith.constant 512 : i32
      %add3A_165 = arith.addi %add3A_163, %add3A_164 : i32
      "tpu.region"() ({
        %run_scoped3A_173 = tpu.sem_alloc : memref<!tpu.dma_semaphore, #tpu.memory_space<semaphore_mem>>
        %dma_start3A_174 = arith.constant 0 : i32
        %dma_start3A_175 = arith.constant 0 : i32
        %dma_start3A_176 = tpu.memref_slice %arg18[%dma_start3A_174, %dma_start3A_175] : memref<256x16xf32, #tpu.memory_space<vmem>> -> memref<256x16xf32, #tpu.memory_space<vmem>>
        %dma_start3A_177 = arith.constant 0 : i32
        %dma_start3A_178 = tpu.memref_slice %arg13[%add3A_165, %dma_start3A_177] : memref<329680x16xf32, #tpu.memory_space<hbm>> -> memref<256x16xf32, #tpu.memory_space<hbm>>
        %dma_start3A_179 = arith.constant 0 : i32
        %dma_start3A_180 = arith.constant 0 : i32
        %dma_start3A_181 = tpu.memref_slice %arg18[%dma_start3A_179, %dma_start3A_180] : memref<256x16xf32, #tpu.memory_space<vmem>> -> memref<256x16xf32, #tpu.memory_space<vmem>>
        %dma_start3A_182 = arith.constant 0 : i32
        %dma_start3A_183 = tpu.memref_slice %arg13[%add3A_165, %dma_start3A_182] : memref<329680x16xf32, #tpu.memory_space<hbm>> -> memref<256x16xf32, #tpu.memory_space<hbm>>
        tpu.enqueue_dma source(%dma_start3A_183 : memref<256x16xf32, #tpu.memory_space<hbm>>) target(%dma_start3A_181 : memref<256x16xf32, #tpu.memory_space<vmem>>) target_semaphore(%run_scoped3A_173 : memref<!tpu.dma_semaphore, #tpu.memory_space<semaphore_mem>>)
        %dma_wait3A_184 = arith.constant 0 : i32
        %dma_wait3A_185 = arith.constant 0 : i32
        %dma_wait3A_186 = tpu.memref_slice %arg18[%dma_wait3A_184, %dma_wait3A_185] : memref<256x16xf32, #tpu.memory_space<vmem>> -> memref<256x16xf32, #tpu.memory_space<vmem>>
        %dma_wait3A_187 = arith.constant 0 : i32
        %dma_wait3A_188 = tpu.memref_slice %arg13[%add3A_165, %dma_wait3A_187] : memref<329680x16xf32, #tpu.memory_space<hbm>> -> memref<256x16xf32, #tpu.memory_space<hbm>>
        %dma_wait3A_189 = arith.constant 0 : i32
        %dma_wait3A_190 = arith.constant 0 : i32
        %dma_wait3A_191 = tpu.memref_slice %arg18[%dma_wait3A_189, %dma_wait3A_190] : memref<256x16xf32, #tpu.memory_space<vmem>> -> memref<256x16xf32, #tpu.memory_space<vmem>>
        %dma_wait3A_192 = arith.constant 0 : i32
        %dma_wait3A_193 = tpu.memref_slice %arg13[%add3A_165, %dma_wait3A_192] : memref<329680x16xf32, #tpu.memory_space<hbm>> -> memref<256x16xf32, #tpu.memory_space<hbm>>
        tpu.wait_dma2 semaphore(%run_scoped3A_173 : memref<!tpu.dma_semaphore, #tpu.memory_space<semaphore_mem>>) src(%dma_wait3A_193 : memref<256x16xf32, #tpu.memory_space<hbm>>) dst(%dma_wait3A_191 : memref<256x16xf32, #tpu.memory_space<vmem>>)
        tpu.yield
      }) : () -> ()
      %scan3A_166 = arith.constant 0 : i32
      %scan3A_167 = arith.constant 0 : i32
      %scan3A_168 = arith.constant 128 : i32
      %scan3A_169 = arith.addi %scan3A_167, %scan3A_168 : i32
      %scan3A_170 = arith.constant 1 : i32
      %scan3A_171 = scf.for %scan3A_173 = %scan3A_167 to %scan3A_169 step %scan3A_170 iter_args(%scan3A_174 = %scan3A_166) -> (i32)  : i32 {
        %mul3A_175 = arith.constant 2 : i32
        %mul3A_176 = arith.muli %mul3A_175, %scan3A_173 : i32
        %get3A = arith.index_cast %mul3A_176 : i32 to index
        %get3A_177 = arith.constant 0 : index
        %get3A_178 = tpu.vector_load %arg18[%get3A, %get3A_177] {strides = array<i32>} : memref<256x16xf32, #tpu.memory_space<vmem>>, vector<1x16xf32>,
        %get3A_179 = vector.shape_cast %get3A_178 : vector<1x16xf32> to vector<16xf32>
        %mul3A_180 = arith.constant 2 : i32
        %mul3A_181 = arith.muli %mul3A_180, %scan3A_173 : i32
        %add3A_182 = arith.constant 1 : i32
        %add3A_183 = arith.addi %mul3A_181, %add3A_182 : i32
        %get3A_184 = arith.index_cast %add3A_183 : i32 to index
        %get3A_185 = arith.constant 0 : index
        %get3A_186 = tpu.vector_load %arg18[%get3A_184, %get3A_185] {strides = array<i32>} : memref<256x16xf32, #tpu.memory_space<vmem>>, vector<1x16xf32>,
        %get3A_187 = vector.shape_cast %get3A_186 : vector<1x16xf32> to vector<16xf32>
        %add3A_188 = arith.addf %get3A_179, %get3A_187 : vector<16xf32>
        %mul3A_189 = arith.constant 5.000000e-01 : f32
        %mul3A_190 = vector.broadcast %mul3A_189 : f32 to vector<16xf32>
        %mul3A_191 = arith.mulf %add3A_188, %mul3A_190 : vector<16xf32>
        %swap3A = arith.index_cast %scan3A_173 : i32 to index
        %swap3A_192 = arith.constant 0 : index
        %swap3A_193 = tpu.vector_load %arg23[%swap3A, %swap3A_192] {strides = array<i32>} : memref<256x16xf32, #tpu.memory_space<vmem>>, vector<1x16xf32>,
        %swap3A_194 = vector.shape_cast %swap3A_193 : vector<1x16xf32> to vector<16xf32>
        %swap3A_195 = vector.shape_cast %mul3A_191 : vector<16xf32> to vector<1x16xf32>
        tpu.vector_store %arg23[%swap3A, %swap3A_192], %swap3A_195 {strides = array<i32>} : memref<256x16xf32, #tpu.memory_space<vmem>>, vector<1x16xf32>,
        %scan3A_196 = arith.constant 0 : i32
        scf.yield %scan3A_196 : i32
      }
      %scan3A_172 = arith.constant 128 : i32
      "tpu.region"() ({
        %run_scoped3A_173 = tpu.sem_alloc : memref<!tpu.dma_semaphore, #tpu.memory_space<semaphore_mem>>
        %dma_start3A_174 = arith.constant 0 : i32
        %dma_start3A_175 = arith.constant 0 : i32
        %dma_start3A_176 = tpu.memref_slice %arg23[%dma_start3A_174, %dma_start3A_175] : memref<256x16xf32, #tpu.memory_space<vmem>> -> memref<128x16xf32, #tpu.memory_space<vmem>>
        %dma_start3A_177 = arith.constant 256 : i32
        %dma_start3A_178 = arith.constant 0 : i32
        %dma_start3A_179 = tpu.memref_slice %arg12[%arg0, %dma_start3A_177, %dma_start3A_178] : memref<2x500x16xf32, #tpu.memory_space<hbm>> -> memref<1x128x16xf32, #tpu.memory_space<hbm>>
        %dma_start3A_180 = tpu.memref_squeeze %dma_start3A_179 : memref<1x128x16xf32, #tpu.memory_space<hbm>> -> memref<128x16xf32, #tpu.memory_space<hbm>>
        %dma_start3A_181 = arith.constant 256 : i32
        %dma_start3A_182 = arith.constant 0 : i32
        %dma_start3A_183 = tpu.memref_slice %arg12[%arg0, %dma_start3A_181, %dma_start3A_182] : memref<2x500x16xf32, #tpu.memory_space<hbm>> -> memref<1x128x16xf32, #tpu.memory_space<hbm>>
        %dma_start3A_184 = tpu.memref_squeeze %dma_start3A_183 : memref<1x128x16xf32, #tpu.memory_space<hbm>> -> memref<128x16xf32, #tpu.memory_space<hbm>>
        %dma_start3A_185 = arith.constant 0 : i32
        %dma_start3A_186 = arith.constant 0 : i32
        %dma_start3A_187 = tpu.memref_slice %arg23[%dma_start3A_185, %dma_start3A_186] : memref<256x16xf32, #tpu.memory_space<vmem>> -> memref<128x16xf32, #tpu.memory_space<vmem>>
        tpu.enqueue_dma source(%dma_start3A_187 : memref<128x16xf32, #tpu.memory_space<vmem>>) target(%dma_start3A_184 : memref<128x16xf32, #tpu.memory_space<hbm>>) target_semaphore(%run_scoped3A_173 : memref<!tpu.dma_semaphore, #tpu.memory_space<semaphore_mem>>)
        %dma_wait3A_188 = arith.constant 0 : i32
        %dma_wait3A_189 = arith.constant 0 : i32
        %dma_wait3A_190 = tpu.memref_slice %arg23[%dma_wait3A_188, %dma_wait3A_189] : memref<256x16xf32, #tpu.memory_space<vmem>> -> memref<128x16xf32, #tpu.memory_space<vmem>>
        %dma_wait3A_191 = arith.constant 256 : i32
        %dma_wait3A_192 = arith.constant 0 : i32
        %dma_wait3A_193 = tpu.memref_slice %arg12[%arg0, %dma_wait3A_191, %dma_wait3A_192] : memref<2x500x16xf32, #tpu.memory_space<hbm>> -> memref<1x128x16xf32, #tpu.memory_space<hbm>>
        %dma_wait3A_194 = tpu.memref_squeeze %dma_wait3A_193 : memref<1x128x16xf32, #tpu.memory_space<hbm>> -> memref<128x16xf32, #tpu.memory_space<hbm>>
        %dma_wait3A_195 = arith.constant 256 : i32
        %dma_wait3A_196 = arith.constant 0 : i32
        %dma_wait3A_197 = tpu.memref_slice %arg12[%arg0, %dma_wait3A_195, %dma_wait3A_196] : memref<2x500x16xf32, #tpu.memory_space<hbm>> -> memref<1x128x16xf32, #tpu.memory_space<hbm>>
        %dma_wait3A_198 = tpu.memref_squeeze %dma_wait3A_197 : memref<1x128x16xf32, #tpu.memory_space<hbm>> -> memref<128x16xf32, #tpu.memory_space<hbm>>
        %dma_wait3A_199 = arith.constant 0 : i32
        %dma_wait3A_200 = arith.constant 0 : i32
        %dma_wait3A_201 = tpu.memref_slice %arg23[%dma_wait3A_199, %dma_wait3A_200] : memref<256x16xf32, #tpu.memory_space<vmem>> -> memref<128x16xf32, #tpu.memory_space<vmem>>
        tpu.wait_dma2 semaphore(%run_scoped3A_173 : memref<!tpu.dma_semaphore, #tpu.memory_space<semaphore_mem>>) src(%dma_wait3A_201 : memref<128x16xf32, #tpu.memory_space<vmem>>) dst(%dma_wait3A_198 : memref<128x16xf32, #tpu.memory_space<hbm>>)
        tpu.yield
      }) : () -> ()
    } else {
    }
    %eq3A_157 = arith.constant 3 : i32
    %eq3A_158 = arith.cmpi eq, %arg1, %eq3A_157 : i32
    %convert_element_type3A_159 = arith.extui %eq3A_158 : i1 to i32
    %cond3A_160 = arith.constant 0 : i32
    %cond3A_161 = arith.cmpi ne, %convert_element_type3A_159, %cond3A_160 : i32
    scf.if %cond3A_161 {
      %add3A_162 = arith.constant 160000 : i32
      %add3A_163 = arith.addi %mul3A_0, %add3A_162 : i32
      %add3A_164 = arith.constant 768 : i32
      %add3A_165 = arith.addi %add3A_163, %add3A_164 : i32
      "tpu.region"() ({
        %run_scoped3A_173 = tpu.sem_alloc : memref<!tpu.dma_semaphore, #tpu.memory_space<semaphore_mem>>
        %dma_start3A_174 = arith.constant 0 : i32
        %dma_start3A_175 = arith.constant 0 : i32
        %dma_start3A_176 = tpu.memref_slice %arg18[%dma_start3A_174, %dma_start3A_175] : memref<256x16xf32, #tpu.memory_space<vmem>> -> memref<232x16xf32, #tpu.memory_space<vmem>>
        %dma_start3A_177 = arith.constant 0 : i32
        %dma_start3A_178 = tpu.memref_slice %arg13[%add3A_165, %dma_start3A_177] : memref<329680x16xf32, #tpu.memory_space<hbm>> -> memref<232x16xf32, #tpu.memory_space<hbm>>
        %dma_start3A_179 = arith.constant 0 : i32
        %dma_start3A_180 = arith.constant 0 : i32
        %dma_start3A_181 = tpu.memref_slice %arg18[%dma_start3A_179, %dma_start3A_180] : memref<256x16xf32, #tpu.memory_space<vmem>> -> memref<232x16xf32, #tpu.memory_space<vmem>>
        %dma_start3A_182 = arith.constant 0 : i32
        %dma_start3A_183 = tpu.memref_slice %arg13[%add3A_165, %dma_start3A_182] : memref<329680x16xf32, #tpu.memory_space<hbm>> -> memref<232x16xf32, #tpu.memory_space<hbm>>
        tpu.enqueue_dma source(%dma_start3A_183 : memref<232x16xf32, #tpu.memory_space<hbm>>) target(%dma_start3A_181 : memref<232x16xf32, #tpu.memory_space<vmem>>) target_semaphore(%run_scoped3A_173 : memref<!tpu.dma_semaphore, #tpu.memory_space<semaphore_mem>>)
        %dma_wait3A_184 = arith.constant 0 : i32
        %dma_wait3A_185 = arith.constant 0 : i32
        %dma_wait3A_186 = tpu.memref_slice %arg18[%dma_wait3A_184, %dma_wait3A_185] : memref<256x16xf32, #tpu.memory_space<vmem>> -> memref<232x16xf32, #tpu.memory_space<vmem>>
        %dma_wait3A_187 = arith.constant 0 : i32
        %dma_wait3A_188 = tpu.memref_slice %arg13[%add3A_165, %dma_wait3A_187] : memref<329680x16xf32, #tpu.memory_space<hbm>> -> memref<232x16xf32, #tpu.memory_space<hbm>>
        %dma_wait3A_189 = arith.constant 0 : i32
        %dma_wait3A_190 = arith.constant 0 : i32
        %dma_wait3A_191 = tpu.memref_slice %arg18[%dma_wait3A_189, %dma_wait3A_190] : memref<256x16xf32, #tpu.memory_space<vmem>> -> memref<232x16xf32, #tpu.memory_space<vmem>>
        %dma_wait3A_192 = arith.constant 0 : i32
        %dma_wait3A_193 = tpu.memref_slice %arg13[%add3A_165, %dma_wait3A_192] : memref<329680x16xf32, #tpu.memory_space<hbm>> -> memref<232x16xf32, #tpu.memory_space<hbm>>
        tpu.wait_dma2 semaphore(%run_scoped3A_173 : memref<!tpu.dma_semaphore, #tpu.memory_space<semaphore_mem>>) src(%dma_wait3A_193 : memref<232x16xf32, #tpu.memory_space<hbm>>) dst(%dma_wait3A_191 : memref<232x16xf32, #tpu.memory_space<vmem>>)
        tpu.yield
      }) : () -> ()
      %scan3A_166 = arith.constant 0 : i32
      %scan3A_167 = arith.constant 0 : i32
      %scan3A_168 = arith.constant 116 : i32
      %scan3A_169 = arith.addi %scan3A_167, %scan3A_168 : i32
      %scan3A_170 = arith.constant 1 : i32
      %scan3A_171 = scf.for %scan3A_173 = %scan3A_167 to %scan3A_169 step %scan3A_170 iter_args(%scan3A_174 = %scan3A_166) -> (i32)  : i32 {
        %mul3A_175 = arith.constant 2 : i32
        %mul3A_176 = arith.muli %mul3A_175, %scan3A_173 : i32
        %get3A = arith.index_cast %mul3A_176 : i32 to index
        %get3A_177 = arith.constant 0 : index
        %get3A_178 = tpu.vector_load %arg18[%get3A, %get3A_177] {strides = array<i32>} : memref<256x16xf32, #tpu.memory_space<vmem>>, vector<1x16xf32>,
        %get3A_179 = vector.shape_cast %get3A_178 : vector<1x16xf32> to vector<16xf32>
        %mul3A_180 = arith.constant 2 : i32
        %mul3A_181 = arith.muli %mul3A_180, %scan3A_173 : i32
        %add3A_182 = arith.constant 1 : i32
        %add3A_183 = arith.addi %mul3A_181, %add3A_182 : i32
        %get3A_184 = arith.index_cast %add3A_183 : i32 to index
        %get3A_185 = arith.constant 0 : index
        %get3A_186 = tpu.vector_load %arg18[%get3A_184, %get3A_185] {strides = array<i32>} : memref<256x16xf32, #tpu.memory_space<vmem>>, vector<1x16xf32>,
        %get3A_187 = vector.shape_cast %get3A_186 : vector<1x16xf32> to vector<16xf32>
        %add3A_188 = arith.addf %get3A_179, %get3A_187 : vector<16xf32>
        %mul3A_189 = arith.constant 5.000000e-01 : f32
        %mul3A_190 = vector.broadcast %mul3A_189 : f32 to vector<16xf32>
        %mul3A_191 = arith.mulf %add3A_188, %mul3A_190 : vector<16xf32>
        %swap3A = arith.index_cast %scan3A_173 : i32 to index
        %swap3A_192 = arith.constant 0 : index
        %swap3A_193 = tpu.vector_load %arg23[%swap3A, %swap3A_192] {strides = array<i32>} : memref<256x16xf32, #tpu.memory_space<vmem>>, vector<1x16xf32>,
        %swap3A_194 = vector.shape_cast %swap3A_193 : vector<1x16xf32> to vector<16xf32>
        %swap3A_195 = vector.shape_cast %mul3A_191 : vector<16xf32> to vector<1x16xf32>
        tpu.vector_store %arg23[%swap3A, %swap3A_192], %swap3A_195 {strides = array<i32>} : memref<256x16xf32, #tpu.memory_space<vmem>>, vector<1x16xf32>,
        %scan3A_196 = arith.constant 0 : i32
        scf.yield %scan3A_196 : i32
      }
      %scan3A_172 = arith.constant 116 : i32
      "tpu.region"() ({
        %run_scoped3A_173 = tpu.sem_alloc : memref<!tpu.dma_semaphore, #tpu.memory_space<semaphore_mem>>
        %dma_start3A_174 = arith.constant 0 : i32
        %dma_start3A_175 = arith.constant 0 : i32
        %dma_start3A_176 = tpu.memref_slice %arg23[%dma_start3A_174, %dma_start3A_175] : memref<256x16xf32, #tpu.memory_space<vmem>> -> memref<116x16xf32, #tpu.memory_space<vmem>>
        %dma_start3A_177 = arith.constant 384 : i32
        %dma_start3A_178 = arith.constant 0 : i32
        %dma_start3A_179 = tpu.memref_slice %arg12[%arg0, %dma_start3A_177, %dma_start3A_178] : memref<2x500x16xf32, #tpu.memory_space<hbm>> -> memref<1x116x16xf32, #tpu.memory_space<hbm>>
        %dma_start3A_180 = tpu.memref_squeeze %dma_start3A_179 : memref<1x116x16xf32, #tpu.memory_space<hbm>> -> memref<116x16xf32, #tpu.memory_space<hbm>>
        %dma_start3A_181 = arith.constant 384 : i32
        %dma_start3A_182 = arith.constant 0 : i32
        %dma_start3A_183 = tpu.memref_slice %arg12[%arg0, %dma_start3A_181, %dma_start3A_182] : memref<2x500x16xf32, #tpu.memory_space<hbm>> -> memref<1x116x16xf32, #tpu.memory_space<hbm>>
        %dma_start3A_184 = tpu.memref_squeeze %dma_start3A_183 : memref<1x116x16xf32, #tpu.memory_space<hbm>> -> memref<116x16xf32, #tpu.memory_space<hbm>>
        %dma_start3A_185 = arith.constant 0 : i32
        %dma_start3A_186 = arith.constant 0 : i32
        %dma_start3A_187 = tpu.memref_slice %arg23[%dma_start3A_185, %dma_start3A_186] : memref<256x16xf32, #tpu.memory_space<vmem>> -> memref<116x16xf32, #tpu.memory_space<vmem>>
        tpu.enqueue_dma source(%dma_start3A_187 : memref<116x16xf32, #tpu.memory_space<vmem>>) target(%dma_start3A_184 : memref<116x16xf32, #tpu.memory_space<hbm>>) target_semaphore(%run_scoped3A_173 : memref<!tpu.dma_semaphore, #tpu.memory_space<semaphore_mem>>)
        %dma_wait3A_188 = arith.constant 0 : i32
        %dma_wait3A_189 = arith.constant 0 : i32
        %dma_wait3A_190 = tpu.memref_slice %arg23[%dma_wait3A_188, %dma_wait3A_189] : memref<256x16xf32, #tpu.memory_space<vmem>> -> memref<116x16xf32, #tpu.memory_space<vmem>>
        %dma_wait3A_191 = arith.constant 384 : i32
        %dma_wait3A_192 = arith.constant 0 : i32
        %dma_wait3A_193 = tpu.memref_slice %arg12[%arg0, %dma_wait3A_191, %dma_wait3A_192] : memref<2x500x16xf32, #tpu.memory_space<hbm>> -> memref<1x116x16xf32, #tpu.memory_space<hbm>>
        %dma_wait3A_194 = tpu.memref_squeeze %dma_wait3A_193 : memref<1x116x16xf32, #tpu.memory_space<hbm>> -> memref<116x16xf32, #tpu.memory_space<hbm>>
        %dma_wait3A_195 = arith.constant 384 : i32
        %dma_wait3A_196 = arith.constant 0 : i32
        %dma_wait3A_197 = tpu.memref_slice %arg12[%arg0, %dma_wait3A_195, %dma_wait3A_196] : memref<2x500x16xf32, #tpu.memory_space<hbm>> -> memref<1x116x16xf32, #tpu.memory_space<hbm>>
        %dma_wait3A_198 = tpu.memref_squeeze %dma_wait3A_197 : memref<1x116x16xf32, #tpu.memory_space<hbm>> -> memref<116x16xf32, #tpu.memory_space<hbm>>
        %dma_wait3A_199 = arith.constant 0 : i32
        %dma_wait3A_200 = arith.constant 0 : i32
        %dma_wait3A_201 = tpu.memref_slice %arg23[%dma_wait3A_199, %dma_wait3A_200] : memref<256x16xf32, #tpu.memory_space<vmem>> -> memref<116x16xf32, #tpu.memory_space<vmem>>
        tpu.wait_dma2 semaphore(%run_scoped3A_173 : memref<!tpu.dma_semaphore, #tpu.memory_space<semaphore_mem>>) src(%dma_wait3A_201 : memref<116x16xf32, #tpu.memory_space<vmem>>) dst(%dma_wait3A_198 : memref<116x16xf32, #tpu.memory_space<hbm>>)
        tpu.yield
      }) : () -> ()
    } else {
    }
    return
  }
}

</mosaic_0001>

<sc_bundles>
// kernel: gather_offload_async_start
scs
__scs_entry_jumppad:
0x0: {  	(pc) =	sbr.rel $0x88, $3  }
0x1: {  	(tag) =	ssettag $0x0;
	lr =	simm.s32 $0x1  }
0x2: {  	[smem:$0x3F9D] =	sst lr;
	_ =	strace $0xD0000000  }
0x3: {  	_ = 	snop  }
0x4: {  	_ = 	snop  }
0x5: {  	_ = 	snop  }
0x6: {  	_ = 	snop  }
0x7: {  	_ = 	snop  }
__scs_overlays_trampoline_lowered:
0x8: {  	[smem:$0x3FAC] =	sst s0  }
0x9: {  	[smem:$0x3FAD] =	sst s1  }
0xa: {  	[smem:$0x3FAE] =	sst s2  }
0xb: {  	[smem:$0x3FAF] =	sst s3  }
0xc: {  	[smem:$0x3FB0] =	sst s4  }
0xd: {  	[smem:$0x3FB1] =	sst s5  }
0xe: {  	[smem:$0x3FB2] =	sst s6  }
0xf: {  	[smem:$0x3FB3] =	sst s7  }
0x10: {  	[smem:$0x3FB4] =	sst s8  }
0x11: {  	[smem:$0x3FB5] =	sst s9;
	s0 =	simm.s32 @!p0 $0x0  }
0x12: {  	s1 =	sld [smem:$0x3F9B];
	s0 =	simm.s32 @p0 $0x1  }
0x13: {  	[smem:$0x3FB6] =	sst s0;
	s0 =	simm.s32 @!p1 $0x0  }
0x14: {  	s2 =	sld [smem:$0x3F9A];
	s0 =	simm.s32 @p1 $0x1  }
0x15: {  	[smem:$0x3FB7] =	sst s0;
	s0 =	simm.s32 @!p2 $0x0  }
0x16: {  	s3 =	sld [smem:$0x3FDB];
	s0 =	simm.s32 @p2 $0x1  }
0x17: {  	s4 =	simm.s32 $0x1BF5;
	[smem:$0x3FB9] =	sst s0  }
0x18: {  	s0 =	sld [smem:$0x3F9C];
	_ =	swait.ge [sflag:s4], $0x0  }
0x19: {  	s7 =	sld [smem:$0x3F9D]  }
0x1a: {  	s8 =	sadd.s32 $0xFFFFE003, lr  }
0x1b: {  	s9 =	sadd.s32 $0xFFFFFEF7, lr;
	s5 =	simm.s32 $0xFFFFFFFF;
	p2 =	slt.u32 s8, $0xFFFFF086  }
0x1c: {  	p1 =	slt.u32 s9, $0xF7A;
	s5 =	simm.s32 @!p2 $0x0  }
0x1d: {  	s5 =	simm.s32 @p1 $0x1;
	p0 =	seq.s32 s7, s2  }
0x1e: {  	s7 =	smul.u32 @!p0 $0xF7A, s2;
	p2 =	seq.s32 @!p0 s5, $0x0  }
0x1f: {  	s9 =	smul.u32 $0xF7A, s1;
	s8 =	simm.s32 @!p0 $0x1BF5;
	p2 =	por !p2, p0  }
0x20: {  	[sflag:s8] =	ssyncset.s32 @!p0 $0xFFFFF086;
	s6 =	sadd.s32 @!p0 s3, s7;
	s7 =	simm.s32 @!p0 $0x108  }
0x21: {  	s3 =	sadd.s32 s3, s9;
	s6 =	sadd.s32 @!p0 $0x88, s6;
	s7 =	simm.s32 @p2 $0x1082  }
0x22: {  	[simem:s7], [sflag:s8] =	dma.local @!p0 [hbm:s6], $0xF7A  }
0x23: {  	s9 =	sor.u32 $0xD0000000, s2;
	s6 =	simm.s32 $0x108;
	_ =	swait.ge @!p0 [sflag:s8], $0x0  }
0x24: {  	s3 =	sadd.s32 $0x88, s3;
	s6 =	simm.s32 @!p1 $0x1082;
	[sflag:s4] =	ssyncset.s32 $0xFFFFF086  }
0x25: {  	[simem:s6], [sflag:s4] =	dma.local [hbm:s3], $0xF7A  }
0x26: {  	[smem:$0x3F9D] =	sst s1;
	(tag) =	ssettag s2;
	_ =	strace s9  }
0x27: {  	s1 =	sld [smem:$0x3FAD]  }
0x28: {  	s2 =	sld [smem:$0x3FAE]  }
0x29: {  	s4 =	sld [smem:$0x3FB0]  }
0x2a: {  	p0 =	seq.s32 s5, $0x0;
	s5 =	sld [smem:$0x3FB1]  }
0x2b: {  	s6 =	sld [smem:$0x3FB2]  }
0x2c: {  	s7 =	sld [smem:$0x3FB3]  }
0x2d: {  	s3 =	simm.s32 $0x108;
	s8 =	sld [smem:$0x3FB4]  }
0x2e: {  	s3 =	simm.s32 @!p0 $0x1082;
	s9 =	sld [smem:$0x3FB5]  }
0x2f: {  	lr =	sadd.s32 s0, s3;
	s0 =	sld [smem:$0x3FAC]  }
0x30: {  	s3 =	sld [smem:$0x3FAF]  }
0x31: {  	[smem:$0x3FB8] =	sst s10  }
0x32: {  	s10 =	sld [smem:$0x3FB6];
	_ =	sdelay $0x3  }
0x33: {  	p0 =	seq.s32 s10, $0x1;
	s10 =	sld [smem:$0x3FB8];
	_ =	sdelay $0x3  }
0x34: {  	[smem:$0x3FB8] =	sst s10  }
0x35: {  	s10 =	sld [smem:$0x3FB7];
	_ =	sdelay $0x3  }
0x36: {  	p1 =	seq.s32 s10, $0x1;
	s10 =	sld [smem:$0x3FB8];
	_ =	sdelay $0x3  }
0x37: {  	[smem:$0x3FB8] =	sst s10  }
0x38: {  	s10 =	sld [smem:$0x3FB9]  }
0x39: {  	_ = 	snop;
	(pc) =	sbr.ind lr, $3  }
0x3a: {  	_ = 	snop  }
0x3b: {  	_ = 	snop  }
0x3c: {  	p2 =	seq.s32 s10, $0x1;
	s10 =	sld [smem:$0x3FB8]  }
0x3d: {  	_ =	shalt  }
0x3e: {  	_ =	shalt  }
0x3f: {  	_ =	shalt  }
0x40: {  	_ =	shalt  }
0x41: {  	_ =	shalt  }
0x42: {  	_ =	shalt  }
0x43: {  	_ =	shalt  }
0x44: {  	_ =	shalt  }
0x45: {  	_ =	shalt  }
0x46: {  	_ =	shalt  }
0x47: {  	_ =	shalt  }
0x48: {  	_ =	shalt  }
0x49: {  	_ =	shalt  }
0x4a: {  	_ =	shalt  }
0x4b: {  	_ =	shalt  }
0x4c: {  	_ =	shalt  }
0x4d: {  	_ =	shalt  }
0x4e: {  	_ =	shalt  }
0x4f: {  	_ =	shalt  }
0x50: {  	_ =	shalt  }
0x51: {  	_ =	shalt  }
0x52: {  	_ =	shalt  }
0x53: {  	_ =	shalt  }
0x54: {  	_ =	shalt  }
0x55: {  	_ =	shalt  }
0x56: {  	_ =	shalt  }
0x57: {  	_ =	shalt  }
0x58: {  	_ =	shalt  }
0x59: {  	_ =	shalt  }
0x5a: {  	_ =	shalt  }
0x5b: {  	_ =	shalt  }
0x5c: {  	_ =	shalt  }
0x5d: {  	_ =	shalt  }
0x5e: {  	_ =	shalt  }
0x5f: {  	_ =	shalt  }
0x60: {  	_ =	shalt  }
0x61: {  	_ =	shalt  }
0x62: {  	_ =	shalt  }
0x63: {  	_ =	shalt  }
0x64: {  	_ =	shalt  }
0x65: {  	_ =	shalt  }
0x66: {  	_ =	shalt  }
0x67: {  	_ =	shalt  }
0x68: {  	_ =	shalt  }
0x69: {  	_ =	shalt  }
0x6a: {  	_ =	shalt  }
0x6b: {  	_ =	shalt  }
0x6c: {  	_ =	shalt  }
0x6d: {  	_ =	shalt  }
0x6e: {  	_ =	shalt  }
0x6f: {  	_ =	shalt  }
0x70: {  	_ =	shalt  }
0x71: {  	_ =	shalt  }
0x72: {  	_ =	shalt  }
0x73: {  	_ =	shalt  }
0x74: {  	_ =	shalt  }
0x75: {  	_ =	shalt  }
0x76: {  	_ =	shalt  }
0x77: {  	_ =	shalt  }
0x78: {  	_ =	shalt  }
0x79: {  	_ =	shalt  }
0x7a: {  	_ =	shalt  }
0x7b: {  	_ =	shalt  }
0x7c: {  	_ =	shalt  }
0x7d: {  	_ =	shalt  }
0x7e: {  	_ =	shalt  }
0x7f: {  	_ =	shalt  }
0x80: {  	_ =	shalt  }
0x81: {  	_ =	shalt  }
0x82: {  	_ =	shalt  }
0x83: {  	_ =	shalt  }
0x84: {  	_ =	shalt  }
0x85: {  	_ =	shalt  }
0x86: {  	_ =	shalt  }
0x87: {  	_ =	shalt  }
.Lfunc_end0:
.L_simem_size_0:
called_computation_lowered:
.L_overlay_start_0:
0x88: {  	s0 =	sld [smem:$0x3FD9]  }
0x89: {  	s1 =	sld [smem:$0x3FFE];
	_ =	sdelay $0x3  }
0x8a: {  	s0 =	sadd.s32 s1, s0  }
0x8b: {  	[smem:$0x3FC4] =	sst s0  }
0x8c: {  	_ = 	snop  }
0x8d: {  	s0 =	sld [smem:$0x3FD0];
	(tm) =	ssettm $0x1  }
0x8e: {  	s16 =	sld [smem:$0x3FFB];
	_ =	sdelay $0x3  }
0x8f: {  	_ =	strace s16  }
0x90: {  	s1 =	sld [smem:$0x3FFC];
	_ =	sdelay $0x3  }
0x91: {  	_ =	strace s1  }
0x92: {  	s1 =	sld [smem:$0x3FFD];
	_ =	sdelay $0x3  }
0x93: {  	_ =	strace s1  }
0x94: {  	_ =	strace $0x8FFFFFFF  }
0x95: {  	s17 =	sld [smem:$0x3FDB];
	_ =	sdelay $0x1  }
0x96: {  	s2 =	simm.s32 $_scs_section_size  }
0x97: {  	s3 =	simm.s32 $_size__tile_overlayer_lowered;
	s4 =	simm.s32 $_tile_overlayer_lowered  }
0x98: {  	s20 =	simm.s32 $0x1BFF;
	s19 =	sshll.u32 s4, $0x1;
	s1 =	sadd.s32 s2, s17  }
0x99: {  	s5 =	simm.s32 $0x0;
	s18 =	sshll.u32 s3, $0x1;
	s3 =	sadd.s32 s19, s1  }
0x9a: {  	[timem:s5], [sflag:s20] =	dma.local [hbm:s3], s18  }
0x9b: {  	_ =	swait.ge [sflag:s20], s18  }
0x9c: {  	s2 =	ssub.s32 $0x0, s18;
	[sflag:s20] =	ssyncset.done $0x0  }
0x9d: {  	[sflag:s20] =	ssyncadd.s32 s2;
	_ =	sdelay $0x1  }
0x9e: {  	s21 =	simm.s32 $0x1B8B  }
0x9f: {  	_ =	swait.ge [sflag:s21], $0x1  }
0xa0: {  	[sflag:s21] =	ssyncset.done $0x0  }
0xa1: {  	s23 =	simm.s32 $0x1B8E;
	s22 =	sld [smem:$0x3FFE];
	[sflag:s21] =	ssyncadd.s32 $0xFFFFFFFF  }
0xa2: {  	s24 =	simm.s32 $execute0_lowered;
	[smem:$0x3FD2] =	sst s23  }
0xa3: {  	s3 =	sshll.u32 s24, $0x1;
	_ =	strace $0x80000046;
	[dreg:$0x1] =	wrdreg $0xFFFFFFFF  }
0xa4: {  	s25 =	simm.s32 $_size_execute0_lowered;
	s1 =	sadd.s32 s1, s3;
	[dreg:$0x0] =	wrdreg $0x0  }
0xa5: {  	s3 =	sshll.u32 s25, $0x1;
	[dreg:$0x2] =	wrdreg s1  }
0xa6: {  	[dreg:$0x3] =	wrdreg s3  }
0xa7: {  	[dreg:$0x4] =	wrdreg $0xC0  }
0xa8: {  	_ =	task [dreg:s5], $0x5FFFF  }
0xa9: {  	[dreg:$0x1] =	wrdreg $0xFFFFFFFF  }
0xaa: {  	[dreg:$0x0] =	wrdreg $0x60  }
0xab: {  	[dreg:$0x2] =	wrdreg s22  }
0xac: {  	[dreg:$0x3] =	wrdreg s0  }
0xad: {  	[dreg:$0x4] =	wrdreg $0x9  }
0xae: {  	_ =	task.clear_ibuf [dreg:s5], $0x5FFFF;
	_ =	strace $0x90000046  }
0xaf: {  	s26 =	simm.s32 $0x9;
	_ =	strace $0x80000048  }
0xb0: {  	_ =	swait.ge [sflag:s26], $0x1  }
0xb1: {  	[sflag:s26] =	ssyncadd.s32 $0xFFFFFFFF  }
0xb2: {  	_ =	strace $0x90000048  }
0xb3: {  	_ =	sfence  }
0xb4: {  	s28 =	sld [smem:$0x0];
	_ =	sdelay $0x1  }
0xb5: {  	s29 =	srdreg.scid  }
0xb6: {  	s30 =	sshll.u32 s29, $0xD;
	s31 =	sshrl.u32 s29, $0x2  }
0xb7: {  	s2 =	sand.u32 $0x4000, s30;
	s1 =	sand.u32 $0x1, s29;
	s0 =	sadd.s32 s31, s28  }
0xb8: {  	s1 =	sor.u32 s2, s1;
	s0 =	sshll.u32 s0, $0x11  }
0xb9: {  	s0 =	sor.u32 s0, s1  }
0xba: {  	s0 =	sadd.s32 $0x8F2B, s0  }
0xbb: {  	[sflag:s0] =	ssyncadd.remote.s32 $0x1  }
0xbc: {  	_ =	sfence.sel $0xFFFF  }
0xbd: {  	[dreg:$0x0] =	wrdreg $0xFFFFFFFF;
	(pc) =	sbr.abs _section_cstart, $3  }
0xbe: {  	[dreg:$0x1] =	wrdreg $0xFFFFFFFF  }
0xbf: {  	_ =	task.clear_ibuf [dreg:s5], $0x2FFFF;
	_ =	strace $0x9FFFFFFF  }
0xc0: {  	(tm) =	ssettm $0x7FFFFFFF  }
0xc1: {  	_ =	shalt  }
tec
execute0_lowered:
.L_overlay_start_1:
0x0: {  	(tag) =	ssettag $0x1  }
0x1: {  	s0 =	stileid.u32  }
0x2: {  	s1 =	smin.u32 s0, $0x9  }
0x3: {  	s1 =	sadd.s32 s0, s1  }
0x4: {  	s2 =	simm.s32 $0xA0;
	p0 =	slt.u32 s0, $0x9;
	s1 =	smul.u32 $0x50, s1  }
0x5: {  	s2 =	simm.s32 @!p0 $0x50  }
0x6: {  	s2 =	sadd.s32 s2, s1  }
0x7: {  	s3 =	smin.u32 s2, $0x7D0  }
0x8: {  	s7 =	ssub.s32 s3, s1  }
0x9: {  	p0 =	sgt.s32 s7, $0x0  }
0xa: {  	s7 =	simm.s32 @!p0 $0x0  }
0xb: {  	s9 =	rddreg [dreg:$0x0];
	s31 =	smul.u32 $0xCCCD, s7  }
0xc: {  	s4 =	rddreg [dreg:$0x1];
	s6 =	simm.s32 $0x1  }
0xd: {  	s11 =	simm.s32 $0x3;
	s13 =	simm.s32 $0x0;
	s8 =	sshrl.u32 s31, $0x16  }
0xe: {  	s12 =	simm.s32 $0x0;
	s5 =	sadd.s32 $0x2400, s9;
	s10 =	smul.u32 $0x50, s8  }
.Ltmp0:
0xf: {  	s9 =	sadd.s32 $0x27B200, s9;
	s2 =	rddreg [dreg:$0x2];
	(pc) =	sbr.rel .LBB2_1-.Ltmp0, $4  }
0x10: {  	_ =	strace $0x80000047;
	p0 =	sne.s32 s7, s10;
	s10 =	simm.s32 $0x1  }
0x11: {  	[sflag:s6] =	ssyncpa.u1 $0x0;
	s7 =	simm.s32 $0x2;
	s10 =	simm.s32 @!p0 $0x0  }
0x12: {  	[sflag:s7] =	ssyncpa.u1 $0x0;
	p0 =	por $0x0, $0x0;
	s8 =	sadd.s32 s8, s10  }
0x13: {  	vm0 =	vmmov $0xff;
	vm1 =	vcmask $0x3F20;
	[sflag:s11] =	ssyncpa.u1 $0x0;
	s11 =	smov.u32 s1;
	s10 =	sadd.s32 $0x1, s8  }
.LBB2_6:
0x14: {  	[hbm:s17] =	stream.linear.scatter [tilespmem:s14], [sflag:$0x3], $0x400, $0x38;
	[tilespmem:$0x50A0] =	vst v63  }
.LBB2_7:
0x15: {  	s13 =	sadd.s32 $0x50, s11  }
0x16: {  	s15 =	smov.u32 s1;
	p2 =	slt.s32 s13, s3  }
0x17: {  	s15 =	smov.u32 @p2 s13;
	p2 =	sne.s32 s12, s10  }
.Ltmp1:
0x18: {  	p1 =	slt.u32 s12, $0x2;
	(pc) =	sbr.rel @!p2 .LBB2_8-.Ltmp1, $4  }
0x19: {  	s14 =	simm.s32 @!p1 $0x3  }
0x1a: {  	s16 =	sadd.s32 $0x1, s12;
	_ =	swait.ge @!p1 [sflag:s14], $0x2800  }
0x1b: {  	p0 =	por !p0, !p0;
	s13 =	smov.u32 s11;
	[sflag:s14] =	ssyncset.done @!p1 $0x0  }
0x1c: {  	s12 =	smov.u32 s16;
	s11 =	smov.u32 s15;
	[sflag:s14] =	ssyncadd.s32 @!p1 $0xFFFFD800  }
.LBB2_1:
0x1d: {  	p1 =	sge.u32 s12, s8  }
0x1e: {  	s14 =	sxor.u32 @!p1 $0xFFFFFFFF, s12  }
0x1f: {  	s14 =	sand.u32 @!p1 $0x1, s14  }
0x20: {  	s14 =	smul.u32 @!p1 $0x140, s14  }
0x21: {  	s31 =	sadd.s32 $0xFFFFFFFF, s12;
	s15 =	sshrl.u32 @!p1 s11, $0x3  }
0x22: {  	s16 =	sand.u32 @!p1 $0x7, s11;
	s15 =	sadd.s32 @!p1 s4, s15;
	s14 =	sshrl.u32 @!p1 s14, $0x2  }
0x23: {  	[tilespmem:s14], [sflag:$0x2] =	stream.linear.gather @!p1 [hbm4b:s15+s16], $0x50, $0x38;
	[tilespmem:$0x50A0] =	vst v63  }
0x24: {  	p1 =	sge.u32 s31, s8  }
.Ltmp2:
0x25: {  	_ = 	snop;
	(pc) =	sbr.rel @p1 .LBB2_7-.Ltmp2, $1  }
0x26: {  	_ =	sdelay $0x3  }
0x27: {  	s14 =	simm.s32 $0x1  }
0x28: {  	s14 =	simm.s32 @!p0 $0x0  }
0x29: {  	s15 =	smul.u32 $0x140, s14  }
0x2a: {  	_ =	swait.ge [sflag:s7], $0x50  }
0x2b: {  	[sflag:s7] =	ssyncset.done $0x0;
	s16 =	sshrl.u32 s15, $0x2  }
0x2c: {  	[sflag:s7] =	ssyncadd.s32 $0xFFFFFFB0;
	s15 =	sadd.s32 $0x0, s16  }
0x2d: {  	v0 =	vld.msk [tilespmem:s15+$0x0 ss:$0x1], $0xffff;
	_ =	sdelay $0x4  }
0x2e: {  	vm2 =	vgt.s32 v0, $0x0  }
0x2f: {  	v0 =	vnsel vm2, $0x0, v0  }
0x30: {  	v0 =	vmin.u32 v0, $0x278CF  }
0x31: {  	v0 =	vshll.u32 v0, $0x4  }
0x32: {  	s14 =	smul.u32 $0xA000, s14;
	_ =	sdelay $0x1  }
0x33: {  	s14 =	sshrl.u32 s14, $0x2  }
0x34: {  	s14 =	sor.u32 $0xA0, s14  }
0x35: {  	[tilespmem:s14], [sflag:$0x1] =	stream.indirect_vreg.gather [hbm:s5], $0x80, v0, vm0, $0x38;
	[tilespmem:$0x50A0] =	vst v63  }
0x36: {  	s17 =	sadd.s32 $0x10, s16;
	s15 =	sadd.s32 $0x400, s14  }
0x37: {  	[tilespmem:s15], [sflag:$0x1] =	stream.indirect_vreg.gather [hbm:s5], $0x80, v0, vm1, $0x38;
	[tilespmem:$0x50A0] =	vst v63  }
0x38: {  	s18 =	simm.s32 $0x80;
	v0 =	vld.msk [tilespmem:s17+$0x0 ss:$0x1], $0xffff;
	s17 =	smov.u32 s14  }
.LBB2_3:
0x39: {  	p1 =	sne.s32 s18, $0x100;
	_ =	sdelay $0x4  }
0x3a: {  	vm2 =	vgt.s32 v0, $0x0  }
0x3b: {  	v0 =	vnsel vm2, $0x0, v0  }
0x3c: {  	v0 =	vmin.u32 v0, $0x278CF  }
0x3d: {  	v0 =	vshll.u32 v0, $0x4;
	_ =	sdelay $0x3  }
.Ltmp3:
0x3e: {  	s19 =	sshra.s32 s18, $0x2;
	s17 =	sadd.s32 $0x800, s17;
	(pc) =	sbr.rel @p1 .LBB2_3-.Ltmp3, $4  }
0x3f: {  	[tilespmem:s17], [sflag:$0x1] =	stream.indirect_vreg.gather [hbm:s5], $0x80, v0, vm0, $0x38;
	[tilespmem:$0x50A0] =	vst v63  }
0x40: {  	s19 =	sadd.s32 s19, s16;
	s20 =	sadd.s32 $0x400, s17  }
0x41: {  	[tilespmem:s20], [sflag:$0x1] =	stream.indirect_vreg.gather [hbm:s5], $0x80, v0, vm1, $0x38;
	[tilespmem:$0x50A0] =	vst v63  }
0x42: {  	s18 =	sadd.s32 $0x40, s18;
	v0 =	vld.msk [tilespmem:s19+$0x0 ss:$0x1], $0xffff  }
0x43: {  	_ =	sdelay $0x3  }
0x44: {  	vm2 =	vgt.s32 v0, $0x0  }
0x45: {  	v0 =	vnsel vm2, $0x0, v0  }
0x46: {  	v0 =	vmin.u32 v0, $0x278CF  }
0x47: {  	v0 =	vshll.u32 v0, $0x4;
	_ =	sdelay $0x3  }
0x48: {  	s16 =	sadd.s32 $0x800, s17  }
0x49: {  	[tilespmem:s16], [sflag:$0x1] =	stream.indirect_vreg.gather [hbm:s5], $0x80, v0, vm0, $0x38;
	[tilespmem:$0x50A0] =	vst v63  }
0x4a: {  	s16 =	sadd.s32 $0x400, s16  }
0x4b: {  	[tilespmem:s16], [sflag:$0x1] =	stream.indirect_vreg.gather [hbm:s5], $0x80, v0, vm1, $0x38;
	[tilespmem:$0x50A0] =	vst v63  }
0x4c: {  	s13 =	sshll.u32 s13, $0x4;
	_ =	swait.ge [sflag:s6], $0x2800  }
0x4d: {  	s13 =	sadd.s32 s13, s9;
	[sflag:s6] =	ssyncset.done $0x0  }
0x4e: {  	s17 =	sadd.s32 $0x0, s13;
	s16 =	simm.s32 $0x80;
	[sflag:s6] =	ssyncadd.s32 $0xFFFFD800  }
.LBB2_5:
0x4f: {  	[hbm:s17] =	stream.linear.scatter [tilespmem:s14], [sflag:$0x3], $0x400, $0x38;
	[tilespmem:$0x50A0] =	vst v63  }
0x50: {  	s17 =	smov.u32 s16;
	s14 =	smov.u32 s15;
	p1 =	sne.s32 s16, $0x480  }
.Ltmp4:
0x51: {  	s16 =	sadd.s32 $0x80, s16;
	(pc) =	sbr.rel @p1 .LBB2_5-.Ltmp4, $2  }
0x52: {  	_ =	sdelay $0x2  }
0x53: {  	s15 =	sadd.s32 $0x400, s15;
	s17 =	sadd.s32 s17, s13  }
.Ltmp5:
0x54: {  	_ = 	snop;
	(pc) =	sbr.rel .LBB2_6-.Ltmp5, $1  }
0x55: {  	_ =	sdelay $0x3  }
.LBB2_8:
0x56: {  	_ =	sfence.sel $0x180000  }
0x57: {  	s1 =	simm.s32 $0x2;
	[bflag:$0x0] =	sbarrier.arrive $0xFFFF  }
0x58: {  	s30 =	simm.s32 $0x3;
	[sflag:s1] =	ssyncpa.u1 $0x1  }
0x59: {  	s31 =	simm.s32 $0x1;
	[sflag:s30] =	ssyncpa.u1 $0x1  }
0x5a: {  	[sflag:s31] =	ssyncpa.u1 $0x1  }
0x5b: {  	p0 =	sne.s32 s0, $0x0;
	_ =	strace $0x90000047  }
0x5c: {  	s0 =	sadd.s32 @!p0 $0x100000, s2;
	[bflag:$0x2] =	sbarrier.arrive $0xFFFF  }
0x5d: {  	[sflag:s0] =	ssyncadd.tile.s32 @!p0 $0x1;
	_ =	shalt  }
.Lfunc_end2:
_tile_overlayer_lowered:
.L_overlay_start_2:
0x5e: {  	(tag) =	ssettag $0x2  }
0x5f: {  	s0 =	rddreg [dreg:$0x0];
	s2 =	stileid.u32  }
0x60: {  	s1 =	rddreg [dreg:$0x1];
	p0 =	sne.s32 s2, $0x0  }
0x61: {  	s3 =	rddreg [dreg:$0x2];
	[bflag:$0x3] =	sbarrier.arrive $0xFFFF;
	s2 =	simm.s32 @!p0 $0x1C01  }
0x62: {  	[timem:s3], [sflag:s2] =	dma.local @!p0 [hbm:s0], s1  }
0x63: {  	s0 =	simm.s32 @!p0 $0x1  }
0x64: {  	_ =	swait.ge @!p0 [sflag:s0], s1  }
0x65: {  	s1 =	ssub.s32 @!p0 $0x0, s1;
	[sflag:s0] =	ssyncset.done @!p0 $0x0  }
0x66: {  	[sflag:s0] =	ssyncadd.s32 @!p0 s1  }
0x67: {  	[bflag:$0x3] =	sbarrier.arrive $0xFFFF  }
0x68: {  	_ =	shalt  }

// kernel: kernel.3.cloned.1.call-start
scs
__scs_entry_jumppad:
0x0: {  	(pc) =	sbr.rel $0x88, $3  }
0x1: {  	(tag) =	ssettag $0x0;
	lr =	simm.s32 $0x1  }
0x2: {  	[smem:$0x3F9D] =	sst lr;
	_ =	strace $0xD0000000  }
0x3: {  	_ = 	snop  }
0x4: {  	_ = 	snop  }
0x5: {  	_ = 	snop  }
0x6: {  	_ = 	snop  }
0x7: {  	_ = 	snop  }
__scs_overlays_trampoline_lowered:
0x8: {  	[smem:$0x3FAC] =	sst s0  }
0x9: {  	[smem:$0x3FAD] =	sst s1  }
0xa: {  	[smem:$0x3FAE] =	sst s2  }
0xb: {  	[smem:$0x3FAF] =	sst s3  }
0xc: {  	[smem:$0x3FB0] =	sst s4  }
0xd: {  	[smem:$0x3FB1] =	sst s5  }
0xe: {  	[smem:$0x3FB2] =	sst s6  }
0xf: {  	[smem:$0x3FB3] =	sst s7  }
0x10: {  	[smem:$0x3FB4] =	sst s8  }
0x11: {  	[smem:$0x3FB5] =	sst s9;
	s0 =	simm.s32 @!p0 $0x0  }
0x12: {  	s1 =	sld [smem:$0x3F9B];
	s0 =	simm.s32 @p0 $0x1  }
0x13: {  	[smem:$0x3FB6] =	sst s0;
	s0 =	simm.s32 @!p1 $0x0  }
0x14: {  	s2 =	sld [smem:$0x3F9A];
	s0 =	simm.s32 @p1 $0x1  }
0x15: {  	[smem:$0x3FB7] =	sst s0;
	s0 =	simm.s32 @!p2 $0x0  }
0x16: {  	s3 =	sld [smem:$0x3FDB];
	s0 =	simm.s32 @p2 $0x1  }
0x17: {  	s4 =	simm.s32 $0x1BF5;
	[smem:$0x3FB9] =	sst s0  }
0x18: {  	s0 =	sld [smem:$0x3F9C];
	_ =	swait.ge [sflag:s4], $0x0  }
0x19: {  	s7 =	sld [smem:$0x3F9D]  }
0x1a: {  	s8 =	sadd.s32 $0xFFFFE003, lr  }
0x1b: {  	s9 =	sadd.s32 $0xFFFFFEF7, lr;
	s5 =	simm.s32 $0xFFFFFFFF;
	p2 =	slt.u32 s8, $0xFFFFF086  }
0x1c: {  	p1 =	slt.u32 s9, $0xF7A;
	s5 =	simm.s32 @!p2 $0x0  }
0x1d: {  	s5 =	simm.s32 @p1 $0x1;
	p0 =	seq.s32 s7, s2  }
0x1e: {  	s7 =	smul.u32 @!p0 $0xF7A, s2;
	p2 =	seq.s32 @!p0 s5, $0x0  }
0x1f: {  	s9 =	smul.u32 $0xF7A, s1;
	s8 =	simm.s32 @!p0 $0x1BF5;
	p2 =	por !p2, p0  }
0x20: {  	[sflag:s8] =	ssyncset.s32 @!p0 $0xFFFFF086;
	s6 =	sadd.s32 @!p0 s3, s7;
	s7 =	simm.s32 @!p0 $0x108  }
0x21: {  	s3 =	sadd.s32 s3, s9;
	s6 =	sadd.s32 @!p0 $0x88, s6;
	s7 =	simm.s32 @p2 $0x1082  }
0x22: {  	[simem:s7], [sflag:s8] =	dma.local @!p0 [hbm:s6], $0xF7A  }
0x23: {  	s9 =	sor.u32 $0xD0000000, s2;
	s6 =	simm.s32 $0x108;
	_ =	swait.ge @!p0 [sflag:s8], $0x0  }
0x24: {  	s3 =	sadd.s32 $0x88, s3;
	s6 =	simm.s32 @!p1 $0x1082;
	[sflag:s4] =	ssyncset.s32 $0xFFFFF086  }
0x25: {  	[simem:s6], [sflag:s4] =	dma.local [hbm:s3], $0xF7A  }
0x26: {  	[smem:$0x3F9D] =	sst s1;
	(tag) =	ssettag s2;
	_ =	strace s9  }
0x27: {  	s1 =	sld [smem:$0x3FAD]  }
0x28: {  	s2 =	sld [smem:$0x3FAE]  }
0x29: {  	s4 =	sld [smem:$0x3FB0]  }
0x2a: {  	p0 =	seq.s32 s5, $0x0;
	s5 =	sld [smem:$0x3FB1]  }
0x2b: {  	s6 =	sld [smem:$0x3FB2]  }
0x2c: {  	s7 =	sld [smem:$0x3FB3]  }
0x2d: {  	s3 =	simm.s32 $0x108;
	s8 =	sld [smem:$0x3FB4]  }
0x2e: {  	s3 =	simm.s32 @!p0 $0x1082;
	s9 =	sld [smem:$0x3FB5]  }
0x2f: {  	lr =	sadd.s32 s0, s3;
	s0 =	sld [smem:$0x3FAC]  }
0x30: {  	s3 =	sld [smem:$0x3FAF]  }
0x31: {  	[smem:$0x3FB8] =	sst s10  }
0x32: {  	s10 =	sld [smem:$0x3FB6];
	_ =	sdelay $0x3  }
0x33: {  	p0 =	seq.s32 s10, $0x1;
	s10 =	sld [smem:$0x3FB8];
	_ =	sdelay $0x3  }
0x34: {  	[smem:$0x3FB8] =	sst s10  }
0x35: {  	s10 =	sld [smem:$0x3FB7];
	_ =	sdelay $0x3  }
0x36: {  	p1 =	seq.s32 s10, $0x1;
	s10 =	sld [smem:$0x3FB8];
	_ =	sdelay $0x3  }
0x37: {  	[smem:$0x3FB8] =	sst s10  }
0x38: {  	s10 =	sld [smem:$0x3FB9]  }
0x39: {  	_ = 	snop;
	(pc) =	sbr.ind lr, $3  }
0x3a: {  	_ = 	snop  }
0x3b: {  	_ = 	snop  }
0x3c: {  	p2 =	seq.s32 s10, $0x1;
	s10 =	sld [smem:$0x3FB8]  }
0x3d: {  	_ =	shalt  }
0x3e: {  	_ =	shalt  }
0x3f: {  	_ =	shalt  }
0x40: {  	_ =	shalt  }
0x41: {  	_ =	shalt  }
0x42: {  	_ =	shalt  }
0x43: {  	_ =	shalt  }
0x44: {  	_ =	shalt  }
0x45: {  	_ =	shalt  }
0x46: {  	_ =	shalt  }
0x47: {  	_ =	shalt  }
0x48: {  	_ =	shalt  }
0x49: {  	_ =	shalt  }
0x4a: {  	_ =	shalt  }
0x4b: {  	_ =	shalt  }
0x4c: {  	_ =	shalt  }
0x4d: {  	_ =	shalt  }
0x4e: {  	_ =	shalt  }
0x4f: {  	_ =	shalt  }
0x50: {  	_ =	shalt  }
0x51: {  	_ =	shalt  }
0x52: {  	_ =	shalt  }
0x53: {  	_ =	shalt  }
0x54: {  	_ =	shalt  }
0x55: {  	_ =	shalt  }
0x56: {  	_ =	shalt  }
0x57: {  	_ =	shalt  }
0x58: {  	_ =	shalt  }
0x59: {  	_ =	shalt  }
0x5a: {  	_ =	shalt  }
0x5b: {  	_ =	shalt  }
0x5c: {  	_ =	shalt  }
0x5d: {  	_ =	shalt  }
0x5e: {  	_ =	shalt  }
0x5f: {  	_ =	shalt  }
0x60: {  	_ =	shalt  }
0x61: {  	_ =	shalt  }
0x62: {  	_ =	shalt  }
0x63: {  	_ =	shalt  }
0x64: {  	_ =	shalt  }
0x65: {  	_ =	shalt  }
0x66: {  	_ =	shalt  }
0x67: {  	_ =	shalt  }
0x68: {  	_ =	shalt  }
0x69: {  	_ =	shalt  }
0x6a: {  	_ =	shalt  }
0x6b: {  	_ =	shalt  }
0x6c: {  	_ =	shalt  }
0x6d: {  	_ =	shalt  }
0x6e: {  	_ =	shalt  }
0x6f: {  	_ =	shalt  }
0x70: {  	_ =	shalt  }
0x71: {  	_ =	shalt  }
0x72: {  	_ =	shalt  }
0x73: {  	_ =	shalt  }
0x74: {  	_ =	shalt  }
0x75: {  	_ =	shalt  }
0x76: {  	_ =	shalt  }
0x77: {  	_ =	shalt  }
0x78: {  	_ =	shalt  }
0x79: {  	_ =	shalt  }
0x7a: {  	_ =	shalt  }
0x7b: {  	_ =	shalt  }
0x7c: {  	_ =	shalt  }
0x7d: {  	_ =	shalt  }
0x7e: {  	_ =	shalt  }
0x7f: {  	_ =	shalt  }
0x80: {  	_ =	shalt  }
0x81: {  	_ =	shalt  }
0x82: {  	_ =	shalt  }
0x83: {  	_ =	shalt  }
0x84: {  	_ =	shalt  }
0x85: {  	_ =	shalt  }
0x86: {  	_ =	shalt  }
0x87: {  	_ =	shalt  }
.Lfunc_end0:
.L_simem_size_0:
called_computation.1_lowered:
.L_overlay_start_0:
0x88: {  	s2 =	sld [smem:$0x3FD9]  }
0x89: {  	s3 =	sld [smem:$0x3FFE];
	_ =	sdelay $0x1  }
0x8a: {  	s1 =	srdreg.scid  }
0x8b: {  	s0 =	sand.u32 $0x1, s1  }
0x8c: {  	s17 =	sshll.u32 s0, $0xA;
	s2 =	sadd.s32 s3, s2  }
0x8d: {  	s2 =	sadd.s32 s2, s17  }
0x8e: {  	[smem:$0x3FC4] =	sst s2  }
0x8f: {  	_ = 	snop  }
0x90: {  	s2 =	sld [smem:$0x3FD0];
	(tm) =	ssettm $0x1  }
0x91: {  	s18 =	sld [smem:$0x3FFB];
	_ =	sdelay $0x3  }
0x92: {  	_ =	strace s18  }
0x93: {  	s3 =	sld [smem:$0x3FFC];
	_ =	sdelay $0x3  }
0x94: {  	_ =	strace s3  }
0x95: {  	s3 =	sld [smem:$0x3FFD];
	_ =	sdelay $0x3  }
0x96: {  	_ =	strace s3  }
0x97: {  	_ =	strace $0x8FFFFFFF  }
0x98: {  	s19 =	sld [smem:$0x3FDB];
	_ =	sdelay $0x1  }
0x99: {  	s4 =	simm.s32 $_scs_section_size  }
0x9a: {  	s5 =	simm.s32 $_size__tile_overlayer_lowered;
	s6 =	simm.s32 $_tile_overlayer_lowered  }
0x9b: {  	s22 =	simm.s32 $0x1BFF;
	s21 =	sshll.u32 s6, $0x1;
	s3 =	sadd.s32 s4, s19  }
0x9c: {  	s7 =	simm.s32 $0x0;
	s20 =	sshll.u32 s5, $0x1;
	s5 =	sadd.s32 s21, s3  }
0x9d: {  	[timem:s7], [sflag:s22] =	dma.local [hbm:s5], s20  }
0x9e: {  	_ =	swait.ge [sflag:s22], s20  }
0x9f: {  	s4 =	ssub.s32 $0x0, s20;
	[sflag:s22] =	ssyncset.done $0x0  }
0xa0: {  	[sflag:s22] =	ssyncadd.s32 s4;
	_ =	sdelay $0x1  }
0xa1: {  	s23 =	simm.s32 $0x1B8B  }
0xa2: {  	_ =	swait.ge [sflag:s23], $0x1  }
0xa3: {  	[sflag:s23] =	ssyncset.done $0x0  }
0xa4: {  	s25 =	simm.s32 $0x1B8E;
	s24 =	sld [smem:$0x3FFE];
	[sflag:s23] =	ssyncadd.s32 $0xFFFFFFFF  }
0xa5: {  	s26 =	simm.s32 $execute0_lowered;
	[smem:$0x3FD2] =	sst s25  }
0xa6: {  	s5 =	sshll.u32 s26, $0x1;
	_ =	strace $0x80000049;
	[dreg:$0x1] =	wrdreg $0xFFFFFFFF  }
0xa7: {  	s28 =	simm.s32 $_size_execute0_lowered;
	s3 =	sadd.s32 s3, s5;
	[dreg:$0x0] =	wrdreg $0x0  }
0xa8: {  	s5 =	sshll.u32 s28, $0x1;
	[dreg:$0x2] =	wrdreg s3  }
0xa9: {  	[dreg:$0x3] =	wrdreg s5  }
0xaa: {  	[dreg:$0x4] =	wrdreg $0xC0  }
0xab: {  	_ =	task [dreg:s7], $0x5FFFF  }
0xac: {  	[dreg:$0x1] =	wrdreg $0xFFFFFFFF  }
0xad: {  	[dreg:$0x0] =	wrdreg $0x60  }
0xae: {  	[dreg:$0x2] =	wrdreg s24  }
0xaf: {  	[dreg:$0x3] =	wrdreg s2  }
0xb0: {  	[dreg:$0x4] =	wrdreg $0x0  }
0xb1: {  	[dreg:$0x5] =	wrdreg $0x9  }
0xb2: {  	_ =	task.clear_ibuf [dreg:s7], $0x6FFFF;
	_ =	strace $0x90000049  }
0xb3: {  	s29 =	simm.s32 $0x9;
	_ =	strace $0x8000004B  }
0xb4: {  	_ =	swait.ge [sflag:s29], $0x1  }
0xb5: {  	[sflag:s29] =	ssyncadd.s32 $0xFFFFFFFF  }
0xb6: {  	_ =	strace $0x9000004B  }
0xb7: {  	_ =	sfence  }
0xb8: {  	s30 =	sld [smem:$0x0];
	_ =	sdelay $0x2  }
0xb9: {  	s31 =	sshll.u32 s1, $0xD;
	s1 =	sshrl.u32 s1, $0x2  }
0xba: {  	s3 =	sand.u32 $0x4000, s31;
	s1 =	sadd.s32 s1, s30  }
0xbb: {  	s0 =	sor.u32 s3, s0;
	s1 =	sshll.u32 s1, $0x11  }
0xbc: {  	s0 =	sor.u32 s1, s0  }
0xbd: {  	s0 =	sadd.s32 $0x8F2B, s0  }
0xbe: {  	[sflag:s0] =	ssyncadd.remote.s32 $0x1  }
0xbf: {  	_ =	sfence.sel $0xFFFF  }
0xc0: {  	[dreg:$0x0] =	wrdreg $0xFFFFFFFF;
	(pc) =	sbr.abs _section_cstart, $3  }
0xc1: {  	[dreg:$0x1] =	wrdreg $0xFFFFFFFF  }
0xc2: {  	_ =	task.clear_ibuf [dreg:s7], $0x2FFFF;
	_ =	strace $0x9FFFFFFF  }
0xc3: {  	(tm) =	ssettm $0x7FFFFFFF  }
tec
execute0_lowered:
.L_overlay_start_1:
0x0: {  	(tag) =	ssettag $0x1  }
0x1: {  	s0 =	rddreg [dreg:$0x0]  }
0x2: {  	s1 =	rddreg [dreg:$0x1]  }
0x3: {  	s2 =	rddreg [dreg:$0x2]  }
0x4: {  	s3 =	simm.s32 $0x0;
	s24 =	stileid.u32;
	s4 =	srdreg.scid  }
0x5: {  	s31 =	simm.s32 $0x2;
	s29 =	simm.s32 $0x80;
	[smem:$0x7FF] =	sst s3  }
0x6: {  	s7 =	sand.u32 $0x1, s4;
	s4 =	smul.u32 $0x2800, s24;
	s9 =	sadd.s32 $0x304800, s0  }
0x7: {  	s10 =	smul.u32 $0x9E00, s24;
	s5 =	sadd.s32 $0x283000, s0;
	s6 =	sadd.s32 $0x2AB000, s0  }
0x8: {  	s12 =	sshll.u32 s24, $0x6;
	s14 =	smul.u32 $0x500, s24;
	s16 =	sshll.u32 s24, $0x7  }
0x9: {  	s21 =	sshll.u32 s24, $0xB;
	s22 =	sshll.u32 s24, $0x8;
	p0 =	sgt.u32 s24, $0x6  }
0xa: {  	p2 =	sgt.s32 s24, $0x1;
	p3 =	seq.s32 s24, $0x0;
	p4 =	seq.s32 s24, $0x1  }
0xb: {  	p5 =	seq.s32 s24, $0x2;
	p6 =	seq.s32 s24, $0x3;
	s8 =	smul.u32 $0x28000, s7  }
0xc: {  	_ =	strace $0x8000004A;
	[dreg:$0x4] =	wrdreg s12;
	s18 =	smul.u32 $0x3E80, s7  }
0xd: {  	s12 =	sadd.s32 s12, s0;
	s15 =	ssub.s32 $0x2, s7;
	s20 =	smul.u32 $0x507D0, s7  }
0xe: {  	s25 =	sshll.u32 s7, $0xB;
	s28 =	smul.u32 $0x1F40, s7;
	p1 =	sne.s32 @p0 s24, $0x7  }
0xf: {  	s11 =	sshrl.u32 s10, $0x3;
	s17 =	sshrl.u32 s15, $0x1;
	s19 =	sor.u32 s16, s25  }
0x10: {  	s23 =	sshrl.u32 s4, $0x3;
	s25 =	smul.u32 $0x283E80, s7;
	s8 =	sadd.s32 s4, s8  }
0x11: {  	s11 =	sadd.s32 s11, s0;
	s17 =	ssub.s32 s15, s17;
	s26 =	sshrl.u32 s18, $0x3  }
0x12: {  	s18 =	sadd.s32 s21, s18;
	s19 =	sshrl.u32 s19, $0x3;
	s21 =	sshrl.u32 s28, $0x3  }
0x13: {  	s8 =	sshrl.u32 s8, $0x3;
	s15 =	sadd.s32 s9, s26;
	s18 =	sshrl.u32 s18, $0x3  }
0x14: {  	s21 =	sadd.s32 s1, s21;
	s26 =	sadd.s32 s14, s0;
	s14 =	sadd.s32 s23, s0  }
0x15: {  	s28 =	sadd.s32 s19, s0;
	s13 =	sadd.s32 s8, s0;
	s9 =	sadd.s32 s9, s18  }
0x16: {  	s8 =	sadd.s32 $0xCA00, s0;
	s0 =	sadd.s32 $0x2800, s0;
	[dreg:$0x5] =	wrdreg s9  }
0x17: {  	p1 =	por p1, !p0;
	s18 =	sadd.s32 $0x200, s21;
	[dreg:$0x7] =	wrdreg s0  }
0x18: {  	s19 =	smul.u32 $0x27800, s24;
	s9 =	sadd.s32 $0x7A00, s26;
	[dreg:$0x15] =	wrdreg s18  }
0x19: {  	s20 =	sadd.s32 s20, s8;
	s26 =	sadd.s32 $0x2400, s12;
	[dreg:$0x8] =	wrdreg s9  }
0x1a: {  	s12 =	sadd.s32 $0x2E6C00, s11;
	s18 =	simm.s32 $0x0;
	[dreg:$0xc] =	wrdreg s26  }
0x1b: {  	s20 =	sadd.s32 s22, s20;
	s9 =	sadd.s32 $0x2A00, s14;
	[dreg:$0x12] =	wrdreg s12  }
0x1c: {  	s22 =	smul.u32 $0x3E8, s7;
	s14 =	sadd.s32 $0x2FA800, s13;
	[dreg:$0x10] =	wrdreg s9  }
0x1d: {  	s7 =	smul.u32 $0x283E8, s7;
	s23 =	sadd.s32 $0x50000, s20;
	[dreg:$0x13] =	wrdreg s14  }
0x1e: {  	s12 =	simm.s32 $0x16A00;
	s1 =	sadd.s32 s1, s22;
	[dreg:$0xa] =	wrdreg s23  }
0x1f: {  	s13 =	simm.s32 $0x19A00;
	s22 =	sadd.s32 $0x700, s15;
	[dreg:$0x6] =	wrdreg s1  }
0x20: {  	s15 =	sadd.s32 s10, s2;
	s10 =	sadd.s32 $0x2D3000, s11;
	[dreg:$0x9] =	wrdreg s22  }
0x21: {  	s1 =	sshrl.u32 s25, $0x3;
	s25 =	sadd.s32 $0x305800, s28;
	[dreg:$0x11] =	wrdreg s10  }
0x22: {  	s9 =	simm.s32 $0x10600;
	s28 =	sadd.s32 $0xEE00, s16;
	[dreg:$0xb] =	wrdreg s25  }
0x23: {  	s16 =	sadd.s32 $0x100, s21;
	s0 =	sadd.s32 s8, s1;
	[dreg:$0xd] =	wrdreg s28  }
0x24: {  	s1 =	sshrl.u32 s19, $0x2;
	[dreg:$0x14] =	wrdreg s16;
	s19 =	sadd.s32 $0x300, s21  }
0x25: {  	s14 =	simm.s32 $0xFE00;
	s28 =	smax.u32 s17, $0x1;
	[dreg:$0x16] =	wrdreg s19  }
0x26: {  	s23 =	sadd.s32 s4, s7;
	s21 =	sadd.s32 $0x50700, s0;
	[dreg:$0x1c] =	wrdreg s28  }
0x27: {  	s11 =	simm.s32 $0x14A00;
	s22 =	sadd.s32 $0x4E400, s0;
	[dreg:$0x17] =	wrdreg s21  }
0x28: {  	s16 =	simm.s32 $0x12600;
	s25 =	sadd.s32 $0x4E600, s0;
	[dreg:$0x18] =	wrdreg s22  }
0x29: {  	v0 =	vimm.s32 $0x0;
	s1 =	sadd.s32 s1, s2;
	s26 =	sadd.s32 $0x4E800, s0;
	[dreg:$0x19] =	wrdreg s25  }
.Ltmp0:
0x2a: {  	v1 =	vimm.s32 $0x1;
	v2 =	vimm.s32 $0x2;
	v3 =	vimm.s32 $0x3;
	s0 =	sadd.s32 $0x4E200, s0;
	[dreg:$0x1a] =	wrdreg s26;
	(pc) =	sbr.rel .LBB2_1-.Ltmp0, $4  }
0x2b: {  	v4 =	vimm.s32 $0x4;
	v5 =	vimm.s32 $0x5;
	v6 =	vimm.s32 $0x6;
	s17 =	simm.s32 $0x18A00;
	s20 =	sadd.s32 $0x4000, s1;
	[dreg:$0x1b] =	wrdreg s0  }
0x2c: {  	v7 =	vimm.s32 $0x7;
	v8 =	vimm.s32 $0x8;
	v9 =	vimm.s32 $0x9;
	s30 =	sadd.s32 $0x8000, s1;
	s0 =	simm.s32 @!p4 $0x0;
	[dreg:$0xe] =	wrdreg s20  }
0x2d: {  	v10 =	vimm.s32 $0xA;
	v11 =	vimm.s32 $0xB;
	v12 =	vimm.s32 $0xC;
	s26 =	simm.s32 $0x14600;
	s0 =	simm.s32 @p4 $0x1;
	[dreg:$0xf] =	wrdreg s30  }
0x2e: {  	v13 =	vimm.s32 $0xD;
	v14 =	vimm.s32 $0xE;
	v15 =	vimm.s32 $0xF;
	s1 =	simm.s32 $0x1;
	[smem:$0x7FD] =	sst s0;
	s0 =	simm.s32 $0xF600  }
.LBB2_44:
0x2f: {  	s18 =	sadd.s32 $0x1, s18;
	s7 =	rddreg [dreg:$0x1c]  }
0x30: {  	p4 =	sne.s32 s18, s7  }
.Ltmp1:
0x31: {  	_ = 	snop;
	(pc) =	sbr.rel @!p4 .LBB2_45-.Ltmp1, $1  }
0x32: {  	_ =	sdelay $0x3  }
.LBB2_1:
0x33: {  	s7 =	rddreg [dreg:$0x8];
	s10 =	simm.s32 $0xC600  }
0x34: {  	[tilespmem:s10], [sflag:$0x2] =	stream.linear.gather [hbm4b:s7+s3], $0x2800, $0x38;
	[tilespmem:$0x1AA00] =	vst v63  }
0x35: {  	_ =	swait.ge [sflag:s31], $0x2800  }
0x36: {  	[sflag:s31] =	ssyncset.done $0x0  }
0x37: {  	s25 =	simm.s32 $0xEE00;
	s24 =	rddreg [dreg:$0x7];
	[sflag:s31] =	ssyncadd.s32 $0xFFFFD800  }
0x38: {  	[tilespmem:s25], [sflag:$0x2] =	stream.linear.gather [hbm4b:s24+s3], $0x800, $0x38;
	[tilespmem:$0x1AA00] =	vst v63  }
0x39: {  	_ =	swait.ge [sflag:s31], $0x800  }
0x3a: {  	[sflag:s31] =	ssyncset.done $0x0;
	s10 =	rddreg [dreg:$0x9]  }
0x3b: {  	s7 =	simm.s32 @!p1 $0x1DC2;
	s19 =	rddreg [dreg:$0x17];
	[sflag:s31] =	ssyncadd.s32 $0xFFFFF800  }
0x3c: {  	[hbm:s19], [sflag:s7] =	dma.local @!p1 [hbm:s10], $0xD0  }
0x3d: {  	s7 =	simm.s32 @!p1 $0x2  }
0x3e: {  	s10 =	stileid.u32;
	_ =	swait.ge @!p1 [sflag:s7], $0xD0  }
0x3f: {  	s10 =	sshll.u32 @!p0 s10, $0x6;
	[sflag:s7] =	ssyncset.done @!p1 $0x0;
	s19 =	rddreg [dreg:$0xa]  }
0x40: {  	[sflag:s7] =	ssyncadd.s32 @!p1 $0xFFFFFF30;
	s7 =	sor.u32 @!p0 $0x1C02, s10;
	s10 =	rddreg [dreg:$0x5]  }
0x41: {  	[hbm:s19], [sflag:s7] =	dma.local @!p0 [hbm:s10], $0x100  }
0x42: {  	s7 =	simm.s32 @!p0 $0x2  }
0x43: {  	_ =	swait.ge @!p0 [sflag:s7], $0x100  }
0x44: {  	[sflag:s7] =	ssyncset.done @!p0 $0x0  }
0x45: {  	[sflag:s7] =	ssyncadd.s32 @!p0 $0xFFFFFF00  }
0x46: {  	[bflag:$0x0] =	sbarrier.arrive $0xFFFF  }
0x47: {  	s28 =	rddreg [dreg:$0x4]  }
0x48: {  	s24 =	sshrl.u32 s15, $0x3;
	s10 =	rddreg [dreg:$0x11];
	s22 =	sor.u32 $0x1C02, s28  }
0x49: {  	[spmem:s24], [sflag:s22] =	dma.local [hbm:s10], $0x13C0  }
0x4a: {  	_ =	swait.ge [sflag:s31], $0x13C0  }
0x4b: {  	[sflag:s31] =	ssyncset.done $0x0  }
0x4c: {  	[sflag:s31] =	ssyncadd.s32 $0xFFFFEC40  }
0x4d: {  	[bflag:$0x0] =	sbarrier.arrive $0xFFFF  }
0x4e: {  	s21 =	simm.s32 $0x9E00;
	s19 =	rddreg [dreg:$0xb]  }
0x4f: {  	[tilespmem:s21], [sflag:$0x2] =	stream.linear.gather [hbm4b:s19+s3], $0x80, $0x38;
	[tilespmem:$0x1AA00] =	vst v63  }
0x50: {  	_ =	swait.ge [sflag:s31], $0x80  }
0x51: {  	[sflag:s31] =	ssyncset.done $0x0  }
0x52: {  	s25 =	rddreg [dreg:$0xc];
	[sflag:s31] =	ssyncadd.s32 $0xFFFFFF80  }
0x53: {  	[tilespmem:s26], [sflag:$0x2] =	stream.linear.gather [hbm4b:s25+s3], $0x200, $0x38;
	[tilespmem:$0x1AA00] =	vst v63  }
0x54: {  	_ =	swait.ge [sflag:s31], $0x200  }
0x55: {  	[sflag:s31] =	ssyncset.done $0x0  }
0x56: {  	[sflag:s31] =	ssyncadd.s32 $0xFFFFFE00  }
0x57: {  	[tilespmem:s0], [sflag:$0x1] =	stream.indirect.gather [hbm4b:s8+s29], $0x10, s21, s29, $0xb8;
	[tilespmem:$0x1AA00] =	vst v63  }
0x58: {  	_ =	swait.ge [sflag:s1], $0x800  }
0x59: {  	[sflag:s1] =	ssyncset.done $0x0  }
0x5a: {  	s28 =	simm.s32 $0x0;
	[sflag:s1] =	ssyncadd.s32 $0xFFFFF800  }
0x5b: {  	v16 =	vld [tilespmem:s28+$0x14600]  }
0x5c: {  	s21 =	simm.s32 $0xF620  }
0x5d: {  	v17 =	vld [tilespmem:s21+$0xFFFFFFE0];
	_ =	sdelay $0x2  }
0x5e: {  	v18 =	vperm.xlane v16, v3  }
0x5f: {  	v19 =	vperm.xlane v16, v0  }
0x60: {  	v20 =	vperm.xlane v16, v1;
	v18 =	vmul.f32 v18, v17  }
0x61: {  	s7 =	simm.s32 $0x10680;
	v21 =	vperm.xlane v16, v2;
	v19 =	vmul.f32 v19, v17  }
0x62: {  	v20 =	vmul.f32 v20, v17;
	[tilespmem:s7+$0xFFFFFFB0] =	vst v18  }
0x63: {  	v17 =	vmul.f32 v21, v17;
	[tilespmem:s7+$0xFFFFFF80] =	vst v19  }
0x64: {  	[tilespmem:s7+$0xFFFFFF90] =	vst v20  }
0x65: {  	[tilespmem:s7+$0xFFFFFFA0] =	vst v17  }
0x66: {  	v17 =	vld [tilespmem:s21+$0xFFFFFFF0];
	_ =	sdelay $0x2  }
0x67: {  	v18 =	vperm.xlane v16, v4  }
0x68: {  	v19 =	vperm.xlane v16, v7  }
0x69: {  	v20 =	vperm.xlane v16, v5;
	v18 =	vmul.f32 v18, v17  }
0x6a: {  	v62 =	vperm.xlane v16, v6;
	v19 =	vmul.f32 v19, v17  }
0x6b: {  	v20 =	vmul.f32 v20, v17;
	[tilespmem:s7+$0xFFFFFFC0] =	vst v18  }
0x6c: {  	v17 =	vmul.f32 v62, v17;
	[tilespmem:s7+$0xFFFFFFF0] =	vst v19  }
0x6d: {  	[tilespmem:s7+$0xFFFFFFD0] =	vst v20  }
0x6e: {  	[tilespmem:s7+$0xFFFFFFE0] =	vst v17  }
0x6f: {  	v18 =	vld [tilespmem:s21+$0x0];
	_ =	sdelay $0x2  }
0x70: {  	v17 =	vperm.xlane v16, v9  }
0x71: {  	v63 =	vperm.xlane v16, v11;
	v19 =	vperm.xlane v16, v8  }
0x72: {  	v20 =	vperm.xlane v16, v10;
	v17 =	vmul.f32 v17, v18  }
0x73: {  	v19 =	vmul.f32 v19, v18  }
0x74: {  	[tilespmem:s7+$0x10] =	vst v17;
	v17 =	vmul.f32 v20, v18;
	v18 =	vmul.f32 v63, v18  }
0x75: {  	s10 =	simm.s32 $0x40;
	s19 =	simm.s32 $0xF620;
	s25 =	simm.s32 $0x10680;
	[tilespmem:s7+$0x0] =	vst v19  }
.LBB2_2:
0x76: {  	p4 =	sne.s32 s10, $0x7C0;
	[tilespmem:s7+$0x30] =	vst v18;
	s21 =	sadd.s32 $0x40, s21;
	s25 =	sadd.s32 $0x100, s25  }
0x77: {  	s28 =	smov.u32 s10;
	s10 =	sadd.s32 $0x40, s10;
	[tilespmem:s7+$0x20] =	vst v17  }
0x78: {  	v17 =	vld [tilespmem:s19+$0x10];
	s19 =	smov.u32 s21;
	_ =	sdelay $0x2  }
0x79: {  	v18 =	vperm.xlane v16, v12;
	v19 =	vperm.xlane v16, v13  }
0x7a: {  	v20 =	vperm.xlane v16, v14;
	v16 =	vperm.xlane v16, v15  }
0x7b: {  	v18 =	vmul.f32 v18, v17;
	v19 =	vmul.f32 v19, v17  }
0x7c: {  	v20 =	vmul.f32 v20, v17;
	v16 =	vmul.f32 v16, v17  }
0x7d: {  	[tilespmem:s7+$0x40] =	vst v18  }
0x7e: {  	[tilespmem:s7+$0x50] =	vst v19  }
0x7f: {  	[tilespmem:s7+$0x70] =	vst v16  }
0x80: {  	s28 =	sshra.s32 s28, $0x2;
	[tilespmem:s7+$0x60] =	vst v20;
	s7 =	smov.u32 s25  }
0x81: {  	v16 =	vld [tilespmem:s28+$0x14600];
	_ =	sdelay $0x1  }
0x82: {  	v17 =	vld [tilespmem:s21+$0xFFFFFFE0];
	_ =	sdelay $0x2  }
0x83: {  	v18 =	vperm.xlane v16, v0;
	v19 =	vperm.xlane v16, v3  }
0x84: {  	v20 =	vperm.xlane v16, v1;
	v21 =	vperm.xlane v16, v2  }
0x85: {  	v18 =	vmul.f32 v18, v17;
	v19 =	vmul.f32 v19, v17  }
0x86: {  	v20 =	vmul.f32 v20, v17;
	v17 =	vmul.f32 v21, v17  }
0x87: {  	[tilespmem:s25+$0xFFFFFFB0] =	vst v19  }
0x88: {  	[tilespmem:s25+$0xFFFFFF80] =	vst v18  }
0x89: {  	[tilespmem:s25+$0xFFFFFF90] =	vst v20  }
0x8a: {  	[tilespmem:s25+$0xFFFFFFA0] =	vst v17  }
0x8b: {  	v17 =	vld [tilespmem:s21+$0xFFFFFFF0];
	_ =	sdelay $0x2  }
0x8c: {  	v19 =	vperm.xlane v16, v5;
	v18 =	vperm.xlane v16, v4  }
0x8d: {  	v21 =	vperm.xlane v16, v7;
	v20 =	vperm.xlane v16, v6  }
0x8e: {  	v18 =	vmul.f32 v18, v17;
	v19 =	vmul.f32 v19, v17  }
0x8f: {  	v20 =	vmul.f32 v20, v17;
	v17 =	vmul.f32 v21, v17  }
0x90: {  	[tilespmem:s25+$0xFFFFFFC0] =	vst v18  }
0x91: {  	[tilespmem:s25+$0xFFFFFFF0] =	vst v17  }
0x92: {  	[tilespmem:s25+$0xFFFFFFD0] =	vst v19  }
0x93: {  	[tilespmem:s25+$0xFFFFFFE0] =	vst v20  }
0x94: {  	v18 =	vld [tilespmem:s21+$0x0];
	_ =	sdelay $0x2  }
0x95: {  	v17 =	vperm.xlane v16, v8;
	v19 =	vperm.xlane v16, v9  }
.Ltmp2:
0x96: {  	v21 =	vperm.xlane v16, v11;
	v20 =	vperm.xlane v16, v10;
	(pc) =	sbr.rel @p4 .LBB2_2-.Ltmp2, $4  }
0x97: {  	v22 =	vmul.f32 v17, v18;
	v19 =	vmul.f32 v19, v18  }
0x98: {  	v17 =	vmul.f32 v20, v18;
	v18 =	vmul.f32 v21, v18  }
0x99: {  	[tilespmem:s25+$0x10] =	vst v19  }
0x9a: {  	[tilespmem:s25+$0x0] =	vst v22  }
0x9b: {  	[tilespmem:s7+$0x30] =	vst v18  }
0x9c: {  	[tilespmem:s7+$0x20] =	vst v17  }
0x9d: {  	v17 =	vld [tilespmem:s19+$0x10];
	_ =	sdelay $0x2  }
0x9e: {  	v18 =	vperm.xlane v16, v12  }
0x9f: {  	v19 =	vperm.xlane v16, v13  }
0xa0: {  	v20 =	vperm.xlane v16, v15;
	v18 =	vmul.f32 v18, v17  }
0xa1: {  	v16 =	vperm.xlane v16, v14;
	v19 =	vmul.f32 v19, v17  }
0xa2: {  	v20 =	vmul.f32 v20, v17;
	[tilespmem:s7+$0x40] =	vst v18  }
0xa3: {  	v16 =	vmul.f32 v16, v17;
	[tilespmem:s7+$0x50] =	vst v19  }
0xa4: {  	[tilespmem:s7+$0x70] =	vst v20  }
0xa5: {  	s28 =	rddreg [dreg:$0xd];
	[tilespmem:s7+$0x60] =	vst v16  }
0xa6: {  	[spmem:s2] =	stream.indirect.scatter.add.f32 [tilespmem:s9], [sflag:$0x2], $0x40, s28, s29, $0xb8;
	[tilespmem:$0x1AA00] =	vst v63  }
0xa7: {  	_ =	swait.ge [sflag:s31], $0x2000  }
0xa8: {  	[sflag:s31] =	ssyncset.done $0x0  }
0xa9: {  	[sflag:s31] =	ssyncadd.s32 $0xFFFFE000  }
0xaa: {  	[bflag:$0x0] =	sbarrier.arrive $0xFFFF  }
0xab: {  	[tilespmem:s11], [sflag:$0x2] =	stream.linear.gather [spmem:s15], $0x4000, $0x38;
	[tilespmem:$0x1AA00] =	vst v63  }
0xac: {  	_ =	swait.ge [sflag:s31], $0x4000  }
0xad: {  	[sflag:s31] =	ssyncset.done $0x0  }
0xae: {  	s7 =	simm.s32 $0x0;
	[sflag:s31] =	ssyncadd.s32 $0xFFFFC000  }
0xaf: {  	v18 =	vld [tilespmem:s7+$0x14A00]  }
0xb0: {  	v17 =	vld [tilespmem:s7+$0x14A10]  }
0xb1: {  	s10 =	simm.s32 $0x100;
	v16 =	vld [tilespmem:s7+$0x14A20]  }
.LBB2_4:
0xb2: {  	p4 =	sne.s32 s10, $0xFF00;
	v19 =	vld [tilespmem:s7+$0x14A30];
	_ =	sdelay $0x1  }
0xb3: {  	v20 =	vmin.f32 v18, $0.0e+00  }
0xb4: {  	v20 =	vmul.f32 $1.442695020e+00, v20;
	v21 =	vmin.f32 v17, $0.0e+00  }
0xb5: {  	v21 =	vmul.f32 $1.442695020e+00, v21;
	v22 =	vmin.f32 v16, $0.0e+00  }
0xb6: {  	v22 =	vmul.f32 $1.442695020e+00, v22;
	v23 =	vmin.f32 v19, $0.0e+00;
	(erf) = vpow2.f32 v20  }
0xb7: {  	v20 =	vmul.f32 $1.442695020e+00, v23;
	(erf) = vpow2.f32 v21  }
0xb8: {  	(erf) = vpow2.f32 v22  }
0xb9: {  	(erf) = vpow2.f32 v20;
	_ =	sdelay $0x5  }
0xba: {  	v20 =	vpop (erf)  }
0xbb: {  	v20 =	vadd.f32 $-1.000000000e+00, v20;
	v21 =	vpop (erf)  }
0xbc: {  	vm0 =	vgt.f32 v18, $0.0e+00;
	v21 =	vadd.f32 $-1.000000000e+00, v21;
	v22 =	vpop (erf)  }
.Ltmp3:
0xbd: {  	v18 =	vsel vm0, v18, v20;
	vm0 =	vgt.f32 v17, $0.0e+00;
	v20 =	vadd.f32 $-1.000000000e+00, v22;
	v22 =	vpop (erf);
	(pc) =	sbr.rel @p4 .LBB2_4-.Ltmp3, $4  }
0xbe: {  	s19 =	sshra.s32 s10, $0x2;
	[tilespmem:s7+$0x14A00] =	vst v18;
	v17 =	vsel vm0, v17, v21;
	vm0 =	vgt.f32 v16, $0.0e+00;
	v21 =	vadd.f32 $-1.000000000e+00, v22  }
0xbf: {  	v18 =	vld [tilespmem:s19+$0x14A00];
	[tilespmem:s7+$0x14A10] =	vst v17;
	v16 =	vsel vm0, v16, v20;
	vm0 =	vgt.f32 v19, $0.0e+00  }
0xc0: {  	v17 =	vld [tilespmem:s19+$0x14A10];
	[tilespmem:s7+$0x14A20] =	vst v16;
	v19 =	vsel vm0, v19, v21  }
0xc1: {  	s10 =	sadd.s32 $0x100, s10;
	v16 =	vld [tilespmem:s19+$0x14A20];
	[tilespmem:s7+$0x14A30] =	vst v19;
	s7 =	smov.u32 s19  }
0xc2: {  	v19 =	vld [tilespmem:s7+$0x14A30];
	_ =	sdelay $0x1  }
0xc3: {  	v20 =	vmin.f32 v18, $0.0e+00  }
0xc4: {  	v20 =	vmul.f32 $1.442695020e+00, v20;
	v21 =	vmin.f32 v17, $0.0e+00  }
0xc5: {  	v21 =	vmul.f32 $1.442695020e+00, v21;
	v22 =	vmin.f32 v16, $0.0e+00  }
0xc6: {  	v22 =	vmul.f32 $1.442695020e+00, v22;
	v23 =	vmin.f32 v19, $0.0e+00;
	(erf) = vpow2.f32 v20  }
0xc7: {  	v20 =	vmul.f32 $1.442695020e+00, v23;
	(erf) = vpow2.f32 v21  }
0xc8: {  	(erf) = vpow2.f32 v22  }
0xc9: {  	(erf) = vpow2.f32 v20;
	_ =	sdelay $0x5  }
0xca: {  	v20 =	vpop (erf)  }
0xcb: {  	v20 =	vadd.f32 $-1.000000000e+00, v20;
	v21 =	vpop (erf)  }
0xcc: {  	vm0 =	vgt.f32 v18, $0.0e+00;
	v21 =	vadd.f32 $-1.000000000e+00, v21;
	v22 =	vpop (erf)  }
0xcd: {  	vm13 =	vgt.f32 v17, $0.0e+00;
	v18 =	vsel vm0, v18, v20;
	v20 =	vadd.f32 $-1.000000000e+00, v22;
	v63 =	vpop (erf)  }
0xce: {  	vm14 =	vgt.f32 v16, $0.0e+00;
	[tilespmem:s7+$0x14A00] =	vst v18;
	v17 =	vsel vm13, v17, v21;
	v18 =	vadd.f32 $-1.000000000e+00, v63  }
0xcf: {  	vm15 =	vgt.f32 v19, $0.0e+00;
	[tilespmem:s7+$0x14A10] =	vst v17;
	v16 =	vsel vm14, v16, v20  }
0xd0: {  	[tilespmem:s7+$0x14A20] =	vst v16;
	v16 =	vsel vm15, v19, v18  }
0xd1: {  	[tilespmem:s7+$0x14A30] =	vst v16  }
0xd2: {  	[spmem:s15] =	stream.linear.scatter [tilespmem:s11], [sflag:$0x2], $0x4000, $0x38;
	[tilespmem:$0x1AA00] =	vst v63  }
0xd3: {  	_ =	swait.ge [sflag:s31], $0x4000  }
0xd4: {  	[sflag:s31] =	ssyncset.done $0x0  }
0xd5: {  	[sflag:s31] =	ssyncadd.s32 $0xFFFFC000  }
0xd6: {  	[tilespmem:s11], [sflag:$0x2] =	stream.linear.gather [spmem:s20], $0x4000, $0x38;
	[tilespmem:$0x1AA00] =	vst v63  }
0xd7: {  	_ =	swait.ge [sflag:s31], $0x4000  }
0xd8: {  	[sflag:s31] =	ssyncset.done $0x0  }
0xd9: {  	s7 =	simm.s32 $0x0;
	[sflag:s31] =	ssyncadd.s32 $0xFFFFC000  }
0xda: {  	v18 =	vld [tilespmem:s7+$0x14A00]  }
0xdb: {  	v17 =	vld [tilespmem:s7+$0x14A10]  }
0xdc: {  	s10 =	simm.s32 $0x100;
	v16 =	vld [tilespmem:s7+$0x14A20]  }
.LBB2_6:
0xdd: {  	p4 =	sne.s32 s10, $0xFF00;
	v19 =	vld [tilespmem:s7+$0x14A30];
	_ =	sdelay $0x1  }
0xde: {  	v20 =	vmin.f32 v18, $0.0e+00  }
0xdf: {  	v20 =	vmul.f32 $1.442695020e+00, v20;
	v21 =	vmin.f32 v17, $0.0e+00  }
0xe0: {  	v21 =	vmul.f32 $1.442695020e+00, v21;
	v22 =	vmin.f32 v16, $0.0e+00  }
0xe1: {  	v22 =	vmul.f32 $1.442695020e+00, v22;
	v23 =	vmin.f32 v19, $0.0e+00;
	(erf) = vpow2.f32 v20  }
0xe2: {  	v20 =	vmul.f32 $1.442695020e+00, v23;
	(erf) = vpow2.f32 v21  }
0xe3: {  	(erf) = vpow2.f32 v22  }
0xe4: {  	(erf) = vpow2.f32 v20;
	_ =	sdelay $0x5  }
0xe5: {  	v20 =	vpop (erf)  }
0xe6: {  	v20 =	vadd.f32 $-1.000000000e+00, v20;
	v21 =	vpop (erf)  }
0xe7: {  	vm0 =	vgt.f32 v18, $0.0e+00;
	v21 =	vadd.f32 $-1.000000000e+00, v21;
	v22 =	vpop (erf)  }
.Ltmp4:
0xe8: {  	v18 =	vsel vm0, v18, v20;
	vm0 =	vgt.f32 v17, $0.0e+00;
	v20 =	vadd.f32 $-1.000000000e+00, v22;
	v22 =	vpop (erf);
	(pc) =	sbr.rel @p4 .LBB2_6-.Ltmp4, $4  }
0xe9: {  	s19 =	sshra.s32 s10, $0x2;
	[tilespmem:s7+$0x14A00] =	vst v18;
	v17 =	vsel vm0, v17, v21;
	vm0 =	vgt.f32 v16, $0.0e+00;
	v21 =	vadd.f32 $-1.000000000e+00, v22  }
0xea: {  	v18 =	vld [tilespmem:s19+$0x14A00];
	[tilespmem:s7+$0x14A10] =	vst v17;
	v16 =	vsel vm0, v16, v20;
	vm0 =	vgt.f32 v19, $0.0e+00  }
0xeb: {  	v17 =	vld [tilespmem:s19+$0x14A10];
	[tilespmem:s7+$0x14A20] =	vst v16;
	v19 =	vsel vm0, v19, v21  }
0xec: {  	s10 =	sadd.s32 $0x100, s10;
	v16 =	vld [tilespmem:s19+$0x14A20];
	[tilespmem:s7+$0x14A30] =	vst v19;
	s7 =	smov.u32 s19  }
0xed: {  	v19 =	vld [tilespmem:s7+$0x14A30];
	_ =	sdelay $0x1  }
0xee: {  	v20 =	vmin.f32 v18, $0.0e+00  }
0xef: {  	v20 =	vmul.f32 $1.442695020e+00, v20;
	v21 =	vmin.f32 v17, $0.0e+00  }
0xf0: {  	v21 =	vmul.f32 $1.442695020e+00, v21;
	v22 =	vmin.f32 v16, $0.0e+00  }
0xf1: {  	v22 =	vmul.f32 $1.442695020e+00, v22;
	v23 =	vmin.f32 v19, $0.0e+00;
	(erf) = vpow2.f32 v20  }
0xf2: {  	v20 =	vmul.f32 $1.442695020e+00, v23;
	(erf) = vpow2.f32 v21  }
0xf3: {  	(erf) = vpow2.f32 v22  }
0xf4: {  	(erf) = vpow2.f32 v20;
	_ =	sdelay $0x5  }
0xf5: {  	v20 =	vpop (erf)  }
0xf6: {  	v20 =	vadd.f32 $-1.000000000e+00, v20;
	v21 =	vpop (erf)  }
0xf7: {  	vm0 =	vgt.f32 v18, $0.0e+00;
	v21 =	vadd.f32 $-1.000000000e+00, v21;
	v22 =	vpop (erf)  }
0xf8: {  	vm13 =	vgt.f32 v17, $0.0e+00;
	v18 =	vsel vm0, v18, v20;
	v20 =	vadd.f32 $-1.000000000e+00, v22;
	v63 =	vpop (erf)  }
0xf9: {  	vm14 =	vgt.f32 v16, $0.0e+00;
	[tilespmem:s7+$0x14A00] =	vst v18;
	v17 =	vsel vm13, v17, v21;
	v18 =	vadd.f32 $-1.000000000e+00, v63  }
0xfa: {  	vm15 =	vgt.f32 v19, $0.0e+00;
	[tilespmem:s7+$0x14A10] =	vst v17;
	v16 =	vsel vm14, v16, v20  }
0xfb: {  	[tilespmem:s7+$0x14A20] =	vst v16;
	v16 =	vsel vm15, v19, v18  }
0xfc: {  	[tilespmem:s7+$0x14A30] =	vst v16  }
0xfd: {  	[spmem:s20] =	stream.linear.scatter [tilespmem:s11], [sflag:$0x2], $0x4000, $0x38;
	[tilespmem:$0x1AA00] =	vst v63  }
0xfe: {  	_ =	swait.ge [sflag:s31], $0x4000  }
0xff: {  	[sflag:s31] =	ssyncset.done $0x0  }
0x100: {  	[sflag:s31] =	ssyncadd.s32 $0xFFFFC000  }
0x101: {  	[tilespmem:s11], [sflag:$0x2] =	stream.linear.gather [spmem:s30], $0x1E00, $0x38;
	[tilespmem:$0x1AA00] =	vst v63  }
0x102: {  	_ =	swait.ge [sflag:s31], $0x1E00  }
0x103: {  	[sflag:s31] =	ssyncset.done $0x0  }
0x104: {  	s7 =	simm.s32 $0x0;
	[sflag:s31] =	ssyncadd.s32 $0xFFFFE200  }
0x105: {  	v18 =	vld [tilespmem:s7+$0x14A00]  }
0x106: {  	v17 =	vld [tilespmem:s7+$0x14A10]  }
0x107: {  	s10 =	simm.s32 $0x100;
	v16 =	vld [tilespmem:s7+$0x14A20]  }
.LBB2_8:
0x108: {  	p4 =	sne.s32 s10, $0x7700;
	v19 =	vld [tilespmem:s7+$0x14A30];
	_ =	sdelay $0x1  }
0x109: {  	v20 =	vmin.f32 v18, $0.0e+00  }
0x10a: {  	v20 =	vmul.f32 $1.442695020e+00, v20;
	v21 =	vmin.f32 v17, $0.0e+00  }
0x10b: {  	v21 =	vmul.f32 $1.442695020e+00, v21;
	v22 =	vmin.f32 v16, $0.0e+00  }
0x10c: {  	v22 =	vmul.f32 $1.442695020e+00, v22;
	v23 =	vmin.f32 v19, $0.0e+00;
	(erf) = vpow2.f32 v20  }
0x10d: {  	v20 =	vmul.f32 $1.442695020e+00, v23;
	(erf) = vpow2.f32 v21  }
0x10e: {  	(erf) = vpow2.f32 v22  }
0x10f: {  	(erf) = vpow2.f32 v20;
	_ =	sdelay $0x5  }
0x110: {  	v20 =	vpop (erf)  }
0x111: {  	v20 =	vadd.f32 $-1.000000000e+00, v20;
	v21 =	vpop (erf)  }
0x112: {  	vm0 =	vgt.f32 v18, $0.0e+00;
	v21 =	vadd.f32 $-1.000000000e+00, v21;
	v22 =	vpop (erf)  }
.Ltmp5:
0x113: {  	v18 =	vsel vm0, v18, v20;
	vm0 =	vgt.f32 v17, $0.0e+00;
	v20 =	vadd.f32 $-1.000000000e+00, v22;
	v22 =	vpop (erf);
	(pc) =	sbr.rel @p4 .LBB2_8-.Ltmp5, $4  }
0x114: {  	s19 =	sshra.s32 s10, $0x2;
	[tilespmem:s7+$0x14A00] =	vst v18;
	v17 =	vsel vm0, v17, v21;
	vm0 =	vgt.f32 v16, $0.0e+00;
	v21 =	vadd.f32 $-1.000000000e+00, v22  }
0x115: {  	v18 =	vld [tilespmem:s19+$0x14A00];
	[tilespmem:s7+$0x14A10] =	vst v17;
	v16 =	vsel vm0, v16, v20;
	vm0 =	vgt.f32 v19, $0.0e+00  }
0x116: {  	v17 =	vld [tilespmem:s19+$0x14A10];
	[tilespmem:s7+$0x14A20] =	vst v16;
	v19 =	vsel vm0, v19, v21  }
0x117: {  	s10 =	sadd.s32 $0x100, s10;
	v16 =	vld [tilespmem:s19+$0x14A20];
	[tilespmem:s7+$0x14A30] =	vst v19;
	s7 =	smov.u32 s19  }
0x118: {  	v19 =	vld [tilespmem:s7+$0x14A30];
	_ =	sdelay $0x1  }
0x119: {  	v20 =	vmin.f32 v18, $0.0e+00  }
0x11a: {  	v20 =	vmul.f32 $1.442695020e+00, v20;
	v21 =	vmin.f32 v17, $0.0e+00  }
0x11b: {  	v21 =	vmul.f32 $1.442695020e+00, v21;
	v22 =	vmin.f32 v16, $0.0e+00  }
0x11c: {  	v22 =	vmul.f32 $1.442695020e+00, v22;
	v23 =	vmin.f32 v19, $0.0e+00;
	(erf) = vpow2.f32 v20  }
0x11d: {  	v59 =	vmul.f32 $1.442695020e+00, v23;
	(erf) = vpow2.f32 v21  }
0x11e: {  	(erf) = vpow2.f32 v22  }
0x11f: {  	(erf) = vpow2.f32 v59;
	_ =	sdelay $0x5  }
0x120: {  	v60 =	vpop (erf)  }
0x121: {  	v20 =	vadd.f32 $-1.000000000e+00, v60;
	v21 =	vpop (erf)  }
0x122: {  	vm0 =	vgt.f32 v18, $0.0e+00;
	v21 =	vadd.f32 $-1.000000000e+00, v21;
	v22 =	vpop (erf)  }
0x123: {  	vm13 =	vgt.f32 v17, $0.0e+00;
	v18 =	vsel vm0, v18, v20;
	v61 =	vadd.f32 $-1.000000000e+00, v22;
	v62 =	vpop (erf)  }
0x124: {  	vm14 =	vgt.f32 v16, $0.0e+00;
	[tilespmem:s7+$0x14A00] =	vst v18;
	v17 =	vsel vm13, v17, v21;
	v63 =	vadd.f32 $-1.000000000e+00, v62  }
0x125: {  	vm15 =	vgt.f32 v19, $0.0e+00;
	[tilespmem:s7+$0x14A10] =	vst v17;
	v16 =	vsel vm14, v16, v61  }
0x126: {  	[tilespmem:s7+$0x14A20] =	vst v16;
	v16 =	vsel vm15, v19, v63  }
0x127: {  	[tilespmem:s7+$0x14A30] =	vst v16  }
0x128: {  	[spmem:s30] =	stream.linear.scatter [tilespmem:s11], [sflag:$0x2], $0x1E00, $0x38;
	[tilespmem:$0x1AA00] =	vst v63  }
0x129: {  	_ =	swait.ge [sflag:s31], $0x1E00  }
0x12a: {  	[sflag:s31] =	ssyncset.done $0x0  }
0x12b: {  	[sflag:s31] =	ssyncadd.s32 $0xFFFFE200  }
0x12c: {  	[bflag:$0x0] =	sbarrier.arrive $0xFFFF  }
0x12d: {  	s25 =	simm.s32 $0x0;
	s10 =	simm.s32 $0x9E00;
	s30 =	rddreg [dreg:$0x10]  }
0x12e: {  	[tilespmem:s10], [sflag:$0x2] =	stream.linear.gather [hbm4b:s30+s25], $0x2800, $0x38;
	[tilespmem:$0x1AA00] =	vst v63  }
0x12f: {  	_ =	swait.ge [sflag:s31], $0x2800  }
0x130: {  	[sflag:s31] =	ssyncset.done $0x0  }
0x131: {  	s7 =	simm.s32 $0x0;
	[sflag:s31] =	ssyncadd.s32 $0xFFFFD800  }
.LBB2_10:
0x132: {  	s30 =	sshll.u32 s7, $0x8  }
0x133: {  	s10 =	sadd.s32 $0x9E00, s30;
	s20 =	sadd.s32 s4, s30  }
0x134: {  	[tilespmem:s11], [sflag:$0x1] =	stream.indirect.gather [spmem:s2], $0x40, s10, s29, $0xb8;
	[tilespmem:$0x1AA00] =	vst v63  }
0x135: {  	s19 =	sadd.s32 $0x9E80, s30;
	s10 =	sshrl.u32 s20, $0x1  }
0x136: {  	[tilespmem:s12], [sflag:$0x1] =	stream.indirect.gather [spmem:s2], $0x40, s19, s29, $0xb8;
	[tilespmem:$0x1AA00] =	vst v63  }
0x137: {  	s10 =	sadd.s32 s6, s10  }
0x138: {  	[tilespmem:s26], [sflag:$0x2] =	stream.linear.gather [hbm4b:s10+s25], $0x400, $0x38;
	[tilespmem:$0x1AA00] =	vst v63  }
0x139: {  	_ =	swait.ge [sflag:s31], $0x400  }
0x13a: {  	[sflag:s31] =	ssyncset.done $0x0  }
0x13b: {  	[sflag:s31] =	ssyncadd.s32 $0xFFFFFC00  }
0x13c: {  	_ =	swait.ge [sflag:s1], $0x2000  }
0x13d: {  	[sflag:s1] =	ssyncset.done $0x0  }
0x13e: {  	[sflag:s1] =	ssyncadd.s32 $0xFFFFE000  }
0x13f: {  	_ =	swait.ge [sflag:s1], $0x2000  }
0x140: {  	[sflag:s1] =	ssyncset.done $0x0  }
0x141: {  	s21 =	simm.s32 $0x0;
	[sflag:s1] =	ssyncadd.s32 $0xFFFFE000  }
0x142: {  	s28 =	simm.s32 $0x14A80;
	v16 =	vld [tilespmem:s21+$0x14600]  }
0x143: {  	v17 =	vld [tilespmem:s28+$0xFFFFFF80]  }
0x144: {  	v18 =	vld [tilespmem:s28+$0xFFFFFF90];
	_ =	sdelay $0x1  }
0x145: {  	v19 =	vld [tilespmem:s28+$0xFFFFFFA0]  }
0x146: {  	v20 =	vperm.xlane v16, v0;
	v21 =	vperm.xlane v16, v1  }
0x147: {  	v23 =	vld [tilespmem:s28+$0xFFFFFFB0];
	v22 =	vperm.xlane v16, v2  }
0x148: {  	v17 =	vmul.f32 v17, v20;
	v18 =	vmul.f32 v18, v21;
	_ =	sdelay $0x1  }
0x149: {  	v20 =	vperm.xlane v16, v3;
	v17 =	vadd.f32 v18, v17;
	v18 =	vmul.f32 v19, v22;
	_ =	sdelay $0x1  }
0x14a: {  	v17 =	vadd.f32 v18, v17;
	v18 =	vmul.f32 v23, v20;
	_ =	sdelay $0x1  }
0x14b: {  	v17 =	vadd.f32 v18, v17  }
0x14c: {  	s21 =	simm.s32 $0x19A20  }
0x14d: {  	[tilespmem:s21+$0xFFFFFFE0] =	vst v17  }
0x14e: {  	v17 =	vld [tilespmem:s28+$0xFFFFFFC0]  }
0x14f: {  	v18 =	vld [tilespmem:s28+$0xFFFFFFD0];
	_ =	sdelay $0x1  }
0x150: {  	v19 =	vld [tilespmem:s28+$0xFFFFFFE0]  }
0x151: {  	v56 =	vperm.xlane v16, v5;
	v20 =	vperm.xlane v16, v4  }
0x152: {  	v57 =	vperm.xlane v16, v6;
	v58 =	vld [tilespmem:s28+$0xFFFFFFF0]  }
0x153: {  	v17 =	vmul.f32 v17, v20;
	v18 =	vmul.f32 v18, v56;
	_ =	sdelay $0x1  }
0x154: {  	v17 =	vadd.f32 v18, v17;
	v18 =	vmul.f32 v19, v57;
	v19 =	vperm.xlane v16, v7;
	_ =	sdelay $0x1  }
0x155: {  	v17 =	vadd.f32 v18, v17;
	v18 =	vmul.f32 v58, v19;
	_ =	sdelay $0x1  }
0x156: {  	v17 =	vadd.f32 v18, v17;
	_ =	sdelay $0x1  }
0x157: {  	[tilespmem:s21+$0xFFFFFFF0] =	vst v17  }
0x158: {  	v17 =	vld [tilespmem:s28+$0x10]  }
0x159: {  	v18 =	vld [tilespmem:s28+$0x0];
	_ =	sdelay $0x1  }
0x15a: {  	v19 =	vld [tilespmem:s28+$0x20]  }
0x15b: {  	v59 =	vperm.xlane v16, v9;
	v20 =	vperm.xlane v16, v8  }
0x15c: {  	v60 =	vperm.xlane v16, v10;
	v61 =	vld [tilespmem:s28+$0x30]  }
0x15d: {  	v18 =	vmul.f32 v18, v20;
	v17 =	vmul.f32 v17, v59;
	_ =	sdelay $0x1  }
0x15e: {  	v17 =	vadd.f32 v17, v18;
	v18 =	vmul.f32 v19, v60;
	v19 =	vperm.xlane v16, v11;
	_ =	sdelay $0x1  }
0x15f: {  	v17 =	vadd.f32 v18, v17;
	v18 =	vmul.f32 v61, v19;
	_ =	sdelay $0x1  }
0x160: {  	v17 =	vadd.f32 v18, v17;
	_ =	sdelay $0x1  }
0x161: {  	[tilespmem:s21+$0x0] =	vst v17  }
0x162: {  	v17 =	vld [tilespmem:s28+$0x40]  }
0x163: {  	v18 =	vld [tilespmem:s28+$0x50];
	_ =	sdelay $0x1  }
0x164: {  	v20 =	vperm.xlane v16, v12;
	v19 =	vld [tilespmem:s28+$0x60]  }
0x165: {  	v63 =	vperm.xlane v16, v13;
	v62 =	vld [tilespmem:s28+$0x70]  }
0x166: {  	v20 =	vmul.f32 v17, v20  }
0x167: {  	v17 =	vperm.xlane v16, v14;
	v18 =	vmul.f32 v18, v63  }
0x168: {  	v16 =	vperm.xlane v16, v15  }
0x169: {  	v17 =	vmul.f32 v19, v17;
	v18 =	vadd.f32 v18, v20  }
0x16a: {  	s19 =	simm.s32 $0x40;
	s10 =	simm.s32 $0x19A20;
	v16 =	vmul.f32 v62, v16  }
.LBB2_11:
0x16b: {  	p4 =	sne.s32 s19, $0xFC0;
	v17 =	vadd.f32 v17, v18;
	s21 =	sadd.s32 $0x40, s21;
	s28 =	sadd.s32 $0x100, s28  }
0x16c: {  	s20 =	smov.u32 s19;
	s19 =	sadd.s32 $0x40, s19  }
0x16d: {  	v16 =	vadd.f32 v16, v17  }
0x16e: {  	s20 =	sshra.s32 s20, $0x2  }
0x16f: {  	[tilespmem:s10+$0x10] =	vst v16;
	s10 =	smov.u32 s21  }
0x170: {  	v16 =	vld [tilespmem:s20+$0x14600]  }
0x171: {  	v17 =	vld [tilespmem:s28+$0xFFFFFF80]  }
0x172: {  	v18 =	vld [tilespmem:s28+$0xFFFFFF90];
	_ =	sdelay $0x1  }
0x173: {  	v19 =	vld [tilespmem:s28+$0xFFFFFFA0]  }
0x174: {  	v20 =	vperm.xlane v16, v0;
	v21 =	vperm.xlane v16, v1  }
0x175: {  	v22 =	vperm.xlane v16, v2;
	v23 =	vperm.xlane v16, v3;
	v24 =	vld [tilespmem:s28+$0xFFFFFFB0]  }
0x176: {  	v17 =	vmul.f32 v17, v20;
	v18 =	vmul.f32 v18, v21;
	_ =	sdelay $0x1  }
0x177: {  	v17 =	vadd.f32 v18, v17;
	v18 =	vmul.f32 v19, v22;
	_ =	sdelay $0x1  }
0x178: {  	v17 =	vadd.f32 v18, v17;
	v18 =	vmul.f32 v24, v23;
	_ =	sdelay $0x1  }
0x179: {  	v17 =	vadd.f32 v18, v17;
	_ =	sdelay $0x1  }
0x17a: {  	[tilespmem:s21+$0xFFFFFFE0] =	vst v17  }
0x17b: {  	v17 =	vld [tilespmem:s28+$0xFFFFFFC0]  }
0x17c: {  	v18 =	vld [tilespmem:s28+$0xFFFFFFD0];
	_ =	sdelay $0x1  }
0x17d: {  	v19 =	vld [tilespmem:s28+$0xFFFFFFE0]  }
0x17e: {  	v20 =	vperm.xlane v16, v4;
	v21 =	vperm.xlane v16, v5  }
0x17f: {  	v22 =	vperm.xlane v16, v6;
	v23 =	vld [tilespmem:s28+$0xFFFFFFF0]  }
0x180: {  	v17 =	vmul.f32 v17, v20;
	v18 =	vmul.f32 v18, v21;
	_ =	sdelay $0x1  }
0x181: {  	v17 =	vadd.f32 v18, v17;
	v18 =	vmul.f32 v19, v22;
	v19 =	vperm.xlane v16, v7;
	_ =	sdelay $0x1  }
0x182: {  	v17 =	vadd.f32 v18, v17;
	v18 =	vmul.f32 v23, v19;
	_ =	sdelay $0x1  }
0x183: {  	v17 =	vadd.f32 v18, v17;
	_ =	sdelay $0x1  }
0x184: {  	[tilespmem:s21+$0xFFFFFFF0] =	vst v17  }
0x185: {  	v17 =	vld [tilespmem:s28+$0x10]  }
0x186: {  	v18 =	vld [tilespmem:s28+$0x0];
	_ =	sdelay $0x1  }
0x187: {  	v19 =	vld [tilespmem:s28+$0x20]  }
0x188: {  	v20 =	vperm.xlane v16, v8;
	v21 =	vperm.xlane v16, v9  }
0x189: {  	v22 =	vperm.xlane v16, v10;
	v23 =	vld [tilespmem:s28+$0x30]  }
0x18a: {  	v17 =	vmul.f32 v17, v21;
	v18 =	vmul.f32 v18, v20;
	_ =	sdelay $0x1  }
0x18b: {  	v17 =	vadd.f32 v17, v18;
	v18 =	vmul.f32 v19, v22;
	v19 =	vperm.xlane v16, v11;
	_ =	sdelay $0x1  }
0x18c: {  	v17 =	vadd.f32 v18, v17;
	v18 =	vmul.f32 v23, v19;
	_ =	sdelay $0x1  }
0x18d: {  	v17 =	vadd.f32 v18, v17;
	_ =	sdelay $0x1  }
0x18e: {  	[tilespmem:s21+$0x0] =	vst v17  }
0x18f: {  	v17 =	vld [tilespmem:s28+$0x40]  }
0x190: {  	v18 =	vld [tilespmem:s28+$0x50]  }
0x191: {  	v19 =	vld [tilespmem:s28+$0x60]  }
0x192: {  	v21 =	vperm.xlane v16, v13;
	v20 =	vperm.xlane v16, v12;
	v22 =	vld [tilespmem:s28+$0x70];
	_ =	sdelay $0x1  }
.Ltmp6:
0x193: {  	v20 =	vmul.f32 v17, v20;
	v17 =	vperm.xlane v16, v14;
	(pc) =	sbr.rel @p4 .LBB2_11-.Ltmp6, $4  }
0x194: {  	v18 =	vmul.f32 v18, v21  }
0x195: {  	v16 =	vperm.xlane v16, v15;
	v17 =	vmul.f32 v19, v17  }
0x196: {  	v18 =	vadd.f32 v18, v20  }
0x197: {  	v16 =	vmul.f32 v22, v16  }
0x198: {  	v17 =	vadd.f32 v17, v18;
	_ =	sdelay $0x1  }
0x199: {  	s19 =	sadd.s32 s30, s23;
	s7 =	sadd.s32 $0x1, s7;
	v16 =	vadd.f32 v16, v17  }
0x19a: {  	s19 =	sshll.u32 s19, $0x1;
	p4 =	sne.s32 s7, $0x28  }
.Ltmp7:
0x19b: {  	s30 =	sadd.s32 s8, s19;
	[tilespmem:s10+$0x10] =	vst v16;
	(pc) =	sbr.rel @p4 .LBB2_10-.Ltmp7, $4  }
0x19c: {  	[hbm4b:s30+s3] =	stream.linear.scatter [tilespmem:s13], [sflag:$0x2], $0x1000, $0x38;
	[tilespmem:$0x1AA00] =	vst v63  }
0x19d: {  	_ =	swait.ge [sflag:s31], $0x1000  }
0x19e: {  	[sflag:s31] =	ssyncset.done $0x0  }
0x19f: {  	[sflag:s31] =	ssyncadd.s32 $0xFFFFF000  }
0x1a0: {  	[bflag:$0x0] =	sbarrier.arrive $0xFFFF  }
0x1a1: {  	s7 =	rddreg [dreg:$0x12]  }
0x1a2: {  	[spmem:s24], [sflag:s22] =	dma.local [hbm:s7], $0x13C0  }
0x1a3: {  	_ =	swait.ge [sflag:s31], $0x13C0  }
0x1a4: {  	[sflag:s31] =	ssyncset.done $0x0  }
0x1a5: {  	[sflag:s31] =	ssyncadd.s32 $0xFFFFEC40  }
0x1a6: {  	[bflag:$0x0] =	sbarrier.arrive $0xFFFF  }
0x1a7: {  	s19 =	simm.s32 $0x9E00;
	s7 =	simm.s32 $0x0;
	s10 =	rddreg [dreg:$0x13]  }
0x1a8: {  	[tilespmem:s19], [sflag:$0x2] =	stream.linear.gather [hbm4b:s10+s7], $0x2800, $0x38;
	[tilespmem:$0x1AA00] =	vst v63  }
0x1a9: {  	_ =	swait.ge [sflag:s31], $0x2800  }
0x1aa: {  	[sflag:s31] =	ssyncset.done $0x0  }
0x1ab: {  	s22 =	simm.s32 $0x0;
	[sflag:s31] =	ssyncadd.s32 $0xFFFFD800  }
.LBB2_14:
0x1ac: {  	s24 =	sshll.u32 s22, $0x8  }
0x1ad: {  	s10 =	sadd.s32 $0x9E00, s24;
	s25 =	sadd.s32 s4, s24  }
0x1ae: {  	[tilespmem:s0], [sflag:$0x1] =	stream.indirect.gather [hbm4b:s8+s29], $0x10, s10, s29, $0xb8;
	[tilespmem:$0x1AA00] =	vst v63  }
0x1af: {  	s10 =	sshrl.u32 s25, $0x1  }
0x1b0: {  	s21 =	sadd.s32 $0x9E80, s24;
	s10 =	sand.u32 $0x1FFFFFFF, s10  }
0x1b1: {  	[tilespmem:s14], [sflag:$0x1] =	stream.indirect.gather [hbm4b:s8+s29], $0x10, s21, s29, $0xb8;
	[tilespmem:$0x1AA00] =	vst v63  }
0x1b2: {  	s10 =	sadd.s32 s5, s10  }
0x1b3: {  	s10 =	sadd.s32 $0x14000, s10  }
0x1b4: {  	[tilespmem:s26], [sflag:$0x2] =	stream.linear.gather [hbm4b:s10+s7], $0x400, $0x38;
	[tilespmem:$0x1AA00] =	vst v63  }
0x1b5: {  	_ =	swait.ge [sflag:s31], $0x400  }
0x1b6: {  	[sflag:s31] =	ssyncset.done $0x0  }
0x1b7: {  	[sflag:s31] =	ssyncadd.s32 $0xFFFFFC00  }
0x1b8: {  	_ =	swait.ge [sflag:s1], $0x800  }
0x1b9: {  	[sflag:s1] =	ssyncset.done $0x0  }
0x1ba: {  	[sflag:s1] =	ssyncadd.s32 $0xFFFFF800  }
0x1bb: {  	_ =	swait.ge [sflag:s1], $0x800  }
0x1bc: {  	[sflag:s1] =	ssyncset.done $0x0  }
0x1bd: {  	s30 =	simm.s32 $0x0;
	[sflag:s1] =	ssyncadd.s32 $0xFFFFF800  }
0x1be: {  	v16 =	vld [tilespmem:s30+$0x14600]  }
0x1bf: {  	s25 =	simm.s32 $0xF620  }
0x1c0: {  	v17 =	vld [tilespmem:s25+$0xFFFFFFE0];
	_ =	sdelay $0x2  }
0x1c1: {  	v18 =	vperm.xlane v16, v3  }
0x1c2: {  	v19 =	vperm.xlane v16, v0  }
0x1c3: {  	v20 =	vperm.xlane v16, v1;
	v18 =	vmul.f32 v18, v17  }
0x1c4: {  	s21 =	simm.s32 $0x10680;
	v21 =	vperm.xlane v16, v2;
	v19 =	vmul.f32 v19, v17  }
0x1c5: {  	v20 =	vmul.f32 v20, v17;
	[tilespmem:s21+$0xFFFFFFB0] =	vst v18  }
0x1c6: {  	v17 =	vmul.f32 v21, v17;
	[tilespmem:s21+$0xFFFFFF80] =	vst v19  }
0x1c7: {  	[tilespmem:s21+$0xFFFFFF90] =	vst v20  }
0x1c8: {  	[tilespmem:s21+$0xFFFFFFA0] =	vst v17  }
0x1c9: {  	v17 =	vld [tilespmem:s25+$0xFFFFFFF0];
	_ =	sdelay $0x2  }
0x1ca: {  	v18 =	vperm.xlane v16, v4  }
0x1cb: {  	v19 =	vperm.xlane v16, v7  }
0x1cc: {  	v20 =	vperm.xlane v16, v5;
	v18 =	vmul.f32 v18, v17  }
0x1cd: {  	v62 =	vperm.xlane v16, v6;
	v19 =	vmul.f32 v19, v17  }
0x1ce: {  	v20 =	vmul.f32 v20, v17;
	[tilespmem:s21+$0xFFFFFFC0] =	vst v18  }
0x1cf: {  	v17 =	vmul.f32 v62, v17;
	[tilespmem:s21+$0xFFFFFFF0] =	vst v19  }
0x1d0: {  	[tilespmem:s21+$0xFFFFFFD0] =	vst v20  }
0x1d1: {  	[tilespmem:s21+$0xFFFFFFE0] =	vst v17  }
0x1d2: {  	v18 =	vld [tilespmem:s25+$0x0];
	_ =	sdelay $0x2  }
0x1d3: {  	v17 =	vperm.xlane v16, v9  }
0x1d4: {  	v63 =	vperm.xlane v16, v11;
	v19 =	vperm.xlane v16, v8  }
0x1d5: {  	v20 =	vperm.xlane v16, v10;
	v17 =	vmul.f32 v17, v18  }
0x1d6: {  	v19 =	vmul.f32 v19, v18  }
0x1d7: {  	[tilespmem:s21+$0x10] =	vst v17;
	v17 =	vmul.f32 v20, v18;
	v18 =	vmul.f32 v63, v18  }
0x1d8: {  	s28 =	simm.s32 $0x10680;
	s19 =	simm.s32 $0xF620;
	s10 =	simm.s32 $0x40;
	[tilespmem:s21+$0x0] =	vst v19  }
.LBB2_15:
0x1d9: {  	p4 =	sne.s32 s10, $0xFC0;
	[tilespmem:s21+$0x30] =	vst v18;
	s25 =	sadd.s32 $0x40, s25;
	s28 =	sadd.s32 $0x100, s28  }
0x1da: {  	s20 =	smov.u32 s10;
	s10 =	sadd.s32 $0x40, s10;
	[tilespmem:s21+$0x20] =	vst v17  }
0x1db: {  	v17 =	vld [tilespmem:s19+$0x10];
	s19 =	smov.u32 s25;
	_ =	sdelay $0x2  }
0x1dc: {  	v18 =	vperm.xlane v16, v12;
	v19 =	vperm.xlane v16, v13  }
0x1dd: {  	v20 =	vperm.xlane v16, v14;
	v16 =	vperm.xlane v16, v15  }
0x1de: {  	v18 =	vmul.f32 v18, v17;
	v19 =	vmul.f32 v19, v17  }
0x1df: {  	v20 =	vmul.f32 v20, v17;
	v16 =	vmul.f32 v16, v17  }
0x1e0: {  	[tilespmem:s21+$0x40] =	vst v18  }
0x1e1: {  	[tilespmem:s21+$0x50] =	vst v19  }
0x1e2: {  	[tilespmem:s21+$0x70] =	vst v16  }
0x1e3: {  	s20 =	sshra.s32 s20, $0x2;
	[tilespmem:s21+$0x60] =	vst v20;
	s21 =	smov.u32 s28  }
0x1e4: {  	v16 =	vld [tilespmem:s20+$0x14600];
	_ =	sdelay $0x1  }
0x1e5: {  	v17 =	vld [tilespmem:s25+$0xFFFFFFE0];
	_ =	sdelay $0x2  }
0x1e6: {  	v18 =	vperm.xlane v16, v0;
	v19 =	vperm.xlane v16, v3  }
0x1e7: {  	v20 =	vperm.xlane v16, v1;
	v21 =	vperm.xlane v16, v2  }
0x1e8: {  	v18 =	vmul.f32 v18, v17;
	v19 =	vmul.f32 v19, v17  }
0x1e9: {  	v20 =	vmul.f32 v20, v17;
	v17 =	vmul.f32 v21, v17  }
0x1ea: {  	[tilespmem:s28+$0xFFFFFFB0] =	vst v19  }
0x1eb: {  	[tilespmem:s28+$0xFFFFFF80] =	vst v18  }
0x1ec: {  	[tilespmem:s28+$0xFFFFFF90] =	vst v20  }
0x1ed: {  	[tilespmem:s28+$0xFFFFFFA0] =	vst v17  }
0x1ee: {  	v17 =	vld [tilespmem:s25+$0xFFFFFFF0];
	_ =	sdelay $0x2  }
0x1ef: {  	v19 =	vperm.xlane v16, v5;
	v18 =	vperm.xlane v16, v4  }
0x1f0: {  	v21 =	vperm.xlane v16, v7;
	v20 =	vperm.xlane v16, v6  }
0x1f1: {  	v18 =	vmul.f32 v18, v17;
	v19 =	vmul.f32 v19, v17  }
0x1f2: {  	v20 =	vmul.f32 v20, v17;
	v17 =	vmul.f32 v21, v17  }
0x1f3: {  	[tilespmem:s28+$0xFFFFFFC0] =	vst v18  }
0x1f4: {  	[tilespmem:s28+$0xFFFFFFF0] =	vst v17  }
0x1f5: {  	[tilespmem:s28+$0xFFFFFFD0] =	vst v19  }
0x1f6: {  	[tilespmem:s28+$0xFFFFFFE0] =	vst v20  }
0x1f7: {  	v18 =	vld [tilespmem:s25+$0x0];
	_ =	sdelay $0x2  }
0x1f8: {  	v17 =	vperm.xlane v16, v8;
	v19 =	vperm.xlane v16, v9  }
.Ltmp8:
0x1f9: {  	v21 =	vperm.xlane v16, v11;
	v20 =	vperm.xlane v16, v10;
	(pc) =	sbr.rel @p4 .LBB2_15-.Ltmp8, $4  }
0x1fa: {  	v22 =	vmul.f32 v17, v18;
	v19 =	vmul.f32 v19, v18  }
0x1fb: {  	v17 =	vmul.f32 v20, v18;
	v18 =	vmul.f32 v21, v18  }
0x1fc: {  	[tilespmem:s28+$0x10] =	vst v19  }
0x1fd: {  	[tilespmem:s28+$0x0] =	vst v22  }
0x1fe: {  	[tilespmem:s21+$0x30] =	vst v18  }
0x1ff: {  	[tilespmem:s21+$0x20] =	vst v17  }
0x200: {  	v17 =	vld [tilespmem:s19+$0x10];
	_ =	sdelay $0x2  }
0x201: {  	v63 =	vperm.xlane v16, v12  }
0x202: {  	v19 =	vperm.xlane v16, v13  }
0x203: {  	v20 =	vperm.xlane v16, v15;
	v18 =	vmul.f32 v63, v17  }
0x204: {  	v16 =	vperm.xlane v16, v14;
	v19 =	vmul.f32 v19, v17  }
0x205: {  	v20 =	vmul.f32 v20, v17;
	[tilespmem:s21+$0x40] =	vst v18  }
0x206: {  	v16 =	vmul.f32 v16, v17;
	[tilespmem:s21+$0x50] =	vst v19  }
0x207: {  	s10 =	sand.u32 $0x3FFFFF00, s24;
	[tilespmem:s21+$0x70] =	vst v20  }
0x208: {  	s30 =	sadd.s32 $0xC600, s10;
	[tilespmem:s21+$0x60] =	vst v16  }
0x209: {  	[spmem:s2] =	stream.indirect.scatter.add.f32 [tilespmem:s9], [sflag:$0x2], $0x40, s30, s29, $0xb8;
	[tilespmem:$0x1AA00] =	vst v63  }
0x20a: {  	s22 =	sadd.s32 $0x1, s22;
	_ =	swait.ge [sflag:s31], $0x2000  }
0x20b: {  	p4 =	sne.s32 s22, $0x28;
	[sflag:s31] =	ssyncset.done $0x0  }
.Ltmp9:
0x20c: {  	s10 =	sadd.s32 $0xC680, s10;
	[sflag:s31] =	ssyncadd.s32 $0xFFFFE000;
	(pc) =	sbr.rel @p4 .LBB2_14-.Ltmp9, $4  }
0x20d: {  	[spmem:s2] =	stream.indirect.scatter.add.f32 [tilespmem:s16], [sflag:$0x2], $0x40, s10, s29, $0xb8;
	[tilespmem:$0x1AA00] =	vst v63  }
0x20e: {  	_ =	swait.ge [sflag:s31], $0x2000  }
0x20f: {  	[sflag:s31] =	ssyncset.done $0x0  }
0x210: {  	[sflag:s31] =	ssyncadd.s32 $0xFFFFE000  }
0x211: {  	[bflag:$0x0] =	sbarrier.arrive $0xFFFF  }
0x212: {  	[tilespmem:s11], [sflag:$0x2] =	stream.linear.gather [spmem:s15], $0x4000, $0x38;
	[tilespmem:$0x1AA00] =	vst v63  }
0x213: {  	_ =	swait.ge [sflag:s31], $0x4000  }
0x214: {  	[sflag:s31] =	ssyncset.done $0x0  }
0x215: {  	s7 =	simm.s32 $0x0;
	[sflag:s31] =	ssyncadd.s32 $0xFFFFC000  }
0x216: {  	v18 =	vld [tilespmem:s7+$0x14A00]  }
0x217: {  	v17 =	vld [tilespmem:s7+$0x14A10]  }
0x218: {  	s10 =	simm.s32 $0x100;
	v16 =	vld [tilespmem:s7+$0x14A20]  }
.LBB2_18:
0x219: {  	p4 =	sne.s32 s10, $0xFF00;
	v19 =	vld [tilespmem:s7+$0x14A30];
	_ =	sdelay $0x1  }
0x21a: {  	v20 =	vmin.f32 v18, $0.0e+00  }
0x21b: {  	v20 =	vmul.f32 $1.442695020e+00, v20;
	v21 =	vmin.f32 v17, $0.0e+00  }
0x21c: {  	v21 =	vmul.f32 $1.442695020e+00, v21;
	v22 =	vmin.f32 v16, $0.0e+00  }
0x21d: {  	v22 =	vmul.f32 $1.442695020e+00, v22;
	v23 =	vmin.f32 v19, $0.0e+00;
	(erf) = vpow2.f32 v20  }
0x21e: {  	v20 =	vmul.f32 $1.442695020e+00, v23;
	(erf) = vpow2.f32 v21  }
0x21f: {  	(erf) = vpow2.f32 v22  }
0x220: {  	(erf) = vpow2.f32 v20;
	_ =	sdelay $0x5  }
0x221: {  	v20 =	vpop (erf)  }
0x222: {  	v20 =	vadd.f32 $-1.000000000e+00, v20;
	v21 =	vpop (erf)  }
0x223: {  	vm0 =	vgt.f32 v18, $0.0e+00;
	v21 =	vadd.f32 $-1.000000000e+00, v21;
	v22 =	vpop (erf)  }
.Ltmp10:
0x224: {  	v18 =	vsel vm0, v18, v20;
	vm0 =	vgt.f32 v17, $0.0e+00;
	v20 =	vadd.f32 $-1.000000000e+00, v22;
	v22 =	vpop (erf);
	(pc) =	sbr.rel @p4 .LBB2_18-.Ltmp10, $4  }
0x225: {  	s19 =	sshra.s32 s10, $0x2;
	[tilespmem:s7+$0x14A00] =	vst v18;
	v17 =	vsel vm0, v17, v21;
	vm0 =	vgt.f32 v16, $0.0e+00;
	v21 =	vadd.f32 $-1.000000000e+00, v22  }
0x226: {  	v18 =	vld [tilespmem:s19+$0x14A00];
	[tilespmem:s7+$0x14A10] =	vst v17;
	v16 =	vsel vm0, v16, v20;
	vm0 =	vgt.f32 v19, $0.0e+00  }
0x227: {  	v17 =	vld [tilespmem:s19+$0x14A10];
	[tilespmem:s7+$0x14A20] =	vst v16;
	v19 =	vsel vm0, v19, v21  }
0x228: {  	s10 =	sadd.s32 $0x100, s10;
	v16 =	vld [tilespmem:s19+$0x14A20];
	[tilespmem:s7+$0x14A30] =	vst v19;
	s7 =	smov.u32 s19  }
0x229: {  	v19 =	vld [tilespmem:s7+$0x14A30];
	_ =	sdelay $0x1  }
0x22a: {  	v20 =	vmin.f32 v18, $0.0e+00  }
0x22b: {  	v20 =	vmul.f32 $1.442695020e+00, v20;
	v21 =	vmin.f32 v17, $0.0e+00  }
0x22c: {  	v21 =	vmul.f32 $1.442695020e+00, v21;
	v22 =	vmin.f32 v16, $0.0e+00  }
0x22d: {  	v22 =	vmul.f32 $1.442695020e+00, v22;
	v23 =	vmin.f32 v19, $0.0e+00;
	(erf) = vpow2.f32 v20  }
0x22e: {  	v20 =	vmul.f32 $1.442695020e+00, v23;
	(erf) = vpow2.f32 v21  }
0x22f: {  	(erf) = vpow2.f32 v22  }
0x230: {  	(erf) = vpow2.f32 v20;
	_ =	sdelay $0x5  }
0x231: {  	v20 =	vpop (erf)  }
0x232: {  	v20 =	vadd.f32 $-1.000000000e+00, v20;
	v21 =	vpop (erf)  }
0x233: {  	vm0 =	vgt.f32 v18, $0.0e+00;
	v21 =	vadd.f32 $-1.000000000e+00, v21;
	v22 =	vpop (erf)  }
0x234: {  	vm13 =	vgt.f32 v17, $0.0e+00;
	v18 =	vsel vm0, v18, v20;
	v20 =	vadd.f32 $-1.000000000e+00, v22;
	v63 =	vpop (erf)  }
0x235: {  	vm14 =	vgt.f32 v16, $0.0e+00;
	[tilespmem:s7+$0x14A00] =	vst v18;
	v17 =	vsel vm13, v17, v21;
	v18 =	vadd.f32 $-1.000000000e+00, v63  }
0x236: {  	vm15 =	vgt.f32 v19, $0.0e+00;
	[tilespmem:s7+$0x14A10] =	vst v17;
	v16 =	vsel vm14, v16, v20  }
0x237: {  	[tilespmem:s7+$0x14A20] =	vst v16;
	v16 =	vsel vm15, v19, v18  }
0x238: {  	[tilespmem:s7+$0x14A30] =	vst v16  }
0x239: {  	[spmem:s15] =	stream.linear.scatter [tilespmem:s11], [sflag:$0x2], $0x4000, $0x38;
	[tilespmem:$0x1AA00] =	vst v63  }
0x23a: {  	_ =	swait.ge [sflag:s31], $0x4000  }
0x23b: {  	[sflag:s31] =	ssyncset.done $0x0  }
0x23c: {  	s20 =	rddreg [dreg:$0xe];
	[sflag:s31] =	ssyncadd.s32 $0xFFFFC000  }
0x23d: {  	[tilespmem:s11], [sflag:$0x2] =	stream.linear.gather [spmem:s20], $0x4000, $0x38;
	[tilespmem:$0x1AA00] =	vst v63  }
0x23e: {  	_ =	swait.ge [sflag:s31], $0x4000  }
0x23f: {  	[sflag:s31] =	ssyncset.done $0x0  }
0x240: {  	s7 =	simm.s32 $0x0;
	[sflag:s31] =	ssyncadd.s32 $0xFFFFC000  }
0x241: {  	v18 =	vld [tilespmem:s7+$0x14A00]  }
0x242: {  	v17 =	vld [tilespmem:s7+$0x14A10]  }
0x243: {  	s10 =	simm.s32 $0x100;
	s21 =	rddreg [dreg:$0xf];
	v16 =	vld [tilespmem:s7+$0x14A20]  }
.LBB2_20:
0x244: {  	p4 =	sne.s32 s10, $0xFF00;
	v19 =	vld [tilespmem:s7+$0x14A30];
	_ =	sdelay $0x1  }
0x245: {  	v20 =	vmin.f32 v18, $0.0e+00  }
0x246: {  	v20 =	vmul.f32 $1.442695020e+00, v20;
	v21 =	vmin.f32 v17, $0.0e+00  }
0x247: {  	v21 =	vmul.f32 $1.442695020e+00, v21;
	v22 =	vmin.f32 v16, $0.0e+00  }
0x248: {  	v22 =	vmul.f32 $1.442695020e+00, v22;
	v23 =	vmin.f32 v19, $0.0e+00;
	(erf) = vpow2.f32 v20  }
0x249: {  	v20 =	vmul.f32 $1.442695020e+00, v23;
	(erf) = vpow2.f32 v21  }
0x24a: {  	(erf) = vpow2.f32 v22  }
0x24b: {  	(erf) = vpow2.f32 v20;
	_ =	sdelay $0x5  }
0x24c: {  	v20 =	vpop (erf)  }
0x24d: {  	v20 =	vadd.f32 $-1.000000000e+00, v20;
	v21 =	vpop (erf)  }
0x24e: {  	vm0 =	vgt.f32 v18, $0.0e+00;
	v21 =	vadd.f32 $-1.000000000e+00, v21;
	v22 =	vpop (erf)  }
.Ltmp11:
0x24f: {  	v18 =	vsel vm0, v18, v20;
	vm0 =	vgt.f32 v17, $0.0e+00;
	v20 =	vadd.f32 $-1.000000000e+00, v22;
	v22 =	vpop (erf);
	(pc) =	sbr.rel @p4 .LBB2_20-.Ltmp11, $4  }
0x250: {  	s19 =	sshra.s32 s10, $0x2;
	[tilespmem:s7+$0x14A00] =	vst v18;
	v17 =	vsel vm0, v17, v21;
	vm0 =	vgt.f32 v16, $0.0e+00;
	v21 =	vadd.f32 $-1.000000000e+00, v22  }
0x251: {  	v18 =	vld [tilespmem:s19+$0x14A00];
	[tilespmem:s7+$0x14A10] =	vst v17;
	v16 =	vsel vm0, v16, v20;
	vm0 =	vgt.f32 v19, $0.0e+00  }
0x252: {  	v17 =	vld [tilespmem:s19+$0x14A10];
	[tilespmem:s7+$0x14A20] =	vst v16;
	v19 =	vsel vm0, v19, v21  }
0x253: {  	s10 =	sadd.s32 $0x100, s10;
	v16 =	vld [tilespmem:s19+$0x14A20];
	[tilespmem:s7+$0x14A30] =	vst v19;
	s7 =	smov.u32 s19  }
0x254: {  	v19 =	vld [tilespmem:s7+$0x14A30];
	_ =	sdelay $0x1  }
0x255: {  	v20 =	vmin.f32 v18, $0.0e+00  }
0x256: {  	v20 =	vmul.f32 $1.442695020e+00, v20;
	v21 =	vmin.f32 v17, $0.0e+00  }
0x257: {  	v21 =	vmul.f32 $1.442695020e+00, v21;
	v22 =	vmin.f32 v16, $0.0e+00  }
0x258: {  	v22 =	vmul.f32 $1.442695020e+00, v22;
	v23 =	vmin.f32 v19, $0.0e+00;
	(erf) = vpow2.f32 v20  }
0x259: {  	v20 =	vmul.f32 $1.442695020e+00, v23;
	(erf) = vpow2.f32 v21  }
0x25a: {  	(erf) = vpow2.f32 v22  }
0x25b: {  	(erf) = vpow2.f32 v20;
	_ =	sdelay $0x5  }
0x25c: {  	v20 =	vpop (erf)  }
0x25d: {  	v20 =	vadd.f32 $-1.000000000e+00, v20;
	v21 =	vpop (erf)  }
0x25e: {  	vm0 =	vgt.f32 v18, $0.0e+00;
	v21 =	vadd.f32 $-1.000000000e+00, v21;
	v22 =	vpop (erf)  }
0x25f: {  	vm13 =	vgt.f32 v17, $0.0e+00;
	v18 =	vsel vm0, v18, v20;
	v20 =	vadd.f32 $-1.000000000e+00, v22;
	v63 =	vpop (erf)  }
0x260: {  	vm14 =	vgt.f32 v16, $0.0e+00;
	[tilespmem:s7+$0x14A00] =	vst v18;
	v17 =	vsel vm13, v17, v21;
	v18 =	vadd.f32 $-1.000000000e+00, v63  }
0x261: {  	vm15 =	vgt.f32 v19, $0.0e+00;
	[tilespmem:s7+$0x14A10] =	vst v17;
	v16 =	vsel vm14, v16, v20  }
0x262: {  	[tilespmem:s7+$0x14A20] =	vst v16;
	v16 =	vsel vm15, v19, v18  }
0x263: {  	[tilespmem:s7+$0x14A30] =	vst v16  }
0x264: {  	[spmem:s20] =	stream.linear.scatter [tilespmem:s11], [sflag:$0x2], $0x4000, $0x38;
	[tilespmem:$0x1AA00] =	vst v63  }
0x265: {  	_ =	swait.ge [sflag:s31], $0x4000  }
0x266: {  	[sflag:s31] =	ssyncset.done $0x0  }
0x267: {  	[sflag:s31] =	ssyncadd.s32 $0xFFFFC000  }
0x268: {  	[tilespmem:s11], [sflag:$0x2] =	stream.linear.gather [spmem:s21], $0x1E00, $0x38;
	[tilespmem:$0x1AA00] =	vst v63  }
0x269: {  	_ =	swait.ge [sflag:s31], $0x1E00  }
0x26a: {  	[sflag:s31] =	ssyncset.done $0x0  }
0x26b: {  	s7 =	simm.s32 $0x0;
	[sflag:s31] =	ssyncadd.s32 $0xFFFFE200  }
0x26c: {  	v18 =	vld [tilespmem:s7+$0x14A00]  }
0x26d: {  	v17 =	vld [tilespmem:s7+$0x14A10]  }
0x26e: {  	s10 =	simm.s32 $0x100;
	v16 =	vld [tilespmem:s7+$0x14A20]  }
.LBB2_22:
0x26f: {  	p4 =	sne.s32 s10, $0x7700;
	v19 =	vld [tilespmem:s7+$0x14A30];
	_ =	sdelay $0x1  }
0x270: {  	v20 =	vmin.f32 v18, $0.0e+00  }
0x271: {  	v20 =	vmul.f32 $1.442695020e+00, v20;
	v21 =	vmin.f32 v17, $0.0e+00  }
0x272: {  	v21 =	vmul.f32 $1.442695020e+00, v21;
	v22 =	vmin.f32 v16, $0.0e+00  }
0x273: {  	v22 =	vmul.f32 $1.442695020e+00, v22;
	v23 =	vmin.f32 v19, $0.0e+00;
	(erf) = vpow2.f32 v20  }
0x274: {  	v20 =	vmul.f32 $1.442695020e+00, v23;
	(erf) = vpow2.f32 v21  }
0x275: {  	(erf) = vpow2.f32 v22  }
0x276: {  	(erf) = vpow2.f32 v20;
	_ =	sdelay $0x5  }
0x277: {  	v20 =	vpop (erf)  }
0x278: {  	v20 =	vadd.f32 $-1.000000000e+00, v20;
	v21 =	vpop (erf)  }
0x279: {  	vm0 =	vgt.f32 v18, $0.0e+00;
	v21 =	vadd.f32 $-1.000000000e+00, v21;
	v22 =	vpop (erf)  }
.Ltmp12:
0x27a: {  	v18 =	vsel vm0, v18, v20;
	vm0 =	vgt.f32 v17, $0.0e+00;
	v20 =	vadd.f32 $-1.000000000e+00, v22;
	v22 =	vpop (erf);
	(pc) =	sbr.rel @p4 .LBB2_22-.Ltmp12, $4  }
0x27b: {  	s19 =	sshra.s32 s10, $0x2;
	[tilespmem:s7+$0x14A00] =	vst v18;
	v17 =	vsel vm0, v17, v21;
	vm0 =	vgt.f32 v16, $0.0e+00;
	v21 =	vadd.f32 $-1.000000000e+00, v22  }
0x27c: {  	v18 =	vld [tilespmem:s19+$0x14A00];
	[tilespmem:s7+$0x14A10] =	vst v17;
	v16 =	vsel vm0, v16, v20;
	vm0 =	vgt.f32 v19, $0.0e+00  }
0x27d: {  	v17 =	vld [tilespmem:s19+$0x14A10];
	[tilespmem:s7+$0x14A20] =	vst v16;
	v19 =	vsel vm0, v19, v21  }
0x27e: {  	s10 =	sadd.s32 $0x100, s10;
	v16 =	vld [tilespmem:s19+$0x14A20];
	[tilespmem:s7+$0x14A30] =	vst v19;
	s7 =	smov.u32 s19  }
0x27f: {  	v19 =	vld [tilespmem:s7+$0x14A30];
	_ =	sdelay $0x1  }
0x280: {  	v20 =	vmin.f32 v18, $0.0e+00  }
0x281: {  	v20 =	vmul.f32 $1.442695020e+00, v20;
	v21 =	vmin.f32 v17, $0.0e+00  }
0x282: {  	v21 =	vmul.f32 $1.442695020e+00, v21;
	v22 =	vmin.f32 v16, $0.0e+00  }
0x283: {  	v22 =	vmul.f32 $1.442695020e+00, v22;
	v23 =	vmin.f32 v19, $0.0e+00;
	(erf) = vpow2.f32 v20  }
0x284: {  	v59 =	vmul.f32 $1.442695020e+00, v23;
	(erf) = vpow2.f32 v21  }
0x285: {  	(erf) = vpow2.f32 v22  }
0x286: {  	(erf) = vpow2.f32 v59;
	_ =	sdelay $0x5  }
0x287: {  	v60 =	vpop (erf)  }
0x288: {  	v20 =	vadd.f32 $-1.000000000e+00, v60;
	v21 =	vpop (erf)  }
0x289: {  	vm0 =	vgt.f32 v18, $0.0e+00;
	v21 =	vadd.f32 $-1.000000000e+00, v21;
	v22 =	vpop (erf)  }
0x28a: {  	vm13 =	vgt.f32 v17, $0.0e+00;
	v18 =	vsel vm0, v18, v20;
	v61 =	vadd.f32 $-1.000000000e+00, v22;
	v62 =	vpop (erf)  }
0x28b: {  	vm14 =	vgt.f32 v16, $0.0e+00;
	[tilespmem:s7+$0x14A00] =	vst v18;
	v17 =	vsel vm13, v17, v21;
	v63 =	vadd.f32 $-1.000000000e+00, v62  }
0x28c: {  	vm15 =	vgt.f32 v19, $0.0e+00;
	[tilespmem:s7+$0x14A10] =	vst v17;
	v16 =	vsel vm14, v16, v61  }
0x28d: {  	[tilespmem:s7+$0x14A20] =	vst v16;
	v16 =	vsel vm15, v19, v63  }
0x28e: {  	[tilespmem:s7+$0x14A30] =	vst v16  }
0x28f: {  	[spmem:s21] =	stream.linear.scatter [tilespmem:s11], [sflag:$0x2], $0x1E00, $0x38;
	[tilespmem:$0x1AA00] =	vst v63  }
0x290: {  	_ =	swait.ge [sflag:s31], $0x1E00  }
0x291: {  	[sflag:s31] =	ssyncset.done $0x0  }
0x292: {  	[sflag:s31] =	ssyncadd.s32 $0xFFFFE200  }
0x293: {  	[bflag:$0x0] =	sbarrier.arrive $0xFFFF  }
0x294: {  	s22 =	simm.s32 $0x0;
	s10 =	simm.s32 $0x9E00;
	s30 =	rddreg [dreg:$0x10]  }
0x295: {  	[tilespmem:s10], [sflag:$0x2] =	stream.linear.gather [hbm4b:s30+s22], $0x2800, $0x38;
	[tilespmem:$0x1AA00] =	vst v63  }
0x296: {  	_ =	swait.ge [sflag:s31], $0x2800  }
0x297: {  	[sflag:s31] =	ssyncset.done $0x0  }
0x298: {  	s24 =	simm.s32 $0x0;
	[sflag:s31] =	ssyncadd.s32 $0xFFFFD800  }
.LBB2_24:
0x299: {  	s7 =	sshll.u32 s24, $0x8  }
0x29a: {  	s10 =	sadd.s32 $0x9E00, s7;
	s25 =	sadd.s32 s4, s7  }
0x29b: {  	[tilespmem:s11], [sflag:$0x1] =	stream.indirect.gather [spmem:s2], $0x40, s10, s29, $0xb8;
	[tilespmem:$0x1AA00] =	vst v63  }
0x29c: {  	s10 =	sshrl.u32 s25, $0x1  }
0x29d: {  	s21 =	sadd.s32 $0x9E80, s7;
	s10 =	sand.u32 $0x1FFFFFFF, s10  }
0x29e: {  	[tilespmem:s12], [sflag:$0x1] =	stream.indirect.gather [spmem:s2], $0x40, s21, s29, $0xb8;
	[tilespmem:$0x1AA00] =	vst v63  }
0x29f: {  	s10 =	sadd.s32 s6, s10  }
0x2a0: {  	s25 =	simm.s32 $0x14600;
	s10 =	sadd.s32 $0x14000, s10  }
0x2a1: {  	[tilespmem:s25], [sflag:$0x2] =	stream.linear.gather [hbm4b:s10+s22], $0x400, $0x38;
	[tilespmem:$0x1AA00] =	vst v63  }
0x2a2: {  	s7 =	sadd.s32 s7, s23;
	_ =	swait.ge [sflag:s31], $0x400  }
0x2a3: {  	s7 =	sshll.u32 s7, $0x1;
	[sflag:s31] =	ssyncset.done $0x0  }
0x2a4: {  	s7 =	sadd.s32 s8, s7;
	[sflag:s31] =	ssyncadd.s32 $0xFFFFFC00  }
0x2a5: {  	[tilespmem:s17], [sflag:$0x2] =	stream.linear.gather [hbm4b:s7+s22], $0x1000, $0x38;
	[tilespmem:$0x1AA00] =	vst v63  }
0x2a6: {  	_ =	swait.ge [sflag:s31], $0x1000  }
0x2a7: {  	[sflag:s31] =	ssyncset.done $0x0  }
0x2a8: {  	[sflag:s31] =	ssyncadd.s32 $0xFFFFF000  }
0x2a9: {  	_ =	swait.ge [sflag:s1], $0x2000  }
0x2aa: {  	[sflag:s1] =	ssyncset.done $0x0  }
0x2ab: {  	[sflag:s1] =	ssyncadd.s32 $0xFFFFE000  }
0x2ac: {  	_ =	swait.ge [sflag:s1], $0x2000  }
0x2ad: {  	[sflag:s1] =	ssyncset.done $0x0  }
0x2ae: {  	[sflag:s1] =	ssyncadd.s32 $0xFFFFE000  }
0x2af: {  	v16 =	vld [tilespmem:s25+$0x0]  }
0x2b0: {  	s30 =	simm.s32 $0x14A80  }
0x2b1: {  	v17 =	vld [tilespmem:s30+$0xFFFFFF80]  }
0x2b2: {  	s28 =	simm.s32 $0x0;
	v18 =	vld [tilespmem:s30+$0xFFFFFF90]  }
0x2b3: {  	v19 =	vld [tilespmem:s28+$0x18A00]  }
0x2b4: {  	v20 =	vperm.xlane v16, v0  }
0x2b5: {  	v21 =	vld [tilespmem:s30+$0xFFFFFFA0]  }
0x2b6: {  	v22 =	vperm.xlane v16, v1;
	v17 =	vmul.f32 v17, v20  }
0x2b7: {  	v51 =	vld [tilespmem:s30+$0xFFFFFFB0]  }
0x2b8: {  	v23 =	vperm.xlane v16, v2;
	v18 =	vmul.f32 v18, v22;
	v17 =	vadd.f32 v17, v19;
	_ =	sdelay $0x1  }
0x2b9: {  	v19 =	vperm.xlane v16, v3;
	v17 =	vadd.f32 v18, v17;
	v18 =	vmul.f32 v21, v23;
	_ =	sdelay $0x1  }
0x2ba: {  	v17 =	vadd.f32 v18, v17;
	v18 =	vmul.f32 v51, v19;
	_ =	sdelay $0x1  }
0x2bb: {  	v17 =	vadd.f32 v18, v17;
	_ =	sdelay $0x1  }
0x2bc: {  	[tilespmem:s28+$0x19A00] =	vst v17  }
0x2bd: {  	v17 =	vld [tilespmem:s30+$0xFFFFFFC0]  }
0x2be: {  	v18 =	vld [tilespmem:s28+$0x18A10]  }
0x2bf: {  	v19 =	vld [tilespmem:s30+$0xFFFFFFD0]  }
0x2c0: {  	v52 =	vperm.xlane v16, v4  }
0x2c1: {  	v53 =	vld [tilespmem:s30+$0xFFFFFFE0]  }
0x2c2: {  	v54 =	vperm.xlane v16, v5;
	v17 =	vmul.f32 v17, v52  }
0x2c3: {  	v55 =	vld [tilespmem:s30+$0xFFFFFFF0]  }
0x2c4: {  	v17 =	vadd.f32 v17, v18;
	v18 =	vmul.f32 v19, v54;
	v19 =	vperm.xlane v16, v6;
	_ =	sdelay $0x1  }
0x2c5: {  	v17 =	vadd.f32 v18, v17;
	v18 =	vmul.f32 v53, v19;
	v19 =	vperm.xlane v16, v7;
	_ =	sdelay $0x1  }
0x2c6: {  	v17 =	vadd.f32 v18, v17;
	v18 =	vmul.f32 v55, v19;
	_ =	sdelay $0x1  }
0x2c7: {  	v17 =	vadd.f32 v18, v17;
	_ =	sdelay $0x1  }
0x2c8: {  	[tilespmem:s28+$0x19A10] =	vst v17  }
0x2c9: {  	v17 =	vld [tilespmem:s30+$0x0]  }
0x2ca: {  	v18 =	vld [tilespmem:s28+$0x18A20]  }
0x2cb: {  	v19 =	vld [tilespmem:s30+$0x10]  }
0x2cc: {  	v56 =	vperm.xlane v16, v8  }
0x2cd: {  	v57 =	vld [tilespmem:s30+$0x20]  }
0x2ce: {  	v58 =	vperm.xlane v16, v9;
	v17 =	vmul.f32 v17, v56  }
0x2cf: {  	v59 =	vld [tilespmem:s30+$0x30]  }
0x2d0: {  	v17 =	vadd.f32 v17, v18;
	v18 =	vmul.f32 v19, v58;
	v19 =	vperm.xlane v16, v10;
	_ =	sdelay $0x1  }
0x2d1: {  	v17 =	vadd.f32 v18, v17;
	v18 =	vmul.f32 v57, v19;
	v19 =	vperm.xlane v16, v11;
	_ =	sdelay $0x1  }
0x2d2: {  	v17 =	vadd.f32 v18, v17;
	v18 =	vmul.f32 v59, v19;
	_ =	sdelay $0x1  }
0x2d3: {  	v17 =	vadd.f32 v18, v17;
	_ =	sdelay $0x1  }
0x2d4: {  	[tilespmem:s28+$0x19A20] =	vst v17  }
0x2d5: {  	v17 =	vld [tilespmem:s30+$0x40]  }
0x2d6: {  	v18 =	vld [tilespmem:s28+$0x18A30]  }
0x2d7: {  	v19 =	vld [tilespmem:s30+$0x50]  }
0x2d8: {  	v60 =	vperm.xlane v16, v12  }
0x2d9: {  	v61 =	vld [tilespmem:s30+$0x60]  }
0x2da: {  	v62 =	vperm.xlane v16, v13;
	v17 =	vmul.f32 v17, v60  }
0x2db: {  	v63 =	vld [tilespmem:s30+$0x70]  }
0x2dc: {  	v17 =	vadd.f32 v17, v18;
	v18 =	vmul.f32 v19, v62;
	v19 =	vperm.xlane v16, v14;
	_ =	sdelay $0x1  }
0x2dd: {  	v16 =	vperm.xlane v16, v15;
	v17 =	vadd.f32 v18, v17;
	v18 =	vmul.f32 v61, v19;
	_ =	sdelay $0x1  }
0x2de: {  	v16 =	vmul.f32 v63, v16;
	v17 =	vadd.f32 v18, v17;
	_ =	sdelay $0x1  }
0x2df: {  	s21 =	simm.s32 $0x100;
	v16 =	vadd.f32 v16, v17  }
.LBB2_25:
0x2e0: {  	_ = 	snop  }
0x2e1: {  	p4 =	sne.s32 s21, $0x3F00;
	s25 =	sadd.s32 $0x10, s25;
	s30 =	sadd.s32 $0x100, s30;
	[tilespmem:s28+$0x19A30] =	vst v16  }
0x2e2: {  	s10 =	smov.u32 s21;
	s21 =	sadd.s32 $0x100, s21;
	v16 =	vld [tilespmem:s25+$0x0];
	_ =	sdelay $0x1  }
0x2e3: {  	v17 =	vld [tilespmem:s30+$0xFFFFFF80]  }
0x2e4: {  	s28 =	sshra.s32 s10, $0x2;
	v18 =	vld [tilespmem:s30+$0xFFFFFF90]  }
0x2e5: {  	v19 =	vld [tilespmem:s28+$0x18A00]  }
0x2e6: {  	v20 =	vperm.xlane v16, v0;
	v21 =	vperm.xlane v16, v1  }
0x2e7: {  	v22 =	vperm.xlane v16, v2;
	v24 =	vperm.xlane v16, v3;
	v23 =	vld [tilespmem:s30+$0xFFFFFFA0]  }
0x2e8: {  	v17 =	vmul.f32 v17, v20  }
0x2e9: {  	v20 =	vld [tilespmem:s30+$0xFFFFFFB0]  }
0x2ea: {  	v18 =	vmul.f32 v18, v21;
	v17 =	vadd.f32 v17, v19;
	_ =	sdelay $0x1  }
0x2eb: {  	v17 =	vadd.f32 v18, v17;
	v18 =	vmul.f32 v23, v22;
	_ =	sdelay $0x1  }
0x2ec: {  	v17 =	vadd.f32 v18, v17;
	v18 =	vmul.f32 v20, v24;
	_ =	sdelay $0x1  }
0x2ed: {  	v17 =	vadd.f32 v18, v17;
	_ =	sdelay $0x1  }
0x2ee: {  	[tilespmem:s28+$0x19A00] =	vst v17  }
0x2ef: {  	v17 =	vld [tilespmem:s30+$0xFFFFFFC0]  }
0x2f0: {  	v18 =	vld [tilespmem:s28+$0x18A10]  }
0x2f1: {  	v19 =	vld [tilespmem:s30+$0xFFFFFFD0]  }
0x2f2: {  	v20 =	vperm.xlane v16, v4  }
0x2f3: {  	v21 =	vld [tilespmem:s30+$0xFFFFFFE0]  }
0x2f4: {  	v17 =	vmul.f32 v17, v20;
	v20 =	vperm.xlane v16, v5  }
0x2f5: {  	v22 =	vld [tilespmem:s30+$0xFFFFFFF0]  }
0x2f6: {  	v17 =	vadd.f32 v17, v18;
	v18 =	vmul.f32 v19, v20;
	v19 =	vperm.xlane v16, v6;
	_ =	sdelay $0x1  }
0x2f7: {  	v17 =	vadd.f32 v18, v17;
	v18 =	vmul.f32 v21, v19;
	v19 =	vperm.xlane v16, v7;
	_ =	sdelay $0x1  }
0x2f8: {  	v17 =	vadd.f32 v18, v17;
	v18 =	vmul.f32 v22, v19;
	_ =	sdelay $0x1  }
0x2f9: {  	v17 =	vadd.f32 v18, v17;
	_ =	sdelay $0x1  }
0x2fa: {  	[tilespmem:s28+$0x19A10] =	vst v17  }
0x2fb: {  	v17 =	vld [tilespmem:s30+$0x0]  }
0x2fc: {  	v18 =	vld [tilespmem:s28+$0x18A20]  }
0x2fd: {  	v19 =	vld [tilespmem:s30+$0x10]  }
0x2fe: {  	v20 =	vperm.xlane v16, v8  }
0x2ff: {  	v21 =	vld [tilespmem:s30+$0x20]  }
0x300: {  	v17 =	vmul.f32 v17, v20;
	v20 =	vperm.xlane v16, v9  }
0x301: {  	v22 =	vld [tilespmem:s30+$0x30]  }
0x302: {  	v17 =	vadd.f32 v17, v18;
	v18 =	vmul.f32 v19, v20;
	v19 =	vperm.xlane v16, v10;
	_ =	sdelay $0x1  }
0x303: {  	v17 =	vadd.f32 v18, v17;
	v18 =	vmul.f32 v21, v19;
	v19 =	vperm.xlane v16, v11;
	_ =	sdelay $0x1  }
0x304: {  	v17 =	vadd.f32 v18, v17;
	v18 =	vmul.f32 v22, v19;
	_ =	sdelay $0x1  }
0x305: {  	v17 =	vadd.f32 v18, v17;
	_ =	sdelay $0x1  }
0x306: {  	[tilespmem:s28+$0x19A20] =	vst v17;
	v17 =	vld [tilespmem:s28+$0x18A30]  }
0x307: {  	v18 =	vld [tilespmem:s30+$0x40]  }
0x308: {  	v19 =	vld [tilespmem:s30+$0x50]  }
0x309: {  	v20 =	vld [tilespmem:s30+$0x60]  }
0x30a: {  	v21 =	vperm.xlane v16, v12;
	v22 =	vld [tilespmem:s30+$0x70];
	_ =	sdelay $0x1  }
0x30b: {  	v18 =	vmul.f32 v18, v21;
	v21 =	vperm.xlane v16, v13;
	_ =	sdelay $0x1  }
0x30c: {  	v17 =	vadd.f32 v18, v17;
	v18 =	vmul.f32 v19, v21;
	v19 =	vperm.xlane v16, v14;
	_ =	sdelay $0x1  }
.Ltmp13:
0x30d: {  	v16 =	vperm.xlane v16, v15;
	v17 =	vadd.f32 v18, v17;
	v18 =	vmul.f32 v20, v19;
	(pc) =	sbr.rel @p4 .LBB2_25-.Ltmp13, $3  }
0x30e: {  	_ = 	snop  }
0x30f: {  	v16 =	vmul.f32 v22, v16;
	v17 =	vadd.f32 v18, v17;
	_ =	sdelay $0x1  }
0x310: {  	v16 =	vadd.f32 v16, v17  }
0x311: {  	s24 =	sadd.s32 $0x1, s24  }
0x312: {  	p4 =	sne.s32 s24, $0x28  }
.Ltmp14:
0x313: {  	[tilespmem:s28+$0x19A30] =	vst v16;
	(pc) =	sbr.rel @p4 .LBB2_24-.Ltmp14, $4  }
0x314: {  	[hbm4b:s7+s3] =	stream.linear.scatter [tilespmem:s13], [sflag:$0x2], $0x1000, $0x38;
	[tilespmem:$0x1AA00] =	vst v63  }
0x315: {  	_ =	swait.ge [sflag:s31], $0x1000  }
0x316: {  	[sflag:s31] =	ssyncset.done $0x0  }
0x317: {  	[sflag:s31] =	ssyncadd.s32 $0xFFFFF000  }
.Ltmp15:
0x318: {  	(pc) =	sbr.rel @p2 .LBB2_33-.Ltmp15, $2  }
0x319: {  	_ =	sdelay $0x1  }
0x31a: {  	[bflag:$0x0] =	sbarrier.arrive $0xFFFF;
	_ =	sdelay $0x1  }
.Ltmp16:
0x31b: {  	(pc) =	sbr.rel @p3 .LBB2_38-.Ltmp16, $1  }
0x31c: {  	_ =	sdelay $0x3  }
0x31d: {  	s7 =	sld [smem:$0x7FD];
	_ =	sdelay $0x2  }
0x31e: {  	p4 =	seq.s32 s7, $0x1  }
.Ltmp17:
0x31f: {  	_ = 	snop;
	(pc) =	sbr.rel @!p4 .LBB2_44-.Ltmp17, $2  }
0x320: {  	_ =	sdelay $0x2  }
0x321: {  	s30 =	rddreg [dreg:$0xf]  }
0x322: {  	s7 =	simm.s32 $0x0;
	s10 =	rddreg [dreg:$0x18]  }
0x323: {  	[tilespmem:s0], [sflag:$0x2] =	stream.linear.gather [hbm4b:s10+s7], $0x1000, $0x38;
	[tilespmem:$0x1AA00] =	vst v63  }
0x324: {  	_ =	swait.ge [sflag:s31], $0x1000  }
0x325: {  	[sflag:s31] =	ssyncset.done $0x0  }
0x326: {  	s10 =	simm.s32 $0xF610;
	[sflag:s31] =	ssyncadd.s32 $0xFFFFF000  }
0x327: {  	v16 =	vld [tilespmem:s10+$0x0]  }
0x328: {  	s19 =	simm.s32 $0x40;
	v17 =	vld [tilespmem:s10+$0xFFFFFFF0]  }
.LBB2_31:
0x329: {  	p4 =	sne.s32 s19, $0x1FC0;
	_ =	sdelay $0x3  }
0x32a: {  	v16 =	vadd.f32 v16, v17;
	_ =	sdelay $0x1  }
.Ltmp18:
0x32b: {  	v16 =	vmul.f32 $5.000000000e-01, v16;
	(pc) =	sbr.rel @p4 .LBB2_31-.Ltmp18, $4  }
0x32c: {  	s20 =	sshra.s32 s7, $0x2;
	s7 =	smov.u32 s19  }
0x32d: {  	s10 =	sadd.s32 $0x20, s10;
	[tilespmem:s20+$0x19A00] =	vst v16  }
0x32e: {  	v16 =	vld [tilespmem:s10+$0x0]  }
0x32f: {  	s19 =	sadd.s32 $0x40, s19;
	v17 =	vld [tilespmem:s10+$0xFFFFFFF0]  }
0x330: {  	_ =	sdelay $0x3  }
0x331: {  	v16 =	vadd.f32 v16, v17;
	_ =	sdelay $0x1  }
0x332: {  	v16 =	vmul.f32 $5.000000000e-01, v16  }
0x333: {  	s7 =	sshra.s32 s7, $0x2  }
.Ltmp19:
0x334: {  	s28 =	rddreg [dreg:$0x14];
	[tilespmem:s7+$0x19A00] =	vst v16;
	(pc) =	sbr.rel .LBB2_44-.Ltmp19, $4  }
0x335: {  	[hbm4b:s28+s3] =	stream.linear.scatter [tilespmem:s13], [sflag:$0x2], $0x800, $0x38;
	[tilespmem:$0x1AA00] =	vst v63  }
0x336: {  	_ =	swait.ge [sflag:s31], $0x800  }
0x337: {  	[sflag:s31] =	ssyncset.done $0x0  }
0x338: {  	s20 =	rddreg [dreg:$0xe];
	[sflag:s31] =	ssyncadd.s32 $0xFFFFF800  }
.LBB2_33:
.Ltmp20:
0x339: {  	(pc) =	sbr.rel @p5 .LBB2_41-.Ltmp20, $1  }
0x33a: {  	_ =	sdelay $0x3  }
.Ltmp21:
0x33b: {  	(pc) =	sbr.rel @!p6 .LBB2_44-.Ltmp21, $2  }
0x33c: {  	_ =	sdelay $0x2  }
0x33d: {  	s30 =	rddreg [dreg:$0xf]  }
0x33e: {  	s7 =	simm.s32 $0x0;
	s10 =	rddreg [dreg:$0x1a]  }
0x33f: {  	[tilespmem:s0], [sflag:$0x2] =	stream.linear.gather [hbm4b:s10+s7], $0xE80, $0x38;
	[tilespmem:$0x1AA00] =	vst v63  }
0x340: {  	_ =	swait.ge [sflag:s31], $0xE80  }
0x341: {  	[sflag:s31] =	ssyncset.done $0x0  }
0x342: {  	s10 =	simm.s32 $0xF610;
	[sflag:s31] =	ssyncadd.s32 $0xFFFFF180  }
0x343: {  	v16 =	vld [tilespmem:s10+$0x0]  }
0x344: {  	s19 =	simm.s32 $0x40;
	v17 =	vld [tilespmem:s10+$0xFFFFFFF0]  }
.LBB2_36:
0x345: {  	p4 =	sne.s32 s19, $0x1CC0;
	_ =	sdelay $0x3  }
0x346: {  	v16 =	vadd.f32 v16, v17;
	_ =	sdelay $0x1  }
.Ltmp22:
0x347: {  	v16 =	vmul.f32 $5.000000000e-01, v16;
	(pc) =	sbr.rel @p4 .LBB2_36-.Ltmp22, $4  }
0x348: {  	s20 =	sshra.s32 s7, $0x2;
	s7 =	smov.u32 s19  }
0x349: {  	s10 =	sadd.s32 $0x20, s10;
	[tilespmem:s20+$0x19A00] =	vst v16  }
0x34a: {  	v16 =	vld [tilespmem:s10+$0x0]  }
0x34b: {  	s19 =	sadd.s32 $0x40, s19;
	v17 =	vld [tilespmem:s10+$0xFFFFFFF0]  }
0x34c: {  	_ =	sdelay $0x3  }
0x34d: {  	v16 =	vadd.f32 v16, v17;
	_ =	sdelay $0x1  }
0x34e: {  	v16 =	vmul.f32 $5.000000000e-01, v16  }
0x34f: {  	s7 =	sshra.s32 s7, $0x2  }
.Ltmp23:
0x350: {  	s28 =	rddreg [dreg:$0x16];
	[tilespmem:s7+$0x19A00] =	vst v16;
	(pc) =	sbr.rel .LBB2_44-.Ltmp23, $4  }
0x351: {  	[hbm4b:s28+s3] =	stream.linear.scatter [tilespmem:s13], [sflag:$0x2], $0x740, $0x38;
	[tilespmem:$0x1AA00] =	vst v63  }
0x352: {  	_ =	swait.ge [sflag:s31], $0x740  }
0x353: {  	[sflag:s31] =	ssyncset.done $0x0  }
0x354: {  	s20 =	rddreg [dreg:$0xe];
	[sflag:s31] =	ssyncadd.s32 $0xFFFFF8C0  }
.LBB2_38:
0x355: {  	s7 =	simm.s32 $0x0;
	s10 =	rddreg [dreg:$0x1b]  }
0x356: {  	[tilespmem:s0], [sflag:$0x2] =	stream.linear.gather [hbm4b:s10+s7], $0x1000, $0x38;
	[tilespmem:$0x1AA00] =	vst v63  }
0x357: {  	_ =	swait.ge [sflag:s31], $0x1000  }
0x358: {  	[sflag:s31] =	ssyncset.done $0x0  }
0x359: {  	s10 =	simm.s32 $0xF610;
	[sflag:s31] =	ssyncadd.s32 $0xFFFFF000  }
0x35a: {  	v16 =	vld [tilespmem:s10+$0x0]  }
0x35b: {  	s19 =	simm.s32 $0x40;
	v17 =	vld [tilespmem:s10+$0xFFFFFFF0]  }
.LBB2_39:
0x35c: {  	p4 =	sne.s32 s19, $0x1FC0;
	_ =	sdelay $0x3  }
0x35d: {  	v16 =	vadd.f32 v16, v17;
	_ =	sdelay $0x1  }
.Ltmp24:
0x35e: {  	v16 =	vmul.f32 $5.000000000e-01, v16;
	(pc) =	sbr.rel @p4 .LBB2_39-.Ltmp24, $4  }
0x35f: {  	s20 =	sshra.s32 s7, $0x2;
	s7 =	smov.u32 s19  }
0x360: {  	s10 =	sadd.s32 $0x20, s10;
	[tilespmem:s20+$0x19A00] =	vst v16  }
0x361: {  	v16 =	vld [tilespmem:s10+$0x0]  }
0x362: {  	s19 =	sadd.s32 $0x40, s19;
	v17 =	vld [tilespmem:s10+$0xFFFFFFF0]  }
0x363: {  	_ =	sdelay $0x3  }
0x364: {  	v16 =	vadd.f32 v16, v17;
	_ =	sdelay $0x1  }
0x365: {  	v16 =	vmul.f32 $5.000000000e-01, v16  }
0x366: {  	s7 =	sshra.s32 s7, $0x2  }
.Ltmp25:
0x367: {  	s28 =	rddreg [dreg:$0x6];
	[tilespmem:s7+$0x19A00] =	vst v16;
	(pc) =	sbr.rel .LBB2_44-.Ltmp25, $4  }
0x368: {  	[hbm4b:s28+s3] =	stream.linear.scatter [tilespmem:s13], [sflag:$0x2], $0x800, $0x38;
	[tilespmem:$0x1AA00] =	vst v63  }
0x369: {  	_ =	swait.ge [sflag:s31], $0x800  }
0x36a: {  	[sflag:s31] =	ssyncset.done $0x0;
	s20 =	rddreg [dreg:$0xe]  }
0x36b: {  	s30 =	rddreg [dreg:$0xf];
	[sflag:s31] =	ssyncadd.s32 $0xFFFFF800  }
.LBB2_41:
0x36c: {  	s7 =	simm.s32 $0x0;
	s10 =	rddreg [dreg:$0x19]  }
0x36d: {  	[tilespmem:s0], [sflag:$0x2] =	stream.linear.gather [hbm4b:s10+s7], $0x1000, $0x38;
	[tilespmem:$0x1AA00] =	vst v63  }
0x36e: {  	_ =	swait.ge [sflag:s31], $0x1000  }
0x36f: {  	[sflag:s31] =	ssyncset.done $0x0  }
0x370: {  	s10 =	simm.s32 $0xF610;
	[sflag:s31] =	ssyncadd.s32 $0xFFFFF000  }
0x371: {  	v16 =	vld [tilespmem:s10+$0x0]  }
0x372: {  	s19 =	simm.s32 $0x40;
	v17 =	vld [tilespmem:s10+$0xFFFFFFF0]  }
.LBB2_42:
0x373: {  	p4 =	sne.s32 s19, $0x1FC0;
	_ =	sdelay $0x3  }
0x374: {  	v16 =	vadd.f32 v16, v17;
	_ =	sdelay $0x1  }
.Ltmp26:
0x375: {  	v16 =	vmul.f32 $5.000000000e-01, v16;
	(pc) =	sbr.rel @p4 .LBB2_42-.Ltmp26, $4  }
0x376: {  	s20 =	sshra.s32 s7, $0x2;
	s7 =	smov.u32 s19  }
0x377: {  	s10 =	sadd.s32 $0x20, s10;
	[tilespmem:s20+$0x19A00] =	vst v16  }
0x378: {  	v16 =	vld [tilespmem:s10+$0x0]  }
0x379: {  	s19 =	sadd.s32 $0x40, s19;
	v17 =	vld [tilespmem:s10+$0xFFFFFFF0]  }
0x37a: {  	_ =	sdelay $0x3  }
0x37b: {  	v16 =	vadd.f32 v16, v17;
	_ =	sdelay $0x1  }
0x37c: {  	v16 =	vmul.f32 $5.000000000e-01, v16  }
0x37d: {  	s7 =	sshra.s32 s7, $0x2  }
.Ltmp27:
0x37e: {  	s28 =	rddreg [dreg:$0x15];
	[tilespmem:s7+$0x19A00] =	vst v16;
	(pc) =	sbr.rel .LBB2_44-.Ltmp27, $4  }
0x37f: {  	[hbm4b:s28+s3] =	stream.linear.scatter [tilespmem:s13], [sflag:$0x2], $0x800, $0x38;
	[tilespmem:$0x1AA00] =	vst v63  }
0x380: {  	_ =	swait.ge [sflag:s31], $0x800  }
0x381: {  	[sflag:s31] =	ssyncset.done $0x0;
	s20 =	rddreg [dreg:$0xe]  }
0x382: {  	s30 =	rddreg [dreg:$0xf];
	[sflag:s31] =	ssyncadd.s32 $0xFFFFF800  }
.LBB2_45:
0x383: {  	_ =	sfence.sel $0x180000  }
0x384: {  	[bflag:$0x0] =	sbarrier.arrive $0xFFFF  }
0x385: {  	_ =	strace $0x9000004A  }
0x386: {  	s0 =	stileid.u32;
	[bflag:$0x2] =	sbarrier.arrive $0xFFFF  }
0x387: {  	p0 =	sne.s32 s0, $0x0;
	s0 =	rddreg [dreg:$0x3]  }
0x388: {  	s0 =	sadd.s32 @!p0 $0x100000, s0  }
0x389: {  	[sflag:s0] =	ssyncadd.tile.s32 @!p0 $0x1;
	_ =	shalt  }
.Lfunc_end2:
_tile_overlayer_lowered:
.L_overlay_start_2:
0x38a: {  	(tag) =	ssettag $0x2  }
0x38b: {  	s0 =	rddreg [dreg:$0x0];
	s2 =	stileid.u32  }
0x38c: {  	s1 =	rddreg [dreg:$0x1];
	p0 =	sne.s32 s2, $0x0  }
0x38d: {  	s3 =	rddreg [dreg:$0x2];
	[bflag:$0x3] =	sbarrier.arrive $0xFFFF;
	s2 =	simm.s32 @!p0 $0x1C02  }
0x38e: {  	[timem:s3], [sflag:s2] =	dma.local @!p0 [hbm:s0], s1  }
0x38f: {  	s0 =	simm.s32 @!p0 $0x2  }
0x390: {  	_ =	swait.ge @!p0 [sflag:s0], s1  }
0x391: {  	s1 =	ssub.s32 @!p0 $0x0, s1;
	[sflag:s0] =	ssyncset.done @!p0 $0x0  }
0x392: {  	[sflag:s0] =	ssyncadd.s32 @!p0 s1  }
0x393: {  	[bflag:$0x3] =	sbarrier.arrive $0xFFFF  }
0x394: {  	_ =	shalt  }

</sc_bundles>
